<compile_context>
chip_gen: v7x
topology: tpu7x:2x2x1
jax: 0.10.2.dev20260603
libtpu: 0.0.44.dev20260713+nightly
codegen_flags: <defaults>
</compile_context>

<pallas_src>
import functools
import jax
import jax.numpy as jnp
from jax import lax
from jax.experimental import pallas as pl
from jax.experimental.pallas import tpu as pltpu
from jax.experimental.pallas import tpu_sc as plsc

_N = 10000
_E = 320000
_FIN = 128
_H = 112
_T = 16
_TN = 10
_C = 8

_NC = 2
_NS = 16
_NW = _NC * _NS
_EPW = _E // _NW
_ECH = 80
_NECH = _EPW // _ECH
_NBUF = 4
_RCH = 40
_NRCH = _N // _RCH
_DW = 16
_W = _H

_BLK = 1000
_NBLK = _N // _BLK

_SC_PARAMS = dict(compiler_params=pltpu.CompilerParams(use_tc_tiling_on_sc=False))


@functools.lru_cache(maxsize=None)
def _get_mesh():
    return plsc.VectorSubcoreMesh(core_axis_name="c", subcore_axis_name="s",
                                  num_cores=_NC, num_subcores=_NS)


def _zero_vmem_2d(ref, rows, cols):
    def body(i, _):
        for c in range(cols // 16):
            ref[i, pl.ds(c * 16, 16)] = jnp.zeros((16,), jnp.float32)
        return 0
    lax.fori_loop(0, rows, body, 0)


def _round_robin(sid, nch, fn):
    def body(k, _):
        c = sid + k * _NS
        @pl.when(c < nch)
        def _():
            fn(c)
        return 0
    lax.fori_loop(0, (nch + _NS - 1) // _NS, body, 0)


@functools.lru_cache(maxsize=None)
def _build_sc_degree():
    return functools.partial(
        pl.kernel,
        mesh=_get_mesh(),
        out_type=jax.ShapeDtypeStruct((_NC, _N, _DW), jnp.float32),
        scratch_types=[
            pltpu.VMEM((_NECH, _ECH), jnp.int32),
            pltpu.VMEM((_ECH, _DW), jnp.float32),
            pltpu.VMEM((_RCH, _DW), jnp.float32),
            pltpu.VMEM_SHARED((_N, _DW), jnp.float32),
        ],
        **_SC_PARAMS,
    )(_sc_degree_body)


def _sc_degree(dsts):
    return _build_sc_degree()(dsts)


def _sc_degree_body(dsts, out, idx_d, ones_v, zbuf, acc):
    cid = lax.axis_index("c")
    sid = lax.axis_index("s")
    def setup(i, _):
        for c in range(_DW // 16):
            ones_v[i, pl.ds(c * 16, 16)] = jnp.ones((16,), jnp.float32)
            zbuf[i, pl.ds(c * 16, 16)] = jnp.zeros((16,), jnp.float32)
        return 0
    lax.fori_loop(0, _ECH, setup, 0)

    _round_robin(sid, _NRCH,
                 lambda c: pltpu.sync_copy(zbuf, acc.at[pl.ds(c * _RCH, _RCH)]))
    pltpu.sync_copy(dsts.at[cid, sid], idx_d)
    plsc.subcore_barrier()

    def go(j, _):
        pltpu.sync_copy(ones_v, acc.at[idx_d.at[j]], add=True)
        return 0
    lax.fori_loop(0, _NECH, go, 0)
    plsc.subcore_barrier()

    _round_robin(sid, _NRCH,
                 lambda c: pltpu.sync_copy(acc.at[pl.ds(c * _RCH, _RCH)],
                                           out.at[cid, pl.ds(c * _RCH, _RCH)]))


@functools.lru_cache(maxsize=None)
def _build_sc_segsum():
    return functools.partial(
        pl.kernel,
        mesh=_get_mesh(),
        out_type=jax.ShapeDtypeStruct((_NC, _N, _W), jnp.float32),
        scratch_types=[
            pltpu.VMEM((_NECH, _ECH), jnp.int32),
            pltpu.VMEM((_NECH, _ECH), jnp.int32),
        ] + [pltpu.VMEM((_ECH, _W), jnp.float32) for _ in range(_NBUF)] + [
            pltpu.VMEM((_RCH, _W), jnp.float32),
            pltpu.VMEM_SHARED((_N, _W), jnp.float32),
        ] + [pltpu.SemaphoreType.DMA for _ in range(_NBUF + 1)],
        **_SC_PARAMS,
    )(_sc_segsum_body)


def _sc_segsum(table, srcs, dsts):
    return _build_sc_segsum()(table, srcs, dsts)


def _sc_segsum_body(table, srcs, dsts, out, idx_s, idx_d, *rest):
    rows = rest[:_NBUF]
    zbuf, acc = rest[_NBUF], rest[_NBUF + 1]
    sems = rest[_NBUF + 2:_NBUF + 2 + _NBUF]
    csem = rest[_NBUF + 2 + _NBUF]
    cid = lax.axis_index("c")
    sid = lax.axis_index("s")
    _zero_vmem_2d(zbuf, _RCH, _W)
    _round_robin(sid, _NRCH,
                 lambda c: pltpu.async_copy(zbuf, acc.at[pl.ds(c * _RCH, _RCH)],
                                            csem))
    pltpu.sync_copy(srcs.at[cid, sid], idx_s)
    pltpu.sync_copy(dsts.at[cid, sid], idx_d)
    _round_robin(sid, _NRCH,
                 lambda c: pltpu.make_async_copy(
                     zbuf, acc.at[pl.ds(c * _RCH, _RCH)], csem).wait())
    plsc.subcore_barrier()

    for b in range(_NBUF):
        pltpu.async_copy(table.at[idx_s.at[b]], rows[b], sems[b])

    def step(jj, b):
        pltpu.make_async_copy(table.at[idx_s.at[jj]], rows[b], sems[b]).wait()
        pltpu.sync_copy(rows[b], acc.at[idx_d.at[jj]], add=True)
        nxt = jj + _NBUF
        @pl.when(nxt < _NECH)
        def _():
            pltpu.async_copy(table.at[idx_s.at[nxt]], rows[b], sems[b])

    def go(jo, _):
        for b in range(_NBUF):
            step(jo * _NBUF + b, b)
        return 0
    _nfull = _NECH // _NBUF
    lax.fori_loop(0, _nfull, go, 0)
    for t in range(_NECH - _nfull * _NBUF):
        step(_nfull * _NBUF + t, t)
    plsc.subcore_barrier()

    _round_robin(sid, _NRCH,
                 lambda c: pltpu.async_copy(
                     acc.at[pl.ds(c * _RCH, _RCH)],
                     out.at[cid, pl.ds(c * _RCH, _RCH)], csem))
    _round_robin(sid, _NRCH,
                 lambda c: pltpu.make_async_copy(
                     acc.at[pl.ds(c * _RCH, _RCH)],
                     out.at[cid, pl.ds(c * _RCH, _RCH)], csem).wait())


_DOT = dict(preferred_element_type=jnp.float32, precision=lax.Precision.HIGHEST)


def _tc_pre_body(x_ref, w1_ref, degp_ref, u_ref, dinv_ref, indeg_ref,
                 sdeg_ref):
    pid = pl.program_id(0)
    indeg = degp_ref[0, :, 0:1] + degp_ref[1, :, 0:1]
    dinv = lax.rsqrt(indeg + 1.0)
    u_ref[...] = jnp.dot(x_ref[...], w1_ref[...], **_DOT) * dinv
    dinv_ref[...] = dinv
    indeg_ref[...] = indeg
    @pl.when(pid == 0)
    def _():
        sdeg_ref[...] = jnp.zeros_like(sdeg_ref)
    sdeg_ref[...] += jnp.sum(jnp.maximum(indeg, 1.0)).reshape(1, 1)


def _tc_relu_body(s1_ref, u_ref, dinv_ref, b1_ref, h_ref):
    s = s1_ref[0] + s1_ref[1] + u_ref[...]
    h_ref[...] = jnp.maximum(dinv_ref[...] * s + b1_ref[...], 0.0)


def _tc_de_body(h_ref, s2_ref, indeg_ref, sdeg_ref, tfeat_ref, tadj_ref,
                alpha0_ref, gamma_ref, beta_ref, w2_ref, dinv_ref,
                u2_ref, ysc, stat_sc):
    ph = pl.program_id(0)
    pid = pl.program_id(1)

    @pl.when(ph == 0)
    def _():
        indeg = indeg_ref[...]
        degc = jnp.maximum(indeg, 1.0)
        nb = (s2_ref[0] + s2_ref[1]) / degc
        tfeat = tfeat_ref[...]
        tmean = jnp.mean(tfeat, axis=1)
        msq = jnp.mean(jnp.sum(tfeat * tfeat, axis=2), axis=1)
        cross = lax.dot_general(nb, tmean, (((1,), (1,)), ((), ())), **_DOT)
        feat = (jnp.sum(nb * nb, axis=1, keepdims=True)
                - 2.0 * cross + msq[None, :])
        tstruct = jnp.mean(tadj_ref[...], axis=(1, 2))
        deg_norm = indeg * (_N / sdeg_ref[0, 0])
        struct = (deg_norm - tstruct[None, :]) ** 2
        alpha = jax.nn.sigmoid(alpha0_ref[0, 0])
        y = jnp.exp(-(alpha * feat + (1.0 - alpha) * struct))
        ysc[pl.ds(pid * _BLK, _BLK), :] = y
        h = h_ref[...]
        row0 = jnp.concatenate([jnp.sum(h, axis=0), jnp.sum(y, axis=0)])
        row1 = jnp.concatenate([jnp.sum(h * h, axis=0), jnp.sum(y * y, axis=0)])
        @pl.when(pid == 0)
        def _():
            stat_sc[...] = jnp.zeros_like(stat_sc)
        stat_sc[...] += jnp.stack([row0, row1])

    @pl.when(ph == 1)
    def _():
        mean = stat_sc[0:1, :] / _N
        var = stat_sc[1:2, :] / _N - mean * mean
        scale = lax.rsqrt(var + 1e-5) * gamma_ref[...]
        shift = beta_ref[...] - mean * scale
        z = jnp.concatenate([h_ref[...], ysc[pl.ds(pid * _BLK, _BLK), :]],
                            axis=1)
        zn = z * scale + shift
        p = jnp.dot(zn, w2_ref[...], **_DOT)
        u2_ref[...] = p * dinv_ref[...]


def _tc_final_body(s3_ref, u2_ref, dinv_ref, b2_ref, wl_ref, bl_ref,
                   out_ref, h2_ref):
    s = s3_ref[0] + s3_ref[1] + u2_ref[...]
    h2 = jnp.maximum(dinv_ref[...] * s + b2_ref[...], 0.0)
    h2_ref[...] = h2
    out_ref[...] = jnp.dot(h2, wl_ref[...], **_DOT) + bl_ref[...]


def _row_spec(cols):
    return pl.BlockSpec((_BLK, cols), lambda i: (i, 0))


def _part_spec(cols):
    return pl.BlockSpec((_NC, _BLK, cols), lambda i: (0, i, 0))


def _full_spec(shape):
    rank = len(shape)
    return pl.BlockSpec(shape, lambda i, _r=rank: (0,) * _r)


def kernel(x, edge_index, W1, b1, tfeat, tadj, alpha0, gamma, beta, W2, b2,
           Wlin, blin):
    f32 = jnp.float32
    src = edge_index[0].reshape(_NC, _NS, _NECH, _ECH).astype(jnp.int32)
    dst = edge_index[1].reshape(_NC, _NS, _NECH, _ECH).astype(jnp.int32)
    b1r = b1.reshape(1, _H)
    b2r = b2.reshape(1, _H)
    blr = blin.reshape(1, _C)
    gr = gamma.reshape(1, _H + _T)
    br = beta.reshape(1, _H + _T)
    a0 = alpha0.reshape(1, 1)

    degp = _sc_degree(dst)

    u, dinv, indeg, sdeg = pl.pallas_call(
        _tc_pre_body,
        grid=(_NBLK,),
        in_specs=[_row_spec(_FIN), _full_spec(W1.shape), _part_spec(_DW)],
        out_specs=[_row_spec(_H), _row_spec(1), _row_spec(1),
                   pl.BlockSpec((1, 1), lambda i: (0, 0))],
        out_shape=[jax.ShapeDtypeStruct((_N, _H), f32),
                   jax.ShapeDtypeStruct((_N, 1), f32),
                   jax.ShapeDtypeStruct((_N, 1), f32),
                   jax.ShapeDtypeStruct((1, 1), f32)],
    )(x, W1, degp)

    s1 = _sc_segsum(u, src, dst)

    h = pl.pallas_call(
        _tc_relu_body,
        grid=(_NBLK,),
        in_specs=[_part_spec(_H), _row_spec(_H), _row_spec(1),
                  _full_spec((1, _H))],
        out_specs=_row_spec(_H),
        out_shape=jax.ShapeDtypeStruct((_N, _H), f32),
    )(s1, u, dinv, b1r)

    s2 = _sc_segsum(h, src, dst)

    def _r2(cols):
        return pl.BlockSpec((_BLK, cols), lambda p, i: (i, 0))

    def _p2(cols):
        return pl.BlockSpec((_NC, _BLK, cols), lambda p, i: (0, i, 0))

    def _f2(shape):
        rank = len(shape)
        return pl.BlockSpec(shape, lambda p, i, _r=rank: (0,) * _r)

    u2 = pl.pallas_call(
        _tc_de_body,
        grid=(2, _NBLK),
        in_specs=[_r2(_H), _p2(_H), _r2(1), _f2((1, 1)), _f2(tfeat.shape),
                  _f2(tadj.shape), _f2((1, 1)), _f2((1, _H + _T)),
                  _f2((1, _H + _T)), _f2(W2.shape), _r2(1)],
        out_specs=_r2(_H),
        out_shape=jax.ShapeDtypeStruct((_N, _H), f32),
        scratch_shapes=[pltpu.VMEM((_N, _T), f32),
                        pltpu.VMEM((2, _H + _T), f32)],
    )(h, s2, indeg, sdeg, tfeat, tadj, a0, gr, br, W2, dinv)

    s3 = _sc_segsum(u2, src, dst)

    out, h2 = pl.pallas_call(
        _tc_final_body,
        grid=(_NBLK,),
        in_specs=[_part_spec(_H), _row_spec(_H), _row_spec(1),
                  _full_spec((1, _H)), _full_spec(Wlin.shape),
                  _full_spec((1, _C))],
        out_specs=[_row_spec(_C), _row_spec(_H)],
        out_shape=[jax.ShapeDtypeStruct((_N, _C), f32),
                   jax.ShapeDtypeStruct((_N, _H), f32)],
    )(s3, u2, dinv, b2r, Wlin, blr)

    return (out, h2)

# --- scband reference (transcript-rebuilt; emitter-appended) ---
"""Pipeline reference for scband-gcn-ltfgw-36593121362338 (READ-ONLY COPY).

The authoritative reference and input builder live on the scoring server;
editing this copy changes nothing except your own understanding.
"""

import jax, jax.numpy as jnp
import numpy as np

N = 10000
E = 320000
F_IN = 128
H = 112
T = 16
TN = 10
C = 8


def setup_inputs(seed: int = 0) -> dict:
    key = jax.random.key(seed)
    ks = jax.random.split(key, 8)
    x = jax.random.normal(ks[0], (N, F_IN), dtype=jnp.float32)
    edge_index = jax.random.randint(ks[1], (2, E), 0, N)
    W1 = jax.random.normal(ks[2], (F_IN, H), dtype=jnp.float32) / np.sqrt(F_IN)
    b1 = jnp.zeros((H,), dtype=jnp.float32)
    tfeat = jax.random.normal(ks[3], (T, TN, H), dtype=jnp.float32)
    tadj_raw = jax.random.uniform(ks[4], (T, TN, TN), dtype=jnp.float32)
    tadj = 0.5 * (tadj_raw + jnp.transpose(tadj_raw, (0, 2, 1)))
    alpha0 = jnp.array(0.0, dtype=jnp.float32)
    gamma = jnp.ones((H + T,), dtype=jnp.float32)
    beta = jnp.zeros((H + T,), dtype=jnp.float32)
    W2 = jax.random.normal(ks[5], (H + T, H), dtype=jnp.float32) / np.sqrt(H + T)
    b2 = jnp.zeros((H,), dtype=jnp.float32)
    Wlin = jax.random.normal(ks[6], (H, C), dtype=jnp.float32) / np.sqrt(H)
    blin = jnp.zeros((C,), dtype=jnp.float32)
    return {"x": x, "edge_index": edge_index, "W1": W1, "b1": b1, "tfeat": tfeat, "tadj": tadj, "alpha0": alpha0, "gamma": gamma, "beta": beta, "W2": W2, "b2": b2, "Wlin": Wlin, "blin": blin}


def _gcn_conv(x, src, dst, W, b):
    n = x.shape[0]
    loop = jnp.arange(n)
    s = jnp.concatenate([src, loop])
    d = jnp.concatenate([dst, loop])
    deg = jax.ops.segment_sum(jnp.ones(s.shape[0], dtype=x.dtype), d, num_segments=n)
    dinv = jax.lax.rsqrt(jnp.maximum(deg, 1.0))
    h = x @ W
    msg = h[s] * (dinv[s] * dinv[d])[:, None]
    return jax.ops.segment_sum(msg, d, num_segments=n) + b


def _ltfgw(h, src, dst, tfeat, tadj, alpha0):
    # LTFGW layer: per-node fused Gromov-Wasserstein distance to learned graph
    # templates, using a uniform-coupling surrogate (feature cost = mean squared
    # distance of the neighborhood-aggregated embedding to template node features;
    # structure cost = squared deviation of normalized degree from template
    # mean connectivity), blended by sigmoid(alpha0).
    n, hd = h.shape
    t, tn, _ = tfeat.shape
    deg = jax.ops.segment_sum(jnp.ones(src.shape[0], dtype=h.dtype), dst, num_segments=n)
    degc = jnp.maximum(deg, 1.0)
    nb_mean = jax.ops.segment_sum(h[src], dst, num_segments=n) / degc[:, None]
    alpha = jax.nn.sigmoid(alpha0)
    tflat = tfeat.reshape(t * tn, hd)
    d2 = jnp.sum(nb_mean ** 2, axis=1, keepdims=True) - 2.0 * nb_mean @ tflat.T + jnp.sum(tflat ** 2, axis=1)[None, :]
    feat_cost = jnp.mean(d2.reshape(n, t, tn), axis=2)
    tstruct = jnp.mean(tadj, axis=(1, 2))
    deg_norm = deg / jnp.mean(degc)
    struct_cost = (deg_norm[:, None] - tstruct[None, :]) ** 2
    y = alpha * feat_cost + (1.0 - alpha) * struct_cost
    return jnp.exp(-y)


def reference(x, edge_index, W1, b1, tfeat, tadj, alpha0, gamma, beta, W2, b2, Wlin, blin):
    src = edge_index[0]
    dst = edge_index[1]
    h = jax.nn.relu(_gcn_conv(x, src, dst, W1, b1))
    y = _ltfgw(h, src, dst, tfeat, tadj, alpha0)
    z = jnp.hstack([h, y])
    mean = jnp.mean(z, axis=0)
    var = jnp.var(z, axis=0)
    z = (z - mean) * jax.lax.rsqrt(var + 1e-5) * gamma + beta
    h2 = jax.nn.relu(_gcn_conv(z, src, dst, W2, b2))
    x_latent = h2
    out = h2 @ Wlin + blin
    return (out, x_latent)

if __name__ == "__main__":
    import jax
    _d = setup_inputs()
    print(jax.jit(kernel)(*tuple(_d.values())))

</pallas_src>

<mosaic_0001>
#map = affine_map<(d0, d1) -> (0, 0, 0, 0)>
#map1 = affine_map<(d0, d1) -> (0, 0, 0)>
module attributes {stable_mosaic.version = 14 : i64} {
  func.func @_sc_degree_body(%arg0: i32, %arg1: i32, %arg2: memref<2x16x125x80xi32, #tpu.memory_space<hbm>>, %arg3: memref<2x10000x16xf32, #tpu.memory_space<hbm>>, %arg4: memref<125x80xi32, #tpu.memory_space<vmem>>, %arg5: memref<80x16xf32, #tpu.memory_space<vmem>>, %arg6: memref<40x16xf32, #tpu.memory_space<vmem>>, %arg7: memref<10000x16xf32, #tpu.memory_space<vmem_shared>>) attributes {dimension_semantics = [#tpu.dimension_semantics<core_parallel>, #tpu.dimension_semantics<subcore_parallel>], iteration_bounds = array<i64: 2, 16>, scalar_prefetch = 0 : i64, scratch_operands = 4 : i64, tpu.core_type = #tpu.core_type<sc_vector_subcore>, window_params = [{transform_indices = #map}, {transform_indices = #map1}]} {
    %scan3A = arith.constant 0 : i32
    %scan3A_0 = arith.constant 0 : i32
    %scan3A_1 = arith.constant 80 : i32
    %scan3A_2 = arith.addi %scan3A_0, %scan3A_1 : i32
    %scan3A_3 = arith.constant 1 : i32
    %scan3A_4 = scf.for %scan3A_28 = %scan3A_0 to %scan3A_2 step %scan3A_3 iter_args(%scan3A_29 = %scan3A) -> (i32)  : i32 {
      %broadcast_in_dim3A = arith.constant 1.000000e+00 : f32
      %broadcast_in_dim3A_30 = vector.broadcast %broadcast_in_dim3A : f32 to vector<16xf32>
      %swap3A = arith.index_cast %scan3A_28 : i32 to index
      %swap3A_31 = arith.constant 0 : index
      %swap3A_32 = tpu.vector_load %arg5[%swap3A, %swap3A_31] {strides = array<i32>} : memref<80x16xf32, #tpu.memory_space<vmem>>, vector<1x16xf32>,
      %swap3A_33 = vector.shape_cast %swap3A_32 : vector<1x16xf32> to vector<16xf32>
      %swap3A_34 = vector.shape_cast %broadcast_in_dim3A_30 : vector<16xf32> to vector<1x16xf32>
      tpu.vector_store %arg5[%swap3A, %swap3A_31], %swap3A_34 {strides = array<i32>} : memref<80x16xf32, #tpu.memory_space<vmem>>, vector<1x16xf32>,
      %broadcast_in_dim3A_35 = arith.constant 0.000000e+00 : f32
      %broadcast_in_dim3A_36 = vector.broadcast %broadcast_in_dim3A_35 : f32 to vector<16xf32>
      %swap3A_37 = arith.index_cast %scan3A_28 : i32 to index
      %swap3A_38 = arith.constant 0 : index
      %swap3A_39 = tpu.vector_load %arg6[%swap3A_37, %swap3A_38] {strides = array<i32>} : memref<40x16xf32, #tpu.memory_space<vmem>>, vector<1x16xf32>,
      %swap3A_40 = vector.shape_cast %swap3A_39 : vector<1x16xf32> to vector<16xf32>
      %swap3A_41 = vector.shape_cast %broadcast_in_dim3A_36 : vector<16xf32> to vector<1x16xf32>
      tpu.vector_store %arg6[%swap3A_37, %swap3A_38], %swap3A_41 {strides = array<i32>} : memref<40x16xf32, #tpu.memory_space<vmem>>, vector<1x16xf32>,
      %scan3A_42 = arith.constant 0 : i32
      scf.yield %scan3A_42 : i32
    }
    %scan3A_5 = arith.constant 80 : i32
    %scan3A_6 = arith.constant 0 : i32
    %scan3A_7 = arith.constant 0 : i32
    %scan3A_8 = arith.constant 16 : i32
    %scan3A_9 = arith.addi %scan3A_7, %scan3A_8 : i32
    %scan3A_10 = arith.constant 1 : i32
    %scan3A_11 = scf.for %scan3A_28 = %scan3A_7 to %scan3A_9 step %scan3A_10 iter_args(%scan3A_29 = %scan3A_6) -> (i32)  : i32 {
      %mul3A = arith.constant 16 : i32
      %mul3A_30 = arith.muli %scan3A_28, %mul3A : i32
      %add3A = arith.addi %arg1, %mul3A_30 : i32
      %lt3A = arith.constant 250 : i32
      %lt3A_31 = arith.cmpi slt, %add3A, %lt3A : i32
      %convert_element_type3A = arith.extui %lt3A_31 : i1 to i32
      %cond3A = arith.constant 0 : i32
      %cond3A_32 = arith.cmpi ne, %convert_element_type3A, %cond3A : i32
      scf.if %cond3A_32 {
        %mul3A_34 = arith.constant 40 : i32
        %mul3A_35 = arith.muli %add3A, %mul3A_34 : i32
        "tpu.region"() ({
          %run_scoped3A = tpu.sem_alloc : memref<!tpu.dma_semaphore, #tpu.memory_space<semaphore_mem>>
          %dma_start3A = arith.constant 0 : i32
          %dma_start3A_36 = tpu.memref_slice %arg7[%mul3A_35, %dma_start3A] : memref<10000x16xf32, #tpu.memory_space<vmem_shared>> -> memref<40x16xf32, #tpu.memory_space<vmem_shared>>
          %dma_start3A_37 = arith.constant 0 : i32
          %dma_start3A_38 = tpu.memref_slice %arg7[%mul3A_35, %dma_start3A_37] : memref<10000x16xf32, #tpu.memory_space<vmem_shared>> -> memref<40x16xf32, #tpu.memory_space<vmem_shared>>
          tpu.enqueue_dma source(%arg6 : memref<40x16xf32, #tpu.memory_space<vmem>>) target(%dma_start3A_38 : memref<40x16xf32, #tpu.memory_space<vmem_shared>>) target_semaphore(%run_scoped3A : memref<!tpu.dma_semaphore, #tpu.memory_space<semaphore_mem>>)
          %dma_wait3A = arith.constant 0 : i32
          %dma_wait3A_39 = tpu.memref_slice %arg7[%mul3A_35, %dma_wait3A] : memref<10000x16xf32, #tpu.memory_space<vmem_shared>> -> memref<40x16xf32, #tpu.memory_space<vmem_shared>>
          %dma_wait3A_40 = arith.constant 0 : i32
          %dma_wait3A_41 = tpu.memref_slice %arg7[%mul3A_35, %dma_wait3A_40] : memref<10000x16xf32, #tpu.memory_space<vmem_shared>> -> memref<40x16xf32, #tpu.memory_space<vmem_shared>>
          tpu.wait_dma2 semaphore(%run_scoped3A : memref<!tpu.dma_semaphore, #tpu.memory_space<semaphore_mem>>) src(%arg6 : memref<40x16xf32, #tpu.memory_space<vmem>>) dst(%dma_wait3A_41 : memref<40x16xf32, #tpu.memory_space<vmem_shared>>)
          tpu.yield
        }) : () -> ()
      } else {
      }
      %scan3A_33 = arith.constant 0 : i32
      scf.yield %scan3A_33 : i32
    }
    %scan3A_12 = arith.constant 16 : i32
    "tpu.region"() ({
      %run_scoped3A = tpu.sem_alloc : memref<!tpu.dma_semaphore, #tpu.memory_space<semaphore_mem>>
      %dma_start3A = arith.constant 0 : i32
      %dma_start3A_28 = arith.constant 0 : i32
      %dma_start3A_29 = tpu.memref_slice %arg2[%arg0, %arg1, %dma_start3A, %dma_start3A_28] : memref<2x16x125x80xi32, #tpu.memory_space<hbm>> -> memref<1x1x125x80xi32, #tpu.memory_space<hbm>>
      %dma_start3A_30 = tpu.memref_squeeze %dma_start3A_29 : memref<1x1x125x80xi32, #tpu.memory_space<hbm>> -> memref<125x80xi32, #tpu.memory_space<hbm>>
      %dma_start3A_31 = arith.constant 0 : i32
      %dma_start3A_32 = arith.constant 0 : i32
      %dma_start3A_33 = tpu.memref_slice %arg2[%arg0, %arg1, %dma_start3A_31, %dma_start3A_32] : memref<2x16x125x80xi32, #tpu.memory_space<hbm>> -> memref<1x1x125x80xi32, #tpu.memory_space<hbm>>
      %dma_start3A_34 = tpu.memref_squeeze %dma_start3A_33 : memref<1x1x125x80xi32, #tpu.memory_space<hbm>> -> memref<125x80xi32, #tpu.memory_space<hbm>>
      tpu.enqueue_dma source(%dma_start3A_34 : memref<125x80xi32, #tpu.memory_space<hbm>>) target(%arg4 : memref<125x80xi32, #tpu.memory_space<vmem>>) target_semaphore(%run_scoped3A : memref<!tpu.dma_semaphore, #tpu.memory_space<semaphore_mem>>)
      %dma_wait3A = arith.constant 0 : i32
      %dma_wait3A_35 = arith.constant 0 : i32
      %dma_wait3A_36 = tpu.memref_slice %arg2[%arg0, %arg1, %dma_wait3A, %dma_wait3A_35] : memref<2x16x125x80xi32, #tpu.memory_space<hbm>> -> memref<1x1x125x80xi32, #tpu.memory_space<hbm>>
      %dma_wait3A_37 = tpu.memref_squeeze %dma_wait3A_36 : memref<1x1x125x80xi32, #tpu.memory_space<hbm>> -> memref<125x80xi32, #tpu.memory_space<hbm>>
      %dma_wait3A_38 = arith.constant 0 : i32
      %dma_wait3A_39 = arith.constant 0 : i32
      %dma_wait3A_40 = tpu.memref_slice %arg2[%arg0, %arg1, %dma_wait3A_38, %dma_wait3A_39] : memref<2x16x125x80xi32, #tpu.memory_space<hbm>> -> memref<1x1x125x80xi32, #tpu.memory_space<hbm>>
      %dma_wait3A_41 = tpu.memref_squeeze %dma_wait3A_40 : memref<1x1x125x80xi32, #tpu.memory_space<hbm>> -> memref<125x80xi32, #tpu.memory_space<hbm>>
      tpu.wait_dma2 semaphore(%run_scoped3A : memref<!tpu.dma_semaphore, #tpu.memory_space<semaphore_mem>>) src(%dma_wait3A_41 : memref<125x80xi32, #tpu.memory_space<hbm>>) dst(%arg4 : memref<125x80xi32, #tpu.memory_space<vmem>>)
      tpu.yield
    }) : () -> ()
    %barrier3A = arith.constant 0 : index
    tpu.barrier barrier_id(%barrier3A)
    %scan3A_13 = arith.constant 0 : i32
    %scan3A_14 = arith.constant 0 : i32
    %scan3A_15 = arith.constant 125 : i32
    %scan3A_16 = arith.addi %scan3A_14, %scan3A_15 : i32
    %scan3A_17 = arith.constant 1 : i32
    %scan3A_18 = scf.for %scan3A_28 = %scan3A_14 to %scan3A_16 step %scan3A_17 iter_args(%scan3A_29 = %scan3A_13) -> (i32)  : i32 {
      "tpu.region"() ({
        %run_scoped3A = tpu.sem_alloc : memref<!tpu.dma_semaphore, #tpu.memory_space<semaphore_mem>>
        %dma_start3A = arith.constant 0 : i32
        %dma_start3A_31 = tpu.memref_slice %arg4[%scan3A_28, %dma_start3A] : memref<125x80xi32, #tpu.memory_space<vmem>> -> memref<1x80xi32, #tpu.memory_space<vmem>>
        %dma_start3A_32 = tpu.memref_squeeze %dma_start3A_31 : memref<1x80xi32, #tpu.memory_space<vmem>> -> memref<80xi32, #tpu.memory_space<vmem>>
        %dma_start3A_33 = arith.constant 0 : i32
        %dma_start3A_34 = arith.constant 0 : i32
        %dma_start3A_35 = tpu.memref_slice %arg7[%dma_start3A_33, %dma_start3A_34] : memref<10000x16xf32, #tpu.memory_space<vmem_shared>> -> memref<10000x16xf32, #tpu.memory_space<vmem_shared>>
        tpu.enqueue_indirect_dma source(%arg5 : memref<80x16xf32, #tpu.memory_space<vmem>>) target(%dma_start3A_35 : memref<10000x16xf32, #tpu.memory_space<vmem_shared>>) offsets(%dma_start3A_32 : memref<80xi32, #tpu.memory_space<vmem>>) semaphore(%run_scoped3A : memref<!tpu.dma_semaphore, #tpu.memory_space<semaphore_mem>>) {add = true}
        %dma_wait3A = arith.constant 0 : i32
        %dma_wait3A_36 = tpu.memref_slice %arg4[%scan3A_28, %dma_wait3A] : memref<125x80xi32, #tpu.memory_space<vmem>> -> memref<1x80xi32, #tpu.memory_space<vmem>>
        %dma_wait3A_37 = tpu.memref_squeeze %dma_wait3A_36 : memref<1x80xi32, #tpu.memory_space<vmem>> -> memref<80xi32, #tpu.memory_space<vmem>>
        %dma_wait3A_38 = arith.constant 0 : i32
        %dma_wait3A_39 = arith.constant 0 : i32
        %dma_wait3A_40 = tpu.memref_slice %arg7[%dma_wait3A_38, %dma_wait3A_39] : memref<10000x16xf32, #tpu.memory_space<vmem_shared>> -> memref<10000x16xf32, #tpu.memory_space<vmem_shared>>
        tpu.wait_indirect_dma semaphore(%run_scoped3A : memref<!tpu.dma_semaphore, #tpu.memory_space<semaphore_mem>>) src(%arg5 : memref<80x16xf32, #tpu.memory_space<vmem>>) dst(%dma_wait3A_40 : memref<10000x16xf32, #tpu.memory_space<vmem_shared>>)
        tpu.yield
      }) : () -> ()
      %scan3A_30 = arith.constant 0 : i32
      scf.yield %scan3A_30 : i32
    }
    %scan3A_19 = arith.constant 125 : i32
    %barrier3A_20 = arith.constant 0 : index
    tpu.barrier barrier_id(%barrier3A_20)
    %scan3A_21 = arith.constant 0 : i32
    %scan3A_22 = arith.constant 0 : i32
    %scan3A_23 = arith.constant 16 : i32
    %scan3A_24 = arith.addi %scan3A_22, %scan3A_23 : i32
    %scan3A_25 = arith.constant 1 : i32
    %scan3A_26 = scf.for %scan3A_28 = %scan3A_22 to %scan3A_24 step %scan3A_25 iter_args(%scan3A_29 = %scan3A_21) -> (i32)  : i32 {
      %mul3A = arith.constant 16 : i32
      %mul3A_30 = arith.muli %scan3A_28, %mul3A : i32
      %add3A = arith.addi %arg1, %mul3A_30 : i32
      %lt3A = arith.constant 250 : i32
      %lt3A_31 = arith.cmpi slt, %add3A, %lt3A : i32
      %convert_element_type3A = arith.extui %lt3A_31 : i1 to i32
      %cond3A = arith.constant 0 : i32
      %cond3A_32 = arith.cmpi ne, %convert_element_type3A, %cond3A : i32
      scf.if %cond3A_32 {
        %mul3A_34 = arith.constant 40 : i32
        %mul3A_35 = arith.muli %add3A, %mul3A_34 : i32
        %mul3A_36 = arith.constant 40 : i32
        %mul3A_37 = arith.muli %add3A, %mul3A_36 : i32
        "tpu.region"() ({
          %run_scoped3A = tpu.sem_alloc : memref<!tpu.dma_semaphore, #tpu.memory_space<semaphore_mem>>
          %dma_start3A = arith.constant 0 : i32
          %dma_start3A_38 = tpu.memref_slice %arg3[%arg0, %mul3A_37, %dma_start3A] : memref<2x10000x16xf32, #tpu.memory_space<hbm>> -> memref<1x40x16xf32, #tpu.memory_space<hbm>>
          %dma_start3A_39 = tpu.memref_squeeze %dma_start3A_38 : memref<1x40x16xf32, #tpu.memory_space<hbm>> -> memref<40x16xf32, #tpu.memory_space<hbm>>
          %dma_start3A_40 = arith.constant 0 : i32
          %dma_start3A_41 = tpu.memref_slice %arg7[%mul3A_35, %dma_start3A_40] : memref<10000x16xf32, #tpu.memory_space<vmem_shared>> -> memref<40x16xf32, #tpu.memory_space<vmem_shared>>
          tpu.enqueue_dma source(%dma_start3A_41 : memref<40x16xf32, #tpu.memory_space<vmem_shared>>) target(%dma_start3A_39 : memref<40x16xf32, #tpu.memory_space<hbm>>) target_semaphore(%run_scoped3A : memref<!tpu.dma_semaphore, #tpu.memory_space<semaphore_mem>>)
          %dma_wait3A = arith.constant 0 : i32
          %dma_wait3A_42 = tpu.memref_slice %arg3[%arg0, %mul3A_37, %dma_wait3A] : memref<2x10000x16xf32, #tpu.memory_space<hbm>> -> memref<1x40x16xf32, #tpu.memory_space<hbm>>
          %dma_wait3A_43 = tpu.memref_squeeze %dma_wait3A_42 : memref<1x40x16xf32, #tpu.memory_space<hbm>> -> memref<40x16xf32, #tpu.memory_space<hbm>>
          %dma_wait3A_44 = arith.constant 0 : i32
          %dma_wait3A_45 = tpu.memref_slice %arg7[%mul3A_35, %dma_wait3A_44] : memref<10000x16xf32, #tpu.memory_space<vmem_shared>> -> memref<40x16xf32, #tpu.memory_space<vmem_shared>>
          tpu.wait_dma2 semaphore(%run_scoped3A : memref<!tpu.dma_semaphore, #tpu.memory_space<semaphore_mem>>) src(%dma_wait3A_45 : memref<40x16xf32, #tpu.memory_space<vmem_shared>>) dst(%dma_wait3A_43 : memref<40x16xf32, #tpu.memory_space<hbm>>)
          tpu.yield
        }) : () -> ()
      } else {
      }
      %scan3A_33 = arith.constant 0 : i32
      scf.yield %scan3A_33 : i32
    }
    %scan3A_27 = arith.constant 16 : i32
    return
  }
}

#map = affine_map<(d0, d1) -> (0, 0)>
#map1 = affine_map<(d0, d1) -> (0, 0, 0, 0)>
#map2 = affine_map<(d0, d1) -> (0, 0, 0)>
module attributes {stable_mosaic.version = 14 : i64} {
  func.func @_sc_segsum_body(%arg0: i32, %arg1: i32, %arg2: memref<10000x112xf32, #tpu.memory_space<hbm>>, %arg3: memref<2x16x125x80xi32, #tpu.memory_space<hbm>>, %arg4: memref<2x16x125x80xi32, #tpu.memory_space<hbm>>, %arg5: memref<2x10000x112xf32, #tpu.memory_space<hbm>>, %arg6: memref<125x80xi32, #tpu.memory_space<vmem>>, %arg7: memref<125x80xi32, #tpu.memory_space<vmem>>, %arg8: memref<80x112xf32, #tpu.memory_space<vmem>>, %arg9: memref<80x112xf32, #tpu.memory_space<vmem>>, %arg10: memref<80x112xf32, #tpu.memory_space<vmem>>, %arg11: memref<80x112xf32, #tpu.memory_space<vmem>>, %arg12: memref<40x112xf32, #tpu.memory_space<vmem>>, %arg13: memref<10000x112xf32, #tpu.memory_space<vmem_shared>>, %arg14: memref<!tpu.dma_semaphore, #tpu.memory_space<semaphore_mem>>, %arg15: memref<!tpu.dma_semaphore, #tpu.memory_space<semaphore_mem>>, %arg16: memref<!tpu.dma_semaphore, #tpu.memory_space<semaphore_mem>>, %arg17: memref<!tpu.dma_semaphore, #tpu.memory_space<semaphore_mem>>, %arg18: memref<!tpu.dma_semaphore, #tpu.memory_space<semaphore_mem>>) attributes {dimension_semantics = [#tpu.dimension_semantics<core_parallel>, #tpu.dimension_semantics<subcore_parallel>], iteration_bounds = array<i64: 2, 16>, scalar_prefetch = 0 : i64, scratch_operands = 13 : i64, tpu.core_type = #tpu.core_type<sc_vector_subcore>, window_params = [{transform_indices = #map}, {transform_indices = #map1}, {transform_indices = #map1}, {transform_indices = #map2}]} {
    %scan3A = arith.constant 0 : i32
    %scan3A_0 = arith.constant 0 : i32
    %scan3A_1 = arith.constant 40 : i32
    %scan3A_2 = arith.addi %scan3A_0, %scan3A_1 : i32
    %scan3A_3 = arith.constant 1 : i32
    %scan3A_4 = scf.for %scan3A_75 = %scan3A_0 to %scan3A_2 step %scan3A_3 iter_args(%scan3A_76 = %scan3A) -> (i32)  : i32 {
      %broadcast_in_dim3A = arith.constant 0.000000e+00 : f32
      %broadcast_in_dim3A_77 = vector.broadcast %broadcast_in_dim3A : f32 to vector<16xf32>
      %swap3A = arith.index_cast %scan3A_75 : i32 to index
      %swap3A_78 = arith.constant 0 : index
      %swap3A_79 = tpu.vector_load %arg12[%swap3A, %swap3A_78] {strides = array<i32>} : memref<40x112xf32, #tpu.memory_space<vmem>>, vector<1x16xf32>,
      %swap3A_80 = vector.shape_cast %swap3A_79 : vector<1x16xf32> to vector<16xf32>
      %swap3A_81 = vector.shape_cast %broadcast_in_dim3A_77 : vector<16xf32> to vector<1x16xf32>
      tpu.vector_store %arg12[%swap3A, %swap3A_78], %swap3A_81 {strides = array<i32>} : memref<40x112xf32, #tpu.memory_space<vmem>>, vector<1x16xf32>,
      %broadcast_in_dim3A_82 = arith.constant 0.000000e+00 : f32
      %broadcast_in_dim3A_83 = vector.broadcast %broadcast_in_dim3A_82 : f32 to vector<16xf32>
      %swap3A_84 = arith.index_cast %scan3A_75 : i32 to index
      %swap3A_85 = arith.constant 16 : index
      %swap3A_86 = tpu.vector_load %arg12[%swap3A_84, %swap3A_85] {strides = array<i32>} : memref<40x112xf32, #tpu.memory_space<vmem>>, vector<1x16xf32>,
      %swap3A_87 = vector.shape_cast %swap3A_86 : vector<1x16xf32> to vector<16xf32>
      %swap3A_88 = vector.shape_cast %broadcast_in_dim3A_83 : vector<16xf32> to vector<1x16xf32>
      tpu.vector_store %arg12[%swap3A_84, %swap3A_85], %swap3A_88 {strides = array<i32>} : memref<40x112xf32, #tpu.memory_space<vmem>>, vector<1x16xf32>,
      %broadcast_in_dim3A_89 = arith.constant 0.000000e+00 : f32
      %broadcast_in_dim3A_90 = vector.broadcast %broadcast_in_dim3A_89 : f32 to vector<16xf32>
      %swap3A_91 = arith.index_cast %scan3A_75 : i32 to index
      %swap3A_92 = arith.constant 32 : index
      %swap3A_93 = tpu.vector_load %arg12[%swap3A_91, %swap3A_92] {strides = array<i32>} : memref<40x112xf32, #tpu.memory_space<vmem>>, vector<1x16xf32>,
      %swap3A_94 = vector.shape_cast %swap3A_93 : vector<1x16xf32> to vector<16xf32>
      %swap3A_95 = vector.shape_cast %broadcast_in_dim3A_90 : vector<16xf32> to vector<1x16xf32>
      tpu.vector_store %arg12[%swap3A_91, %swap3A_92], %swap3A_95 {strides = array<i32>} : memref<40x112xf32, #tpu.memory_space<vmem>>, vector<1x16xf32>,
      %broadcast_in_dim3A_96 = arith.constant 0.000000e+00 : f32
      %broadcast_in_dim3A_97 = vector.broadcast %broadcast_in_dim3A_96 : f32 to vector<16xf32>
      %swap3A_98 = arith.index_cast %scan3A_75 : i32 to index
      %swap3A_99 = arith.constant 48 : index
      %swap3A_100 = tpu.vector_load %arg12[%swap3A_98, %swap3A_99] {strides = array<i32>} : memref<40x112xf32, #tpu.memory_space<vmem>>, vector<1x16xf32>,
      %swap3A_101 = vector.shape_cast %swap3A_100 : vector<1x16xf32> to vector<16xf32>
      %swap3A_102 = vector.shape_cast %broadcast_in_dim3A_97 : vector<16xf32> to vector<1x16xf32>
      tpu.vector_store %arg12[%swap3A_98, %swap3A_99], %swap3A_102 {strides = array<i32>} : memref<40x112xf32, #tpu.memory_space<vmem>>, vector<1x16xf32>,
      %broadcast_in_dim3A_103 = arith.constant 0.000000e+00 : f32
      %broadcast_in_dim3A_104 = vector.broadcast %broadcast_in_dim3A_103 : f32 to vector<16xf32>
      %swap3A_105 = arith.index_cast %scan3A_75 : i32 to index
      %swap3A_106 = arith.constant 64 : index
      %swap3A_107 = tpu.vector_load %arg12[%swap3A_105, %swap3A_106] {strides = array<i32>} : memref<40x112xf32, #tpu.memory_space<vmem>>, vector<1x16xf32>,
      %swap3A_108 = vector.shape_cast %swap3A_107 : vector<1x16xf32> to vector<16xf32>
      %swap3A_109 = vector.shape_cast %broadcast_in_dim3A_104 : vector<16xf32> to vector<1x16xf32>
      tpu.vector_store %arg12[%swap3A_105, %swap3A_106], %swap3A_109 {strides = array<i32>} : memref<40x112xf32, #tpu.memory_space<vmem>>, vector<1x16xf32>,
      %broadcast_in_dim3A_110 = arith.constant 0.000000e+00 : f32
      %broadcast_in_dim3A_111 = vector.broadcast %broadcast_in_dim3A_110 : f32 to vector<16xf32>
      %swap3A_112 = arith.index_cast %scan3A_75 : i32 to index
      %swap3A_113 = arith.constant 80 : index
      %swap3A_114 = tpu.vector_load %arg12[%swap3A_112, %swap3A_113] {strides = array<i32>} : memref<40x112xf32, #tpu.memory_space<vmem>>, vector<1x16xf32>,
      %swap3A_115 = vector.shape_cast %swap3A_114 : vector<1x16xf32> to vector<16xf32>
      %swap3A_116 = vector.shape_cast %broadcast_in_dim3A_111 : vector<16xf32> to vector<1x16xf32>
      tpu.vector_store %arg12[%swap3A_112, %swap3A_113], %swap3A_116 {strides = array<i32>} : memref<40x112xf32, #tpu.memory_space<vmem>>, vector<1x16xf32>,
      %broadcast_in_dim3A_117 = arith.constant 0.000000e+00 : f32
      %broadcast_in_dim3A_118 = vector.broadcast %broadcast_in_dim3A_117 : f32 to vector<16xf32>
      %swap3A_119 = arith.index_cast %scan3A_75 : i32 to index
      %swap3A_120 = arith.constant 96 : index
      %swap3A_121 = tpu.vector_load %arg12[%swap3A_119, %swap3A_120] {strides = array<i32>} : memref<40x112xf32, #tpu.memory_space<vmem>>, vector<1x16xf32>,
      %swap3A_122 = vector.shape_cast %swap3A_121 : vector<1x16xf32> to vector<16xf32>
      %swap3A_123 = vector.shape_cast %broadcast_in_dim3A_118 : vector<16xf32> to vector<1x16xf32>
      tpu.vector_store %arg12[%swap3A_119, %swap3A_120], %swap3A_123 {strides = array<i32>} : memref<40x112xf32, #tpu.memory_space<vmem>>, vector<1x16xf32>,
      %scan3A_124 = arith.constant 0 : i32
      scf.yield %scan3A_124 : i32
    }
    %scan3A_5 = arith.constant 40 : i32
    %scan3A_6 = arith.constant 0 : i32
    %scan3A_7 = arith.constant 0 : i32
    %scan3A_8 = arith.constant 16 : i32
    %scan3A_9 = arith.addi %scan3A_7, %scan3A_8 : i32
    %scan3A_10 = arith.constant 1 : i32
    %scan3A_11 = scf.for %scan3A_75 = %scan3A_7 to %scan3A_9 step %scan3A_10 iter_args(%scan3A_76 = %scan3A_6) -> (i32)  : i32 {
      %mul3A = arith.constant 16 : i32
      %mul3A_77 = arith.muli %scan3A_75, %mul3A : i32
      %add3A = arith.addi %arg1, %mul3A_77 : i32
      %lt3A = arith.constant 250 : i32
      %lt3A_78 = arith.cmpi slt, %add3A, %lt3A : i32
      %convert_element_type3A = arith.extui %lt3A_78 : i1 to i32
      %cond3A = arith.constant 0 : i32
      %cond3A_79 = arith.cmpi ne, %convert_element_type3A, %cond3A : i32
      scf.if %cond3A_79 {
        %mul3A_81 = arith.constant 40 : i32
        %mul3A_82 = arith.muli %add3A, %mul3A_81 : i32
        %dma_start3A_83 = arith.constant 0 : i32
        %dma_start3A_84 = tpu.memref_slice %arg13[%mul3A_82, %dma_start3A_83] : memref<10000x112xf32, #tpu.memory_space<vmem_shared>> -> memref<40x112xf32, #tpu.memory_space<vmem_shared>>
        %dma_start3A_85 = arith.constant 0 : i32
        %dma_start3A_86 = tpu.memref_slice %arg13[%mul3A_82, %dma_start3A_85] : memref<10000x112xf32, #tpu.memory_space<vmem_shared>> -> memref<40x112xf32, #tpu.memory_space<vmem_shared>>
        tpu.enqueue_dma source(%arg12 : memref<40x112xf32, #tpu.memory_space<vmem>>) target(%dma_start3A_86 : memref<40x112xf32, #tpu.memory_space<vmem_shared>>) target_semaphore(%arg18 : memref<!tpu.dma_semaphore, #tpu.memory_space<semaphore_mem>>)
      } else {
      }
      %scan3A_80 = arith.constant 0 : i32
      scf.yield %scan3A_80 : i32
    }
    %scan3A_12 = arith.constant 16 : i32
    "tpu.region"() ({
      %run_scoped3A_75 = tpu.sem_alloc : memref<!tpu.dma_semaphore, #tpu.memory_space<semaphore_mem>>
      %dma_start3A_76 = arith.constant 0 : i32
      %dma_start3A_77 = arith.constant 0 : i32
      %dma_start3A_78 = tpu.memref_slice %arg3[%arg0, %arg1, %dma_start3A_76, %dma_start3A_77] : memref<2x16x125x80xi32, #tpu.memory_space<hbm>> -> memref<1x1x125x80xi32, #tpu.memory_space<hbm>>
      %dma_start3A_79 = tpu.memref_squeeze %dma_start3A_78 : memref<1x1x125x80xi32, #tpu.memory_space<hbm>> -> memref<125x80xi32, #tpu.memory_space<hbm>>
      %dma_start3A_80 = arith.constant 0 : i32
      %dma_start3A_81 = arith.constant 0 : i32
      %dma_start3A_82 = tpu.memref_slice %arg3[%arg0, %arg1, %dma_start3A_80, %dma_start3A_81] : memref<2x16x125x80xi32, #tpu.memory_space<hbm>> -> memref<1x1x125x80xi32, #tpu.memory_space<hbm>>
      %dma_start3A_83 = tpu.memref_squeeze %dma_start3A_82 : memref<1x1x125x80xi32, #tpu.memory_space<hbm>> -> memref<125x80xi32, #tpu.memory_space<hbm>>
      tpu.enqueue_dma source(%dma_start3A_83 : memref<125x80xi32, #tpu.memory_space<hbm>>) target(%arg6 : memref<125x80xi32, #tpu.memory_space<vmem>>) target_semaphore(%run_scoped3A_75 : memref<!tpu.dma_semaphore, #tpu.memory_space<semaphore_mem>>)
      %dma_wait3A_84 = arith.constant 0 : i32
      %dma_wait3A_85 = arith.constant 0 : i32
      %dma_wait3A_86 = tpu.memref_slice %arg3[%arg0, %arg1, %dma_wait3A_84, %dma_wait3A_85] : memref<2x16x125x80xi32, #tpu.memory_space<hbm>> -> memref<1x1x125x80xi32, #tpu.memory_space<hbm>>
      %dma_wait3A_87 = tpu.memref_squeeze %dma_wait3A_86 : memref<1x1x125x80xi32, #tpu.memory_space<hbm>> -> memref<125x80xi32, #tpu.memory_space<hbm>>
      %dma_wait3A_88 = arith.constant 0 : i32
      %dma_wait3A_89 = arith.constant 0 : i32
      %dma_wait3A_90 = tpu.memref_slice %arg3[%arg0, %arg1, %dma_wait3A_88, %dma_wait3A_89] : memref<2x16x125x80xi32, #tpu.memory_space<hbm>> -> memref<1x1x125x80xi32, #tpu.memory_space<hbm>>
      %dma_wait3A_91 = tpu.memref_squeeze %dma_wait3A_90 : memref<1x1x125x80xi32, #tpu.memory_space<hbm>> -> memref<125x80xi32, #tpu.memory_space<hbm>>
      tpu.wait_dma2 semaphore(%run_scoped3A_75 : memref<!tpu.dma_semaphore, #tpu.memory_space<semaphore_mem>>) src(%dma_wait3A_91 : memref<125x80xi32, #tpu.memory_space<hbm>>) dst(%arg6 : memref<125x80xi32, #tpu.memory_space<vmem>>)
      tpu.yield
    }) : () -> ()
    "tpu.region"() ({
      %run_scoped3A_75 = tpu.sem_alloc : memref<!tpu.dma_semaphore, #tpu.memory_space<semaphore_mem>>
      %dma_start3A_76 = arith.constant 0 : i32
      %dma_start3A_77 = arith.constant 0 : i32
      %dma_start3A_78 = tpu.memref_slice %arg4[%arg0, %arg1, %dma_start3A_76, %dma_start3A_77] : memref<2x16x125x80xi32, #tpu.memory_space<hbm>> -> memref<1x1x125x80xi32, #tpu.memory_space<hbm>>
      %dma_start3A_79 = tpu.memref_squeeze %dma_start3A_78 : memref<1x1x125x80xi32, #tpu.memory_space<hbm>> -> memref<125x80xi32, #tpu.memory_space<hbm>>
      %dma_start3A_80 = arith.constant 0 : i32
      %dma_start3A_81 = arith.constant 0 : i32
      %dma_start3A_82 = tpu.memref_slice %arg4[%arg0, %arg1, %dma_start3A_80, %dma_start3A_81] : memref<2x16x125x80xi32, #tpu.memory_space<hbm>> -> memref<1x1x125x80xi32, #tpu.memory_space<hbm>>
      %dma_start3A_83 = tpu.memref_squeeze %dma_start3A_82 : memref<1x1x125x80xi32, #tpu.memory_space<hbm>> -> memref<125x80xi32, #tpu.memory_space<hbm>>
      tpu.enqueue_dma source(%dma_start3A_83 : memref<125x80xi32, #tpu.memory_space<hbm>>) target(%arg7 : memref<125x80xi32, #tpu.memory_space<vmem>>) target_semaphore(%run_scoped3A_75 : memref<!tpu.dma_semaphore, #tpu.memory_space<semaphore_mem>>)
      %dma_wait3A_84 = arith.constant 0 : i32
      %dma_wait3A_85 = arith.constant 0 : i32
      %dma_wait3A_86 = tpu.memref_slice %arg4[%arg0, %arg1, %dma_wait3A_84, %dma_wait3A_85] : memref<2x16x125x80xi32, #tpu.memory_space<hbm>> -> memref<1x1x125x80xi32, #tpu.memory_space<hbm>>
      %dma_wait3A_87 = tpu.memref_squeeze %dma_wait3A_86 : memref<1x1x125x80xi32, #tpu.memory_space<hbm>> -> memref<125x80xi32, #tpu.memory_space<hbm>>
      %dma_wait3A_88 = arith.constant 0 : i32
      %dma_wait3A_89 = arith.constant 0 : i32
      %dma_wait3A_90 = tpu.memref_slice %arg4[%arg0, %arg1, %dma_wait3A_88, %dma_wait3A_89] : memref<2x16x125x80xi32, #tpu.memory_space<hbm>> -> memref<1x1x125x80xi32, #tpu.memory_space<hbm>>
      %dma_wait3A_91 = tpu.memref_squeeze %dma_wait3A_90 : memref<1x1x125x80xi32, #tpu.memory_space<hbm>> -> memref<125x80xi32, #tpu.memory_space<hbm>>
      tpu.wait_dma2 semaphore(%run_scoped3A_75 : memref<!tpu.dma_semaphore, #tpu.memory_space<semaphore_mem>>) src(%dma_wait3A_91 : memref<125x80xi32, #tpu.memory_space<hbm>>) dst(%arg7 : memref<125x80xi32, #tpu.memory_space<vmem>>)
      tpu.yield
    }) : () -> ()
    %scan3A_13 = arith.constant 0 : i32
    %scan3A_14 = arith.constant 0 : i32
    %scan3A_15 = arith.constant 16 : i32
    %scan3A_16 = arith.addi %scan3A_14, %scan3A_15 : i32
    %scan3A_17 = arith.constant 1 : i32
    %scan3A_18 = scf.for %scan3A_75 = %scan3A_14 to %scan3A_16 step %scan3A_17 iter_args(%scan3A_76 = %scan3A_13) -> (i32)  : i32 {
      %mul3A = arith.constant 16 : i32
      %mul3A_77 = arith.muli %scan3A_75, %mul3A : i32
      %add3A = arith.addi %arg1, %mul3A_77 : i32
      %lt3A = arith.constant 250 : i32
      %lt3A_78 = arith.cmpi slt, %add3A, %lt3A : i32
      %convert_element_type3A = arith.extui %lt3A_78 : i1 to i32
      %cond3A = arith.constant 0 : i32
      %cond3A_79 = arith.cmpi ne, %convert_element_type3A, %cond3A : i32
      scf.if %cond3A_79 {
        %mul3A_81 = arith.constant 40 : i32
        %mul3A_82 = arith.muli %add3A, %mul3A_81 : i32
        %dma_wait3A_83 = arith.constant 0 : i32
        %dma_wait3A_84 = tpu.memref_slice %arg13[%mul3A_82, %dma_wait3A_83] : memref<10000x112xf32, #tpu.memory_space<vmem_shared>> -> memref<40x112xf32, #tpu.memory_space<vmem_shared>>
        %dma_wait3A_85 = arith.constant 0 : i32
        %dma_wait3A_86 = tpu.memref_slice %arg13[%mul3A_82, %dma_wait3A_85] : memref<10000x112xf32, #tpu.memory_space<vmem_shared>> -> memref<40x112xf32, #tpu.memory_space<vmem_shared>>
        tpu.wait_dma2 semaphore(%arg18 : memref<!tpu.dma_semaphore, #tpu.memory_space<semaphore_mem>>) src(%arg12 : memref<40x112xf32, #tpu.memory_space<vmem>>) dst(%dma_wait3A_86 : memref<40x112xf32, #tpu.memory_space<vmem_shared>>)
      } else {
      }
      %scan3A_80 = arith.constant 0 : i32
      scf.yield %scan3A_80 : i32
    }
    %scan3A_19 = arith.constant 16 : i32
    %barrier3A = arith.constant 0 : index
    tpu.barrier barrier_id(%barrier3A)
    %dma_start3A = arith.constant 0 : i32
    %dma_start3A_20 = arith.constant 0 : i32
    %dma_start3A_21 = tpu.memref_slice %arg6[%dma_start3A, %dma_start3A_20] : memref<125x80xi32, #tpu.memory_space<vmem>> -> memref<1x80xi32, #tpu.memory_space<vmem>>
    %dma_start3A_22 = tpu.memref_squeeze %dma_start3A_21 : memref<1x80xi32, #tpu.memory_space<vmem>> -> memref<80xi32, #tpu.memory_space<vmem>>
    %dma_start3A_23 = arith.constant 0 : i32
    %dma_start3A_24 = arith.constant 0 : i32
    %dma_start3A_25 = tpu.memref_slice %arg2[%dma_start3A_23, %dma_start3A_24] : memref<10000x112xf32, #tpu.memory_space<hbm>> -> memref<10000x112xf32, #tpu.memory_space<hbm>>
    tpu.enqueue_indirect_dma source(%dma_start3A_25 : memref<10000x112xf32, #tpu.memory_space<hbm>>) target(%arg8 : memref<80x112xf32, #tpu.memory_space<vmem>>) offsets(%dma_start3A_22 : memref<80xi32, #tpu.memory_space<vmem>>) semaphore(%arg14 : memref<!tpu.dma_semaphore, #tpu.memory_space<semaphore_mem>>)
    %dma_start3A_26 = arith.constant 1 : i32
    %dma_start3A_27 = arith.constant 0 : i32
    %dma_start3A_28 = tpu.memref_slice %arg6[%dma_start3A_26, %dma_start3A_27] : memref<125x80xi32, #tpu.memory_space<vmem>> -> memref<1x80xi32, #tpu.memory_space<vmem>>
    %dma_start3A_29 = tpu.memref_squeeze %dma_start3A_28 : memref<1x80xi32, #tpu.memory_space<vmem>> -> memref<80xi32, #tpu.memory_space<vmem>>
    %dma_start3A_30 = arith.constant 0 : i32
    %dma_start3A_31 = arith.constant 0 : i32
    %dma_start3A_32 = tpu.memref_slice %arg2[%dma_start3A_30, %dma_start3A_31] : memref<10000x112xf32, #tpu.memory_space<hbm>> -> memref<10000x112xf32, #tpu.memory_space<hbm>>
    tpu.enqueue_indirect_dma source(%dma_start3A_32 : memref<10000x112xf32, #tpu.memory_space<hbm>>) target(%arg9 : memref<80x112xf32, #tpu.memory_space<vmem>>) offsets(%dma_start3A_29 : memref<80xi32, #tpu.memory_space<vmem>>) semaphore(%arg15 : memref<!tpu.dma_semaphore, #tpu.memory_space<semaphore_mem>>)
    %dma_start3A_33 = arith.constant 2 : i32
    %dma_start3A_34 = arith.constant 0 : i32
    %dma_start3A_35 = tpu.memref_slice %arg6[%dma_start3A_33, %dma_start3A_34] : memref<125x80xi32, #tpu.memory_space<vmem>> -> memref<1x80xi32, #tpu.memory_space<vmem>>
    %dma_start3A_36 = tpu.memref_squeeze %dma_start3A_35 : memref<1x80xi32, #tpu.memory_space<vmem>> -> memref<80xi32, #tpu.memory_space<vmem>>
    %dma_start3A_37 = arith.constant 0 : i32
    %dma_start3A_38 = arith.constant 0 : i32
    %dma_start3A_39 = tpu.memref_slice %arg2[%dma_start3A_37, %dma_start3A_38] : memref<10000x112xf32, #tpu.memory_space<hbm>> -> memref<10000x112xf32, #tpu.memory_space<hbm>>
    tpu.enqueue_indirect_dma source(%dma_start3A_39 : memref<10000x112xf32, #tpu.memory_space<hbm>>) target(%arg10 : memref<80x112xf32, #tpu.memory_space<vmem>>) offsets(%dma_start3A_36 : memref<80xi32, #tpu.memory_space<vmem>>) semaphore(%arg16 : memref<!tpu.dma_semaphore, #tpu.memory_space<semaphore_mem>>)
    %dma_start3A_40 = arith.constant 3 : i32
    %dma_start3A_41 = arith.constant 0 : i32
    %dma_start3A_42 = tpu.memref_slice %arg6[%dma_start3A_40, %dma_start3A_41] : memref<125x80xi32, #tpu.memory_space<vmem>> -> memref<1x80xi32, #tpu.memory_space<vmem>>
    %dma_start3A_43 = tpu.memref_squeeze %dma_start3A_42 : memref<1x80xi32, #tpu.memory_space<vmem>> -> memref<80xi32, #tpu.memory_space<vmem>>
    %dma_start3A_44 = arith.constant 0 : i32
    %dma_start3A_45 = arith.constant 0 : i32
    %dma_start3A_46 = tpu.memref_slice %arg2[%dma_start3A_44, %dma_start3A_45] : memref<10000x112xf32, #tpu.memory_space<hbm>> -> memref<10000x112xf32, #tpu.memory_space<hbm>>
    tpu.enqueue_indirect_dma source(%dma_start3A_46 : memref<10000x112xf32, #tpu.memory_space<hbm>>) target(%arg11 : memref<80x112xf32, #tpu.memory_space<vmem>>) offsets(%dma_start3A_43 : memref<80xi32, #tpu.memory_space<vmem>>) semaphore(%arg17 : memref<!tpu.dma_semaphore, #tpu.memory_space<semaphore_mem>>)
    %scan3A_47 = arith.constant 0 : i32
    %scan3A_48 = arith.constant 0 : i32
    %scan3A_49 = arith.constant 31 : i32
    %scan3A_50 = arith.addi %scan3A_48, %scan3A_49 : i32
    %scan3A_51 = arith.constant 1 : i32
    %scan3A_52 = scf.for %scan3A_75 = %scan3A_48 to %scan3A_50 step %scan3A_51 iter_args(%scan3A_76 = %scan3A_47) -> (i32)  : i32 {
      %mul3A = arith.constant 4 : i32
      %mul3A_77 = arith.muli %scan3A_75, %mul3A : i32
      %add3A = arith.constant 0 : i32
      %add3A_78 = arith.addi %mul3A_77, %add3A : i32
      %dma_wait3A_79 = arith.constant 0 : i32
      %dma_wait3A_80 = tpu.memref_slice %arg6[%add3A_78, %dma_wait3A_79] : memref<125x80xi32, #tpu.memory_space<vmem>> -> memref<1x80xi32, #tpu.memory_space<vmem>>
      %dma_wait3A_81 = tpu.memref_squeeze %dma_wait3A_80 : memref<1x80xi32, #tpu.memory_space<vmem>> -> memref<80xi32, #tpu.memory_space<vmem>>
      %dma_wait3A_82 = arith.constant 0 : i32
      %dma_wait3A_83 = arith.constant 0 : i32
      %dma_wait3A_84 = tpu.memref_slice %arg2[%dma_wait3A_82, %dma_wait3A_83] : memref<10000x112xf32, #tpu.memory_space<hbm>> -> memref<10000x112xf32, #tpu.memory_space<hbm>>
      tpu.wait_indirect_dma semaphore(%arg14 : memref<!tpu.dma_semaphore, #tpu.memory_space<semaphore_mem>>) src(%dma_wait3A_84 : memref<10000x112xf32, #tpu.memory_space<hbm>>) dst(%arg8 : memref<80x112xf32, #tpu.memory_space<vmem>>)
      "tpu.region"() ({
        %run_scoped3A_141 = tpu.sem_alloc : memref<!tpu.dma_semaphore, #tpu.memory_space<semaphore_mem>>
        %dma_start3A_142 = arith.constant 0 : i32
        %dma_start3A_143 = tpu.memref_slice %arg7[%add3A_78, %dma_start3A_142] : memref<125x80xi32, #tpu.memory_space<vmem>> -> memref<1x80xi32, #tpu.memory_space<vmem>>
        %dma_start3A_144 = tpu.memref_squeeze %dma_start3A_143 : memref<1x80xi32, #tpu.memory_space<vmem>> -> memref<80xi32, #tpu.memory_space<vmem>>
        %dma_start3A_145 = arith.constant 0 : i32
        %dma_start3A_146 = arith.constant 0 : i32
        %dma_start3A_147 = tpu.memref_slice %arg13[%dma_start3A_145, %dma_start3A_146] : memref<10000x112xf32, #tpu.memory_space<vmem_shared>> -> memref<10000x112xf32, #tpu.memory_space<vmem_shared>>
        tpu.enqueue_indirect_dma source(%arg8 : memref<80x112xf32, #tpu.memory_space<vmem>>) target(%dma_start3A_147 : memref<10000x112xf32, #tpu.memory_space<vmem_shared>>) offsets(%dma_start3A_144 : memref<80xi32, #tpu.memory_space<vmem>>) semaphore(%run_scoped3A_141 : memref<!tpu.dma_semaphore, #tpu.memory_space<semaphore_mem>>) {add = true}
        %dma_wait3A_148 = arith.constant 0 : i32
        %dma_wait3A_149 = tpu.memref_slice %arg7[%add3A_78, %dma_wait3A_148] : memref<125x80xi32, #tpu.memory_space<vmem>> -> memref<1x80xi32, #tpu.memory_space<vmem>>
        %dma_wait3A_150 = tpu.memref_squeeze %dma_wait3A_149 : memref<1x80xi32, #tpu.memory_space<vmem>> -> memref<80xi32, #tpu.memory_space<vmem>>
        %dma_wait3A_151 = arith.constant 0 : i32
        %dma_wait3A_152 = arith.constant 0 : i32
        %dma_wait3A_153 = tpu.memref_slice %arg13[%dma_wait3A_151, %dma_wait3A_152] : memref<10000x112xf32, #tpu.memory_space<vmem_shared>> -> memref<10000x112xf32, #tpu.memory_space<vmem_shared>>
        tpu.wait_indirect_dma semaphore(%run_scoped3A_141 : memref<!tpu.dma_semaphore, #tpu.memory_space<semaphore_mem>>) src(%arg8 : memref<80x112xf32, #tpu.memory_space<vmem>>) dst(%dma_wait3A_153 : memref<10000x112xf32, #tpu.memory_space<vmem_shared>>)
        tpu.yield
      }) : () -> ()
      %add3A_85 = arith.constant 4 : i32
      %add3A_86 = arith.addi %add3A_78, %add3A_85 : i32
      %lt3A = arith.constant 125 : i32
      %lt3A_87 = arith.cmpi slt, %add3A_86, %lt3A : i32
      %convert_element_type3A = arith.extui %lt3A_87 : i1 to i32
      %cond3A = arith.constant 0 : i32
      %cond3A_88 = arith.cmpi ne, %convert_element_type3A, %cond3A : i32
      scf.if %cond3A_88 {
        %dma_start3A_141 = arith.constant 0 : i32
        %dma_start3A_142 = tpu.memref_slice %arg6[%add3A_86, %dma_start3A_141] : memref<125x80xi32, #tpu.memory_space<vmem>> -> memref<1x80xi32, #tpu.memory_space<vmem>>
        %dma_start3A_143 = tpu.memref_squeeze %dma_start3A_142 : memref<1x80xi32, #tpu.memory_space<vmem>> -> memref<80xi32, #tpu.memory_space<vmem>>
        %dma_start3A_144 = arith.constant 0 : i32
        %dma_start3A_145 = arith.constant 0 : i32
        %dma_start3A_146 = tpu.memref_slice %arg2[%dma_start3A_144, %dma_start3A_145] : memref<10000x112xf32, #tpu.memory_space<hbm>> -> memref<10000x112xf32, #tpu.memory_space<hbm>>
        tpu.enqueue_indirect_dma source(%dma_start3A_146 : memref<10000x112xf32, #tpu.memory_space<hbm>>) target(%arg8 : memref<80x112xf32, #tpu.memory_space<vmem>>) offsets(%dma_start3A_143 : memref<80xi32, #tpu.memory_space<vmem>>) semaphore(%arg14 : memref<!tpu.dma_semaphore, #tpu.memory_space<semaphore_mem>>)
      } else {
      }
      %mul3A_89 = arith.constant 4 : i32
      %mul3A_90 = arith.muli %scan3A_75, %mul3A_89 : i32
      %add3A_91 = arith.constant 1 : i32
      %add3A_92 = arith.addi %mul3A_90, %add3A_91 : i32
      %dma_wait3A_93 = arith.constant 0 : i32
      %dma_wait3A_94 = tpu.memref_slice %arg6[%add3A_92, %dma_wait3A_93] : memref<125x80xi32, #tpu.memory_space<vmem>> -> memref<1x80xi32, #tpu.memory_space<vmem>>
      %dma_wait3A_95 = tpu.memref_squeeze %dma_wait3A_94 : memref<1x80xi32, #tpu.memory_space<vmem>> -> memref<80xi32, #tpu.memory_space<vmem>>
      %dma_wait3A_96 = arith.constant 0 : i32
      %dma_wait3A_97 = arith.constant 0 : i32
      %dma_wait3A_98 = tpu.memref_slice %arg2[%dma_wait3A_96, %dma_wait3A_97] : memref<10000x112xf32, #tpu.memory_space<hbm>> -> memref<10000x112xf32, #tpu.memory_space<hbm>>
      tpu.wait_indirect_dma semaphore(%arg15 : memref<!tpu.dma_semaphore, #tpu.memory_space<semaphore_mem>>) src(%dma_wait3A_98 : memref<10000x112xf32, #tpu.memory_space<hbm>>) dst(%arg9 : memref<80x112xf32, #tpu.memory_space<vmem>>)
      "tpu.region"() ({
        %run_scoped3A_141 = tpu.sem_alloc : memref<!tpu.dma_semaphore, #tpu.memory_space<semaphore_mem>>
        %dma_start3A_142 = arith.constant 0 : i32
        %dma_start3A_143 = tpu.memref_slice %arg7[%add3A_92, %dma_start3A_142] : memref<125x80xi32, #tpu.memory_space<vmem>> -> memref<1x80xi32, #tpu.memory_space<vmem>>
        %dma_start3A_144 = tpu.memref_squeeze %dma_start3A_143 : memref<1x80xi32, #tpu.memory_space<vmem>> -> memref<80xi32, #tpu.memory_space<vmem>>
        %dma_start3A_145 = arith.constant 0 : i32
        %dma_start3A_146 = arith.constant 0 : i32
        %dma_start3A_147 = tpu.memref_slice %arg13[%dma_start3A_145, %dma_start3A_146] : memref<10000x112xf32, #tpu.memory_space<vmem_shared>> -> memref<10000x112xf32, #tpu.memory_space<vmem_shared>>
        tpu.enqueue_indirect_dma source(%arg9 : memref<80x112xf32, #tpu.memory_space<vmem>>) target(%dma_start3A_147 : memref<10000x112xf32, #tpu.memory_space<vmem_shared>>) offsets(%dma_start3A_144 : memref<80xi32, #tpu.memory_space<vmem>>) semaphore(%run_scoped3A_141 : memref<!tpu.dma_semaphore, #tpu.memory_space<semaphore_mem>>) {add = true}
        %dma_wait3A_148 = arith.constant 0 : i32
        %dma_wait3A_149 = tpu.memref_slice %arg7[%add3A_92, %dma_wait3A_148] : memref<125x80xi32, #tpu.memory_space<vmem>> -> memref<1x80xi32, #tpu.memory_space<vmem>>
        %dma_wait3A_150 = tpu.memref_squeeze %dma_wait3A_149 : memref<1x80xi32, #tpu.memory_space<vmem>> -> memref<80xi32, #tpu.memory_space<vmem>>
        %dma_wait3A_151 = arith.constant 0 : i32
        %dma_wait3A_152 = arith.constant 0 : i32
        %dma_wait3A_153 = tpu.memref_slice %arg13[%dma_wait3A_151, %dma_wait3A_152] : memref<10000x112xf32, #tpu.memory_space<vmem_shared>> -> memref<10000x112xf32, #tpu.memory_space<vmem_shared>>
        tpu.wait_indirect_dma semaphore(%run_scoped3A_141 : memref<!tpu.dma_semaphore, #tpu.memory_space<semaphore_mem>>) src(%arg9 : memref<80x112xf32, #tpu.memory_space<vmem>>) dst(%dma_wait3A_153 : memref<10000x112xf32, #tpu.memory_space<vmem_shared>>)
        tpu.yield
      }) : () -> ()
      %add3A_99 = arith.constant 4 : i32
      %add3A_100 = arith.addi %add3A_92, %add3A_99 : i32
      %lt3A_101 = arith.constant 125 : i32
      %lt3A_102 = arith.cmpi slt, %add3A_100, %lt3A_101 : i32
      %convert_element_type3A_103 = arith.extui %lt3A_102 : i1 to i32
      %cond3A_104 = arith.constant 0 : i32
      %cond3A_105 = arith.cmpi ne, %convert_element_type3A_103, %cond3A_104 : i32
      scf.if %cond3A_105 {
        %dma_start3A_141 = arith.constant 0 : i32
        %dma_start3A_142 = tpu.memref_slice %arg6[%add3A_100, %dma_start3A_141] : memref<125x80xi32, #tpu.memory_space<vmem>> -> memref<1x80xi32, #tpu.memory_space<vmem>>
        %dma_start3A_143 = tpu.memref_squeeze %dma_start3A_142 : memref<1x80xi32, #tpu.memory_space<vmem>> -> memref<80xi32, #tpu.memory_space<vmem>>
        %dma_start3A_144 = arith.constant 0 : i32
        %dma_start3A_145 = arith.constant 0 : i32
        %dma_start3A_146 = tpu.memref_slice %arg2[%dma_start3A_144, %dma_start3A_145] : memref<10000x112xf32, #tpu.memory_space<hbm>> -> memref<10000x112xf32, #tpu.memory_space<hbm>>
        tpu.enqueue_indirect_dma source(%dma_start3A_146 : memref<10000x112xf32, #tpu.memory_space<hbm>>) target(%arg9 : memref<80x112xf32, #tpu.memory_space<vmem>>) offsets(%dma_start3A_143 : memref<80xi32, #tpu.memory_space<vmem>>) semaphore(%arg15 : memref<!tpu.dma_semaphore, #tpu.memory_space<semaphore_mem>>)
      } else {
      }
      %mul3A_106 = arith.constant 4 : i32
      %mul3A_107 = arith.muli %scan3A_75, %mul3A_106 : i32
      %add3A_108 = arith.constant 2 : i32
      %add3A_109 = arith.addi %mul3A_107, %add3A_108 : i32
      %dma_wait3A_110 = arith.constant 0 : i32
      %dma_wait3A_111 = tpu.memref_slice %arg6[%add3A_109, %dma_wait3A_110] : memref<125x80xi32, #tpu.memory_space<vmem>> -> memref<1x80xi32, #tpu.memory_space<vmem>>
      %dma_wait3A_112 = tpu.memref_squeeze %dma_wait3A_111 : memref<1x80xi32, #tpu.memory_space<vmem>> -> memref<80xi32, #tpu.memory_space<vmem>>
      %dma_wait3A_113 = arith.constant 0 : i32
      %dma_wait3A_114 = arith.constant 0 : i32
      %dma_wait3A_115 = tpu.memref_slice %arg2[%dma_wait3A_113, %dma_wait3A_114] : memref<10000x112xf32, #tpu.memory_space<hbm>> -> memref<10000x112xf32, #tpu.memory_space<hbm>>
      tpu.wait_indirect_dma semaphore(%arg16 : memref<!tpu.dma_semaphore, #tpu.memory_space<semaphore_mem>>) src(%dma_wait3A_115 : memref<10000x112xf32, #tpu.memory_space<hbm>>) dst(%arg10 : memref<80x112xf32, #tpu.memory_space<vmem>>)
      "tpu.region"() ({
        %run_scoped3A_141 = tpu.sem_alloc : memref<!tpu.dma_semaphore, #tpu.memory_space<semaphore_mem>>
        %dma_start3A_142 = arith.constant 0 : i32
        %dma_start3A_143 = tpu.memref_slice %arg7[%add3A_109, %dma_start3A_142] : memref<125x80xi32, #tpu.memory_space<vmem>> -> memref<1x80xi32, #tpu.memory_space<vmem>>
        %dma_start3A_144 = tpu.memref_squeeze %dma_start3A_143 : memref<1x80xi32, #tpu.memory_space<vmem>> -> memref<80xi32, #tpu.memory_space<vmem>>
        %dma_start3A_145 = arith.constant 0 : i32
        %dma_start3A_146 = arith.constant 0 : i32
        %dma_start3A_147 = tpu.memref_slice %arg13[%dma_start3A_145, %dma_start3A_146] : memref<10000x112xf32, #tpu.memory_space<vmem_shared>> -> memref<10000x112xf32, #tpu.memory_space<vmem_shared>>
        tpu.enqueue_indirect_dma source(%arg10 : memref<80x112xf32, #tpu.memory_space<vmem>>) target(%dma_start3A_147 : memref<10000x112xf32, #tpu.memory_space<vmem_shared>>) offsets(%dma_start3A_144 : memref<80xi32, #tpu.memory_space<vmem>>) semaphore(%run_scoped3A_141 : memref<!tpu.dma_semaphore, #tpu.memory_space<semaphore_mem>>) {add = true}
        %dma_wait3A_148 = arith.constant 0 : i32
        %dma_wait3A_149 = tpu.memref_slice %arg7[%add3A_109, %dma_wait3A_148] : memref<125x80xi32, #tpu.memory_space<vmem>> -> memref<1x80xi32, #tpu.memory_space<vmem>>
        %dma_wait3A_150 = tpu.memref_squeeze %dma_wait3A_149 : memref<1x80xi32, #tpu.memory_space<vmem>> -> memref<80xi32, #tpu.memory_space<vmem>>
        %dma_wait3A_151 = arith.constant 0 : i32
        %dma_wait3A_152 = arith.constant 0 : i32
        %dma_wait3A_153 = tpu.memref_slice %arg13[%dma_wait3A_151, %dma_wait3A_152] : memref<10000x112xf32, #tpu.memory_space<vmem_shared>> -> memref<10000x112xf32, #tpu.memory_space<vmem_shared>>
        tpu.wait_indirect_dma semaphore(%run_scoped3A_141 : memref<!tpu.dma_semaphore, #tpu.memory_space<semaphore_mem>>) src(%arg10 : memref<80x112xf32, #tpu.memory_space<vmem>>) dst(%dma_wait3A_153 : memref<10000x112xf32, #tpu.memory_space<vmem_shared>>)
        tpu.yield
      }) : () -> ()
      %add3A_116 = arith.constant 4 : i32
      %add3A_117 = arith.addi %add3A_109, %add3A_116 : i32
      %lt3A_118 = arith.constant 125 : i32
      %lt3A_119 = arith.cmpi slt, %add3A_117, %lt3A_118 : i32
      %convert_element_type3A_120 = arith.extui %lt3A_119 : i1 to i32
      %cond3A_121 = arith.constant 0 : i32
      %cond3A_122 = arith.cmpi ne, %convert_element_type3A_120, %cond3A_121 : i32
      scf.if %cond3A_122 {
        %dma_start3A_141 = arith.constant 0 : i32
        %dma_start3A_142 = tpu.memref_slice %arg6[%add3A_117, %dma_start3A_141] : memref<125x80xi32, #tpu.memory_space<vmem>> -> memref<1x80xi32, #tpu.memory_space<vmem>>
        %dma_start3A_143 = tpu.memref_squeeze %dma_start3A_142 : memref<1x80xi32, #tpu.memory_space<vmem>> -> memref<80xi32, #tpu.memory_space<vmem>>
        %dma_start3A_144 = arith.constant 0 : i32
        %dma_start3A_145 = arith.constant 0 : i32
        %dma_start3A_146 = tpu.memref_slice %arg2[%dma_start3A_144, %dma_start3A_145] : memref<10000x112xf32, #tpu.memory_space<hbm>> -> memref<10000x112xf32, #tpu.memory_space<hbm>>
        tpu.enqueue_indirect_dma source(%dma_start3A_146 : memref<10000x112xf32, #tpu.memory_space<hbm>>) target(%arg10 : memref<80x112xf32, #tpu.memory_space<vmem>>) offsets(%dma_start3A_143 : memref<80xi32, #tpu.memory_space<vmem>>) semaphore(%arg16 : memref<!tpu.dma_semaphore, #tpu.memory_space<semaphore_mem>>)
      } else {
      }
      %mul3A_123 = arith.constant 4 : i32
      %mul3A_124 = arith.muli %scan3A_75, %mul3A_123 : i32
      %add3A_125 = arith.constant 3 : i32
      %add3A_126 = arith.addi %mul3A_124, %add3A_125 : i32
      %dma_wait3A_127 = arith.constant 0 : i32
      %dma_wait3A_128 = tpu.memref_slice %arg6[%add3A_126, %dma_wait3A_127] : memref<125x80xi32, #tpu.memory_space<vmem>> -> memref<1x80xi32, #tpu.memory_space<vmem>>
      %dma_wait3A_129 = tpu.memref_squeeze %dma_wait3A_128 : memref<1x80xi32, #tpu.memory_space<vmem>> -> memref<80xi32, #tpu.memory_space<vmem>>
      %dma_wait3A_130 = arith.constant 0 : i32
      %dma_wait3A_131 = arith.constant 0 : i32
      %dma_wait3A_132 = tpu.memref_slice %arg2[%dma_wait3A_130, %dma_wait3A_131] : memref<10000x112xf32, #tpu.memory_space<hbm>> -> memref<10000x112xf32, #tpu.memory_space<hbm>>
      tpu.wait_indirect_dma semaphore(%arg17 : memref<!tpu.dma_semaphore, #tpu.memory_space<semaphore_mem>>) src(%dma_wait3A_132 : memref<10000x112xf32, #tpu.memory_space<hbm>>) dst(%arg11 : memref<80x112xf32, #tpu.memory_space<vmem>>)
      "tpu.region"() ({
        %run_scoped3A_141 = tpu.sem_alloc : memref<!tpu.dma_semaphore, #tpu.memory_space<semaphore_mem>>
        %dma_start3A_142 = arith.constant 0 : i32
        %dma_start3A_143 = tpu.memref_slice %arg7[%add3A_126, %dma_start3A_142] : memref<125x80xi32, #tpu.memory_space<vmem>> -> memref<1x80xi32, #tpu.memory_space<vmem>>
        %dma_start3A_144 = tpu.memref_squeeze %dma_start3A_143 : memref<1x80xi32, #tpu.memory_space<vmem>> -> memref<80xi32, #tpu.memory_space<vmem>>
        %dma_start3A_145 = arith.constant 0 : i32
        %dma_start3A_146 = arith.constant 0 : i32
        %dma_start3A_147 = tpu.memref_slice %arg13[%dma_start3A_145, %dma_start3A_146] : memref<10000x112xf32, #tpu.memory_space<vmem_shared>> -> memref<10000x112xf32, #tpu.memory_space<vmem_shared>>
        tpu.enqueue_indirect_dma source(%arg11 : memref<80x112xf32, #tpu.memory_space<vmem>>) target(%dma_start3A_147 : memref<10000x112xf32, #tpu.memory_space<vmem_shared>>) offsets(%dma_start3A_144 : memref<80xi32, #tpu.memory_space<vmem>>) semaphore(%run_scoped3A_141 : memref<!tpu.dma_semaphore, #tpu.memory_space<semaphore_mem>>) {add = true}
        %dma_wait3A_148 = arith.constant 0 : i32
        %dma_wait3A_149 = tpu.memref_slice %arg7[%add3A_126, %dma_wait3A_148] : memref<125x80xi32, #tpu.memory_space<vmem>> -> memref<1x80xi32, #tpu.memory_space<vmem>>
        %dma_wait3A_150 = tpu.memref_squeeze %dma_wait3A_149 : memref<1x80xi32, #tpu.memory_space<vmem>> -> memref<80xi32, #tpu.memory_space<vmem>>
        %dma_wait3A_151 = arith.constant 0 : i32
        %dma_wait3A_152 = arith.constant 0 : i32
        %dma_wait3A_153 = tpu.memref_slice %arg13[%dma_wait3A_151, %dma_wait3A_152] : memref<10000x112xf32, #tpu.memory_space<vmem_shared>> -> memref<10000x112xf32, #tpu.memory_space<vmem_shared>>
        tpu.wait_indirect_dma semaphore(%run_scoped3A_141 : memref<!tpu.dma_semaphore, #tpu.memory_space<semaphore_mem>>) src(%arg11 : memref<80x112xf32, #tpu.memory_space<vmem>>) dst(%dma_wait3A_153 : memref<10000x112xf32, #tpu.memory_space<vmem_shared>>)
        tpu.yield
      }) : () -> ()
      %add3A_133 = arith.constant 4 : i32
      %add3A_134 = arith.addi %add3A_126, %add3A_133 : i32
      %lt3A_135 = arith.constant 125 : i32
      %lt3A_136 = arith.cmpi slt, %add3A_134, %lt3A_135 : i32
      %convert_element_type3A_137 = arith.extui %lt3A_136 : i1 to i32
      %cond3A_138 = arith.constant 0 : i32
      %cond3A_139 = arith.cmpi ne, %convert_element_type3A_137, %cond3A_138 : i32
      scf.if %cond3A_139 {
        %dma_start3A_141 = arith.constant 0 : i32
        %dma_start3A_142 = tpu.memref_slice %arg6[%add3A_134, %dma_start3A_141] : memref<125x80xi32, #tpu.memory_space<vmem>> -> memref<1x80xi32, #tpu.memory_space<vmem>>
        %dma_start3A_143 = tpu.memref_squeeze %dma_start3A_142 : memref<1x80xi32, #tpu.memory_space<vmem>> -> memref<80xi32, #tpu.memory_space<vmem>>
        %dma_start3A_144 = arith.constant 0 : i32
        %dma_start3A_145 = arith.constant 0 : i32
        %dma_start3A_146 = tpu.memref_slice %arg2[%dma_start3A_144, %dma_start3A_145] : memref<10000x112xf32, #tpu.memory_space<hbm>> -> memref<10000x112xf32, #tpu.memory_space<hbm>>
        tpu.enqueue_indirect_dma source(%dma_start3A_146 : memref<10000x112xf32, #tpu.memory_space<hbm>>) target(%arg11 : memref<80x112xf32, #tpu.memory_space<vmem>>) offsets(%dma_start3A_143 : memref<80xi32, #tpu.memory_space<vmem>>) semaphore(%arg17 : memref<!tpu.dma_semaphore, #tpu.memory_space<semaphore_mem>>)
      } else {
      }
      %scan3A_140 = arith.constant 0 : i32
      scf.yield %scan3A_140 : i32
    }
    %scan3A_53 = arith.constant 31 : i32
    %dma_wait3A = arith.constant 124 : i32
    %dma_wait3A_54 = arith.constant 0 : i32
    %dma_wait3A_55 = tpu.memref_slice %arg6[%dma_wait3A, %dma_wait3A_54] : memref<125x80xi32, #tpu.memory_space<vmem>> -> memref<1x80xi32, #tpu.memory_space<vmem>>
    %dma_wait3A_56 = tpu.memref_squeeze %dma_wait3A_55 : memref<1x80xi32, #tpu.memory_space<vmem>> -> memref<80xi32, #tpu.memory_space<vmem>>
    %dma_wait3A_57 = arith.constant 0 : i32
    %dma_wait3A_58 = arith.constant 0 : i32
    %dma_wait3A_59 = tpu.memref_slice %arg2[%dma_wait3A_57, %dma_wait3A_58] : memref<10000x112xf32, #tpu.memory_space<hbm>> -> memref<10000x112xf32, #tpu.memory_space<hbm>>
    tpu.wait_indirect_dma semaphore(%arg14 : memref<!tpu.dma_semaphore, #tpu.memory_space<semaphore_mem>>) src(%dma_wait3A_59 : memref<10000x112xf32, #tpu.memory_space<hbm>>) dst(%arg8 : memref<80x112xf32, #tpu.memory_space<vmem>>)
    %run_scoped3A = arith.constant 124 : i32
    "tpu.region"() ({
      %run_scoped3A_75 = tpu.sem_alloc : memref<!tpu.dma_semaphore, #tpu.memory_space<semaphore_mem>>
      %dma_start3A_76 = arith.constant 0 : i32
      %dma_start3A_77 = tpu.memref_slice %arg7[%run_scoped3A, %dma_start3A_76] : memref<125x80xi32, #tpu.memory_space<vmem>> -> memref<1x80xi32, #tpu.memory_space<vmem>>
      %dma_start3A_78 = tpu.memref_squeeze %dma_start3A_77 : memref<1x80xi32, #tpu.memory_space<vmem>> -> memref<80xi32, #tpu.memory_space<vmem>>
      %dma_start3A_79 = arith.constant 0 : i32
      %dma_start3A_80 = arith.constant 0 : i32
      %dma_start3A_81 = tpu.memref_slice %arg13[%dma_start3A_79, %dma_start3A_80] : memref<10000x112xf32, #tpu.memory_space<vmem_shared>> -> memref<10000x112xf32, #tpu.memory_space<vmem_shared>>
      tpu.enqueue_indirect_dma source(%arg8 : memref<80x112xf32, #tpu.memory_space<vmem>>) target(%dma_start3A_81 : memref<10000x112xf32, #tpu.memory_space<vmem_shared>>) offsets(%dma_start3A_78 : memref<80xi32, #tpu.memory_space<vmem>>) semaphore(%run_scoped3A_75 : memref<!tpu.dma_semaphore, #tpu.memory_space<semaphore_mem>>) {add = true}
      %dma_wait3A_82 = arith.constant 0 : i32
      %dma_wait3A_83 = tpu.memref_slice %arg7[%run_scoped3A, %dma_wait3A_82] : memref<125x80xi32, #tpu.memory_space<vmem>> -> memref<1x80xi32, #tpu.memory_space<vmem>>
      %dma_wait3A_84 = tpu.memref_squeeze %dma_wait3A_83 : memref<1x80xi32, #tpu.memory_space<vmem>> -> memref<80xi32, #tpu.memory_space<vmem>>
      %dma_wait3A_85 = arith.constant 0 : i32
      %dma_wait3A_86 = arith.constant 0 : i32
      %dma_wait3A_87 = tpu.memref_slice %arg13[%dma_wait3A_85, %dma_wait3A_86] : memref<10000x112xf32, #tpu.memory_space<vmem_shared>> -> memref<10000x112xf32, #tpu.memory_space<vmem_shared>>
      tpu.wait_indirect_dma semaphore(%run_scoped3A_75 : memref<!tpu.dma_semaphore, #tpu.memory_space<semaphore_mem>>) src(%arg8 : memref<80x112xf32, #tpu.memory_space<vmem>>) dst(%dma_wait3A_87 : memref<10000x112xf32, #tpu.memory_space<vmem_shared>>)
      tpu.yield
    }) : () -> ()
    %barrier3A_60 = arith.constant 0 : index
    tpu.barrier barrier_id(%barrier3A_60)
    %scan3A_61 = arith.constant 0 : i32
    %scan3A_62 = arith.constant 0 : i32
    %scan3A_63 = arith.constant 16 : i32
    %scan3A_64 = arith.addi %scan3A_62, %scan3A_63 : i32
    %scan3A_65 = arith.constant 1 : i32
    %scan3A_66 = scf.for %scan3A_75 = %scan3A_62 to %scan3A_64 step %scan3A_65 iter_args(%scan3A_76 = %scan3A_61) -> (i32)  : i32 {
      %mul3A = arith.constant 16 : i32
      %mul3A_77 = arith.muli %scan3A_75, %mul3A : i32
      %add3A = arith.addi %arg1, %mul3A_77 : i32
      %lt3A = arith.constant 250 : i32
      %lt3A_78 = arith.cmpi slt, %add3A, %lt3A : i32
      %convert_element_type3A = arith.extui %lt3A_78 : i1 to i32
      %cond3A = arith.constant 0 : i32
      %cond3A_79 = arith.cmpi ne, %convert_element_type3A, %cond3A : i32
      scf.if %cond3A_79 {
        %mul3A_81 = arith.constant 40 : i32
        %mul3A_82 = arith.muli %add3A, %mul3A_81 : i32
        %mul3A_83 = arith.constant 40 : i32
        %mul3A_84 = arith.muli %add3A, %mul3A_83 : i32
        %dma_start3A_85 = arith.constant 0 : i32
        %dma_start3A_86 = tpu.memref_slice %arg5[%arg0, %mul3A_84, %dma_start3A_85] : memref<2x10000x112xf32, #tpu.memory_space<hbm>> -> memref<1x40x112xf32, #tpu.memory_space<hbm>>
        %dma_start3A_87 = tpu.memref_squeeze %dma_start3A_86 : memref<1x40x112xf32, #tpu.memory_space<hbm>> -> memref<40x112xf32, #tpu.memory_space<hbm>>
        %dma_start3A_88 = arith.constant 0 : i32
        %dma_start3A_89 = tpu.memref_slice %arg13[%mul3A_82, %dma_start3A_88] : memref<10000x112xf32, #tpu.memory_space<vmem_shared>> -> memref<40x112xf32, #tpu.memory_space<vmem_shared>>
        tpu.enqueue_dma source(%dma_start3A_89 : memref<40x112xf32, #tpu.memory_space<vmem_shared>>) target(%dma_start3A_87 : memref<40x112xf32, #tpu.memory_space<hbm>>) target_semaphore(%arg18 : memref<!tpu.dma_semaphore, #tpu.memory_space<semaphore_mem>>)
      } else {
      }
      %scan3A_80 = arith.constant 0 : i32
      scf.yield %scan3A_80 : i32
    }
    %scan3A_67 = arith.constant 16 : i32
    %scan3A_68 = arith.constant 0 : i32
    %scan3A_69 = arith.constant 0 : i32
    %scan3A_70 = arith.constant 16 : i32
    %scan3A_71 = arith.addi %scan3A_69, %scan3A_70 : i32
    %scan3A_72 = arith.constant 1 : i32
    %scan3A_73 = scf.for %scan3A_75 = %scan3A_69 to %scan3A_71 step %scan3A_72 iter_args(%scan3A_76 = %scan3A_68) -> (i32)  : i32 {
      %mul3A = arith.constant 16 : i32
      %mul3A_77 = arith.muli %scan3A_75, %mul3A : i32
      %add3A = arith.addi %arg1, %mul3A_77 : i32
      %lt3A = arith.constant 250 : i32
      %lt3A_78 = arith.cmpi slt, %add3A, %lt3A : i32
      %convert_element_type3A = arith.extui %lt3A_78 : i1 to i32
      %cond3A = arith.constant 0 : i32
      %cond3A_79 = arith.cmpi ne, %convert_element_type3A, %cond3A : i32
      scf.if %cond3A_79 {
        %mul3A_81 = arith.constant 40 : i32
        %mul3A_82 = arith.muli %add3A, %mul3A_81 : i32
        %mul3A_83 = arith.constant 40 : i32
        %mul3A_84 = arith.muli %add3A, %mul3A_83 : i32
        %dma_wait3A_85 = arith.constant 0 : i32
        %dma_wait3A_86 = tpu.memref_slice %arg5[%arg0, %mul3A_84, %dma_wait3A_85] : memref<2x10000x112xf32, #tpu.memory_space<hbm>> -> memref<1x40x112xf32, #tpu.memory_space<hbm>>
        %dma_wait3A_87 = tpu.memref_squeeze %dma_wait3A_86 : memref<1x40x112xf32, #tpu.memory_space<hbm>> -> memref<40x112xf32, #tpu.memory_space<hbm>>
        %dma_wait3A_88 = arith.constant 0 : i32
        %dma_wait3A_89 = tpu.memref_slice %arg13[%mul3A_82, %dma_wait3A_88] : memref<10000x112xf32, #tpu.memory_space<vmem_shared>> -> memref<40x112xf32, #tpu.memory_space<vmem_shared>>
        tpu.wait_dma2 semaphore(%arg18 : memref<!tpu.dma_semaphore, #tpu.memory_space<semaphore_mem>>) src(%dma_wait3A_89 : memref<40x112xf32, #tpu.memory_space<vmem_shared>>) dst(%dma_wait3A_87 : memref<40x112xf32, #tpu.memory_space<hbm>>)
      } else {
      }
      %scan3A_80 = arith.constant 0 : i32
      scf.yield %scan3A_80 : i32
    }
    %scan3A_74 = arith.constant 16 : i32
    return
  }
}

#map = affine_map<(d0, d1) -> (0, 0)>
#map1 = affine_map<(d0, d1) -> (0, 0, 0, 0)>
#map2 = affine_map<(d0, d1) -> (0, 0, 0)>
module attributes {stable_mosaic.version = 14 : i64} {
  func.func @_sc_segsum_body(%arg0: i32, %arg1: i32, %arg2: memref<10000x112xf32, #tpu.memory_space<hbm>>, %arg3: memref<2x16x125x80xi32, #tpu.memory_space<hbm>>, %arg4: memref<2x16x125x80xi32, #tpu.memory_space<hbm>>, %arg5: memref<2x10000x112xf32, #tpu.memory_space<hbm>>, %arg6: memref<125x80xi32, #tpu.memory_space<vmem>>, %arg7: memref<125x80xi32, #tpu.memory_space<vmem>>, %arg8: memref<80x112xf32, #tpu.memory_space<vmem>>, %arg9: memref<80x112xf32, #tpu.memory_space<vmem>>, %arg10: memref<80x112xf32, #tpu.memory_space<vmem>>, %arg11: memref<80x112xf32, #tpu.memory_space<vmem>>, %arg12: memref<40x112xf32, #tpu.memory_space<vmem>>, %arg13: memref<10000x112xf32, #tpu.memory_space<vmem_shared>>, %arg14: memref<!tpu.dma_semaphore, #tpu.memory_space<semaphore_mem>>, %arg15: memref<!tpu.dma_semaphore, #tpu.memory_space<semaphore_mem>>, %arg16: memref<!tpu.dma_semaphore, #tpu.memory_space<semaphore_mem>>, %arg17: memref<!tpu.dma_semaphore, #tpu.memory_space<semaphore_mem>>, %arg18: memref<!tpu.dma_semaphore, #tpu.memory_space<semaphore_mem>>) attributes {dimension_semantics = [#tpu.dimension_semantics<core_parallel>, #tpu.dimension_semantics<subcore_parallel>], iteration_bounds = array<i64: 2, 16>, scalar_prefetch = 0 : i64, scratch_operands = 13 : i64, tpu.core_type = #tpu.core_type<sc_vector_subcore>, window_params = [{transform_indices = #map}, {transform_indices = #map1}, {transform_indices = #map1}, {transform_indices = #map2}]} {
    %scan3A = arith.constant 0 : i32
    %scan3A_0 = arith.constant 0 : i32
    %scan3A_1 = arith.constant 40 : i32
    %scan3A_2 = arith.addi %scan3A_0, %scan3A_1 : i32
    %scan3A_3 = arith.constant 1 : i32
    %scan3A_4 = scf.for %scan3A_75 = %scan3A_0 to %scan3A_2 step %scan3A_3 iter_args(%scan3A_76 = %scan3A) -> (i32)  : i32 {
      %broadcast_in_dim3A = arith.constant 0.000000e+00 : f32
      %broadcast_in_dim3A_77 = vector.broadcast %broadcast_in_dim3A : f32 to vector<16xf32>
      %swap3A = arith.index_cast %scan3A_75 : i32 to index
      %swap3A_78 = arith.constant 0 : index
      %swap3A_79 = tpu.vector_load %arg12[%swap3A, %swap3A_78] {strides = array<i32>} : memref<40x112xf32, #tpu.memory_space<vmem>>, vector<1x16xf32>,
      %swap3A_80 = vector.shape_cast %swap3A_79 : vector<1x16xf32> to vector<16xf32>
      %swap3A_81 = vector.shape_cast %broadcast_in_dim3A_77 : vector<16xf32> to vector<1x16xf32>
      tpu.vector_store %arg12[%swap3A, %swap3A_78], %swap3A_81 {strides = array<i32>} : memref<40x112xf32, #tpu.memory_space<vmem>>, vector<1x16xf32>,
      %broadcast_in_dim3A_82 = arith.constant 0.000000e+00 : f32
      %broadcast_in_dim3A_83 = vector.broadcast %broadcast_in_dim3A_82 : f32 to vector<16xf32>
      %swap3A_84 = arith.index_cast %scan3A_75 : i32 to index
      %swap3A_85 = arith.constant 16 : index
      %swap3A_86 = tpu.vector_load %arg12[%swap3A_84, %swap3A_85] {strides = array<i32>} : memref<40x112xf32, #tpu.memory_space<vmem>>, vector<1x16xf32>,
      %swap3A_87 = vector.shape_cast %swap3A_86 : vector<1x16xf32> to vector<16xf32>
      %swap3A_88 = vector.shape_cast %broadcast_in_dim3A_83 : vector<16xf32> to vector<1x16xf32>
      tpu.vector_store %arg12[%swap3A_84, %swap3A_85], %swap3A_88 {strides = array<i32>} : memref<40x112xf32, #tpu.memory_space<vmem>>, vector<1x16xf32>,
      %broadcast_in_dim3A_89 = arith.constant 0.000000e+00 : f32
      %broadcast_in_dim3A_90 = vector.broadcast %broadcast_in_dim3A_89 : f32 to vector<16xf32>
      %swap3A_91 = arith.index_cast %scan3A_75 : i32 to index
      %swap3A_92 = arith.constant 32 : index
      %swap3A_93 = tpu.vector_load %arg12[%swap3A_91, %swap3A_92] {strides = array<i32>} : memref<40x112xf32, #tpu.memory_space<vmem>>, vector<1x16xf32>,
      %swap3A_94 = vector.shape_cast %swap3A_93 : vector<1x16xf32> to vector<16xf32>
      %swap3A_95 = vector.shape_cast %broadcast_in_dim3A_90 : vector<16xf32> to vector<1x16xf32>
      tpu.vector_store %arg12[%swap3A_91, %swap3A_92], %swap3A_95 {strides = array<i32>} : memref<40x112xf32, #tpu.memory_space<vmem>>, vector<1x16xf32>,
      %broadcast_in_dim3A_96 = arith.constant 0.000000e+00 : f32
      %broadcast_in_dim3A_97 = vector.broadcast %broadcast_in_dim3A_96 : f32 to vector<16xf32>
      %swap3A_98 = arith.index_cast %scan3A_75 : i32 to index
      %swap3A_99 = arith.constant 48 : index
      %swap3A_100 = tpu.vector_load %arg12[%swap3A_98, %swap3A_99] {strides = array<i32>} : memref<40x112xf32, #tpu.memory_space<vmem>>, vector<1x16xf32>,
      %swap3A_101 = vector.shape_cast %swap3A_100 : vector<1x16xf32> to vector<16xf32>
      %swap3A_102 = vector.shape_cast %broadcast_in_dim3A_97 : vector<16xf32> to vector<1x16xf32>
      tpu.vector_store %arg12[%swap3A_98, %swap3A_99], %swap3A_102 {strides = array<i32>} : memref<40x112xf32, #tpu.memory_space<vmem>>, vector<1x16xf32>,
      %broadcast_in_dim3A_103 = arith.constant 0.000000e+00 : f32
      %broadcast_in_dim3A_104 = vector.broadcast %broadcast_in_dim3A_103 : f32 to vector<16xf32>
      %swap3A_105 = arith.index_cast %scan3A_75 : i32 to index
      %swap3A_106 = arith.constant 64 : index
      %swap3A_107 = tpu.vector_load %arg12[%swap3A_105, %swap3A_106] {strides = array<i32>} : memref<40x112xf32, #tpu.memory_space<vmem>>, vector<1x16xf32>,
      %swap3A_108 = vector.shape_cast %swap3A_107 : vector<1x16xf32> to vector<16xf32>
      %swap3A_109 = vector.shape_cast %broadcast_in_dim3A_104 : vector<16xf32> to vector<1x16xf32>
      tpu.vector_store %arg12[%swap3A_105, %swap3A_106], %swap3A_109 {strides = array<i32>} : memref<40x112xf32, #tpu.memory_space<vmem>>, vector<1x16xf32>,
      %broadcast_in_dim3A_110 = arith.constant 0.000000e+00 : f32
      %broadcast_in_dim3A_111 = vector.broadcast %broadcast_in_dim3A_110 : f32 to vector<16xf32>
      %swap3A_112 = arith.index_cast %scan3A_75 : i32 to index
      %swap3A_113 = arith.constant 80 : index
      %swap3A_114 = tpu.vector_load %arg12[%swap3A_112, %swap3A_113] {strides = array<i32>} : memref<40x112xf32, #tpu.memory_space<vmem>>, vector<1x16xf32>,
      %swap3A_115 = vector.shape_cast %swap3A_114 : vector<1x16xf32> to vector<16xf32>
      %swap3A_116 = vector.shape_cast %broadcast_in_dim3A_111 : vector<16xf32> to vector<1x16xf32>
      tpu.vector_store %arg12[%swap3A_112, %swap3A_113], %swap3A_116 {strides = array<i32>} : memref<40x112xf32, #tpu.memory_space<vmem>>, vector<1x16xf32>,
      %broadcast_in_dim3A_117 = arith.constant 0.000000e+00 : f32
      %broadcast_in_dim3A_118 = vector.broadcast %broadcast_in_dim3A_117 : f32 to vector<16xf32>
      %swap3A_119 = arith.index_cast %scan3A_75 : i32 to index
      %swap3A_120 = arith.constant 96 : index
      %swap3A_121 = tpu.vector_load %arg12[%swap3A_119, %swap3A_120] {strides = array<i32>} : memref<40x112xf32, #tpu.memory_space<vmem>>, vector<1x16xf32>,
      %swap3A_122 = vector.shape_cast %swap3A_121 : vector<1x16xf32> to vector<16xf32>
      %swap3A_123 = vector.shape_cast %broadcast_in_dim3A_118 : vector<16xf32> to vector<1x16xf32>
      tpu.vector_store %arg12[%swap3A_119, %swap3A_120], %swap3A_123 {strides = array<i32>} : memref<40x112xf32, #tpu.memory_space<vmem>>, vector<1x16xf32>,
      %scan3A_124 = arith.constant 0 : i32
      scf.yield %scan3A_124 : i32
    }
    %scan3A_5 = arith.constant 40 : i32
    %scan3A_6 = arith.constant 0 : i32
    %scan3A_7 = arith.constant 0 : i32
    %scan3A_8 = arith.constant 16 : i32
    %scan3A_9 = arith.addi %scan3A_7, %scan3A_8 : i32
    %scan3A_10 = arith.constant 1 : i32
    %scan3A_11 = scf.for %scan3A_75 = %scan3A_7 to %scan3A_9 step %scan3A_10 iter_args(%scan3A_76 = %scan3A_6) -> (i32)  : i32 {
      %mul3A = arith.constant 16 : i32
      %mul3A_77 = arith.muli %scan3A_75, %mul3A : i32
      %add3A = arith.addi %arg1, %mul3A_77 : i32
      %lt3A = arith.constant 250 : i32
      %lt3A_78 = arith.cmpi slt, %add3A, %lt3A : i32
      %convert_element_type3A = arith.extui %lt3A_78 : i1 to i32
      %cond3A = arith.constant 0 : i32
      %cond3A_79 = arith.cmpi ne, %convert_element_type3A, %cond3A : i32
      scf.if %cond3A_79 {
        %mul3A_81 = arith.constant 40 : i32
        %mul3A_82 = arith.muli %add3A, %mul3A_81 : i32
        %dma_start3A_83 = arith.constant 0 : i32
        %dma_start3A_84 = tpu.memref_slice %arg13[%mul3A_82, %dma_start3A_83] : memref<10000x112xf32, #tpu.memory_space<vmem_shared>> -> memref<40x112xf32, #tpu.memory_space<vmem_shared>>
        %dma_start3A_85 = arith.constant 0 : i32
        %dma_start3A_86 = tpu.memref_slice %arg13[%mul3A_82, %dma_start3A_85] : memref<10000x112xf32, #tpu.memory_space<vmem_shared>> -> memref<40x112xf32, #tpu.memory_space<vmem_shared>>
        tpu.enqueue_dma source(%arg12 : memref<40x112xf32, #tpu.memory_space<vmem>>) target(%dma_start3A_86 : memref<40x112xf32, #tpu.memory_space<vmem_shared>>) target_semaphore(%arg18 : memref<!tpu.dma_semaphore, #tpu.memory_space<semaphore_mem>>)
      } else {
      }
      %scan3A_80 = arith.constant 0 : i32
      scf.yield %scan3A_80 : i32
    }
    %scan3A_12 = arith.constant 16 : i32
    "tpu.region"() ({
      %run_scoped3A_75 = tpu.sem_alloc : memref<!tpu.dma_semaphore, #tpu.memory_space<semaphore_mem>>
      %dma_start3A_76 = arith.constant 0 : i32
      %dma_start3A_77 = arith.constant 0 : i32
      %dma_start3A_78 = tpu.memref_slice %arg3[%arg0, %arg1, %dma_start3A_76, %dma_start3A_77] : memref<2x16x125x80xi32, #tpu.memory_space<hbm>> -> memref<1x1x125x80xi32, #tpu.memory_space<hbm>>
      %dma_start3A_79 = tpu.memref_squeeze %dma_start3A_78 : memref<1x1x125x80xi32, #tpu.memory_space<hbm>> -> memref<125x80xi32, #tpu.memory_space<hbm>>
      %dma_start3A_80 = arith.constant 0 : i32
      %dma_start3A_81 = arith.constant 0 : i32
      %dma_start3A_82 = tpu.memref_slice %arg3[%arg0, %arg1, %dma_start3A_80, %dma_start3A_81] : memref<2x16x125x80xi32, #tpu.memory_space<hbm>> -> memref<1x1x125x80xi32, #tpu.memory_space<hbm>>
      %dma_start3A_83 = tpu.memref_squeeze %dma_start3A_82 : memref<1x1x125x80xi32, #tpu.memory_space<hbm>> -> memref<125x80xi32, #tpu.memory_space<hbm>>
      tpu.enqueue_dma source(%dma_start3A_83 : memref<125x80xi32, #tpu.memory_space<hbm>>) target(%arg6 : memref<125x80xi32, #tpu.memory_space<vmem>>) target_semaphore(%run_scoped3A_75 : memref<!tpu.dma_semaphore, #tpu.memory_space<semaphore_mem>>)
      %dma_wait3A_84 = arith.constant 0 : i32
      %dma_wait3A_85 = arith.constant 0 : i32
      %dma_wait3A_86 = tpu.memref_slice %arg3[%arg0, %arg1, %dma_wait3A_84, %dma_wait3A_85] : memref<2x16x125x80xi32, #tpu.memory_space<hbm>> -> memref<1x1x125x80xi32, #tpu.memory_space<hbm>>
      %dma_wait3A_87 = tpu.memref_squeeze %dma_wait3A_86 : memref<1x1x125x80xi32, #tpu.memory_space<hbm>> -> memref<125x80xi32, #tpu.memory_space<hbm>>
      %dma_wait3A_88 = arith.constant 0 : i32
      %dma_wait3A_89 = arith.constant 0 : i32
      %dma_wait3A_90 = tpu.memref_slice %arg3[%arg0, %arg1, %dma_wait3A_88, %dma_wait3A_89] : memref<2x16x125x80xi32, #tpu.memory_space<hbm>> -> memref<1x1x125x80xi32, #tpu.memory_space<hbm>>
      %dma_wait3A_91 = tpu.memref_squeeze %dma_wait3A_90 : memref<1x1x125x80xi32, #tpu.memory_space<hbm>> -> memref<125x80xi32, #tpu.memory_space<hbm>>
      tpu.wait_dma2 semaphore(%run_scoped3A_75 : memref<!tpu.dma_semaphore, #tpu.memory_space<semaphore_mem>>) src(%dma_wait3A_91 : memref<125x80xi32, #tpu.memory_space<hbm>>) dst(%arg6 : memref<125x80xi32, #tpu.memory_space<vmem>>)
      tpu.yield
    }) : () -> ()
    "tpu.region"() ({
      %run_scoped3A_75 = tpu.sem_alloc : memref<!tpu.dma_semaphore, #tpu.memory_space<semaphore_mem>>
      %dma_start3A_76 = arith.constant 0 : i32
      %dma_start3A_77 = arith.constant 0 : i32
      %dma_start3A_78 = tpu.memref_slice %arg4[%arg0, %arg1, %dma_start3A_76, %dma_start3A_77] : memref<2x16x125x80xi32, #tpu.memory_space<hbm>> -> memref<1x1x125x80xi32, #tpu.memory_space<hbm>>
      %dma_start3A_79 = tpu.memref_squeeze %dma_start3A_78 : memref<1x1x125x80xi32, #tpu.memory_space<hbm>> -> memref<125x80xi32, #tpu.memory_space<hbm>>
      %dma_start3A_80 = arith.constant 0 : i32
      %dma_start3A_81 = arith.constant 0 : i32
      %dma_start3A_82 = tpu.memref_slice %arg4[%arg0, %arg1, %dma_start3A_80, %dma_start3A_81] : memref<2x16x125x80xi32, #tpu.memory_space<hbm>> -> memref<1x1x125x80xi32, #tpu.memory_space<hbm>>
      %dma_start3A_83 = tpu.memref_squeeze %dma_start3A_82 : memref<1x1x125x80xi32, #tpu.memory_space<hbm>> -> memref<125x80xi32, #tpu.memory_space<hbm>>
      tpu.enqueue_dma source(%dma_start3A_83 : memref<125x80xi32, #tpu.memory_space<hbm>>) target(%arg7 : memref<125x80xi32, #tpu.memory_space<vmem>>) target_semaphore(%run_scoped3A_75 : memref<!tpu.dma_semaphore, #tpu.memory_space<semaphore_mem>>)
      %dma_wait3A_84 = arith.constant 0 : i32
      %dma_wait3A_85 = arith.constant 0 : i32
      %dma_wait3A_86 = tpu.memref_slice %arg4[%arg0, %arg1, %dma_wait3A_84, %dma_wait3A_85] : memref<2x16x125x80xi32, #tpu.memory_space<hbm>> -> memref<1x1x125x80xi32, #tpu.memory_space<hbm>>
      %dma_wait3A_87 = tpu.memref_squeeze %dma_wait3A_86 : memref<1x1x125x80xi32, #tpu.memory_space<hbm>> -> memref<125x80xi32, #tpu.memory_space<hbm>>
      %dma_wait3A_88 = arith.constant 0 : i32
      %dma_wait3A_89 = arith.constant 0 : i32
      %dma_wait3A_90 = tpu.memref_slice %arg4[%arg0, %arg1, %dma_wait3A_88, %dma_wait3A_89] : memref<2x16x125x80xi32, #tpu.memory_space<hbm>> -> memref<1x1x125x80xi32, #tpu.memory_space<hbm>>
      %dma_wait3A_91 = tpu.memref_squeeze %dma_wait3A_90 : memref<1x1x125x80xi32, #tpu.memory_space<hbm>> -> memref<125x80xi32, #tpu.memory_space<hbm>>
      tpu.wait_dma2 semaphore(%run_scoped3A_75 : memref<!tpu.dma_semaphore, #tpu.memory_space<semaphore_mem>>) src(%dma_wait3A_91 : memref<125x80xi32, #tpu.memory_space<hbm>>) dst(%arg7 : memref<125x80xi32, #tpu.memory_space<vmem>>)
      tpu.yield
    }) : () -> ()
    %scan3A_13 = arith.constant 0 : i32
    %scan3A_14 = arith.constant 0 : i32
    %scan3A_15 = arith.constant 16 : i32
    %scan3A_16 = arith.addi %scan3A_14, %scan3A_15 : i32
    %scan3A_17 = arith.constant 1 : i32
    %scan3A_18 = scf.for %scan3A_75 = %scan3A_14 to %scan3A_16 step %scan3A_17 iter_args(%scan3A_76 = %scan3A_13) -> (i32)  : i32 {
      %mul3A = arith.constant 16 : i32
      %mul3A_77 = arith.muli %scan3A_75, %mul3A : i32
      %add3A = arith.addi %arg1, %mul3A_77 : i32
      %lt3A = arith.constant 250 : i32
      %lt3A_78 = arith.cmpi slt, %add3A, %lt3A : i32
      %convert_element_type3A = arith.extui %lt3A_78 : i1 to i32
      %cond3A = arith.constant 0 : i32
      %cond3A_79 = arith.cmpi ne, %convert_element_type3A, %cond3A : i32
      scf.if %cond3A_79 {
        %mul3A_81 = arith.constant 40 : i32
        %mul3A_82 = arith.muli %add3A, %mul3A_81 : i32
        %dma_wait3A_83 = arith.constant 0 : i32
        %dma_wait3A_84 = tpu.memref_slice %arg13[%mul3A_82, %dma_wait3A_83] : memref<10000x112xf32, #tpu.memory_space<vmem_shared>> -> memref<40x112xf32, #tpu.memory_space<vmem_shared>>
        %dma_wait3A_85 = arith.constant 0 : i32
        %dma_wait3A_86 = tpu.memref_slice %arg13[%mul3A_82, %dma_wait3A_85] : memref<10000x112xf32, #tpu.memory_space<vmem_shared>> -> memref<40x112xf32, #tpu.memory_space<vmem_shared>>
        tpu.wait_dma2 semaphore(%arg18 : memref<!tpu.dma_semaphore, #tpu.memory_space<semaphore_mem>>) src(%arg12 : memref<40x112xf32, #tpu.memory_space<vmem>>) dst(%dma_wait3A_86 : memref<40x112xf32, #tpu.memory_space<vmem_shared>>)
      } else {
      }
      %scan3A_80 = arith.constant 0 : i32
      scf.yield %scan3A_80 : i32
    }
    %scan3A_19 = arith.constant 16 : i32
    %barrier3A = arith.constant 0 : index
    tpu.barrier barrier_id(%barrier3A)
    %dma_start3A = arith.constant 0 : i32
    %dma_start3A_20 = arith.constant 0 : i32
    %dma_start3A_21 = tpu.memref_slice %arg6[%dma_start3A, %dma_start3A_20] : memref<125x80xi32, #tpu.memory_space<vmem>> -> memref<1x80xi32, #tpu.memory_space<vmem>>
    %dma_start3A_22 = tpu.memref_squeeze %dma_start3A_21 : memref<1x80xi32, #tpu.memory_space<vmem>> -> memref<80xi32, #tpu.memory_space<vmem>>
    %dma_start3A_23 = arith.constant 0 : i32
    %dma_start3A_24 = arith.constant 0 : i32
    %dma_start3A_25 = tpu.memref_slice %arg2[%dma_start3A_23, %dma_start3A_24] : memref<10000x112xf32, #tpu.memory_space<hbm>> -> memref<10000x112xf32, #tpu.memory_space<hbm>>
    tpu.enqueue_indirect_dma source(%dma_start3A_25 : memref<10000x112xf32, #tpu.memory_space<hbm>>) target(%arg8 : memref<80x112xf32, #tpu.memory_space<vmem>>) offsets(%dma_start3A_22 : memref<80xi32, #tpu.memory_space<vmem>>) semaphore(%arg14 : memref<!tpu.dma_semaphore, #tpu.memory_space<semaphore_mem>>)
    %dma_start3A_26 = arith.constant 1 : i32
    %dma_start3A_27 = arith.constant 0 : i32
    %dma_start3A_28 = tpu.memref_slice %arg6[%dma_start3A_26, %dma_start3A_27] : memref<125x80xi32, #tpu.memory_space<vmem>> -> memref<1x80xi32, #tpu.memory_space<vmem>>
    %dma_start3A_29 = tpu.memref_squeeze %dma_start3A_28 : memref<1x80xi32, #tpu.memory_space<vmem>> -> memref<80xi32, #tpu.memory_space<vmem>>
    %dma_start3A_30 = arith.constant 0 : i32
    %dma_start3A_31 = arith.constant 0 : i32
    %dma_start3A_32 = tpu.memref_slice %arg2[%dma_start3A_30, %dma_start3A_31] : memref<10000x112xf32, #tpu.memory_space<hbm>> -> memref<10000x112xf32, #tpu.memory_space<hbm>>
    tpu.enqueue_indirect_dma source(%dma_start3A_32 : memref<10000x112xf32, #tpu.memory_space<hbm>>) target(%arg9 : memref<80x112xf32, #tpu.memory_space<vmem>>) offsets(%dma_start3A_29 : memref<80xi32, #tpu.memory_space<vmem>>) semaphore(%arg15 : memref<!tpu.dma_semaphore, #tpu.memory_space<semaphore_mem>>)
    %dma_start3A_33 = arith.constant 2 : i32
    %dma_start3A_34 = arith.constant 0 : i32
    %dma_start3A_35 = tpu.memref_slice %arg6[%dma_start3A_33, %dma_start3A_34] : memref<125x80xi32, #tpu.memory_space<vmem>> -> memref<1x80xi32, #tpu.memory_space<vmem>>
    %dma_start3A_36 = tpu.memref_squeeze %dma_start3A_35 : memref<1x80xi32, #tpu.memory_space<vmem>> -> memref<80xi32, #tpu.memory_space<vmem>>
    %dma_start3A_37 = arith.constant 0 : i32
    %dma_start3A_38 = arith.constant 0 : i32
    %dma_start3A_39 = tpu.memref_slice %arg2[%dma_start3A_37, %dma_start3A_38] : memref<10000x112xf32, #tpu.memory_space<hbm>> -> memref<10000x112xf32, #tpu.memory_space<hbm>>
    tpu.enqueue_indirect_dma source(%dma_start3A_39 : memref<10000x112xf32, #tpu.memory_space<hbm>>) target(%arg10 : memref<80x112xf32, #tpu.memory_space<vmem>>) offsets(%dma_start3A_36 : memref<80xi32, #tpu.memory_space<vmem>>) semaphore(%arg16 : memref<!tpu.dma_semaphore, #tpu.memory_space<semaphore_mem>>)
    %dma_start3A_40 = arith.constant 3 : i32
    %dma_start3A_41 = arith.constant 0 : i32
    %dma_start3A_42 = tpu.memref_slice %arg6[%dma_start3A_40, %dma_start3A_41] : memref<125x80xi32, #tpu.memory_space<vmem>> -> memref<1x80xi32, #tpu.memory_space<vmem>>
    %dma_start3A_43 = tpu.memref_squeeze %dma_start3A_42 : memref<1x80xi32, #tpu.memory_space<vmem>> -> memref<80xi32, #tpu.memory_space<vmem>>
    %dma_start3A_44 = arith.constant 0 : i32
    %dma_start3A_45 = arith.constant 0 : i32
    %dma_start3A_46 = tpu.memref_slice %arg2[%dma_start3A_44, %dma_start3A_45] : memref<10000x112xf32, #tpu.memory_space<hbm>> -> memref<10000x112xf32, #tpu.memory_space<hbm>>
    tpu.enqueue_indirect_dma source(%dma_start3A_46 : memref<10000x112xf32, #tpu.memory_space<hbm>>) target(%arg11 : memref<80x112xf32, #tpu.memory_space<vmem>>) offsets(%dma_start3A_43 : memref<80xi32, #tpu.memory_space<vmem>>) semaphore(%arg17 : memref<!tpu.dma_semaphore, #tpu.memory_space<semaphore_mem>>)
    %scan3A_47 = arith.constant 0 : i32
    %scan3A_48 = arith.constant 0 : i32
    %scan3A_49 = arith.constant 31 : i32
    %scan3A_50 = arith.addi %scan3A_48, %scan3A_49 : i32
    %scan3A_51 = arith.constant 1 : i32
    %scan3A_52 = scf.for %scan3A_75 = %scan3A_48 to %scan3A_50 step %scan3A_51 iter_args(%scan3A_76 = %scan3A_47) -> (i32)  : i32 {
      %mul3A = arith.constant 4 : i32
      %mul3A_77 = arith.muli %scan3A_75, %mul3A : i32
      %add3A = arith.constant 0 : i32
      %add3A_78 = arith.addi %mul3A_77, %add3A : i32
      %dma_wait3A_79 = arith.constant 0 : i32
      %dma_wait3A_80 = tpu.memref_slice %arg6[%add3A_78, %dma_wait3A_79] : memref<125x80xi32, #tpu.memory_space<vmem>> -> memref<1x80xi32, #tpu.memory_space<vmem>>
      %dma_wait3A_81 = tpu.memref_squeeze %dma_wait3A_80 : memref<1x80xi32, #tpu.memory_space<vmem>> -> memref<80xi32, #tpu.memory_space<vmem>>
      %dma_wait3A_82 = arith.constant 0 : i32
      %dma_wait3A_83 = arith.constant 0 : i32
      %dma_wait3A_84 = tpu.memref_slice %arg2[%dma_wait3A_82, %dma_wait3A_83] : memref<10000x112xf32, #tpu.memory_space<hbm>> -> memref<10000x112xf32, #tpu.memory_space<hbm>>
      tpu.wait_indirect_dma semaphore(%arg14 : memref<!tpu.dma_semaphore, #tpu.memory_space<semaphore_mem>>) src(%dma_wait3A_84 : memref<10000x112xf32, #tpu.memory_space<hbm>>) dst(%arg8 : memref<80x112xf32, #tpu.memory_space<vmem>>)
      "tpu.region"() ({
        %run_scoped3A_141 = tpu.sem_alloc : memref<!tpu.dma_semaphore, #tpu.memory_space<semaphore_mem>>
        %dma_start3A_142 = arith.constant 0 : i32
        %dma_start3A_143 = tpu.memref_slice %arg7[%add3A_78, %dma_start3A_142] : memref<125x80xi32, #tpu.memory_space<vmem>> -> memref<1x80xi32, #tpu.memory_space<vmem>>
        %dma_start3A_144 = tpu.memref_squeeze %dma_start3A_143 : memref<1x80xi32, #tpu.memory_space<vmem>> -> memref<80xi32, #tpu.memory_space<vmem>>
        %dma_start3A_145 = arith.constant 0 : i32
        %dma_start3A_146 = arith.constant 0 : i32
        %dma_start3A_147 = tpu.memref_slice %arg13[%dma_start3A_145, %dma_start3A_146] : memref<10000x112xf32, #tpu.memory_space<vmem_shared>> -> memref<10000x112xf32, #tpu.memory_space<vmem_shared>>
        tpu.enqueue_indirect_dma source(%arg8 : memref<80x112xf32, #tpu.memory_space<vmem>>) target(%dma_start3A_147 : memref<10000x112xf32, #tpu.memory_space<vmem_shared>>) offsets(%dma_start3A_144 : memref<80xi32, #tpu.memory_space<vmem>>) semaphore(%run_scoped3A_141 : memref<!tpu.dma_semaphore, #tpu.memory_space<semaphore_mem>>) {add = true}
        %dma_wait3A_148 = arith.constant 0 : i32
        %dma_wait3A_149 = tpu.memref_slice %arg7[%add3A_78, %dma_wait3A_148] : memref<125x80xi32, #tpu.memory_space<vmem>> -> memref<1x80xi32, #tpu.memory_space<vmem>>
        %dma_wait3A_150 = tpu.memref_squeeze %dma_wait3A_149 : memref<1x80xi32, #tpu.memory_space<vmem>> -> memref<80xi32, #tpu.memory_space<vmem>>
        %dma_wait3A_151 = arith.constant 0 : i32
        %dma_wait3A_152 = arith.constant 0 : i32
        %dma_wait3A_153 = tpu.memref_slice %arg13[%dma_wait3A_151, %dma_wait3A_152] : memref<10000x112xf32, #tpu.memory_space<vmem_shared>> -> memref<10000x112xf32, #tpu.memory_space<vmem_shared>>
        tpu.wait_indirect_dma semaphore(%run_scoped3A_141 : memref<!tpu.dma_semaphore, #tpu.memory_space<semaphore_mem>>) src(%arg8 : memref<80x112xf32, #tpu.memory_space<vmem>>) dst(%dma_wait3A_153 : memref<10000x112xf32, #tpu.memory_space<vmem_shared>>)
        tpu.yield
      }) : () -> ()
      %add3A_85 = arith.constant 4 : i32
      %add3A_86 = arith.addi %add3A_78, %add3A_85 : i32
      %lt3A = arith.constant 125 : i32
      %lt3A_87 = arith.cmpi slt, %add3A_86, %lt3A : i32
      %convert_element_type3A = arith.extui %lt3A_87 : i1 to i32
      %cond3A = arith.constant 0 : i32
      %cond3A_88 = arith.cmpi ne, %convert_element_type3A, %cond3A : i32
      scf.if %cond3A_88 {
        %dma_start3A_141 = arith.constant 0 : i32
        %dma_start3A_142 = tpu.memref_slice %arg6[%add3A_86, %dma_start3A_141] : memref<125x80xi32, #tpu.memory_space<vmem>> -> memref<1x80xi32, #tpu.memory_space<vmem>>
        %dma_start3A_143 = tpu.memref_squeeze %dma_start3A_142 : memref<1x80xi32, #tpu.memory_space<vmem>> -> memref<80xi32, #tpu.memory_space<vmem>>
        %dma_start3A_144 = arith.constant 0 : i32
        %dma_start3A_145 = arith.constant 0 : i32
        %dma_start3A_146 = tpu.memref_slice %arg2[%dma_start3A_144, %dma_start3A_145] : memref<10000x112xf32, #tpu.memory_space<hbm>> -> memref<10000x112xf32, #tpu.memory_space<hbm>>
        tpu.enqueue_indirect_dma source(%dma_start3A_146 : memref<10000x112xf32, #tpu.memory_space<hbm>>) target(%arg8 : memref<80x112xf32, #tpu.memory_space<vmem>>) offsets(%dma_start3A_143 : memref<80xi32, #tpu.memory_space<vmem>>) semaphore(%arg14 : memref<!tpu.dma_semaphore, #tpu.memory_space<semaphore_mem>>)
      } else {
      }
      %mul3A_89 = arith.constant 4 : i32
      %mul3A_90 = arith.muli %scan3A_75, %mul3A_89 : i32
      %add3A_91 = arith.constant 1 : i32
      %add3A_92 = arith.addi %mul3A_90, %add3A_91 : i32
      %dma_wait3A_93 = arith.constant 0 : i32
      %dma_wait3A_94 = tpu.memref_slice %arg6[%add3A_92, %dma_wait3A_93] : memref<125x80xi32, #tpu.memory_space<vmem>> -> memref<1x80xi32, #tpu.memory_space<vmem>>
      %dma_wait3A_95 = tpu.memref_squeeze %dma_wait3A_94 : memref<1x80xi32, #tpu.memory_space<vmem>> -> memref<80xi32, #tpu.memory_space<vmem>>
      %dma_wait3A_96 = arith.constant 0 : i32
      %dma_wait3A_97 = arith.constant 0 : i32
      %dma_wait3A_98 = tpu.memref_slice %arg2[%dma_wait3A_96, %dma_wait3A_97] : memref<10000x112xf32, #tpu.memory_space<hbm>> -> memref<10000x112xf32, #tpu.memory_space<hbm>>
      tpu.wait_indirect_dma semaphore(%arg15 : memref<!tpu.dma_semaphore, #tpu.memory_space<semaphore_mem>>) src(%dma_wait3A_98 : memref<10000x112xf32, #tpu.memory_space<hbm>>) dst(%arg9 : memref<80x112xf32, #tpu.memory_space<vmem>>)
      "tpu.region"() ({
        %run_scoped3A_141 = tpu.sem_alloc : memref<!tpu.dma_semaphore, #tpu.memory_space<semaphore_mem>>
        %dma_start3A_142 = arith.constant 0 : i32
        %dma_start3A_143 = tpu.memref_slice %arg7[%add3A_92, %dma_start3A_142] : memref<125x80xi32, #tpu.memory_space<vmem>> -> memref<1x80xi32, #tpu.memory_space<vmem>>
        %dma_start3A_144 = tpu.memref_squeeze %dma_start3A_143 : memref<1x80xi32, #tpu.memory_space<vmem>> -> memref<80xi32, #tpu.memory_space<vmem>>
        %dma_start3A_145 = arith.constant 0 : i32
        %dma_start3A_146 = arith.constant 0 : i32
        %dma_start3A_147 = tpu.memref_slice %arg13[%dma_start3A_145, %dma_start3A_146] : memref<10000x112xf32, #tpu.memory_space<vmem_shared>> -> memref<10000x112xf32, #tpu.memory_space<vmem_shared>>
        tpu.enqueue_indirect_dma source(%arg9 : memref<80x112xf32, #tpu.memory_space<vmem>>) target(%dma_start3A_147 : memref<10000x112xf32, #tpu.memory_space<vmem_shared>>) offsets(%dma_start3A_144 : memref<80xi32, #tpu.memory_space<vmem>>) semaphore(%run_scoped3A_141 : memref<!tpu.dma_semaphore, #tpu.memory_space<semaphore_mem>>) {add = true}
        %dma_wait3A_148 = arith.constant 0 : i32
        %dma_wait3A_149 = tpu.memref_slice %arg7[%add3A_92, %dma_wait3A_148] : memref<125x80xi32, #tpu.memory_space<vmem>> -> memref<1x80xi32, #tpu.memory_space<vmem>>
        %dma_wait3A_150 = tpu.memref_squeeze %dma_wait3A_149 : memref<1x80xi32, #tpu.memory_space<vmem>> -> memref<80xi32, #tpu.memory_space<vmem>>
        %dma_wait3A_151 = arith.constant 0 : i32
        %dma_wait3A_152 = arith.constant 0 : i32
        %dma_wait3A_153 = tpu.memref_slice %arg13[%dma_wait3A_151, %dma_wait3A_152] : memref<10000x112xf32, #tpu.memory_space<vmem_shared>> -> memref<10000x112xf32, #tpu.memory_space<vmem_shared>>
        tpu.wait_indirect_dma semaphore(%run_scoped3A_141 : memref<!tpu.dma_semaphore, #tpu.memory_space<semaphore_mem>>) src(%arg9 : memref<80x112xf32, #tpu.memory_space<vmem>>) dst(%dma_wait3A_153 : memref<10000x112xf32, #tpu.memory_space<vmem_shared>>)
        tpu.yield
      }) : () -> ()
      %add3A_99 = arith.constant 4 : i32
      %add3A_100 = arith.addi %add3A_92, %add3A_99 : i32
      %lt3A_101 = arith.constant 125 : i32
      %lt3A_102 = arith.cmpi slt, %add3A_100, %lt3A_101 : i32
      %convert_element_type3A_103 = arith.extui %lt3A_102 : i1 to i32
      %cond3A_104 = arith.constant 0 : i32
      %cond3A_105 = arith.cmpi ne, %convert_element_type3A_103, %cond3A_104 : i32
      scf.if %cond3A_105 {
        %dma_start3A_141 = arith.constant 0 : i32
        %dma_start3A_142 = tpu.memref_slice %arg6[%add3A_100, %dma_start3A_141] : memref<125x80xi32, #tpu.memory_space<vmem>> -> memref<1x80xi32, #tpu.memory_space<vmem>>
        %dma_start3A_143 = tpu.memref_squeeze %dma_start3A_142 : memref<1x80xi32, #tpu.memory_space<vmem>> -> memref<80xi32, #tpu.memory_space<vmem>>
        %dma_start3A_144 = arith.constant 0 : i32
        %dma_start3A_145 = arith.constant 0 : i32
        %dma_start3A_146 = tpu.memref_slice %arg2[%dma_start3A_144, %dma_start3A_145] : memref<10000x112xf32, #tpu.memory_space<hbm>> -> memref<10000x112xf32, #tpu.memory_space<hbm>>
        tpu.enqueue_indirect_dma source(%dma_start3A_146 : memref<10000x112xf32, #tpu.memory_space<hbm>>) target(%arg9 : memref<80x112xf32, #tpu.memory_space<vmem>>) offsets(%dma_start3A_143 : memref<80xi32, #tpu.memory_space<vmem>>) semaphore(%arg15 : memref<!tpu.dma_semaphore, #tpu.memory_space<semaphore_mem>>)
      } else {
      }
      %mul3A_106 = arith.constant 4 : i32
      %mul3A_107 = arith.muli %scan3A_75, %mul3A_106 : i32
      %add3A_108 = arith.constant 2 : i32
      %add3A_109 = arith.addi %mul3A_107, %add3A_108 : i32
      %dma_wait3A_110 = arith.constant 0 : i32
      %dma_wait3A_111 = tpu.memref_slice %arg6[%add3A_109, %dma_wait3A_110] : memref<125x80xi32, #tpu.memory_space<vmem>> -> memref<1x80xi32, #tpu.memory_space<vmem>>
      %dma_wait3A_112 = tpu.memref_squeeze %dma_wait3A_111 : memref<1x80xi32, #tpu.memory_space<vmem>> -> memref<80xi32, #tpu.memory_space<vmem>>
      %dma_wait3A_113 = arith.constant 0 : i32
      %dma_wait3A_114 = arith.constant 0 : i32
      %dma_wait3A_115 = tpu.memref_slice %arg2[%dma_wait3A_113, %dma_wait3A_114] : memref<10000x112xf32, #tpu.memory_space<hbm>> -> memref<10000x112xf32, #tpu.memory_space<hbm>>
      tpu.wait_indirect_dma semaphore(%arg16 : memref<!tpu.dma_semaphore, #tpu.memory_space<semaphore_mem>>) src(%dma_wait3A_115 : memref<10000x112xf32, #tpu.memory_space<hbm>>) dst(%arg10 : memref<80x112xf32, #tpu.memory_space<vmem>>)
      "tpu.region"() ({
        %run_scoped3A_141 = tpu.sem_alloc : memref<!tpu.dma_semaphore, #tpu.memory_space<semaphore_mem>>
        %dma_start3A_142 = arith.constant 0 : i32
        %dma_start3A_143 = tpu.memref_slice %arg7[%add3A_109, %dma_start3A_142] : memref<125x80xi32, #tpu.memory_space<vmem>> -> memref<1x80xi32, #tpu.memory_space<vmem>>
        %dma_start3A_144 = tpu.memref_squeeze %dma_start3A_143 : memref<1x80xi32, #tpu.memory_space<vmem>> -> memref<80xi32, #tpu.memory_space<vmem>>
        %dma_start3A_145 = arith.constant 0 : i32
        %dma_start3A_146 = arith.constant 0 : i32
        %dma_start3A_147 = tpu.memref_slice %arg13[%dma_start3A_145, %dma_start3A_146] : memref<10000x112xf32, #tpu.memory_space<vmem_shared>> -> memref<10000x112xf32, #tpu.memory_space<vmem_shared>>
        tpu.enqueue_indirect_dma source(%arg10 : memref<80x112xf32, #tpu.memory_space<vmem>>) target(%dma_start3A_147 : memref<10000x112xf32, #tpu.memory_space<vmem_shared>>) offsets(%dma_start3A_144 : memref<80xi32, #tpu.memory_space<vmem>>) semaphore(%run_scoped3A_141 : memref<!tpu.dma_semaphore, #tpu.memory_space<semaphore_mem>>) {add = true}
        %dma_wait3A_148 = arith.constant 0 : i32
        %dma_wait3A_149 = tpu.memref_slice %arg7[%add3A_109, %dma_wait3A_148] : memref<125x80xi32, #tpu.memory_space<vmem>> -> memref<1x80xi32, #tpu.memory_space<vmem>>
        %dma_wait3A_150 = tpu.memref_squeeze %dma_wait3A_149 : memref<1x80xi32, #tpu.memory_space<vmem>> -> memref<80xi32, #tpu.memory_space<vmem>>
        %dma_wait3A_151 = arith.constant 0 : i32
        %dma_wait3A_152 = arith.constant 0 : i32
        %dma_wait3A_153 = tpu.memref_slice %arg13[%dma_wait3A_151, %dma_wait3A_152] : memref<10000x112xf32, #tpu.memory_space<vmem_shared>> -> memref<10000x112xf32, #tpu.memory_space<vmem_shared>>
        tpu.wait_indirect_dma semaphore(%run_scoped3A_141 : memref<!tpu.dma_semaphore, #tpu.memory_space<semaphore_mem>>) src(%arg10 : memref<80x112xf32, #tpu.memory_space<vmem>>) dst(%dma_wait3A_153 : memref<10000x112xf32, #tpu.memory_space<vmem_shared>>)
        tpu.yield
      }) : () -> ()
      %add3A_116 = arith.constant 4 : i32
      %add3A_117 = arith.addi %add3A_109, %add3A_116 : i32
      %lt3A_118 = arith.constant 125 : i32
      %lt3A_119 = arith.cmpi slt, %add3A_117, %lt3A_118 : i32
      %convert_element_type3A_120 = arith.extui %lt3A_119 : i1 to i32
      %cond3A_121 = arith.constant 0 : i32
      %cond3A_122 = arith.cmpi ne, %convert_element_type3A_120, %cond3A_121 : i32
      scf.if %cond3A_122 {
        %dma_start3A_141 = arith.constant 0 : i32
        %dma_start3A_142 = tpu.memref_slice %arg6[%add3A_117, %dma_start3A_141] : memref<125x80xi32, #tpu.memory_space<vmem>> -> memref<1x80xi32, #tpu.memory_space<vmem>>
        %dma_start3A_143 = tpu.memref_squeeze %dma_start3A_142 : memref<1x80xi32, #tpu.memory_space<vmem>> -> memref<80xi32, #tpu.memory_space<vmem>>
        %dma_start3A_144 = arith.constant 0 : i32
        %dma_start3A_145 = arith.constant 0 : i32
        %dma_start3A_146 = tpu.memref_slice %arg2[%dma_start3A_144, %dma_start3A_145] : memref<10000x112xf32, #tpu.memory_space<hbm>> -> memref<10000x112xf32, #tpu.memory_space<hbm>>
        tpu.enqueue_indirect_dma source(%dma_start3A_146 : memref<10000x112xf32, #tpu.memory_space<hbm>>) target(%arg10 : memref<80x112xf32, #tpu.memory_space<vmem>>) offsets(%dma_start3A_143 : memref<80xi32, #tpu.memory_space<vmem>>) semaphore(%arg16 : memref<!tpu.dma_semaphore, #tpu.memory_space<semaphore_mem>>)
      } else {
      }
      %mul3A_123 = arith.constant 4 : i32
      %mul3A_124 = arith.muli %scan3A_75, %mul3A_123 : i32
      %add3A_125 = arith.constant 3 : i32
      %add3A_126 = arith.addi %mul3A_124, %add3A_125 : i32
      %dma_wait3A_127 = arith.constant 0 : i32
      %dma_wait3A_128 = tpu.memref_slice %arg6[%add3A_126, %dma_wait3A_127] : memref<125x80xi32, #tpu.memory_space<vmem>> -> memref<1x80xi32, #tpu.memory_space<vmem>>
      %dma_wait3A_129 = tpu.memref_squeeze %dma_wait3A_128 : memref<1x80xi32, #tpu.memory_space<vmem>> -> memref<80xi32, #tpu.memory_space<vmem>>
      %dma_wait3A_130 = arith.constant 0 : i32
      %dma_wait3A_131 = arith.constant 0 : i32
      %dma_wait3A_132 = tpu.memref_slice %arg2[%dma_wait3A_130, %dma_wait3A_131] : memref<10000x112xf32, #tpu.memory_space<hbm>> -> memref<10000x112xf32, #tpu.memory_space<hbm>>
      tpu.wait_indirect_dma semaphore(%arg17 : memref<!tpu.dma_semaphore, #tpu.memory_space<semaphore_mem>>) src(%dma_wait3A_132 : memref<10000x112xf32, #tpu.memory_space<hbm>>) dst(%arg11 : memref<80x112xf32, #tpu.memory_space<vmem>>)
      "tpu.region"() ({
        %run_scoped3A_141 = tpu.sem_alloc : memref<!tpu.dma_semaphore, #tpu.memory_space<semaphore_mem>>
        %dma_start3A_142 = arith.constant 0 : i32
        %dma_start3A_143 = tpu.memref_slice %arg7[%add3A_126, %dma_start3A_142] : memref<125x80xi32, #tpu.memory_space<vmem>> -> memref<1x80xi32, #tpu.memory_space<vmem>>
        %dma_start3A_144 = tpu.memref_squeeze %dma_start3A_143 : memref<1x80xi32, #tpu.memory_space<vmem>> -> memref<80xi32, #tpu.memory_space<vmem>>
        %dma_start3A_145 = arith.constant 0 : i32
        %dma_start3A_146 = arith.constant 0 : i32
        %dma_start3A_147 = tpu.memref_slice %arg13[%dma_start3A_145, %dma_start3A_146] : memref<10000x112xf32, #tpu.memory_space<vmem_shared>> -> memref<10000x112xf32, #tpu.memory_space<vmem_shared>>
        tpu.enqueue_indirect_dma source(%arg11 : memref<80x112xf32, #tpu.memory_space<vmem>>) target(%dma_start3A_147 : memref<10000x112xf32, #tpu.memory_space<vmem_shared>>) offsets(%dma_start3A_144 : memref<80xi32, #tpu.memory_space<vmem>>) semaphore(%run_scoped3A_141 : memref<!tpu.dma_semaphore, #tpu.memory_space<semaphore_mem>>) {add = true}
        %dma_wait3A_148 = arith.constant 0 : i32
        %dma_wait3A_149 = tpu.memref_slice %arg7[%add3A_126, %dma_wait3A_148] : memref<125x80xi32, #tpu.memory_space<vmem>> -> memref<1x80xi32, #tpu.memory_space<vmem>>
        %dma_wait3A_150 = tpu.memref_squeeze %dma_wait3A_149 : memref<1x80xi32, #tpu.memory_space<vmem>> -> memref<80xi32, #tpu.memory_space<vmem>>
        %dma_wait3A_151 = arith.constant 0 : i32
        %dma_wait3A_152 = arith.constant 0 : i32
        %dma_wait3A_153 = tpu.memref_slice %arg13[%dma_wait3A_151, %dma_wait3A_152] : memref<10000x112xf32, #tpu.memory_space<vmem_shared>> -> memref<10000x112xf32, #tpu.memory_space<vmem_shared>>
        tpu.wait_indirect_dma semaphore(%run_scoped3A_141 : memref<!tpu.dma_semaphore, #tpu.memory_space<semaphore_mem>>) src(%arg11 : memref<80x112xf32, #tpu.memory_space<vmem>>) dst(%dma_wait3A_153 : memref<10000x112xf32, #tpu.memory_space<vmem_shared>>)
        tpu.yield
      }) : () -> ()
      %add3A_133 = arith.constant 4 : i32
      %add3A_134 = arith.addi %add3A_126, %add3A_133 : i32
      %lt3A_135 = arith.constant 125 : i32
      %lt3A_136 = arith.cmpi slt, %add3A_134, %lt3A_135 : i32
      %convert_element_type3A_137 = arith.extui %lt3A_136 : i1 to i32
      %cond3A_138 = arith.constant 0 : i32
      %cond3A_139 = arith.cmpi ne, %convert_element_type3A_137, %cond3A_138 : i32
      scf.if %cond3A_139 {
        %dma_start3A_141 = arith.constant 0 : i32
        %dma_start3A_142 = tpu.memref_slice %arg6[%add3A_134, %dma_start3A_141] : memref<125x80xi32, #tpu.memory_space<vmem>> -> memref<1x80xi32, #tpu.memory_space<vmem>>
        %dma_start3A_143 = tpu.memref_squeeze %dma_start3A_142 : memref<1x80xi32, #tpu.memory_space<vmem>> -> memref<80xi32, #tpu.memory_space<vmem>>
        %dma_start3A_144 = arith.constant 0 : i32
        %dma_start3A_145 = arith.constant 0 : i32
        %dma_start3A_146 = tpu.memref_slice %arg2[%dma_start3A_144, %dma_start3A_145] : memref<10000x112xf32, #tpu.memory_space<hbm>> -> memref<10000x112xf32, #tpu.memory_space<hbm>>
        tpu.enqueue_indirect_dma source(%dma_start3A_146 : memref<10000x112xf32, #tpu.memory_space<hbm>>) target(%arg11 : memref<80x112xf32, #tpu.memory_space<vmem>>) offsets(%dma_start3A_143 : memref<80xi32, #tpu.memory_space<vmem>>) semaphore(%arg17 : memref<!tpu.dma_semaphore, #tpu.memory_space<semaphore_mem>>)
      } else {
      }
      %scan3A_140 = arith.constant 0 : i32
      scf.yield %scan3A_140 : i32
    }
    %scan3A_53 = arith.constant 31 : i32
    %dma_wait3A = arith.constant 124 : i32
    %dma_wait3A_54 = arith.constant 0 : i32
    %dma_wait3A_55 = tpu.memref_slice %arg6[%dma_wait3A, %dma_wait3A_54] : memref<125x80xi32, #tpu.memory_space<vmem>> -> memref<1x80xi32, #tpu.memory_space<vmem>>
    %dma_wait3A_56 = tpu.memref_squeeze %dma_wait3A_55 : memref<1x80xi32, #tpu.memory_space<vmem>> -> memref<80xi32, #tpu.memory_space<vmem>>
    %dma_wait3A_57 = arith.constant 0 : i32
    %dma_wait3A_58 = arith.constant 0 : i32
    %dma_wait3A_59 = tpu.memref_slice %arg2[%dma_wait3A_57, %dma_wait3A_58] : memref<10000x112xf32, #tpu.memory_space<hbm>> -> memref<10000x112xf32, #tpu.memory_space<hbm>>
    tpu.wait_indirect_dma semaphore(%arg14 : memref<!tpu.dma_semaphore, #tpu.memory_space<semaphore_mem>>) src(%dma_wait3A_59 : memref<10000x112xf32, #tpu.memory_space<hbm>>) dst(%arg8 : memref<80x112xf32, #tpu.memory_space<vmem>>)
    %run_scoped3A = arith.constant 124 : i32
    "tpu.region"() ({
      %run_scoped3A_75 = tpu.sem_alloc : memref<!tpu.dma_semaphore, #tpu.memory_space<semaphore_mem>>
      %dma_start3A_76 = arith.constant 0 : i32
      %dma_start3A_77 = tpu.memref_slice %arg7[%run_scoped3A, %dma_start3A_76] : memref<125x80xi32, #tpu.memory_space<vmem>> -> memref<1x80xi32, #tpu.memory_space<vmem>>
      %dma_start3A_78 = tpu.memref_squeeze %dma_start3A_77 : memref<1x80xi32, #tpu.memory_space<vmem>> -> memref<80xi32, #tpu.memory_space<vmem>>
      %dma_start3A_79 = arith.constant 0 : i32
      %dma_start3A_80 = arith.constant 0 : i32
      %dma_start3A_81 = tpu.memref_slice %arg13[%dma_start3A_79, %dma_start3A_80] : memref<10000x112xf32, #tpu.memory_space<vmem_shared>> -> memref<10000x112xf32, #tpu.memory_space<vmem_shared>>
      tpu.enqueue_indirect_dma source(%arg8 : memref<80x112xf32, #tpu.memory_space<vmem>>) target(%dma_start3A_81 : memref<10000x112xf32, #tpu.memory_space<vmem_shared>>) offsets(%dma_start3A_78 : memref<80xi32, #tpu.memory_space<vmem>>) semaphore(%run_scoped3A_75 : memref<!tpu.dma_semaphore, #tpu.memory_space<semaphore_mem>>) {add = true}
      %dma_wait3A_82 = arith.constant 0 : i32
      %dma_wait3A_83 = tpu.memref_slice %arg7[%run_scoped3A, %dma_wait3A_82] : memref<125x80xi32, #tpu.memory_space<vmem>> -> memref<1x80xi32, #tpu.memory_space<vmem>>
      %dma_wait3A_84 = tpu.memref_squeeze %dma_wait3A_83 : memref<1x80xi32, #tpu.memory_space<vmem>> -> memref<80xi32, #tpu.memory_space<vmem>>
      %dma_wait3A_85 = arith.constant 0 : i32
      %dma_wait3A_86 = arith.constant 0 : i32
      %dma_wait3A_87 = tpu.memref_slice %arg13[%dma_wait3A_85, %dma_wait3A_86] : memref<10000x112xf32, #tpu.memory_space<vmem_shared>> -> memref<10000x112xf32, #tpu.memory_space<vmem_shared>>
      tpu.wait_indirect_dma semaphore(%run_scoped3A_75 : memref<!tpu.dma_semaphore, #tpu.memory_space<semaphore_mem>>) src(%arg8 : memref<80x112xf32, #tpu.memory_space<vmem>>) dst(%dma_wait3A_87 : memref<10000x112xf32, #tpu.memory_space<vmem_shared>>)
      tpu.yield
    }) : () -> ()
    %barrier3A_60 = arith.constant 0 : index
    tpu.barrier barrier_id(%barrier3A_60)
    %scan3A_61 = arith.constant 0 : i32
    %scan3A_62 = arith.constant 0 : i32
    %scan3A_63 = arith.constant 16 : i32
    %scan3A_64 = arith.addi %scan3A_62, %scan3A_63 : i32
    %scan3A_65 = arith.constant 1 : i32
    %scan3A_66 = scf.for %scan3A_75 = %scan3A_62 to %scan3A_64 step %scan3A_65 iter_args(%scan3A_76 = %scan3A_61) -> (i32)  : i32 {
      %mul3A = arith.constant 16 : i32
      %mul3A_77 = arith.muli %scan3A_75, %mul3A : i32
      %add3A = arith.addi %arg1, %mul3A_77 : i32
      %lt3A = arith.constant 250 : i32
      %lt3A_78 = arith.cmpi slt, %add3A, %lt3A : i32
      %convert_element_type3A = arith.extui %lt3A_78 : i1 to i32
      %cond3A = arith.constant 0 : i32
      %cond3A_79 = arith.cmpi ne, %convert_element_type3A, %cond3A : i32
      scf.if %cond3A_79 {
        %mul3A_81 = arith.constant 40 : i32
        %mul3A_82 = arith.muli %add3A, %mul3A_81 : i32
        %mul3A_83 = arith.constant 40 : i32
        %mul3A_84 = arith.muli %add3A, %mul3A_83 : i32
        %dma_start3A_85 = arith.constant 0 : i32
        %dma_start3A_86 = tpu.memref_slice %arg5[%arg0, %mul3A_84, %dma_start3A_85] : memref<2x10000x112xf32, #tpu.memory_space<hbm>> -> memref<1x40x112xf32, #tpu.memory_space<hbm>>
        %dma_start3A_87 = tpu.memref_squeeze %dma_start3A_86 : memref<1x40x112xf32, #tpu.memory_space<hbm>> -> memref<40x112xf32, #tpu.memory_space<hbm>>
        %dma_start3A_88 = arith.constant 0 : i32
        %dma_start3A_89 = tpu.memref_slice %arg13[%mul3A_82, %dma_start3A_88] : memref<10000x112xf32, #tpu.memory_space<vmem_shared>> -> memref<40x112xf32, #tpu.memory_space<vmem_shared>>
        tpu.enqueue_dma source(%dma_start3A_89 : memref<40x112xf32, #tpu.memory_space<vmem_shared>>) target(%dma_start3A_87 : memref<40x112xf32, #tpu.memory_space<hbm>>) target_semaphore(%arg18 : memref<!tpu.dma_semaphore, #tpu.memory_space<semaphore_mem>>)
      } else {
      }
      %scan3A_80 = arith.constant 0 : i32
      scf.yield %scan3A_80 : i32
    }
    %scan3A_67 = arith.constant 16 : i32
    %scan3A_68 = arith.constant 0 : i32
    %scan3A_69 = arith.constant 0 : i32
    %scan3A_70 = arith.constant 16 : i32
    %scan3A_71 = arith.addi %scan3A_69, %scan3A_70 : i32
    %scan3A_72 = arith.constant 1 : i32
    %scan3A_73 = scf.for %scan3A_75 = %scan3A_69 to %scan3A_71 step %scan3A_72 iter_args(%scan3A_76 = %scan3A_68) -> (i32)  : i32 {
      %mul3A = arith.constant 16 : i32
      %mul3A_77 = arith.muli %scan3A_75, %mul3A : i32
      %add3A = arith.addi %arg1, %mul3A_77 : i32
      %lt3A = arith.constant 250 : i32
      %lt3A_78 = arith.cmpi slt, %add3A, %lt3A : i32
      %convert_element_type3A = arith.extui %lt3A_78 : i1 to i32
      %cond3A = arith.constant 0 : i32
      %cond3A_79 = arith.cmpi ne, %convert_element_type3A, %cond3A : i32
      scf.if %cond3A_79 {
        %mul3A_81 = arith.constant 40 : i32
        %mul3A_82 = arith.muli %add3A, %mul3A_81 : i32
        %mul3A_83 = arith.constant 40 : i32
        %mul3A_84 = arith.muli %add3A, %mul3A_83 : i32
        %dma_wait3A_85 = arith.constant 0 : i32
        %dma_wait3A_86 = tpu.memref_slice %arg5[%arg0, %mul3A_84, %dma_wait3A_85] : memref<2x10000x112xf32, #tpu.memory_space<hbm>> -> memref<1x40x112xf32, #tpu.memory_space<hbm>>
        %dma_wait3A_87 = tpu.memref_squeeze %dma_wait3A_86 : memref<1x40x112xf32, #tpu.memory_space<hbm>> -> memref<40x112xf32, #tpu.memory_space<hbm>>
        %dma_wait3A_88 = arith.constant 0 : i32
        %dma_wait3A_89 = tpu.memref_slice %arg13[%mul3A_82, %dma_wait3A_88] : memref<10000x112xf32, #tpu.memory_space<vmem_shared>> -> memref<40x112xf32, #tpu.memory_space<vmem_shared>>
        tpu.wait_dma2 semaphore(%arg18 : memref<!tpu.dma_semaphore, #tpu.memory_space<semaphore_mem>>) src(%dma_wait3A_89 : memref<40x112xf32, #tpu.memory_space<vmem_shared>>) dst(%dma_wait3A_87 : memref<40x112xf32, #tpu.memory_space<hbm>>)
      } else {
      }
      %scan3A_80 = arith.constant 0 : i32
      scf.yield %scan3A_80 : i32
    }
    %scan3A_74 = arith.constant 16 : i32
    return
  }
}

#map = affine_map<(d0, d1) -> (0, 0)>
#map1 = affine_map<(d0, d1) -> (0, 0, 0, 0)>
#map2 = affine_map<(d0, d1) -> (0, 0, 0)>
module attributes {stable_mosaic.version = 14 : i64} {
  func.func @_sc_segsum_body(%arg0: i32, %arg1: i32, %arg2: memref<10000x112xf32, #tpu.memory_space<hbm>>, %arg3: memref<2x16x125x80xi32, #tpu.memory_space<hbm>>, %arg4: memref<2x16x125x80xi32, #tpu.memory_space<hbm>>, %arg5: memref<2x10000x112xf32, #tpu.memory_space<hbm>>, %arg6: memref<125x80xi32, #tpu.memory_space<vmem>>, %arg7: memref<125x80xi32, #tpu.memory_space<vmem>>, %arg8: memref<80x112xf32, #tpu.memory_space<vmem>>, %arg9: memref<80x112xf32, #tpu.memory_space<vmem>>, %arg10: memref<80x112xf32, #tpu.memory_space<vmem>>, %arg11: memref<80x112xf32, #tpu.memory_space<vmem>>, %arg12: memref<40x112xf32, #tpu.memory_space<vmem>>, %arg13: memref<10000x112xf32, #tpu.memory_space<vmem_shared>>, %arg14: memref<!tpu.dma_semaphore, #tpu.memory_space<semaphore_mem>>, %arg15: memref<!tpu.dma_semaphore, #tpu.memory_space<semaphore_mem>>, %arg16: memref<!tpu.dma_semaphore, #tpu.memory_space<semaphore_mem>>, %arg17: memref<!tpu.dma_semaphore, #tpu.memory_space<semaphore_mem>>, %arg18: memref<!tpu.dma_semaphore, #tpu.memory_space<semaphore_mem>>) attributes {dimension_semantics = [#tpu.dimension_semantics<core_parallel>, #tpu.dimension_semantics<subcore_parallel>], iteration_bounds = array<i64: 2, 16>, scalar_prefetch = 0 : i64, scratch_operands = 13 : i64, tpu.core_type = #tpu.core_type<sc_vector_subcore>, window_params = [{transform_indices = #map}, {transform_indices = #map1}, {transform_indices = #map1}, {transform_indices = #map2}]} {
    %scan3A = arith.constant 0 : i32
    %scan3A_0 = arith.constant 0 : i32
    %scan3A_1 = arith.constant 40 : i32
    %scan3A_2 = arith.addi %scan3A_0, %scan3A_1 : i32
    %scan3A_3 = arith.constant 1 : i32
    %scan3A_4 = scf.for %scan3A_75 = %scan3A_0 to %scan3A_2 step %scan3A_3 iter_args(%scan3A_76 = %scan3A) -> (i32)  : i32 {
      %broadcast_in_dim3A = arith.constant 0.000000e+00 : f32
      %broadcast_in_dim3A_77 = vector.broadcast %broadcast_in_dim3A : f32 to vector<16xf32>
      %swap3A = arith.index_cast %scan3A_75 : i32 to index
      %swap3A_78 = arith.constant 0 : index
      %swap3A_79 = tpu.vector_load %arg12[%swap3A, %swap3A_78] {strides = array<i32>} : memref<40x112xf32, #tpu.memory_space<vmem>>, vector<1x16xf32>,
      %swap3A_80 = vector.shape_cast %swap3A_79 : vector<1x16xf32> to vector<16xf32>
      %swap3A_81 = vector.shape_cast %broadcast_in_dim3A_77 : vector<16xf32> to vector<1x16xf32>
      tpu.vector_store %arg12[%swap3A, %swap3A_78], %swap3A_81 {strides = array<i32>} : memref<40x112xf32, #tpu.memory_space<vmem>>, vector<1x16xf32>,
      %broadcast_in_dim3A_82 = arith.constant 0.000000e+00 : f32
      %broadcast_in_dim3A_83 = vector.broadcast %broadcast_in_dim3A_82 : f32 to vector<16xf32>
      %swap3A_84 = arith.index_cast %scan3A_75 : i32 to index
      %swap3A_85 = arith.constant 16 : index
      %swap3A_86 = tpu.vector_load %arg12[%swap3A_84, %swap3A_85] {strides = array<i32>} : memref<40x112xf32, #tpu.memory_space<vmem>>, vector<1x16xf32>,
      %swap3A_87 = vector.shape_cast %swap3A_86 : vector<1x16xf32> to vector<16xf32>
      %swap3A_88 = vector.shape_cast %broadcast_in_dim3A_83 : vector<16xf32> to vector<1x16xf32>
      tpu.vector_store %arg12[%swap3A_84, %swap3A_85], %swap3A_88 {strides = array<i32>} : memref<40x112xf32, #tpu.memory_space<vmem>>, vector<1x16xf32>,
      %broadcast_in_dim3A_89 = arith.constant 0.000000e+00 : f32
      %broadcast_in_dim3A_90 = vector.broadcast %broadcast_in_dim3A_89 : f32 to vector<16xf32>
      %swap3A_91 = arith.index_cast %scan3A_75 : i32 to index
      %swap3A_92 = arith.constant 32 : index
      %swap3A_93 = tpu.vector_load %arg12[%swap3A_91, %swap3A_92] {strides = array<i32>} : memref<40x112xf32, #tpu.memory_space<vmem>>, vector<1x16xf32>,
      %swap3A_94 = vector.shape_cast %swap3A_93 : vector<1x16xf32> to vector<16xf32>
      %swap3A_95 = vector.shape_cast %broadcast_in_dim3A_90 : vector<16xf32> to vector<1x16xf32>
      tpu.vector_store %arg12[%swap3A_91, %swap3A_92], %swap3A_95 {strides = array<i32>} : memref<40x112xf32, #tpu.memory_space<vmem>>, vector<1x16xf32>,
      %broadcast_in_dim3A_96 = arith.constant 0.000000e+00 : f32
      %broadcast_in_dim3A_97 = vector.broadcast %broadcast_in_dim3A_96 : f32 to vector<16xf32>
      %swap3A_98 = arith.index_cast %scan3A_75 : i32 to index
      %swap3A_99 = arith.constant 48 : index
      %swap3A_100 = tpu.vector_load %arg12[%swap3A_98, %swap3A_99] {strides = array<i32>} : memref<40x112xf32, #tpu.memory_space<vmem>>, vector<1x16xf32>,
      %swap3A_101 = vector.shape_cast %swap3A_100 : vector<1x16xf32> to vector<16xf32>
      %swap3A_102 = vector.shape_cast %broadcast_in_dim3A_97 : vector<16xf32> to vector<1x16xf32>
      tpu.vector_store %arg12[%swap3A_98, %swap3A_99], %swap3A_102 {strides = array<i32>} : memref<40x112xf32, #tpu.memory_space<vmem>>, vector<1x16xf32>,
      %broadcast_in_dim3A_103 = arith.constant 0.000000e+00 : f32
      %broadcast_in_dim3A_104 = vector.broadcast %broadcast_in_dim3A_103 : f32 to vector<16xf32>
      %swap3A_105 = arith.index_cast %scan3A_75 : i32 to index
      %swap3A_106 = arith.constant 64 : index
      %swap3A_107 = tpu.vector_load %arg12[%swap3A_105, %swap3A_106] {strides = array<i32>} : memref<40x112xf32, #tpu.memory_space<vmem>>, vector<1x16xf32>,
      %swap3A_108 = vector.shape_cast %swap3A_107 : vector<1x16xf32> to vector<16xf32>
      %swap3A_109 = vector.shape_cast %broadcast_in_dim3A_104 : vector<16xf32> to vector<1x16xf32>
      tpu.vector_store %arg12[%swap3A_105, %swap3A_106], %swap3A_109 {strides = array<i32>} : memref<40x112xf32, #tpu.memory_space<vmem>>, vector<1x16xf32>,
      %broadcast_in_dim3A_110 = arith.constant 0.000000e+00 : f32
      %broadcast_in_dim3A_111 = vector.broadcast %broadcast_in_dim3A_110 : f32 to vector<16xf32>
      %swap3A_112 = arith.index_cast %scan3A_75 : i32 to index
      %swap3A_113 = arith.constant 80 : index
      %swap3A_114 = tpu.vector_load %arg12[%swap3A_112, %swap3A_113] {strides = array<i32>} : memref<40x112xf32, #tpu.memory_space<vmem>>, vector<1x16xf32>,
      %swap3A_115 = vector.shape_cast %swap3A_114 : vector<1x16xf32> to vector<16xf32>
      %swap3A_116 = vector.shape_cast %broadcast_in_dim3A_111 : vector<16xf32> to vector<1x16xf32>
      tpu.vector_store %arg12[%swap3A_112, %swap3A_113], %swap3A_116 {strides = array<i32>} : memref<40x112xf32, #tpu.memory_space<vmem>>, vector<1x16xf32>,
      %broadcast_in_dim3A_117 = arith.constant 0.000000e+00 : f32
      %broadcast_in_dim3A_118 = vector.broadcast %broadcast_in_dim3A_117 : f32 to vector<16xf32>
      %swap3A_119 = arith.index_cast %scan3A_75 : i32 to index
      %swap3A_120 = arith.constant 96 : index
      %swap3A_121 = tpu.vector_load %arg12[%swap3A_119, %swap3A_120] {strides = array<i32>} : memref<40x112xf32, #tpu.memory_space<vmem>>, vector<1x16xf32>,
      %swap3A_122 = vector.shape_cast %swap3A_121 : vector<1x16xf32> to vector<16xf32>
      %swap3A_123 = vector.shape_cast %broadcast_in_dim3A_118 : vector<16xf32> to vector<1x16xf32>
      tpu.vector_store %arg12[%swap3A_119, %swap3A_120], %swap3A_123 {strides = array<i32>} : memref<40x112xf32, #tpu.memory_space<vmem>>, vector<1x16xf32>,
      %scan3A_124 = arith.constant 0 : i32
      scf.yield %scan3A_124 : i32
    }
    %scan3A_5 = arith.constant 40 : i32
    %scan3A_6 = arith.constant 0 : i32
    %scan3A_7 = arith.constant 0 : i32
    %scan3A_8 = arith.constant 16 : i32
    %scan3A_9 = arith.addi %scan3A_7, %scan3A_8 : i32
    %scan3A_10 = arith.constant 1 : i32
    %scan3A_11 = scf.for %scan3A_75 = %scan3A_7 to %scan3A_9 step %scan3A_10 iter_args(%scan3A_76 = %scan3A_6) -> (i32)  : i32 {
      %mul3A = arith.constant 16 : i32
      %mul3A_77 = arith.muli %scan3A_75, %mul3A : i32
      %add3A = arith.addi %arg1, %mul3A_77 : i32
      %lt3A = arith.constant 250 : i32
      %lt3A_78 = arith.cmpi slt, %add3A, %lt3A : i32
      %convert_element_type3A = arith.extui %lt3A_78 : i1 to i32
      %cond3A = arith.constant 0 : i32
      %cond3A_79 = arith.cmpi ne, %convert_element_type3A, %cond3A : i32
      scf.if %cond3A_79 {
        %mul3A_81 = arith.constant 40 : i32
        %mul3A_82 = arith.muli %add3A, %mul3A_81 : i32
        %dma_start3A_83 = arith.constant 0 : i32
        %dma_start3A_84 = tpu.memref_slice %arg13[%mul3A_82, %dma_start3A_83] : memref<10000x112xf32, #tpu.memory_space<vmem_shared>> -> memref<40x112xf32, #tpu.memory_space<vmem_shared>>
        %dma_start3A_85 = arith.constant 0 : i32
        %dma_start3A_86 = tpu.memref_slice %arg13[%mul3A_82, %dma_start3A_85] : memref<10000x112xf32, #tpu.memory_space<vmem_shared>> -> memref<40x112xf32, #tpu.memory_space<vmem_shared>>
        tpu.enqueue_dma source(%arg12 : memref<40x112xf32, #tpu.memory_space<vmem>>) target(%dma_start3A_86 : memref<40x112xf32, #tpu.memory_space<vmem_shared>>) target_semaphore(%arg18 : memref<!tpu.dma_semaphore, #tpu.memory_space<semaphore_mem>>)
      } else {
      }
      %scan3A_80 = arith.constant 0 : i32
      scf.yield %scan3A_80 : i32
    }
    %scan3A_12 = arith.constant 16 : i32
    "tpu.region"() ({
      %run_scoped3A_75 = tpu.sem_alloc : memref<!tpu.dma_semaphore, #tpu.memory_space<semaphore_mem>>
      %dma_start3A_76 = arith.constant 0 : i32
      %dma_start3A_77 = arith.constant 0 : i32
      %dma_start3A_78 = tpu.memref_slice %arg3[%arg0, %arg1, %dma_start3A_76, %dma_start3A_77] : memref<2x16x125x80xi32, #tpu.memory_space<hbm>> -> memref<1x1x125x80xi32, #tpu.memory_space<hbm>>
      %dma_start3A_79 = tpu.memref_squeeze %dma_start3A_78 : memref<1x1x125x80xi32, #tpu.memory_space<hbm>> -> memref<125x80xi32, #tpu.memory_space<hbm>>
      %dma_start3A_80 = arith.constant 0 : i32
      %dma_start3A_81 = arith.constant 0 : i32
      %dma_start3A_82 = tpu.memref_slice %arg3[%arg0, %arg1, %dma_start3A_80, %dma_start3A_81] : memref<2x16x125x80xi32, #tpu.memory_space<hbm>> -> memref<1x1x125x80xi32, #tpu.memory_space<hbm>>
      %dma_start3A_83 = tpu.memref_squeeze %dma_start3A_82 : memref<1x1x125x80xi32, #tpu.memory_space<hbm>> -> memref<125x80xi32, #tpu.memory_space<hbm>>
      tpu.enqueue_dma source(%dma_start3A_83 : memref<125x80xi32, #tpu.memory_space<hbm>>) target(%arg6 : memref<125x80xi32, #tpu.memory_space<vmem>>) target_semaphore(%run_scoped3A_75 : memref<!tpu.dma_semaphore, #tpu.memory_space<semaphore_mem>>)
      %dma_wait3A_84 = arith.constant 0 : i32
      %dma_wait3A_85 = arith.constant 0 : i32
      %dma_wait3A_86 = tpu.memref_slice %arg3[%arg0, %arg1, %dma_wait3A_84, %dma_wait3A_85] : memref<2x16x125x80xi32, #tpu.memory_space<hbm>> -> memref<1x1x125x80xi32, #tpu.memory_space<hbm>>
      %dma_wait3A_87 = tpu.memref_squeeze %dma_wait3A_86 : memref<1x1x125x80xi32, #tpu.memory_space<hbm>> -> memref<125x80xi32, #tpu.memory_space<hbm>>
      %dma_wait3A_88 = arith.constant 0 : i32
      %dma_wait3A_89 = arith.constant 0 : i32
      %dma_wait3A_90 = tpu.memref_slice %arg3[%arg0, %arg1, %dma_wait3A_88, %dma_wait3A_89] : memref<2x16x125x80xi32, #tpu.memory_space<hbm>> -> memref<1x1x125x80xi32, #tpu.memory_space<hbm>>
      %dma_wait3A_91 = tpu.memref_squeeze %dma_wait3A_90 : memref<1x1x125x80xi32, #tpu.memory_space<hbm>> -> memref<125x80xi32, #tpu.memory_space<hbm>>
      tpu.wait_dma2 semaphore(%run_scoped3A_75 : memref<!tpu.dma_semaphore, #tpu.memory_space<semaphore_mem>>) src(%dma_wait3A_91 : memref<125x80xi32, #tpu.memory_space<hbm>>) dst(%arg6 : memref<125x80xi32, #tpu.memory_space<vmem>>)
      tpu.yield
    }) : () -> ()
    "tpu.region"() ({
      %run_scoped3A_75 = tpu.sem_alloc : memref<!tpu.dma_semaphore, #tpu.memory_space<semaphore_mem>>
      %dma_start3A_76 = arith.constant 0 : i32
      %dma_start3A_77 = arith.constant 0 : i32
      %dma_start3A_78 = tpu.memref_slice %arg4[%arg0, %arg1, %dma_start3A_76, %dma_start3A_77] : memref<2x16x125x80xi32, #tpu.memory_space<hbm>> -> memref<1x1x125x80xi32, #tpu.memory_space<hbm>>
      %dma_start3A_79 = tpu.memref_squeeze %dma_start3A_78 : memref<1x1x125x80xi32, #tpu.memory_space<hbm>> -> memref<125x80xi32, #tpu.memory_space<hbm>>
      %dma_start3A_80 = arith.constant 0 : i32
      %dma_start3A_81 = arith.constant 0 : i32
      %dma_start3A_82 = tpu.memref_slice %arg4[%arg0, %arg1, %dma_start3A_80, %dma_start3A_81] : memref<2x16x125x80xi32, #tpu.memory_space<hbm>> -> memref<1x1x125x80xi32, #tpu.memory_space<hbm>>
      %dma_start3A_83 = tpu.memref_squeeze %dma_start3A_82 : memref<1x1x125x80xi32, #tpu.memory_space<hbm>> -> memref<125x80xi32, #tpu.memory_space<hbm>>
      tpu.enqueue_dma source(%dma_start3A_83 : memref<125x80xi32, #tpu.memory_space<hbm>>) target(%arg7 : memref<125x80xi32, #tpu.memory_space<vmem>>) target_semaphore(%run_scoped3A_75 : memref<!tpu.dma_semaphore, #tpu.memory_space<semaphore_mem>>)
      %dma_wait3A_84 = arith.constant 0 : i32
      %dma_wait3A_85 = arith.constant 0 : i32
      %dma_wait3A_86 = tpu.memref_slice %arg4[%arg0, %arg1, %dma_wait3A_84, %dma_wait3A_85] : memref<2x16x125x80xi32, #tpu.memory_space<hbm>> -> memref<1x1x125x80xi32, #tpu.memory_space<hbm>>
      %dma_wait3A_87 = tpu.memref_squeeze %dma_wait3A_86 : memref<1x1x125x80xi32, #tpu.memory_space<hbm>> -> memref<125x80xi32, #tpu.memory_space<hbm>>
      %dma_wait3A_88 = arith.constant 0 : i32
      %dma_wait3A_89 = arith.constant 0 : i32
      %dma_wait3A_90 = tpu.memref_slice %arg4[%arg0, %arg1, %dma_wait3A_88, %dma_wait3A_89] : memref<2x16x125x80xi32, #tpu.memory_space<hbm>> -> memref<1x1x125x80xi32, #tpu.memory_space<hbm>>
      %dma_wait3A_91 = tpu.memref_squeeze %dma_wait3A_90 : memref<1x1x125x80xi32, #tpu.memory_space<hbm>> -> memref<125x80xi32, #tpu.memory_space<hbm>>
      tpu.wait_dma2 semaphore(%run_scoped3A_75 : memref<!tpu.dma_semaphore, #tpu.memory_space<semaphore_mem>>) src(%dma_wait3A_91 : memref<125x80xi32, #tpu.memory_space<hbm>>) dst(%arg7 : memref<125x80xi32, #tpu.memory_space<vmem>>)
      tpu.yield
    }) : () -> ()
    %scan3A_13 = arith.constant 0 : i32
    %scan3A_14 = arith.constant 0 : i32
    %scan3A_15 = arith.constant 16 : i32
    %scan3A_16 = arith.addi %scan3A_14, %scan3A_15 : i32
    %scan3A_17 = arith.constant 1 : i32
    %scan3A_18 = scf.for %scan3A_75 = %scan3A_14 to %scan3A_16 step %scan3A_17 iter_args(%scan3A_76 = %scan3A_13) -> (i32)  : i32 {
      %mul3A = arith.constant 16 : i32
      %mul3A_77 = arith.muli %scan3A_75, %mul3A : i32
      %add3A = arith.addi %arg1, %mul3A_77 : i32
      %lt3A = arith.constant 250 : i32
      %lt3A_78 = arith.cmpi slt, %add3A, %lt3A : i32
      %convert_element_type3A = arith.extui %lt3A_78 : i1 to i32
      %cond3A = arith.constant 0 : i32
      %cond3A_79 = arith.cmpi ne, %convert_element_type3A, %cond3A : i32
      scf.if %cond3A_79 {
        %mul3A_81 = arith.constant 40 : i32
        %mul3A_82 = arith.muli %add3A, %mul3A_81 : i32
        %dma_wait3A_83 = arith.constant 0 : i32
        %dma_wait3A_84 = tpu.memref_slice %arg13[%mul3A_82, %dma_wait3A_83] : memref<10000x112xf32, #tpu.memory_space<vmem_shared>> -> memref<40x112xf32, #tpu.memory_space<vmem_shared>>
        %dma_wait3A_85 = arith.constant 0 : i32
        %dma_wait3A_86 = tpu.memref_slice %arg13[%mul3A_82, %dma_wait3A_85] : memref<10000x112xf32, #tpu.memory_space<vmem_shared>> -> memref<40x112xf32, #tpu.memory_space<vmem_shared>>
        tpu.wait_dma2 semaphore(%arg18 : memref<!tpu.dma_semaphore, #tpu.memory_space<semaphore_mem>>) src(%arg12 : memref<40x112xf32, #tpu.memory_space<vmem>>) dst(%dma_wait3A_86 : memref<40x112xf32, #tpu.memory_space<vmem_shared>>)
      } else {
      }
      %scan3A_80 = arith.constant 0 : i32
      scf.yield %scan3A_80 : i32
    }
    %scan3A_19 = arith.constant 16 : i32
    %barrier3A = arith.constant 0 : index
    tpu.barrier barrier_id(%barrier3A)
    %dma_start3A = arith.constant 0 : i32
    %dma_start3A_20 = arith.constant 0 : i32
    %dma_start3A_21 = tpu.memref_slice %arg6[%dma_start3A, %dma_start3A_20] : memref<125x80xi32, #tpu.memory_space<vmem>> -> memref<1x80xi32, #tpu.memory_space<vmem>>
    %dma_start3A_22 = tpu.memref_squeeze %dma_start3A_21 : memref<1x80xi32, #tpu.memory_space<vmem>> -> memref<80xi32, #tpu.memory_space<vmem>>
    %dma_start3A_23 = arith.constant 0 : i32
    %dma_start3A_24 = arith.constant 0 : i32
    %dma_start3A_25 = tpu.memref_slice %arg2[%dma_start3A_23, %dma_start3A_24] : memref<10000x112xf32, #tpu.memory_space<hbm>> -> memref<10000x112xf32, #tpu.memory_space<hbm>>
    tpu.enqueue_indirect_dma source(%dma_start3A_25 : memref<10000x112xf32, #tpu.memory_space<hbm>>) target(%arg8 : memref<80x112xf32, #tpu.memory_space<vmem>>) offsets(%dma_start3A_22 : memref<80xi32, #tpu.memory_space<vmem>>) semaphore(%arg14 : memref<!tpu.dma_semaphore, #tpu.memory_space<semaphore_mem>>)
    %dma_start3A_26 = arith.constant 1 : i32
    %dma_start3A_27 = arith.constant 0 : i32
    %dma_start3A_28 = tpu.memref_slice %arg6[%dma_start3A_26, %dma_start3A_27] : memref<125x80xi32, #tpu.memory_space<vmem>> -> memref<1x80xi32, #tpu.memory_space<vmem>>
    %dma_start3A_29 = tpu.memref_squeeze %dma_start3A_28 : memref<1x80xi32, #tpu.memory_space<vmem>> -> memref<80xi32, #tpu.memory_space<vmem>>
    %dma_start3A_30 = arith.constant 0 : i32
    %dma_start3A_31 = arith.constant 0 : i32
    %dma_start3A_32 = tpu.memref_slice %arg2[%dma_start3A_30, %dma_start3A_31] : memref<10000x112xf32, #tpu.memory_space<hbm>> -> memref<10000x112xf32, #tpu.memory_space<hbm>>
    tpu.enqueue_indirect_dma source(%dma_start3A_32 : memref<10000x112xf32, #tpu.memory_space<hbm>>) target(%arg9 : memref<80x112xf32, #tpu.memory_space<vmem>>) offsets(%dma_start3A_29 : memref<80xi32, #tpu.memory_space<vmem>>) semaphore(%arg15 : memref<!tpu.dma_semaphore, #tpu.memory_space<semaphore_mem>>)
    %dma_start3A_33 = arith.constant 2 : i32
    %dma_start3A_34 = arith.constant 0 : i32
    %dma_start3A_35 = tpu.memref_slice %arg6[%dma_start3A_33, %dma_start3A_34] : memref<125x80xi32, #tpu.memory_space<vmem>> -> memref<1x80xi32, #tpu.memory_space<vmem>>
    %dma_start3A_36 = tpu.memref_squeeze %dma_start3A_35 : memref<1x80xi32, #tpu.memory_space<vmem>> -> memref<80xi32, #tpu.memory_space<vmem>>
    %dma_start3A_37 = arith.constant 0 : i32
    %dma_start3A_38 = arith.constant 0 : i32
    %dma_start3A_39 = tpu.memref_slice %arg2[%dma_start3A_37, %dma_start3A_38] : memref<10000x112xf32, #tpu.memory_space<hbm>> -> memref<10000x112xf32, #tpu.memory_space<hbm>>
    tpu.enqueue_indirect_dma source(%dma_start3A_39 : memref<10000x112xf32, #tpu.memory_space<hbm>>) target(%arg10 : memref<80x112xf32, #tpu.memory_space<vmem>>) offsets(%dma_start3A_36 : memref<80xi32, #tpu.memory_space<vmem>>) semaphore(%arg16 : memref<!tpu.dma_semaphore, #tpu.memory_space<semaphore_mem>>)
    %dma_start3A_40 = arith.constant 3 : i32
    %dma_start3A_41 = arith.constant 0 : i32
    %dma_start3A_42 = tpu.memref_slice %arg6[%dma_start3A_40, %dma_start3A_41] : memref<125x80xi32, #tpu.memory_space<vmem>> -> memref<1x80xi32, #tpu.memory_space<vmem>>
    %dma_start3A_43 = tpu.memref_squeeze %dma_start3A_42 : memref<1x80xi32, #tpu.memory_space<vmem>> -> memref<80xi32, #tpu.memory_space<vmem>>
    %dma_start3A_44 = arith.constant 0 : i32
    %dma_start3A_45 = arith.constant 0 : i32
    %dma_start3A_46 = tpu.memref_slice %arg2[%dma_start3A_44, %dma_start3A_45] : memref<10000x112xf32, #tpu.memory_space<hbm>> -> memref<10000x112xf32, #tpu.memory_space<hbm>>
    tpu.enqueue_indirect_dma source(%dma_start3A_46 : memref<10000x112xf32, #tpu.memory_space<hbm>>) target(%arg11 : memref<80x112xf32, #tpu.memory_space<vmem>>) offsets(%dma_start3A_43 : memref<80xi32, #tpu.memory_space<vmem>>) semaphore(%arg17 : memref<!tpu.dma_semaphore, #tpu.memory_space<semaphore_mem>>)
    %scan3A_47 = arith.constant 0 : i32
    %scan3A_48 = arith.constant 0 : i32
    %scan3A_49 = arith.constant 31 : i32
    %scan3A_50 = arith.addi %scan3A_48, %scan3A_49 : i32
    %scan3A_51 = arith.constant 1 : i32
    %scan3A_52 = scf.for %scan3A_75 = %scan3A_48 to %scan3A_50 step %scan3A_51 iter_args(%scan3A_76 = %scan3A_47) -> (i32)  : i32 {
      %mul3A = arith.constant 4 : i32
      %mul3A_77 = arith.muli %scan3A_75, %mul3A : i32
      %add3A = arith.constant 0 : i32
      %add3A_78 = arith.addi %mul3A_77, %add3A : i32
      %dma_wait3A_79 = arith.constant 0 : i32
      %dma_wait3A_80 = tpu.memref_slice %arg6[%add3A_78, %dma_wait3A_79] : memref<125x80xi32, #tpu.memory_space<vmem>> -> memref<1x80xi32, #tpu.memory_space<vmem>>
      %dma_wait3A_81 = tpu.memref_squeeze %dma_wait3A_80 : memref<1x80xi32, #tpu.memory_space<vmem>> -> memref<80xi32, #tpu.memory_space<vmem>>
      %dma_wait3A_82 = arith.constant 0 : i32
      %dma_wait3A_83 = arith.constant 0 : i32
      %dma_wait3A_84 = tpu.memref_slice %arg2[%dma_wait3A_82, %dma_wait3A_83] : memref<10000x112xf32, #tpu.memory_space<hbm>> -> memref<10000x112xf32, #tpu.memory_space<hbm>>
      tpu.wait_indirect_dma semaphore(%arg14 : memref<!tpu.dma_semaphore, #tpu.memory_space<semaphore_mem>>) src(%dma_wait3A_84 : memref<10000x112xf32, #tpu.memory_space<hbm>>) dst(%arg8 : memref<80x112xf32, #tpu.memory_space<vmem>>)
      "tpu.region"() ({
        %run_scoped3A_141 = tpu.sem_alloc : memref<!tpu.dma_semaphore, #tpu.memory_space<semaphore_mem>>
        %dma_start3A_142 = arith.constant 0 : i32
        %dma_start3A_143 = tpu.memref_slice %arg7[%add3A_78, %dma_start3A_142] : memref<125x80xi32, #tpu.memory_space<vmem>> -> memref<1x80xi32, #tpu.memory_space<vmem>>
        %dma_start3A_144 = tpu.memref_squeeze %dma_start3A_143 : memref<1x80xi32, #tpu.memory_space<vmem>> -> memref<80xi32, #tpu.memory_space<vmem>>
        %dma_start3A_145 = arith.constant 0 : i32
        %dma_start3A_146 = arith.constant 0 : i32
        %dma_start3A_147 = tpu.memref_slice %arg13[%dma_start3A_145, %dma_start3A_146] : memref<10000x112xf32, #tpu.memory_space<vmem_shared>> -> memref<10000x112xf32, #tpu.memory_space<vmem_shared>>
        tpu.enqueue_indirect_dma source(%arg8 : memref<80x112xf32, #tpu.memory_space<vmem>>) target(%dma_start3A_147 : memref<10000x112xf32, #tpu.memory_space<vmem_shared>>) offsets(%dma_start3A_144 : memref<80xi32, #tpu.memory_space<vmem>>) semaphore(%run_scoped3A_141 : memref<!tpu.dma_semaphore, #tpu.memory_space<semaphore_mem>>) {add = true}
        %dma_wait3A_148 = arith.constant 0 : i32
        %dma_wait3A_149 = tpu.memref_slice %arg7[%add3A_78, %dma_wait3A_148] : memref<125x80xi32, #tpu.memory_space<vmem>> -> memref<1x80xi32, #tpu.memory_space<vmem>>
        %dma_wait3A_150 = tpu.memref_squeeze %dma_wait3A_149 : memref<1x80xi32, #tpu.memory_space<vmem>> -> memref<80xi32, #tpu.memory_space<vmem>>
        %dma_wait3A_151 = arith.constant 0 : i32
        %dma_wait3A_152 = arith.constant 0 : i32
        %dma_wait3A_153 = tpu.memref_slice %arg13[%dma_wait3A_151, %dma_wait3A_152] : memref<10000x112xf32, #tpu.memory_space<vmem_shared>> -> memref<10000x112xf32, #tpu.memory_space<vmem_shared>>
        tpu.wait_indirect_dma semaphore(%run_scoped3A_141 : memref<!tpu.dma_semaphore, #tpu.memory_space<semaphore_mem>>) src(%arg8 : memref<80x112xf32, #tpu.memory_space<vmem>>) dst(%dma_wait3A_153 : memref<10000x112xf32, #tpu.memory_space<vmem_shared>>)
        tpu.yield
      }) : () -> ()
      %add3A_85 = arith.constant 4 : i32
      %add3A_86 = arith.addi %add3A_78, %add3A_85 : i32
      %lt3A = arith.constant 125 : i32
      %lt3A_87 = arith.cmpi slt, %add3A_86, %lt3A : i32
      %convert_element_type3A = arith.extui %lt3A_87 : i1 to i32
      %cond3A = arith.constant 0 : i32
      %cond3A_88 = arith.cmpi ne, %convert_element_type3A, %cond3A : i32
      scf.if %cond3A_88 {
        %dma_start3A_141 = arith.constant 0 : i32
        %dma_start3A_142 = tpu.memref_slice %arg6[%add3A_86, %dma_start3A_141] : memref<125x80xi32, #tpu.memory_space<vmem>> -> memref<1x80xi32, #tpu.memory_space<vmem>>
        %dma_start3A_143 = tpu.memref_squeeze %dma_start3A_142 : memref<1x80xi32, #tpu.memory_space<vmem>> -> memref<80xi32, #tpu.memory_space<vmem>>
        %dma_start3A_144 = arith.constant 0 : i32
        %dma_start3A_145 = arith.constant 0 : i32
        %dma_start3A_146 = tpu.memref_slice %arg2[%dma_start3A_144, %dma_start3A_145] : memref<10000x112xf32, #tpu.memory_space<hbm>> -> memref<10000x112xf32, #tpu.memory_space<hbm>>
        tpu.enqueue_indirect_dma source(%dma_start3A_146 : memref<10000x112xf32, #tpu.memory_space<hbm>>) target(%arg8 : memref<80x112xf32, #tpu.memory_space<vmem>>) offsets(%dma_start3A_143 : memref<80xi32, #tpu.memory_space<vmem>>) semaphore(%arg14 : memref<!tpu.dma_semaphore, #tpu.memory_space<semaphore_mem>>)
      } else {
      }
      %mul3A_89 = arith.constant 4 : i32
      %mul3A_90 = arith.muli %scan3A_75, %mul3A_89 : i32
      %add3A_91 = arith.constant 1 : i32
      %add3A_92 = arith.addi %mul3A_90, %add3A_91 : i32
      %dma_wait3A_93 = arith.constant 0 : i32
      %dma_wait3A_94 = tpu.memref_slice %arg6[%add3A_92, %dma_wait3A_93] : memref<125x80xi32, #tpu.memory_space<vmem>> -> memref<1x80xi32, #tpu.memory_space<vmem>>
      %dma_wait3A_95 = tpu.memref_squeeze %dma_wait3A_94 : memref<1x80xi32, #tpu.memory_space<vmem>> -> memref<80xi32, #tpu.memory_space<vmem>>
      %dma_wait3A_96 = arith.constant 0 : i32
      %dma_wait3A_97 = arith.constant 0 : i32
      %dma_wait3A_98 = tpu.memref_slice %arg2[%dma_wait3A_96, %dma_wait3A_97] : memref<10000x112xf32, #tpu.memory_space<hbm>> -> memref<10000x112xf32, #tpu.memory_space<hbm>>
      tpu.wait_indirect_dma semaphore(%arg15 : memref<!tpu.dma_semaphore, #tpu.memory_space<semaphore_mem>>) src(%dma_wait3A_98 : memref<10000x112xf32, #tpu.memory_space<hbm>>) dst(%arg9 : memref<80x112xf32, #tpu.memory_space<vmem>>)
      "tpu.region"() ({
        %run_scoped3A_141 = tpu.sem_alloc : memref<!tpu.dma_semaphore, #tpu.memory_space<semaphore_mem>>
        %dma_start3A_142 = arith.constant 0 : i32
        %dma_start3A_143 = tpu.memref_slice %arg7[%add3A_92, %dma_start3A_142] : memref<125x80xi32, #tpu.memory_space<vmem>> -> memref<1x80xi32, #tpu.memory_space<vmem>>
        %dma_start3A_144 = tpu.memref_squeeze %dma_start3A_143 : memref<1x80xi32, #tpu.memory_space<vmem>> -> memref<80xi32, #tpu.memory_space<vmem>>
        %dma_start3A_145 = arith.constant 0 : i32
        %dma_start3A_146 = arith.constant 0 : i32
        %dma_start3A_147 = tpu.memref_slice %arg13[%dma_start3A_145, %dma_start3A_146] : memref<10000x112xf32, #tpu.memory_space<vmem_shared>> -> memref<10000x112xf32, #tpu.memory_space<vmem_shared>>
        tpu.enqueue_indirect_dma source(%arg9 : memref<80x112xf32, #tpu.memory_space<vmem>>) target(%dma_start3A_147 : memref<10000x112xf32, #tpu.memory_space<vmem_shared>>) offsets(%dma_start3A_144 : memref<80xi32, #tpu.memory_space<vmem>>) semaphore(%run_scoped3A_141 : memref<!tpu.dma_semaphore, #tpu.memory_space<semaphore_mem>>) {add = true}
        %dma_wait3A_148 = arith.constant 0 : i32
        %dma_wait3A_149 = tpu.memref_slice %arg7[%add3A_92, %dma_wait3A_148] : memref<125x80xi32, #tpu.memory_space<vmem>> -> memref<1x80xi32, #tpu.memory_space<vmem>>
        %dma_wait3A_150 = tpu.memref_squeeze %dma_wait3A_149 : memref<1x80xi32, #tpu.memory_space<vmem>> -> memref<80xi32, #tpu.memory_space<vmem>>
        %dma_wait3A_151 = arith.constant 0 : i32
        %dma_wait3A_152 = arith.constant 0 : i32
        %dma_wait3A_153 = tpu.memref_slice %arg13[%dma_wait3A_151, %dma_wait3A_152] : memref<10000x112xf32, #tpu.memory_space<vmem_shared>> -> memref<10000x112xf32, #tpu.memory_space<vmem_shared>>
        tpu.wait_indirect_dma semaphore(%run_scoped3A_141 : memref<!tpu.dma_semaphore, #tpu.memory_space<semaphore_mem>>) src(%arg9 : memref<80x112xf32, #tpu.memory_space<vmem>>) dst(%dma_wait3A_153 : memref<10000x112xf32, #tpu.memory_space<vmem_shared>>)
        tpu.yield
      }) : () -> ()
      %add3A_99 = arith.constant 4 : i32
      %add3A_100 = arith.addi %add3A_92, %add3A_99 : i32
      %lt3A_101 = arith.constant 125 : i32
      %lt3A_102 = arith.cmpi slt, %add3A_100, %lt3A_101 : i32
      %convert_element_type3A_103 = arith.extui %lt3A_102 : i1 to i32
      %cond3A_104 = arith.constant 0 : i32
      %cond3A_105 = arith.cmpi ne, %convert_element_type3A_103, %cond3A_104 : i32
      scf.if %cond3A_105 {
        %dma_start3A_141 = arith.constant 0 : i32
        %dma_start3A_142 = tpu.memref_slice %arg6[%add3A_100, %dma_start3A_141] : memref<125x80xi32, #tpu.memory_space<vmem>> -> memref<1x80xi32, #tpu.memory_space<vmem>>
        %dma_start3A_143 = tpu.memref_squeeze %dma_start3A_142 : memref<1x80xi32, #tpu.memory_space<vmem>> -> memref<80xi32, #tpu.memory_space<vmem>>
        %dma_start3A_144 = arith.constant 0 : i32
        %dma_start3A_145 = arith.constant 0 : i32
        %dma_start3A_146 = tpu.memref_slice %arg2[%dma_start3A_144, %dma_start3A_145] : memref<10000x112xf32, #tpu.memory_space<hbm>> -> memref<10000x112xf32, #tpu.memory_space<hbm>>
        tpu.enqueue_indirect_dma source(%dma_start3A_146 : memref<10000x112xf32, #tpu.memory_space<hbm>>) target(%arg9 : memref<80x112xf32, #tpu.memory_space<vmem>>) offsets(%dma_start3A_143 : memref<80xi32, #tpu.memory_space<vmem>>) semaphore(%arg15 : memref<!tpu.dma_semaphore, #tpu.memory_space<semaphore_mem>>)
      } else {
      }
      %mul3A_106 = arith.constant 4 : i32
      %mul3A_107 = arith.muli %scan3A_75, %mul3A_106 : i32
      %add3A_108 = arith.constant 2 : i32
      %add3A_109 = arith.addi %mul3A_107, %add3A_108 : i32
      %dma_wait3A_110 = arith.constant 0 : i32
      %dma_wait3A_111 = tpu.memref_slice %arg6[%add3A_109, %dma_wait3A_110] : memref<125x80xi32, #tpu.memory_space<vmem>> -> memref<1x80xi32, #tpu.memory_space<vmem>>
      %dma_wait3A_112 = tpu.memref_squeeze %dma_wait3A_111 : memref<1x80xi32, #tpu.memory_space<vmem>> -> memref<80xi32, #tpu.memory_space<vmem>>
      %dma_wait3A_113 = arith.constant 0 : i32
      %dma_wait3A_114 = arith.constant 0 : i32
      %dma_wait3A_115 = tpu.memref_slice %arg2[%dma_wait3A_113, %dma_wait3A_114] : memref<10000x112xf32, #tpu.memory_space<hbm>> -> memref<10000x112xf32, #tpu.memory_space<hbm>>
      tpu.wait_indirect_dma semaphore(%arg16 : memref<!tpu.dma_semaphore, #tpu.memory_space<semaphore_mem>>) src(%dma_wait3A_115 : memref<10000x112xf32, #tpu.memory_space<hbm>>) dst(%arg10 : memref<80x112xf32, #tpu.memory_space<vmem>>)
      "tpu.region"() ({
        %run_scoped3A_141 = tpu.sem_alloc : memref<!tpu.dma_semaphore, #tpu.memory_space<semaphore_mem>>
        %dma_start3A_142 = arith.constant 0 : i32
        %dma_start3A_143 = tpu.memref_slice %arg7[%add3A_109, %dma_start3A_142] : memref<125x80xi32, #tpu.memory_space<vmem>> -> memref<1x80xi32, #tpu.memory_space<vmem>>
        %dma_start3A_144 = tpu.memref_squeeze %dma_start3A_143 : memref<1x80xi32, #tpu.memory_space<vmem>> -> memref<80xi32, #tpu.memory_space<vmem>>
        %dma_start3A_145 = arith.constant 0 : i32
        %dma_start3A_146 = arith.constant 0 : i32
        %dma_start3A_147 = tpu.memref_slice %arg13[%dma_start3A_145, %dma_start3A_146] : memref<10000x112xf32, #tpu.memory_space<vmem_shared>> -> memref<10000x112xf32, #tpu.memory_space<vmem_shared>>
        tpu.enqueue_indirect_dma source(%arg10 : memref<80x112xf32, #tpu.memory_space<vmem>>) target(%dma_start3A_147 : memref<10000x112xf32, #tpu.memory_space<vmem_shared>>) offsets(%dma_start3A_144 : memref<80xi32, #tpu.memory_space<vmem>>) semaphore(%run_scoped3A_141 : memref<!tpu.dma_semaphore, #tpu.memory_space<semaphore_mem>>) {add = true}
        %dma_wait3A_148 = arith.constant 0 : i32
        %dma_wait3A_149 = tpu.memref_slice %arg7[%add3A_109, %dma_wait3A_148] : memref<125x80xi32, #tpu.memory_space<vmem>> -> memref<1x80xi32, #tpu.memory_space<vmem>>
        %dma_wait3A_150 = tpu.memref_squeeze %dma_wait3A_149 : memref<1x80xi32, #tpu.memory_space<vmem>> -> memref<80xi32, #tpu.memory_space<vmem>>
        %dma_wait3A_151 = arith.constant 0 : i32
        %dma_wait3A_152 = arith.constant 0 : i32
        %dma_wait3A_153 = tpu.memref_slice %arg13[%dma_wait3A_151, %dma_wait3A_152] : memref<10000x112xf32, #tpu.memory_space<vmem_shared>> -> memref<10000x112xf32, #tpu.memory_space<vmem_shared>>
        tpu.wait_indirect_dma semaphore(%run_scoped3A_141 : memref<!tpu.dma_semaphore, #tpu.memory_space<semaphore_mem>>) src(%arg10 : memref<80x112xf32, #tpu.memory_space<vmem>>) dst(%dma_wait3A_153 : memref<10000x112xf32, #tpu.memory_space<vmem_shared>>)
        tpu.yield
      }) : () -> ()
      %add3A_116 = arith.constant 4 : i32
      %add3A_117 = arith.addi %add3A_109, %add3A_116 : i32
      %lt3A_118 = arith.constant 125 : i32
      %lt3A_119 = arith.cmpi slt, %add3A_117, %lt3A_118 : i32
      %convert_element_type3A_120 = arith.extui %lt3A_119 : i1 to i32
      %cond3A_121 = arith.constant 0 : i32
      %cond3A_122 = arith.cmpi ne, %convert_element_type3A_120, %cond3A_121 : i32
      scf.if %cond3A_122 {
        %dma_start3A_141 = arith.constant 0 : i32
        %dma_start3A_142 = tpu.memref_slice %arg6[%add3A_117, %dma_start3A_141] : memref<125x80xi32, #tpu.memory_space<vmem>> -> memref<1x80xi32, #tpu.memory_space<vmem>>
        %dma_start3A_143 = tpu.memref_squeeze %dma_start3A_142 : memref<1x80xi32, #tpu.memory_space<vmem>> -> memref<80xi32, #tpu.memory_space<vmem>>
        %dma_start3A_144 = arith.constant 0 : i32
        %dma_start3A_145 = arith.constant 0 : i32
        %dma_start3A_146 = tpu.memref_slice %arg2[%dma_start3A_144, %dma_start3A_145] : memref<10000x112xf32, #tpu.memory_space<hbm>> -> memref<10000x112xf32, #tpu.memory_space<hbm>>
        tpu.enqueue_indirect_dma source(%dma_start3A_146 : memref<10000x112xf32, #tpu.memory_space<hbm>>) target(%arg10 : memref<80x112xf32, #tpu.memory_space<vmem>>) offsets(%dma_start3A_143 : memref<80xi32, #tpu.memory_space<vmem>>) semaphore(%arg16 : memref<!tpu.dma_semaphore, #tpu.memory_space<semaphore_mem>>)
      } else {
      }
      %mul3A_123 = arith.constant 4 : i32
      %mul3A_124 = arith.muli %scan3A_75, %mul3A_123 : i32
      %add3A_125 = arith.constant 3 : i32
      %add3A_126 = arith.addi %mul3A_124, %add3A_125 : i32
      %dma_wait3A_127 = arith.constant 0 : i32
      %dma_wait3A_128 = tpu.memref_slice %arg6[%add3A_126, %dma_wait3A_127] : memref<125x80xi32, #tpu.memory_space<vmem>> -> memref<1x80xi32, #tpu.memory_space<vmem>>
      %dma_wait3A_129 = tpu.memref_squeeze %dma_wait3A_128 : memref<1x80xi32, #tpu.memory_space<vmem>> -> memref<80xi32, #tpu.memory_space<vmem>>
      %dma_wait3A_130 = arith.constant 0 : i32
      %dma_wait3A_131 = arith.constant 0 : i32
      %dma_wait3A_132 = tpu.memref_slice %arg2[%dma_wait3A_130, %dma_wait3A_131] : memref<10000x112xf32, #tpu.memory_space<hbm>> -> memref<10000x112xf32, #tpu.memory_space<hbm>>
      tpu.wait_indirect_dma semaphore(%arg17 : memref<!tpu.dma_semaphore, #tpu.memory_space<semaphore_mem>>) src(%dma_wait3A_132 : memref<10000x112xf32, #tpu.memory_space<hbm>>) dst(%arg11 : memref<80x112xf32, #tpu.memory_space<vmem>>)
      "tpu.region"() ({
        %run_scoped3A_141 = tpu.sem_alloc : memref<!tpu.dma_semaphore, #tpu.memory_space<semaphore_mem>>
        %dma_start3A_142 = arith.constant 0 : i32
        %dma_start3A_143 = tpu.memref_slice %arg7[%add3A_126, %dma_start3A_142] : memref<125x80xi32, #tpu.memory_space<vmem>> -> memref<1x80xi32, #tpu.memory_space<vmem>>
        %dma_start3A_144 = tpu.memref_squeeze %dma_start3A_143 : memref<1x80xi32, #tpu.memory_space<vmem>> -> memref<80xi32, #tpu.memory_space<vmem>>
        %dma_start3A_145 = arith.constant 0 : i32
        %dma_start3A_146 = arith.constant 0 : i32
        %dma_start3A_147 = tpu.memref_slice %arg13[%dma_start3A_145, %dma_start3A_146] : memref<10000x112xf32, #tpu.memory_space<vmem_shared>> -> memref<10000x112xf32, #tpu.memory_space<vmem_shared>>
        tpu.enqueue_indirect_dma source(%arg11 : memref<80x112xf32, #tpu.memory_space<vmem>>) target(%dma_start3A_147 : memref<10000x112xf32, #tpu.memory_space<vmem_shared>>) offsets(%dma_start3A_144 : memref<80xi32, #tpu.memory_space<vmem>>) semaphore(%run_scoped3A_141 : memref<!tpu.dma_semaphore, #tpu.memory_space<semaphore_mem>>) {add = true}
        %dma_wait3A_148 = arith.constant 0 : i32
        %dma_wait3A_149 = tpu.memref_slice %arg7[%add3A_126, %dma_wait3A_148] : memref<125x80xi32, #tpu.memory_space<vmem>> -> memref<1x80xi32, #tpu.memory_space<vmem>>
        %dma_wait3A_150 = tpu.memref_squeeze %dma_wait3A_149 : memref<1x80xi32, #tpu.memory_space<vmem>> -> memref<80xi32, #tpu.memory_space<vmem>>
        %dma_wait3A_151 = arith.constant 0 : i32
        %dma_wait3A_152 = arith.constant 0 : i32
        %dma_wait3A_153 = tpu.memref_slice %arg13[%dma_wait3A_151, %dma_wait3A_152] : memref<10000x112xf32, #tpu.memory_space<vmem_shared>> -> memref<10000x112xf32, #tpu.memory_space<vmem_shared>>
        tpu.wait_indirect_dma semaphore(%run_scoped3A_141 : memref<!tpu.dma_semaphore, #tpu.memory_space<semaphore_mem>>) src(%arg11 : memref<80x112xf32, #tpu.memory_space<vmem>>) dst(%dma_wait3A_153 : memref<10000x112xf32, #tpu.memory_space<vmem_shared>>)
        tpu.yield
      }) : () -> ()
      %add3A_133 = arith.constant 4 : i32
      %add3A_134 = arith.addi %add3A_126, %add3A_133 : i32
      %lt3A_135 = arith.constant 125 : i32
      %lt3A_136 = arith.cmpi slt, %add3A_134, %lt3A_135 : i32
      %convert_element_type3A_137 = arith.extui %lt3A_136 : i1 to i32
      %cond3A_138 = arith.constant 0 : i32
      %cond3A_139 = arith.cmpi ne, %convert_element_type3A_137, %cond3A_138 : i32
      scf.if %cond3A_139 {
        %dma_start3A_141 = arith.constant 0 : i32
        %dma_start3A_142 = tpu.memref_slice %arg6[%add3A_134, %dma_start3A_141] : memref<125x80xi32, #tpu.memory_space<vmem>> -> memref<1x80xi32, #tpu.memory_space<vmem>>
        %dma_start3A_143 = tpu.memref_squeeze %dma_start3A_142 : memref<1x80xi32, #tpu.memory_space<vmem>> -> memref<80xi32, #tpu.memory_space<vmem>>
        %dma_start3A_144 = arith.constant 0 : i32
        %dma_start3A_145 = arith.constant 0 : i32
        %dma_start3A_146 = tpu.memref_slice %arg2[%dma_start3A_144, %dma_start3A_145] : memref<10000x112xf32, #tpu.memory_space<hbm>> -> memref<10000x112xf32, #tpu.memory_space<hbm>>
        tpu.enqueue_indirect_dma source(%dma_start3A_146 : memref<10000x112xf32, #tpu.memory_space<hbm>>) target(%arg11 : memref<80x112xf32, #tpu.memory_space<vmem>>) offsets(%dma_start3A_143 : memref<80xi32, #tpu.memory_space<vmem>>) semaphore(%arg17 : memref<!tpu.dma_semaphore, #tpu.memory_space<semaphore_mem>>)
      } else {
      }
      %scan3A_140 = arith.constant 0 : i32
      scf.yield %scan3A_140 : i32
    }
    %scan3A_53 = arith.constant 31 : i32
    %dma_wait3A = arith.constant 124 : i32
    %dma_wait3A_54 = arith.constant 0 : i32
    %dma_wait3A_55 = tpu.memref_slice %arg6[%dma_wait3A, %dma_wait3A_54] : memref<125x80xi32, #tpu.memory_space<vmem>> -> memref<1x80xi32, #tpu.memory_space<vmem>>
    %dma_wait3A_56 = tpu.memref_squeeze %dma_wait3A_55 : memref<1x80xi32, #tpu.memory_space<vmem>> -> memref<80xi32, #tpu.memory_space<vmem>>
    %dma_wait3A_57 = arith.constant 0 : i32
    %dma_wait3A_58 = arith.constant 0 : i32
    %dma_wait3A_59 = tpu.memref_slice %arg2[%dma_wait3A_57, %dma_wait3A_58] : memref<10000x112xf32, #tpu.memory_space<hbm>> -> memref<10000x112xf32, #tpu.memory_space<hbm>>
    tpu.wait_indirect_dma semaphore(%arg14 : memref<!tpu.dma_semaphore, #tpu.memory_space<semaphore_mem>>) src(%dma_wait3A_59 : memref<10000x112xf32, #tpu.memory_space<hbm>>) dst(%arg8 : memref<80x112xf32, #tpu.memory_space<vmem>>)
    %run_scoped3A = arith.constant 124 : i32
    "tpu.region"() ({
      %run_scoped3A_75 = tpu.sem_alloc : memref<!tpu.dma_semaphore, #tpu.memory_space<semaphore_mem>>
      %dma_start3A_76 = arith.constant 0 : i32
      %dma_start3A_77 = tpu.memref_slice %arg7[%run_scoped3A, %dma_start3A_76] : memref<125x80xi32, #tpu.memory_space<vmem>> -> memref<1x80xi32, #tpu.memory_space<vmem>>
      %dma_start3A_78 = tpu.memref_squeeze %dma_start3A_77 : memref<1x80xi32, #tpu.memory_space<vmem>> -> memref<80xi32, #tpu.memory_space<vmem>>
      %dma_start3A_79 = arith.constant 0 : i32
      %dma_start3A_80 = arith.constant 0 : i32
      %dma_start3A_81 = tpu.memref_slice %arg13[%dma_start3A_79, %dma_start3A_80] : memref<10000x112xf32, #tpu.memory_space<vmem_shared>> -> memref<10000x112xf32, #tpu.memory_space<vmem_shared>>
      tpu.enqueue_indirect_dma source(%arg8 : memref<80x112xf32, #tpu.memory_space<vmem>>) target(%dma_start3A_81 : memref<10000x112xf32, #tpu.memory_space<vmem_shared>>) offsets(%dma_start3A_78 : memref<80xi32, #tpu.memory_space<vmem>>) semaphore(%run_scoped3A_75 : memref<!tpu.dma_semaphore, #tpu.memory_space<semaphore_mem>>) {add = true}
      %dma_wait3A_82 = arith.constant 0 : i32
      %dma_wait3A_83 = tpu.memref_slice %arg7[%run_scoped3A, %dma_wait3A_82] : memref<125x80xi32, #tpu.memory_space<vmem>> -> memref<1x80xi32, #tpu.memory_space<vmem>>
      %dma_wait3A_84 = tpu.memref_squeeze %dma_wait3A_83 : memref<1x80xi32, #tpu.memory_space<vmem>> -> memref<80xi32, #tpu.memory_space<vmem>>
      %dma_wait3A_85 = arith.constant 0 : i32
      %dma_wait3A_86 = arith.constant 0 : i32
      %dma_wait3A_87 = tpu.memref_slice %arg13[%dma_wait3A_85, %dma_wait3A_86] : memref<10000x112xf32, #tpu.memory_space<vmem_shared>> -> memref<10000x112xf32, #tpu.memory_space<vmem_shared>>
      tpu.wait_indirect_dma semaphore(%run_scoped3A_75 : memref<!tpu.dma_semaphore, #tpu.memory_space<semaphore_mem>>) src(%arg8 : memref<80x112xf32, #tpu.memory_space<vmem>>) dst(%dma_wait3A_87 : memref<10000x112xf32, #tpu.memory_space<vmem_shared>>)
      tpu.yield
    }) : () -> ()
    %barrier3A_60 = arith.constant 0 : index
    tpu.barrier barrier_id(%barrier3A_60)
    %scan3A_61 = arith.constant 0 : i32
    %scan3A_62 = arith.constant 0 : i32
    %scan3A_63 = arith.constant 16 : i32
    %scan3A_64 = arith.addi %scan3A_62, %scan3A_63 : i32
    %scan3A_65 = arith.constant 1 : i32
    %scan3A_66 = scf.for %scan3A_75 = %scan3A_62 to %scan3A_64 step %scan3A_65 iter_args(%scan3A_76 = %scan3A_61) -> (i32)  : i32 {
      %mul3A = arith.constant 16 : i32
      %mul3A_77 = arith.muli %scan3A_75, %mul3A : i32
      %add3A = arith.addi %arg1, %mul3A_77 : i32
      %lt3A = arith.constant 250 : i32
      %lt3A_78 = arith.cmpi slt, %add3A, %lt3A : i32
      %convert_element_type3A = arith.extui %lt3A_78 : i1 to i32
      %cond3A = arith.constant 0 : i32
      %cond3A_79 = arith.cmpi ne, %convert_element_type3A, %cond3A : i32
      scf.if %cond3A_79 {
        %mul3A_81 = arith.constant 40 : i32
        %mul3A_82 = arith.muli %add3A, %mul3A_81 : i32
        %mul3A_83 = arith.constant 40 : i32
        %mul3A_84 = arith.muli %add3A, %mul3A_83 : i32
        %dma_start3A_85 = arith.constant 0 : i32
        %dma_start3A_86 = tpu.memref_slice %arg5[%arg0, %mul3A_84, %dma_start3A_85] : memref<2x10000x112xf32, #tpu.memory_space<hbm>> -> memref<1x40x112xf32, #tpu.memory_space<hbm>>
        %dma_start3A_87 = tpu.memref_squeeze %dma_start3A_86 : memref<1x40x112xf32, #tpu.memory_space<hbm>> -> memref<40x112xf32, #tpu.memory_space<hbm>>
        %dma_start3A_88 = arith.constant 0 : i32
        %dma_start3A_89 = tpu.memref_slice %arg13[%mul3A_82, %dma_start3A_88] : memref<10000x112xf32, #tpu.memory_space<vmem_shared>> -> memref<40x112xf32, #tpu.memory_space<vmem_shared>>
        tpu.enqueue_dma source(%dma_start3A_89 : memref<40x112xf32, #tpu.memory_space<vmem_shared>>) target(%dma_start3A_87 : memref<40x112xf32, #tpu.memory_space<hbm>>) target_semaphore(%arg18 : memref<!tpu.dma_semaphore, #tpu.memory_space<semaphore_mem>>)
      } else {
      }
      %scan3A_80 = arith.constant 0 : i32
      scf.yield %scan3A_80 : i32
    }
    %scan3A_67 = arith.constant 16 : i32
    %scan3A_68 = arith.constant 0 : i32
    %scan3A_69 = arith.constant 0 : i32
    %scan3A_70 = arith.constant 16 : i32
    %scan3A_71 = arith.addi %scan3A_69, %scan3A_70 : i32
    %scan3A_72 = arith.constant 1 : i32
    %scan3A_73 = scf.for %scan3A_75 = %scan3A_69 to %scan3A_71 step %scan3A_72 iter_args(%scan3A_76 = %scan3A_68) -> (i32)  : i32 {
      %mul3A = arith.constant 16 : i32
      %mul3A_77 = arith.muli %scan3A_75, %mul3A : i32
      %add3A = arith.addi %arg1, %mul3A_77 : i32
      %lt3A = arith.constant 250 : i32
      %lt3A_78 = arith.cmpi slt, %add3A, %lt3A : i32
      %convert_element_type3A = arith.extui %lt3A_78 : i1 to i32
      %cond3A = arith.constant 0 : i32
      %cond3A_79 = arith.cmpi ne, %convert_element_type3A, %cond3A : i32
      scf.if %cond3A_79 {
        %mul3A_81 = arith.constant 40 : i32
        %mul3A_82 = arith.muli %add3A, %mul3A_81 : i32
        %mul3A_83 = arith.constant 40 : i32
        %mul3A_84 = arith.muli %add3A, %mul3A_83 : i32
        %dma_wait3A_85 = arith.constant 0 : i32
        %dma_wait3A_86 = tpu.memref_slice %arg5[%arg0, %mul3A_84, %dma_wait3A_85] : memref<2x10000x112xf32, #tpu.memory_space<hbm>> -> memref<1x40x112xf32, #tpu.memory_space<hbm>>
        %dma_wait3A_87 = tpu.memref_squeeze %dma_wait3A_86 : memref<1x40x112xf32, #tpu.memory_space<hbm>> -> memref<40x112xf32, #tpu.memory_space<hbm>>
        %dma_wait3A_88 = arith.constant 0 : i32
        %dma_wait3A_89 = tpu.memref_slice %arg13[%mul3A_82, %dma_wait3A_88] : memref<10000x112xf32, #tpu.memory_space<vmem_shared>> -> memref<40x112xf32, #tpu.memory_space<vmem_shared>>
        tpu.wait_dma2 semaphore(%arg18 : memref<!tpu.dma_semaphore, #tpu.memory_space<semaphore_mem>>) src(%dma_wait3A_89 : memref<40x112xf32, #tpu.memory_space<vmem_shared>>) dst(%dma_wait3A_87 : memref<40x112xf32, #tpu.memory_space<hbm>>)
      } else {
      }
      %scan3A_80 = arith.constant 0 : i32
      scf.yield %scan3A_80 : i32
    }
    %scan3A_74 = arith.constant 16 : i32
    return
  }
}

module attributes {stable_mosaic.version = 14 : i64} {
  func.func @_tc_pre_body(%arg0: i32, %arg1: memref<1000x128xf32, #tpu.memory_space<vmem>>, %arg2: memref<128x112xf32, #tpu.memory_space<vmem>>, %arg3: memref<2x1000x16xf32, #tpu.memory_space<vmem>>, %arg4: memref<1000x112xf32, #tpu.memory_space<vmem>>, %arg5: memref<1000x1xf32, #tpu.memory_space<vmem>>, %arg6: memref<1000x1xf32, #tpu.memory_space<vmem>>, %arg7: memref<1x1xf32, #tpu.memory_space<vmem>>) attributes {dimension_semantics = [#tpu.dimension_semantics<arbitrary>], iteration_bounds = array<i64: 10>, scalar_prefetch = 0 : i64, scratch_operands = 0 : i64, tpu.core_type = #tpu.core_type<tc>, window_params = [{transform_indices = @transform_0, window_bounds = array<i64: 1000, 128>}, {pipeline_mode = #tpu.pipeline_mode<synchronous>, transform_indices = @transform_1, window_bounds = array<i64: 128, 112>}, {transform_indices = @transform_2, window_bounds = array<i64: 2, 1000, 16>}, {transform_indices = @transform_3, window_bounds = array<i64: 1000, 112>}, {transform_indices = @transform_4, window_bounds = array<i64: 1000, 1>}, {transform_indices = @transform_5, window_bounds = array<i64: 1000, 1>}, {pipeline_mode = #tpu.pipeline_mode<synchronous>, transform_indices = @transform_6, window_bounds = array<i64: 1, 1>}]} {
    %get3A = arith.constant 0 : index
    %get3A_0 = arith.constant 0 : index
    %get3A_1 = arith.constant 0 : index
    %get3A_2 = vector.load %arg3[%get3A, %get3A_0, %get3A_1] : memref<2x1000x16xf32, #tpu.memory_space<vmem>>, vector<1x1000x1xf32>
    %get3A_3 = vector.shape_cast %get3A_2 : vector<1x1000x1xf32> to vector<1000x1xf32>
    %get3A_4 = arith.constant 1 : index
    %get3A_5 = arith.constant 0 : index
    %get3A_6 = arith.constant 0 : index
    %get3A_7 = vector.load %arg3[%get3A_4, %get3A_5, %get3A_6] : memref<2x1000x16xf32, #tpu.memory_space<vmem>>, vector<1x1000x1xf32>
    %get3A_8 = vector.shape_cast %get3A_7 : vector<1x1000x1xf32> to vector<1000x1xf32>
    %add3A = arith.addf %get3A_3, %get3A_8 : vector<1000x1xf32>
    %add3A_9 = arith.constant 1.000000e+00 : f32
    %add3A_10 = vector.broadcast %add3A_9 : f32 to vector<1000x1xf32>
    %add3A_11 = arith.addf %add3A, %add3A_10 : vector<1000x1xf32>
    %rsqrt3A = math.rsqrt %add3A_11 : vector<1000x1xf32>
    %get3A_12 = arith.constant 0 : index
    %get3A_13 = arith.constant 0 : index
    %get3A_14 = vector.load %arg1[%get3A_12, %get3A_13] : memref<1000x128xf32, #tpu.memory_space<vmem>>, vector<1000x128xf32>
    %get3A_15 = arith.constant 0 : index
    %get3A_16 = arith.constant 0 : index
    %get3A_17 = vector.load %arg2[%get3A_15, %get3A_16] : memref<128x112xf32, #tpu.memory_space<vmem>>, vector<128x112xf32>
    %dot_general3A = arith.constant dense<0.000000e+00> : vector<1000x112xf32>
    %dot_general3A_18 = tpu.matmul %get3A_14, %get3A_17, %dot_general3A {dimension_numbers = #tpu.dot_dimension_numbers<[1], [0], [0], [1], [0, 0, 1, 1], [], []>, precision = #tpu.contract_precision<fp32>, transpose_lhs_hint = false} : vector<1000x128xf32>, vector<128x112xf32>, vector<1000x112xf32> -> vector<1000x112xf32>
    %mul3A = vector.broadcast %rsqrt3A : vector<1000x1xf32> to vector<1000x112xf32>
    %mul3A_19 = arith.mulf %dot_general3A_18, %mul3A : vector<1000x112xf32>
    %swap3A = arith.constant 0 : index
    %swap3A_20 = arith.constant 0 : index
    %swap3A_21 = vector.load %arg4[%swap3A, %swap3A_20] : memref<1000x112xf32, #tpu.memory_space<vmem>>, vector<1000x112xf32>
    tpu.vector_store %arg4[%swap3A, %swap3A_20], %mul3A_19 {strides = array<i32>} : memref<1000x112xf32, #tpu.memory_space<vmem>>, vector<1000x112xf32>,
    %swap3A_22 = arith.constant 0 : index
    %swap3A_23 = arith.constant 0 : index
    %swap3A_24 = vector.load %arg5[%swap3A_22, %swap3A_23] : memref<1000x1xf32, #tpu.memory_space<vmem>>, vector<1000x1xf32>
    tpu.vector_store %arg5[%swap3A_22, %swap3A_23], %rsqrt3A {strides = array<i32>} : memref<1000x1xf32, #tpu.memory_space<vmem>>, vector<1000x1xf32>,
    %swap3A_25 = arith.constant 0 : index
    %swap3A_26 = arith.constant 0 : index
    %swap3A_27 = vector.load %arg6[%swap3A_25, %swap3A_26] : memref<1000x1xf32, #tpu.memory_space<vmem>>, vector<1000x1xf32>
    tpu.vector_store %arg6[%swap3A_25, %swap3A_26], %add3A {strides = array<i32>} : memref<1000x1xf32, #tpu.memory_space<vmem>>, vector<1000x1xf32>,
    %eq3A = arith.constant 0 : i32
    %eq3A_28 = arith.cmpi eq, %arg0, %eq3A : i32
    %convert_element_type3A = arith.extui %eq3A_28 : i1 to i32
    %cond3A = arith.constant 0 : i32
    %cond3A_29 = arith.cmpi ne, %convert_element_type3A, %cond3A : i32
    scf.if %cond3A_29 {
      %broadcast_in_dim3A = arith.constant 0.000000e+00 : f32
      %broadcast_in_dim3A_43 = vector.broadcast %broadcast_in_dim3A : f32 to vector<1x1xf32>
      %swap3A_44 = arith.constant 0 : index
      %swap3A_45 = arith.constant 0 : index
      %swap3A_46 = vector.load %arg7[%swap3A_44, %swap3A_45] : memref<1x1xf32, #tpu.memory_space<vmem>>, vector<1x1xf32>
      tpu.vector_store %arg7[%swap3A_44, %swap3A_45], %broadcast_in_dim3A_43 {strides = array<i32>} : memref<1x1xf32, #tpu.memory_space<vmem>>, vector<1x1xf32>,
    } else {
    }
    %get3A_30 = arith.constant 0 : index
    %get3A_31 = arith.constant 0 : index
    %get3A_32 = vector.load %arg7[%get3A_30, %get3A_31] : memref<1x1xf32, #tpu.memory_space<vmem>>, vector<1x1xf32>
    %max3A = arith.constant 1.000000e+00 : f32
    %max3A_33 = vector.broadcast %max3A : f32 to vector<1000x1xf32>
    %max3A_34 = arith.maximumf %add3A, %max3A_33 : vector<1000x1xf32>
    %reduce_sum3A = vector.shape_cast %max3A_34 : vector<1000x1xf32> to vector<1x1000x1xf32>
    %reduce_sum3A_35 = arith.constant dense<0.000000e+00> : vector<1xf32>
    %reduce_sum3A_36 = vector.multi_reduction <add>, %reduce_sum3A, %reduce_sum3A_35 [1, 2] : vector<1x1000x1xf32> to vector<1xf32>
    %reduce_sum3A_37 = vector.shape_cast %reduce_sum3A_36 : vector<1xf32> to vector<1x1x1xf32>
    %reduce_sum3A_38 = vector.extract %reduce_sum3A_37[0, 0, 0] : f32 from vector<1x1x1xf32>
    %reshape3A = vector.broadcast %reduce_sum3A_38 : f32 to vector<1x1xf32>
    %add3A_39 = arith.addf %get3A_32, %reshape3A : vector<1x1xf32>
    %swap3A_40 = arith.constant 0 : index
    %swap3A_41 = arith.constant 0 : index
    %swap3A_42 = vector.load %arg7[%swap3A_40, %swap3A_41] : memref<1x1xf32, #tpu.memory_space<vmem>>, vector<1x1xf32>
    tpu.vector_store %arg7[%swap3A_40, %swap3A_41], %add3A_39 {strides = array<i32>} : memref<1x1xf32, #tpu.memory_space<vmem>>, vector<1x1xf32>,
    return
  }
  func.func @transform_0(%arg0: i32) -> (i32, i32) {
    %c0_i32 = arith.constant 0 : i32
    %c0_i32_0 = arith.constant 0 : i32
    return %arg0, %c0_i32 : i32, i32
  }
  func.func @transform_1(%arg0: i32) -> (i32, i32) {
    %c0_i32 = arith.constant 0 : i32
    %c0_i32_0 = arith.constant 0 : i32
    %c0_i32_1 = arith.constant 0 : i32
    return %c0_i32, %c0_i32_0 : i32, i32
  }
  func.func @transform_2(%arg0: i32) -> (i32, i32, i32) {
    %c0_i32 = arith.constant 0 : i32
    %c0_i32_0 = arith.constant 0 : i32
    %c0_i32_1 = arith.constant 0 : i32
    return %c0_i32, %arg0, %c0_i32_0 : i32, i32, i32
  }
  func.func @transform_3(%arg0: i32) -> (i32, i32) {
    %c0_i32 = arith.constant 0 : i32
    %c0_i32_0 = arith.constant 0 : i32
    return %arg0, %c0_i32 : i32, i32
  }
  func.func @transform_4(%arg0: i32) -> (i32, i32) {
    %c0_i32 = arith.constant 0 : i32
    %c0_i32_0 = arith.constant 0 : i32
    return %arg0, %c0_i32 : i32, i32
  }
  func.func @transform_5(%arg0: i32) -> (i32, i32) {
    %c0_i32 = arith.constant 0 : i32
    %c0_i32_0 = arith.constant 0 : i32
    return %arg0, %c0_i32 : i32, i32
  }
  func.func @transform_6(%arg0: i32) -> (i32, i32) {
    %c0_i32 = arith.constant 0 : i32
    %c0_i32_0 = arith.constant 0 : i32
    %c0_i32_1 = arith.constant 0 : i32
    return %c0_i32, %c0_i32_0 : i32, i32
  }
}

module attributes {stable_mosaic.version = 14 : i64} {
  func.func @_tc_relu_body(%arg0: i32, %arg1: memref<2x1000x112xf32, #tpu.memory_space<vmem>>, %arg2: memref<1000x112xf32, #tpu.memory_space<vmem>>, %arg3: memref<1000x1xf32, #tpu.memory_space<vmem>>, %arg4: memref<1x112xf32, #tpu.memory_space<vmem>>, %arg5: memref<1000x112xf32, #tpu.memory_space<vmem>>) attributes {dimension_semantics = [#tpu.dimension_semantics<arbitrary>], iteration_bounds = array<i64: 10>, scalar_prefetch = 0 : i64, scratch_operands = 0 : i64, tpu.core_type = #tpu.core_type<tc>, window_params = [{transform_indices = @transform_0, window_bounds = array<i64: 2, 1000, 112>}, {transform_indices = @transform_1, window_bounds = array<i64: 1000, 112>}, {transform_indices = @transform_2, window_bounds = array<i64: 1000, 1>}, {pipeline_mode = #tpu.pipeline_mode<synchronous>, transform_indices = @transform_3, window_bounds = array<i64: 1, 112>}, {transform_indices = @transform_4, window_bounds = array<i64: 1000, 112>}]} {
    %get3A = arith.constant 0 : index
    %get3A_0 = arith.constant 0 : index
    %get3A_1 = arith.constant 0 : index
    %get3A_2 = vector.load %arg1[%get3A, %get3A_0, %get3A_1] : memref<2x1000x112xf32, #tpu.memory_space<vmem>>, vector<1x1000x112xf32>
    %get3A_3 = vector.shape_cast %get3A_2 : vector<1x1000x112xf32> to vector<1000x112xf32>
    %get3A_4 = arith.constant 1 : index
    %get3A_5 = arith.constant 0 : index
    %get3A_6 = arith.constant 0 : index
    %get3A_7 = vector.load %arg1[%get3A_4, %get3A_5, %get3A_6] : memref<2x1000x112xf32, #tpu.memory_space<vmem>>, vector<1x1000x112xf32>
    %get3A_8 = vector.shape_cast %get3A_7 : vector<1x1000x112xf32> to vector<1000x112xf32>
    %add3A = arith.addf %get3A_3, %get3A_8 : vector<1000x112xf32>
    %get3A_9 = arith.constant 0 : index
    %get3A_10 = arith.constant 0 : index
    %get3A_11 = vector.load %arg2[%get3A_9, %get3A_10] : memref<1000x112xf32, #tpu.memory_space<vmem>>, vector<1000x112xf32>
    %add3A_12 = arith.addf %add3A, %get3A_11 : vector<1000x112xf32>
    %get3A_13 = arith.constant 0 : index
    %get3A_14 = arith.constant 0 : index
    %get3A_15 = vector.load %arg3[%get3A_13, %get3A_14] : memref<1000x1xf32, #tpu.memory_space<vmem>>, vector<1000x1xf32>
    %mul3A = vector.broadcast %get3A_15 : vector<1000x1xf32> to vector<1000x112xf32>
    %mul3A_16 = arith.mulf %mul3A, %add3A_12 : vector<1000x112xf32>
    %get3A_17 = arith.constant 0 : index
    %get3A_18 = arith.constant 0 : index
    %get3A_19 = vector.load %arg4[%get3A_17, %get3A_18] : memref<1x112xf32, #tpu.memory_space<vmem>>, vector<1x112xf32>
    %add3A_20 = vector.broadcast %get3A_19 : vector<1x112xf32> to vector<1000x112xf32>
    %add3A_21 = arith.addf %mul3A_16, %add3A_20 : vector<1000x112xf32>
    %max3A = arith.constant 0.000000e+00 : f32
    %max3A_22 = vector.broadcast %max3A : f32 to vector<1000x112xf32>
    %max3A_23 = arith.maximumf %add3A_21, %max3A_22 : vector<1000x112xf32>
    %swap3A = arith.constant 0 : index
    %swap3A_24 = arith.constant 0 : index
    %swap3A_25 = vector.load %arg5[%swap3A, %swap3A_24] : memref<1000x112xf32, #tpu.memory_space<vmem>>, vector<1000x112xf32>
    tpu.vector_store %arg5[%swap3A, %swap3A_24], %max3A_23 {strides = array<i32>} : memref<1000x112xf32, #tpu.memory_space<vmem>>, vector<1000x112xf32>,
    return
  }
  func.func @transform_0(%arg0: i32) -> (i32, i32, i32) {
    %c0_i32 = arith.constant 0 : i32
    %c0_i32_0 = arith.constant 0 : i32
    %c0_i32_1 = arith.constant 0 : i32
    return %c0_i32, %arg0, %c0_i32_0 : i32, i32, i32
  }
  func.func @transform_1(%arg0: i32) -> (i32, i32) {
    %c0_i32 = arith.constant 0 : i32
    %c0_i32_0 = arith.constant 0 : i32
    return %arg0, %c0_i32 : i32, i32
  }
  func.func @transform_2(%arg0: i32) -> (i32, i32) {
    %c0_i32 = arith.constant 0 : i32
    %c0_i32_0 = arith.constant 0 : i32
    return %arg0, %c0_i32 : i32, i32
  }
  func.func @transform_3(%arg0: i32) -> (i32, i32) {
    %c0_i32 = arith.constant 0 : i32
    %c0_i32_0 = arith.constant 0 : i32
    %c0_i32_1 = arith.constant 0 : i32
    return %c0_i32, %c0_i32_0 : i32, i32
  }
  func.func @transform_4(%arg0: i32) -> (i32, i32) {
    %c0_i32 = arith.constant 0 : i32
    %c0_i32_0 = arith.constant 0 : i32
    return %arg0, %c0_i32 : i32, i32
  }
}

module attributes {stable_mosaic.version = 14 : i64} {
  func.func @_tc_de_body(%arg0: i32, %arg1: i32, %arg2: memref<1000x112xf32, #tpu.memory_space<vmem>>, %arg3: memref<2x1000x112xf32, #tpu.memory_space<vmem>>, %arg4: memref<1000x1xf32, #tpu.memory_space<vmem>>, %arg5: memref<1x1xf32, #tpu.memory_space<vmem>>, %arg6: memref<16x10x112xf32, #tpu.memory_space<vmem>>, %arg7: memref<16x10x10xf32, #tpu.memory_space<vmem>>, %arg8: memref<1x1xf32, #tpu.memory_space<vmem>>, %arg9: memref<1x128xf32, #tpu.memory_space<vmem>>, %arg10: memref<1x128xf32, #tpu.memory_space<vmem>>, %arg11: memref<128x112xf32, #tpu.memory_space<vmem>>, %arg12: memref<1000x1xf32, #tpu.memory_space<vmem>>, %arg13: memref<1000x112xf32, #tpu.memory_space<vmem>>, %arg14: memref<10000x16xf32, #tpu.memory_space<vmem>>, %arg15: memref<2x128xf32, #tpu.memory_space<vmem>>) attributes {dimension_semantics = [#tpu.dimension_semantics<arbitrary>, #tpu.dimension_semantics<arbitrary>], iteration_bounds = array<i64: 2, 10>, scalar_prefetch = 0 : i64, scratch_operands = 2 : i64, tpu.core_type = #tpu.core_type<tc>, window_params = [{transform_indices = @transform_0, window_bounds = array<i64: 1000, 112>}, {transform_indices = @transform_1, window_bounds = array<i64: 2, 1000, 112>}, {transform_indices = @transform_2, window_bounds = array<i64: 1000, 1>}, {pipeline_mode = #tpu.pipeline_mode<synchronous>, transform_indices = @transform_3, window_bounds = array<i64: 1, 1>}, {pipeline_mode = #tpu.pipeline_mode<synchronous>, transform_indices = @transform_4, window_bounds = array<i64: 16, 10, 112>}, {pipeline_mode = #tpu.pipeline_mode<synchronous>, transform_indices = @transform_5, window_bounds = array<i64: 16, 10, 10>}, {pipeline_mode = #tpu.pipeline_mode<synchronous>, transform_indices = @transform_6, window_bounds = array<i64: 1, 1>}, {pipeline_mode = #tpu.pipeline_mode<synchronous>, transform_indices = @transform_7, window_bounds = array<i64: 1, 128>}, {pipeline_mode = #tpu.pipeline_mode<synchronous>, transform_indices = @transform_8, window_bounds = array<i64: 1, 128>}, {pipeline_mode = #tpu.pipeline_mode<synchronous>, transform_indices = @transform_9, window_bounds = array<i64: 128, 112>}, {transform_indices = @transform_10, window_bounds = array<i64: 1000, 1>}, {transform_indices = @transform_11, window_bounds = array<i64: 1000, 112>}]} {
    %eq3A = arith.constant 0 : i32
    %eq3A_0 = arith.cmpi eq, %arg0, %eq3A : i32
    %convert_element_type3A = arith.extui %eq3A_0 : i1 to i32
    %cond3A = arith.constant 0 : i32
    %cond3A_1 = arith.cmpi ne, %convert_element_type3A, %cond3A : i32
    scf.if %cond3A_1 {
      %get3A = arith.constant 0 : index
      %get3A_7 = arith.constant 0 : index
      %get3A_8 = vector.load %arg4[%get3A, %get3A_7] : memref<1000x1xf32, #tpu.memory_space<vmem>>, vector<1000x1xf32>
      %max3A = arith.constant 1.000000e+00 : f32
      %max3A_9 = vector.broadcast %max3A : f32 to vector<1000x1xf32>
      %max3A_10 = arith.maximumf %get3A_8, %max3A_9 : vector<1000x1xf32>
      %get3A_11 = arith.constant 0 : index
      %get3A_12 = arith.constant 0 : index
      %get3A_13 = arith.constant 0 : index
      %get3A_14 = vector.load %arg3[%get3A_11, %get3A_12, %get3A_13] : memref<2x1000x112xf32, #tpu.memory_space<vmem>>, vector<1x1000x112xf32>
      %get3A_15 = vector.shape_cast %get3A_14 : vector<1x1000x112xf32> to vector<1000x112xf32>
      %get3A_16 = arith.constant 1 : index
      %get3A_17 = arith.constant 0 : index
      %get3A_18 = arith.constant 0 : index
      %get3A_19 = vector.load %arg3[%get3A_16, %get3A_17, %get3A_18] : memref<2x1000x112xf32, #tpu.memory_space<vmem>>, vector<1x1000x112xf32>
      %get3A_20 = vector.shape_cast %get3A_19 : vector<1x1000x112xf32> to vector<1000x112xf32>
      %add3A = arith.addf %get3A_15, %get3A_20 : vector<1000x112xf32>
      %div3A = vector.broadcast %max3A_10 : vector<1000x1xf32> to vector<1000x112xf32>
      %div3A_21 = arith.divf %add3A, %div3A : vector<1000x112xf32>
      %get3A_22 = arith.constant 0 : index
      %get3A_23 = arith.constant 0 : index
      %get3A_24 = arith.constant 0 : index
      %get3A_25 = vector.load %arg6[%get3A_22, %get3A_23, %get3A_24] : memref<16x10x112xf32, #tpu.memory_space<vmem>>, vector<16x10x112xf32>
      %reduce_sum3A = arith.constant dense<0.000000e+00> : vector<16x112xf32>
      %reduce_sum3A_26 = vector.multi_reduction <add>, %get3A_25, %reduce_sum3A [1] : vector<16x10x112xf32> to vector<16x112xf32>
      %div3A_27 = arith.constant 1.000000e+01 : f32
      %div3A_28 = vector.broadcast %div3A_27 : f32 to vector<16x112xf32>
      %div3A_29 = arith.divf %reduce_sum3A_26, %div3A_28 : vector<16x112xf32>
      %mul3A = arith.mulf %get3A_25, %get3A_25 : vector<16x10x112xf32>
      %reduce_sum3A_30 = arith.constant dense<0.000000e+00> : vector<16x10xf32>
      %reduce_sum3A_31 = vector.multi_reduction <add>, %mul3A, %reduce_sum3A_30 [2] : vector<16x10x112xf32> to vector<16x10xf32>
      %reduce_sum3A_32 = arith.constant dense<0.000000e+00> : vector<16xf32>
      %reduce_sum3A_33 = vector.multi_reduction <add>, %reduce_sum3A_31, %reduce_sum3A_32 [1] : vector<16x10xf32> to vector<16xf32>
      %div3A_34 = arith.constant 1.000000e+01 : f32
      %div3A_35 = vector.broadcast %div3A_34 : f32 to vector<16xf32>
      %div3A_36 = arith.divf %reduce_sum3A_33, %div3A_35 : vector<16xf32>
      %dot_general3A = arith.constant dense<0.000000e+00> : vector<1000x16xf32>
      %dot_general3A_37 = tpu.matmul %div3A_21, %div3A_29, %dot_general3A {dimension_numbers = #tpu.dot_dimension_numbers<[1], [1], [0], [0], [0, 0, 1, 0], [], []>, precision = #tpu.contract_precision<fp32>, transpose_lhs_hint = false} : vector<1000x112xf32>, vector<16x112xf32>, vector<1000x16xf32> -> vector<1000x16xf32>
      %mul3A_38 = arith.mulf %div3A_21, %div3A_21 : vector<1000x112xf32>
      %reduce_sum3A_39 = arith.constant dense<0.000000e+00> : vector<1000xf32>
      %reduce_sum3A_40 = vector.multi_reduction <add>, %mul3A_38, %reduce_sum3A_39 [1] : vector<1000x112xf32> to vector<1000xf32>
      %broadcast_in_dim3A = vector.shape_cast %reduce_sum3A_40 : vector<1000xf32> to vector<1000x1xf32>
      %mul3A_41 = arith.constant 2.000000e+00 : f32
      %mul3A_42 = vector.broadcast %mul3A_41 : f32 to vector<1000x16xf32>
      %mul3A_43 = arith.mulf %mul3A_42, %dot_general3A_37 : vector<1000x16xf32>
      %sub3A = vector.broadcast %broadcast_in_dim3A : vector<1000x1xf32> to vector<1000x16xf32>
      %sub3A_44 = arith.subf %sub3A, %mul3A_43 : vector<1000x16xf32>
      %broadcast_in_dim3A_45 = vector.shape_cast %div3A_36 : vector<16xf32> to vector<1x16xf32>
      %add3A_46 = vector.broadcast %broadcast_in_dim3A_45 : vector<1x16xf32> to vector<1000x16xf32>
      %add3A_47 = arith.addf %sub3A_44, %add3A_46 : vector<1000x16xf32>
      %get3A_48 = arith.constant 0 : index
      %get3A_49 = arith.constant 0 : index
      %get3A_50 = arith.constant 0 : index
      %get3A_51 = vector.load %arg7[%get3A_48, %get3A_49, %get3A_50] : memref<16x10x10xf32, #tpu.memory_space<vmem>>, vector<16x10x10xf32>
      %reduce_sum3A_52 = arith.constant dense<0.000000e+00> : vector<16xf32>
      %reduce_sum3A_53 = vector.multi_reduction <add>, %get3A_51, %reduce_sum3A_52 [1, 2] : vector<16x10x10xf32> to vector<16xf32>
      %div3A_54 = arith.constant 1.000000e+02 : f32
      %div3A_55 = vector.broadcast %div3A_54 : f32 to vector<16xf32>
      %div3A_56 = arith.divf %reduce_sum3A_53, %div3A_55 : vector<16xf32>
      %get3A_57 = arith.constant 0 : index
      %get3A_58 = arith.constant 0 : index
      %get3A_59 = vector.load %arg5[%get3A_57, %get3A_58] : memref<1x1xf32, #tpu.memory_space<vmem>>, vector<1x1xf32>
      %get3A_60 = vector.extract %get3A_59[0, 0] : f32 from vector<1x1xf32>
      %div3A_61 = arith.constant 1.000000e+04 : f32
      %div3A_62 = arith.divf %div3A_61, %get3A_60 : f32
      %mul3A_63 = vector.broadcast %div3A_62 : f32 to vector<1000x1xf32>
      %mul3A_64 = arith.mulf %get3A_8, %mul3A_63 : vector<1000x1xf32>
      %broadcast_in_dim3A_65 = vector.shape_cast %div3A_56 : vector<16xf32> to vector<1x16xf32>
      %sub3A_66 = vector.broadcast %mul3A_64 : vector<1000x1xf32> to vector<1000x16xf32>
      %sub3A_67 = vector.broadcast %broadcast_in_dim3A_65 : vector<1x16xf32> to vector<1000x16xf32>
      %sub3A_68 = arith.subf %sub3A_66, %sub3A_67 : vector<1000x16xf32>
      %integer_pow3A = arith.mulf %sub3A_68, %sub3A_68 : vector<1000x16xf32>
      %get3A_69 = arith.constant 0 : index
      %get3A_70 = arith.constant 0 : index
      %get3A_71 = vector.load %arg8[%get3A_69, %get3A_70] : memref<1x1xf32, #tpu.memory_space<vmem>>, vector<1x1xf32>
      %get3A_72 = vector.extract %get3A_71[0, 0] : f32 from vector<1x1xf32>
      %logistic3A = arith.negf %get3A_72 : f32
      %logistic3A_73 = math.exp %logistic3A : f32
      %logistic3A_74 = arith.constant 1.000000e+00 : f32
      %logistic3A_75 = arith.addf %logistic3A_74, %logistic3A_73 : f32
      %logistic3A_76 = arith.divf %logistic3A_74, %logistic3A_75 : f32
      %mul3A_77 = vector.broadcast %logistic3A_76 : f32 to vector<1000x16xf32>
      %mul3A_78 = arith.mulf %mul3A_77, %add3A_47 : vector<1000x16xf32>
      %sub3A_79 = arith.constant 1.000000e+00 : f32
      %sub3A_80 = arith.subf %sub3A_79, %logistic3A_76 : f32
      %mul3A_81 = vector.broadcast %sub3A_80 : f32 to vector<1000x16xf32>
      %mul3A_82 = arith.mulf %mul3A_81, %integer_pow3A : vector<1000x16xf32>
      %add3A_83 = arith.addf %mul3A_78, %mul3A_82 : vector<1000x16xf32>
      %neg3A = arith.constant 0.000000e+00 : f32
      %neg3A_84 = vector.broadcast %neg3A : f32 to vector<1000x16xf32>
      %neg3A_85 = arith.subf %neg3A_84, %add3A_83 : vector<1000x16xf32>
      %exp3A = math.exp %neg3A_85 : vector<1000x16xf32>
      %mul3A_86 = arith.constant 1000 : i32
      %mul3A_87 = arith.muli %arg1, %mul3A_86 : i32
      %swap3A = arith.index_cast %mul3A_87 : i32 to index
      %swap3A_88 = arith.constant 0 : index
      %swap3A_89 = vector.load %arg14[%swap3A, %swap3A_88] : memref<10000x16xf32, #tpu.memory_space<vmem>>, vector<1000x16xf32>
      tpu.vector_store %arg14[%swap3A, %swap3A_88], %exp3A {strides = array<i32>} : memref<10000x16xf32, #tpu.memory_space<vmem>>, vector<1000x16xf32>,
      %get3A_90 = arith.constant 0 : index
      %get3A_91 = arith.constant 0 : index
      %get3A_92 = vector.load %arg2[%get3A_90, %get3A_91] : memref<1000x112xf32, #tpu.memory_space<vmem>>, vector<1000x112xf32>
      %reduce_sum3A_93 = arith.constant dense<0.000000e+00> : vector<112xf32>
      %reduce_sum3A_94 = vector.multi_reduction <add>, %get3A_92, %reduce_sum3A_93 [0] : vector<1000x112xf32> to vector<112xf32>
      %reduce_sum3A_95 = arith.constant dense<0.000000e+00> : vector<16xf32>
      %reduce_sum3A_96 = vector.multi_reduction <add>, %exp3A, %reduce_sum3A_95 [0] : vector<1000x16xf32> to vector<16xf32>
      %concatenate3A = tpu.concatenate %reduce_sum3A_94, %reduce_sum3A_96 in 0 : vector<112xf32>, vector<16xf32> -> vector<128xf32>
      %mul3A_97 = arith.mulf %get3A_92, %get3A_92 : vector<1000x112xf32>
      %reduce_sum3A_98 = arith.constant dense<0.000000e+00> : vector<112xf32>
      %reduce_sum3A_99 = vector.multi_reduction <add>, %mul3A_97, %reduce_sum3A_98 [0] : vector<1000x112xf32> to vector<112xf32>
      %mul3A_100 = arith.mulf %exp3A, %exp3A : vector<1000x16xf32>
      %reduce_sum3A_101 = arith.constant dense<0.000000e+00> : vector<16xf32>
      %reduce_sum3A_102 = vector.multi_reduction <add>, %mul3A_100, %reduce_sum3A_101 [0] : vector<1000x16xf32> to vector<16xf32>
      %concatenate3A_103 = tpu.concatenate %reduce_sum3A_99, %reduce_sum3A_102 in 0 : vector<112xf32>, vector<16xf32> -> vector<128xf32>
      %eq3A_104 = arith.constant 0 : i32
      %eq3A_105 = arith.cmpi eq, %arg1, %eq3A_104 : i32
      %convert_element_type3A_106 = arith.extui %eq3A_105 : i1 to i32
      %cond3A_107 = arith.constant 0 : i32
      %cond3A_108 = arith.cmpi ne, %convert_element_type3A_106, %cond3A_107 : i32
      scf.if %cond3A_108 {
        %broadcast_in_dim3A_118 = arith.constant 0.000000e+00 : f32
        %broadcast_in_dim3A_119 = vector.broadcast %broadcast_in_dim3A_118 : f32 to vector<2x128xf32>
        %swap3A_120 = arith.constant 0 : index
        %swap3A_121 = arith.constant 0 : index
        %swap3A_122 = vector.load %arg15[%swap3A_120, %swap3A_121] : memref<2x128xf32, #tpu.memory_space<vmem>>, vector<2x128xf32>
        tpu.vector_store %arg15[%swap3A_120, %swap3A_121], %broadcast_in_dim3A_119 {strides = array<i32>} : memref<2x128xf32, #tpu.memory_space<vmem>>, vector<2x128xf32>,
      } else {
      }
      %get3A_109 = arith.constant 0 : index
      %get3A_110 = arith.constant 0 : index
      %get3A_111 = vector.load %arg15[%get3A_109, %get3A_110] : memref<2x128xf32, #tpu.memory_space<vmem>>, vector<2x128xf32>
      %stack3A = vector.shape_cast %concatenate3A : vector<128xf32> to vector<1x128xf32>
      %stack3A_112 = vector.shape_cast %concatenate3A_103 : vector<128xf32> to vector<1x128xf32>
      %stack3A_113 = tpu.concatenate %stack3A, %stack3A_112 in 0 : vector<1x128xf32>, vector<1x128xf32> -> vector<2x128xf32>
      %add3A_114 = arith.addf %get3A_111, %stack3A_113 : vector<2x128xf32>
      %swap3A_115 = arith.constant 0 : index
      %swap3A_116 = arith.constant 0 : index
      %swap3A_117 = vector.load %arg15[%swap3A_115, %swap3A_116] : memref<2x128xf32, #tpu.memory_space<vmem>>, vector<2x128xf32>
      tpu.vector_store %arg15[%swap3A_115, %swap3A_116], %add3A_114 {strides = array<i32>} : memref<2x128xf32, #tpu.memory_space<vmem>>, vector<2x128xf32>,
    } else {
    }
    %eq3A_2 = arith.constant 1 : i32
    %eq3A_3 = arith.cmpi eq, %arg0, %eq3A_2 : i32
    %convert_element_type3A_4 = arith.extui %eq3A_3 : i1 to i32
    %cond3A_5 = arith.constant 0 : i32
    %cond3A_6 = arith.cmpi ne, %convert_element_type3A_4, %cond3A_5 : i32
    scf.if %cond3A_6 {
      %get3A = arith.constant 0 : index
      %get3A_7 = arith.constant 0 : index
      %get3A_8 = vector.load %arg15[%get3A, %get3A_7] : memref<2x128xf32, #tpu.memory_space<vmem>>, vector<1x128xf32>
      %div3A = arith.constant 1.000000e+04 : f32
      %div3A_9 = vector.broadcast %div3A : f32 to vector<1x128xf32>
      %div3A_10 = arith.divf %get3A_8, %div3A_9 : vector<1x128xf32>
      %get3A_11 = arith.constant 1 : index
      %get3A_12 = arith.constant 0 : index
      %get3A_13 = vector.load %arg15[%get3A_11, %get3A_12] : memref<2x128xf32, #tpu.memory_space<vmem>>, vector<1x128xf32>
      %div3A_14 = arith.constant 1.000000e+04 : f32
      %div3A_15 = vector.broadcast %div3A_14 : f32 to vector<1x128xf32>
      %div3A_16 = arith.divf %get3A_13, %div3A_15 : vector<1x128xf32>
      %mul3A = arith.mulf %div3A_10, %div3A_10 : vector<1x128xf32>
      %sub3A = arith.subf %div3A_16, %mul3A : vector<1x128xf32>
      %add3A = arith.constant 9.99999974E-6 : f32
      %add3A_17 = vector.broadcast %add3A : f32 to vector<1x128xf32>
      %add3A_18 = arith.addf %sub3A, %add3A_17 : vector<1x128xf32>
      %rsqrt3A = math.rsqrt %add3A_18 : vector<1x128xf32>
      %get3A_19 = arith.constant 0 : index
      %get3A_20 = arith.constant 0 : index
      %get3A_21 = vector.load %arg9[%get3A_19, %get3A_20] : memref<1x128xf32, #tpu.memory_space<vmem>>, vector<1x128xf32>
      %mul3A_22 = arith.mulf %rsqrt3A, %get3A_21 : vector<1x128xf32>
      %get3A_23 = arith.constant 0 : index
      %get3A_24 = arith.constant 0 : index
      %get3A_25 = vector.load %arg10[%get3A_23, %get3A_24] : memref<1x128xf32, #tpu.memory_space<vmem>>, vector<1x128xf32>
      %mul3A_26 = arith.mulf %div3A_10, %mul3A_22 : vector<1x128xf32>
      %sub3A_27 = arith.subf %get3A_25, %mul3A_26 : vector<1x128xf32>
      %get3A_28 = arith.constant 0 : index
      %get3A_29 = arith.constant 0 : index
      %get3A_30 = vector.load %arg2[%get3A_28, %get3A_29] : memref<1000x112xf32, #tpu.memory_space<vmem>>, vector<1000x112xf32>
      %mul3A_31 = arith.constant 1000 : i32
      %mul3A_32 = arith.muli %arg1, %mul3A_31 : i32
      %get3A_33 = arith.index_cast %mul3A_32 : i32 to index
      %get3A_34 = arith.constant 0 : index
      %get3A_35 = vector.load %arg14[%get3A_33, %get3A_34] : memref<10000x16xf32, #tpu.memory_space<vmem>>, vector<1000x16xf32>
      %concatenate3A = tpu.concatenate %get3A_30, %get3A_35 in 1 : vector<1000x112xf32>, vector<1000x16xf32> -> vector<1000x128xf32>
      %mul3A_36 = vector.broadcast %mul3A_22 : vector<1x128xf32> to vector<1000x128xf32>
      %mul3A_37 = arith.mulf %concatenate3A, %mul3A_36 : vector<1000x128xf32>
      %add3A_38 = vector.broadcast %sub3A_27 : vector<1x128xf32> to vector<1000x128xf32>
      %add3A_39 = arith.addf %mul3A_37, %add3A_38 : vector<1000x128xf32>
      %get3A_40 = arith.constant 0 : index
      %get3A_41 = arith.constant 0 : index
      %get3A_42 = vector.load %arg11[%get3A_40, %get3A_41] : memref<128x112xf32, #tpu.memory_space<vmem>>, vector<128x112xf32>
      %dot_general3A = arith.constant dense<0.000000e+00> : vector<1000x112xf32>
      %dot_general3A_43 = tpu.matmul %add3A_39, %get3A_42, %dot_general3A {dimension_numbers = #tpu.dot_dimension_numbers<[1], [0], [0], [1], [0, 0, 1, 1], [], []>, precision = #tpu.contract_precision<fp32>, transpose_lhs_hint = false} : vector<1000x128xf32>, vector<128x112xf32>, vector<1000x112xf32> -> vector<1000x112xf32>
      %get3A_44 = arith.constant 0 : index
      %get3A_45 = arith.constant 0 : index
      %get3A_46 = vector.load %arg12[%get3A_44, %get3A_45] : memref<1000x1xf32, #tpu.memory_space<vmem>>, vector<1000x1xf32>
      %mul3A_47 = vector.broadcast %get3A_46 : vector<1000x1xf32> to vector<1000x112xf32>
      %mul3A_48 = arith.mulf %dot_general3A_43, %mul3A_47 : vector<1000x112xf32>
      %swap3A = arith.constant 0 : index
      %swap3A_49 = arith.constant 0 : index
      %swap3A_50 = vector.load %arg13[%swap3A, %swap3A_49] : memref<1000x112xf32, #tpu.memory_space<vmem>>, vector<1000x112xf32>
      tpu.vector_store %arg13[%swap3A, %swap3A_49], %mul3A_48 {strides = array<i32>} : memref<1000x112xf32, #tpu.memory_space<vmem>>, vector<1000x112xf32>,
    } else {
    }
    return
  }
  func.func @transform_0(%arg0: i32, %arg1: i32) -> (i32, i32) {
    %c0_i32 = arith.constant 0 : i32
    %c0_i32_0 = arith.constant 0 : i32
    return %arg1, %c0_i32 : i32, i32
  }
  func.func @transform_1(%arg0: i32, %arg1: i32) -> (i32, i32, i32) {
    %c0_i32 = arith.constant 0 : i32
    %c0_i32_0 = arith.constant 0 : i32
    %c0_i32_1 = arith.constant 0 : i32
    return %c0_i32, %arg1, %c0_i32_0 : i32, i32, i32
  }
  func.func @transform_2(%arg0: i32, %arg1: i32) -> (i32, i32) {
    %c0_i32 = arith.constant 0 : i32
    %c0_i32_0 = arith.constant 0 : i32
    return %arg1, %c0_i32 : i32, i32
  }
  func.func @transform_3(%arg0: i32, %arg1: i32) -> (i32, i32) {
    %c0_i32 = arith.constant 0 : i32
    %c0_i32_0 = arith.constant 0 : i32
    %c0_i32_1 = arith.constant 0 : i32
    return %c0_i32, %c0_i32_0 : i32, i32
  }
  func.func @transform_4(%arg0: i32, %arg1: i32) -> (i32, i32, i32) {
    %c0_i32 = arith.constant 0 : i32
    %c0_i32_0 = arith.constant 0 : i32
    %c0_i32_1 = arith.constant 0 : i32
    %c0_i32_2 = arith.constant 0 : i32
    return %c0_i32, %c0_i32_0, %c0_i32_1 : i32, i32, i32
  }
  func.func @transform_5(%arg0: i32, %arg1: i32) -> (i32, i32, i32) {
    %c0_i32 = arith.constant 0 : i32
    %c0_i32_0 = arith.constant 0 : i32
    %c0_i32_1 = arith.constant 0 : i32
    %c0_i32_2 = arith.constant 0 : i32
    return %c0_i32, %c0_i32_0, %c0_i32_1 : i32, i32, i32
  }
  func.func @transform_6(%arg0: i32, %arg1: i32) -> (i32, i32) {
    %c0_i32 = arith.constant 0 : i32
    %c0_i32_0 = arith.constant 0 : i32
    %c0_i32_1 = arith.constant 0 : i32
    return %c0_i32, %c0_i32_0 : i32, i32
  }
  func.func @transform_7(%arg0: i32, %arg1: i32) -> (i32, i32) {
    %c0_i32 = arith.constant 0 : i32
    %c0_i32_0 = arith.constant 0 : i32
    %c0_i32_1 = arith.constant 0 : i32
    return %c0_i32, %c0_i32_0 : i32, i32
  }
  func.func @transform_8(%arg0: i32, %arg1: i32) -> (i32, i32) {
    %c0_i32 = arith.constant 0 : i32
    %c0_i32_0 = arith.constant 0 : i32
    %c0_i32_1 = arith.constant 0 : i32
    return %c0_i32, %c0_i32_0 : i32, i32
  }
  func.func @transform_9(%arg0: i32, %arg1: i32) -> (i32, i32) {
    %c0_i32 = arith.constant 0 : i32
    %c0_i32_0 = arith.constant 0 : i32
    %c0_i32_1 = arith.constant 0 : i32
    return %c0_i32, %c0_i32_0 : i32, i32
  }
  func.func @transform_10(%arg0: i32, %arg1: i32) -> (i32, i32) {
    %c0_i32 = arith.constant 0 : i32
    %c0_i32_0 = arith.constant 0 : i32
    return %arg1, %c0_i32 : i32, i32
  }
  func.func @transform_11(%arg0: i32, %arg1: i32) -> (i32, i32) {
    %c0_i32 = arith.constant 0 : i32
    %c0_i32_0 = arith.constant 0 : i32
    return %arg1, %c0_i32 : i32, i32
  }
}

module attributes {stable_mosaic.version = 14 : i64} {
  func.func @_tc_final_body(%arg0: i32, %arg1: memref<2x1000x112xf32, #tpu.memory_space<vmem>>, %arg2: memref<1000x112xf32, #tpu.memory_space<vmem>>, %arg3: memref<1000x1xf32, #tpu.memory_space<vmem>>, %arg4: memref<1x112xf32, #tpu.memory_space<vmem>>, %arg5: memref<112x8xf32, #tpu.memory_space<vmem>>, %arg6: memref<1x8xf32, #tpu.memory_space<vmem>>, %arg7: memref<1000x8xf32, #tpu.memory_space<vmem>>, %arg8: memref<1000x112xf32, #tpu.memory_space<vmem>>) attributes {dimension_semantics = [#tpu.dimension_semantics<arbitrary>], iteration_bounds = array<i64: 10>, scalar_prefetch = 0 : i64, scratch_operands = 0 : i64, tpu.core_type = #tpu.core_type<tc>, window_params = [{transform_indices = @transform_0, window_bounds = array<i64: 2, 1000, 112>}, {transform_indices = @transform_1, window_bounds = array<i64: 1000, 112>}, {transform_indices = @transform_2, window_bounds = array<i64: 1000, 1>}, {pipeline_mode = #tpu.pipeline_mode<synchronous>, transform_indices = @transform_3, window_bounds = array<i64: 1, 112>}, {pipeline_mode = #tpu.pipeline_mode<synchronous>, transform_indices = @transform_4, window_bounds = array<i64: 112, 8>}, {pipeline_mode = #tpu.pipeline_mode<synchronous>, transform_indices = @transform_5, window_bounds = array<i64: 1, 8>}, {transform_indices = @transform_6, window_bounds = array<i64: 1000, 8>}, {transform_indices = @transform_7, window_bounds = array<i64: 1000, 112>}]} {
    %get3A = arith.constant 0 : index
    %get3A_0 = arith.constant 0 : index
    %get3A_1 = arith.constant 0 : index
    %get3A_2 = vector.load %arg1[%get3A, %get3A_0, %get3A_1] : memref<2x1000x112xf32, #tpu.memory_space<vmem>>, vector<1x1000x112xf32>
    %get3A_3 = vector.shape_cast %get3A_2 : vector<1x1000x112xf32> to vector<1000x112xf32>
    %get3A_4 = arith.constant 1 : index
    %get3A_5 = arith.constant 0 : index
    %get3A_6 = arith.constant 0 : index
    %get3A_7 = vector.load %arg1[%get3A_4, %get3A_5, %get3A_6] : memref<2x1000x112xf32, #tpu.memory_space<vmem>>, vector<1x1000x112xf32>
    %get3A_8 = vector.shape_cast %get3A_7 : vector<1x1000x112xf32> to vector<1000x112xf32>
    %add3A = arith.addf %get3A_3, %get3A_8 : vector<1000x112xf32>
    %get3A_9 = arith.constant 0 : index
    %get3A_10 = arith.constant 0 : index
    %get3A_11 = vector.load %arg2[%get3A_9, %get3A_10] : memref<1000x112xf32, #tpu.memory_space<vmem>>, vector<1000x112xf32>
    %add3A_12 = arith.addf %add3A, %get3A_11 : vector<1000x112xf32>
    %get3A_13 = arith.constant 0 : index
    %get3A_14 = arith.constant 0 : index
    %get3A_15 = vector.load %arg3[%get3A_13, %get3A_14] : memref<1000x1xf32, #tpu.memory_space<vmem>>, vector<1000x1xf32>
    %mul3A = vector.broadcast %get3A_15 : vector<1000x1xf32> to vector<1000x112xf32>
    %mul3A_16 = arith.mulf %mul3A, %add3A_12 : vector<1000x112xf32>
    %get3A_17 = arith.constant 0 : index
    %get3A_18 = arith.constant 0 : index
    %get3A_19 = vector.load %arg4[%get3A_17, %get3A_18] : memref<1x112xf32, #tpu.memory_space<vmem>>, vector<1x112xf32>
    %add3A_20 = vector.broadcast %get3A_19 : vector<1x112xf32> to vector<1000x112xf32>
    %add3A_21 = arith.addf %mul3A_16, %add3A_20 : vector<1000x112xf32>
    %max3A = arith.constant 0.000000e+00 : f32
    %max3A_22 = vector.broadcast %max3A : f32 to vector<1000x112xf32>
    %max3A_23 = arith.maximumf %add3A_21, %max3A_22 : vector<1000x112xf32>
    %swap3A = arith.constant 0 : index
    %swap3A_24 = arith.constant 0 : index
    %swap3A_25 = vector.load %arg8[%swap3A, %swap3A_24] : memref<1000x112xf32, #tpu.memory_space<vmem>>, vector<1000x112xf32>
    tpu.vector_store %arg8[%swap3A, %swap3A_24], %max3A_23 {strides = array<i32>} : memref<1000x112xf32, #tpu.memory_space<vmem>>, vector<1000x112xf32>,
    %get3A_26 = arith.constant 0 : index
    %get3A_27 = arith.constant 0 : index
    %get3A_28 = vector.load %arg5[%get3A_26, %get3A_27] : memref<112x8xf32, #tpu.memory_space<vmem>>, vector<112x8xf32>
    %dot_general3A = arith.constant dense<0.000000e+00> : vector<1000x8xf32>
    %dot_general3A_29 = tpu.matmul %max3A_23, %get3A_28, %dot_general3A {dimension_numbers = #tpu.dot_dimension_numbers<[1], [0], [0], [1], [0, 0, 1, 1], [], []>, precision = #tpu.contract_precision<fp32>, transpose_lhs_hint = false} : vector<1000x112xf32>, vector<112x8xf32>, vector<1000x8xf32> -> vector<1000x8xf32>
    %get3A_30 = arith.constant 0 : index
    %get3A_31 = arith.constant 0 : index
    %get3A_32 = vector.load %arg6[%get3A_30, %get3A_31] : memref<1x8xf32, #tpu.memory_space<vmem>>, vector<1x8xf32>
    %add3A_33 = vector.broadcast %get3A_32 : vector<1x8xf32> to vector<1000x8xf32>
    %add3A_34 = arith.addf %dot_general3A_29, %add3A_33 : vector<1000x8xf32>
    %swap3A_35 = arith.constant 0 : index
    %swap3A_36 = arith.constant 0 : index
    %swap3A_37 = vector.load %arg7[%swap3A_35, %swap3A_36] : memref<1000x8xf32, #tpu.memory_space<vmem>>, vector<1000x8xf32>
    tpu.vector_store %arg7[%swap3A_35, %swap3A_36], %add3A_34 {strides = array<i32>} : memref<1000x8xf32, #tpu.memory_space<vmem>>, vector<1000x8xf32>,
    return
  }
  func.func @transform_0(%arg0: i32) -> (i32, i32, i32) {
    %c0_i32 = arith.constant 0 : i32
    %c0_i32_0 = arith.constant 0 : i32
    %c0_i32_1 = arith.constant 0 : i32
    return %c0_i32, %arg0, %c0_i32_0 : i32, i32, i32
  }
  func.func @transform_1(%arg0: i32) -> (i32, i32) {
    %c0_i32 = arith.constant 0 : i32
    %c0_i32_0 = arith.constant 0 : i32
    return %arg0, %c0_i32 : i32, i32
  }
  func.func @transform_2(%arg0: i32) -> (i32, i32) {
    %c0_i32 = arith.constant 0 : i32
    %c0_i32_0 = arith.constant 0 : i32
    return %arg0, %c0_i32 : i32, i32
  }
  func.func @transform_3(%arg0: i32) -> (i32, i32) {
    %c0_i32 = arith.constant 0 : i32
    %c0_i32_0 = arith.constant 0 : i32
    %c0_i32_1 = arith.constant 0 : i32
    return %c0_i32, %c0_i32_0 : i32, i32
  }
  func.func @transform_4(%arg0: i32) -> (i32, i32) {
    %c0_i32 = arith.constant 0 : i32
    %c0_i32_0 = arith.constant 0 : i32
    %c0_i32_1 = arith.constant 0 : i32
    return %c0_i32, %c0_i32_0 : i32, i32
  }
  func.func @transform_5(%arg0: i32) -> (i32, i32) {
    %c0_i32 = arith.constant 0 : i32
    %c0_i32_0 = arith.constant 0 : i32
    %c0_i32_1 = arith.constant 0 : i32
    return %c0_i32, %c0_i32_0 : i32, i32
  }
  func.func @transform_6(%arg0: i32) -> (i32, i32) {
    %c0_i32 = arith.constant 0 : i32
    %c0_i32_0 = arith.constant 0 : i32
    return %arg0, %c0_i32 : i32, i32
  }
  func.func @transform_7(%arg0: i32) -> (i32, i32) {
    %c0_i32 = arith.constant 0 : i32
    %c0_i32_0 = arith.constant 0 : i32
    return %arg0, %c0_i32 : i32, i32
  }
}

</mosaic_0001>

<sc_bundles>
// kernel: kernel.10.cloned.1.call-start
scs
__scs_entry_jumppad:
0x0: {  	(pc) =	sbr.rel $0x88, $3  }
0x1: {  	(tag) =	ssettag $0x0;
	lr =	simm.s32 $0x1  }
0x2: {  	[smem:$0x3F94] =	sst lr;
	_ =	strace $0xD0000000  }
0x3: {  	_ = 	snop  }
0x4: {  	_ = 	snop  }
0x5: {  	_ = 	snop  }
0x6: {  	_ = 	snop  }
0x7: {  	_ = 	snop  }
__scs_overlays_trampoline_lowered:
0x8: {  	[smem:$0x3FA3] =	sst s0  }
0x9: {  	[smem:$0x3FA4] =	sst s1  }
0xa: {  	[smem:$0x3FA5] =	sst s2  }
0xb: {  	[smem:$0x3FA6] =	sst s3  }
0xc: {  	[smem:$0x3FA7] =	sst s4  }
0xd: {  	[smem:$0x3FA8] =	sst s5  }
0xe: {  	[smem:$0x3FA9] =	sst s6  }
0xf: {  	[smem:$0x3FAA] =	sst s7  }
0x10: {  	[smem:$0x3FAB] =	sst s8  }
0x11: {  	[smem:$0x3FAC] =	sst s9;
	s0 =	simm.s32 @!p0 $0x0  }
0x12: {  	s1 =	sld [smem:$0x3F92];
	s0 =	simm.s32 @p0 $0x1  }
0x13: {  	[smem:$0x3FAD] =	sst s0;
	s0 =	simm.s32 @!p1 $0x0  }
0x14: {  	s2 =	sld [smem:$0x3F91];
	s0 =	simm.s32 @p1 $0x1  }
0x15: {  	[smem:$0x3FAE] =	sst s0;
	s0 =	simm.s32 @!p2 $0x0  }
0x16: {  	s3 =	sld [smem:$0x3FDB];
	s0 =	simm.s32 @p2 $0x1  }
0x17: {  	s4 =	simm.s32 $0x1BF5;
	[smem:$0x3FB0] =	sst s0  }
0x18: {  	s0 =	sld [smem:$0x3F93];
	_ =	swait.ge [sflag:s4], $0x0  }
0x19: {  	s7 =	sld [smem:$0x3F94]  }
0x1a: {  	s8 =	sadd.s32 $0xFFFFE003, lr  }
0x1b: {  	s9 =	sadd.s32 $0xFFFFFEF7, lr;
	s5 =	simm.s32 $0xFFFFFFFF;
	p2 =	slt.u32 s8, $0xFFFFF086  }
0x1c: {  	p1 =	slt.u32 s9, $0xF7A;
	s5 =	simm.s32 @!p2 $0x0  }
0x1d: {  	s5 =	simm.s32 @p1 $0x1;
	p0 =	seq.s32 s7, s2  }
0x1e: {  	s7 =	smul.u32 @!p0 $0xF7A, s2;
	p2 =	seq.s32 @!p0 s5, $0x0  }
0x1f: {  	s9 =	smul.u32 $0xF7A, s1;
	s8 =	simm.s32 @!p0 $0x1BF5;
	p2 =	por !p2, p0  }
0x20: {  	[sflag:s8] =	ssyncset.s32 @!p0 $0xFFFFF086;
	s6 =	sadd.s32 @!p0 s3, s7;
	s7 =	simm.s32 @!p0 $0x108  }
0x21: {  	s3 =	sadd.s32 s3, s9;
	s6 =	sadd.s32 @!p0 $0x88, s6;
	s7 =	simm.s32 @p2 $0x1082  }
0x22: {  	[simem:s7], [sflag:s8] =	dma.local @!p0 [hbm:s6], $0xF7A  }
0x23: {  	s9 =	sor.u32 $0xD0000000, s2;
	s6 =	simm.s32 $0x108;
	_ =	swait.ge @!p0 [sflag:s8], $0x0  }
0x24: {  	s3 =	sadd.s32 $0x88, s3;
	s6 =	simm.s32 @!p1 $0x1082;
	[sflag:s4] =	ssyncset.s32 $0xFFFFF086  }
0x25: {  	[simem:s6], [sflag:s4] =	dma.local [hbm:s3], $0xF7A  }
0x26: {  	[smem:$0x3F94] =	sst s1;
	(tag) =	ssettag s2;
	_ =	strace s9  }
0x27: {  	s1 =	sld [smem:$0x3FA4]  }
0x28: {  	s2 =	sld [smem:$0x3FA5]  }
0x29: {  	s4 =	sld [smem:$0x3FA7]  }
0x2a: {  	p0 =	seq.s32 s5, $0x0;
	s5 =	sld [smem:$0x3FA8]  }
0x2b: {  	s6 =	sld [smem:$0x3FA9]  }
0x2c: {  	s7 =	sld [smem:$0x3FAA]  }
0x2d: {  	s3 =	simm.s32 $0x108;
	s8 =	sld [smem:$0x3FAB]  }
0x2e: {  	s3 =	simm.s32 @!p0 $0x1082;
	s9 =	sld [smem:$0x3FAC]  }
0x2f: {  	lr =	sadd.s32 s0, s3;
	s0 =	sld [smem:$0x3FA3]  }
0x30: {  	s3 =	sld [smem:$0x3FA6]  }
0x31: {  	[smem:$0x3FAF] =	sst s10  }
0x32: {  	s10 =	sld [smem:$0x3FAD];
	_ =	sdelay $0x3  }
0x33: {  	p0 =	seq.s32 s10, $0x1;
	s10 =	sld [smem:$0x3FAF];
	_ =	sdelay $0x3  }
0x34: {  	[smem:$0x3FAF] =	sst s10  }
0x35: {  	s10 =	sld [smem:$0x3FAE];
	_ =	sdelay $0x3  }
0x36: {  	p1 =	seq.s32 s10, $0x1;
	s10 =	sld [smem:$0x3FAF];
	_ =	sdelay $0x3  }
0x37: {  	[smem:$0x3FAF] =	sst s10  }
0x38: {  	s10 =	sld [smem:$0x3FB0]  }
0x39: {  	_ = 	snop;
	(pc) =	sbr.ind lr, $3  }
0x3a: {  	_ = 	snop  }
0x3b: {  	_ = 	snop  }
0x3c: {  	p2 =	seq.s32 s10, $0x1;
	s10 =	sld [smem:$0x3FAF]  }
0x3d: {  	_ =	shalt  }
0x3e: {  	_ =	shalt  }
0x3f: {  	_ =	shalt  }
0x40: {  	_ =	shalt  }
0x41: {  	_ =	shalt  }
0x42: {  	_ =	shalt  }
0x43: {  	_ =	shalt  }
0x44: {  	_ =	shalt  }
0x45: {  	_ =	shalt  }
0x46: {  	_ =	shalt  }
0x47: {  	_ =	shalt  }
0x48: {  	_ =	shalt  }
0x49: {  	_ =	shalt  }
0x4a: {  	_ =	shalt  }
0x4b: {  	_ =	shalt  }
0x4c: {  	_ =	shalt  }
0x4d: {  	_ =	shalt  }
0x4e: {  	_ =	shalt  }
0x4f: {  	_ =	shalt  }
0x50: {  	_ =	shalt  }
0x51: {  	_ =	shalt  }
0x52: {  	_ =	shalt  }
0x53: {  	_ =	shalt  }
0x54: {  	_ =	shalt  }
0x55: {  	_ =	shalt  }
0x56: {  	_ =	shalt  }
0x57: {  	_ =	shalt  }
0x58: {  	_ =	shalt  }
0x59: {  	_ =	shalt  }
0x5a: {  	_ =	shalt  }
0x5b: {  	_ =	shalt  }
0x5c: {  	_ =	shalt  }
0x5d: {  	_ =	shalt  }
0x5e: {  	_ =	shalt  }
0x5f: {  	_ =	shalt  }
0x60: {  	_ =	shalt  }
0x61: {  	_ =	shalt  }
0x62: {  	_ =	shalt  }
0x63: {  	_ =	shalt  }
0x64: {  	_ =	shalt  }
0x65: {  	_ =	shalt  }
0x66: {  	_ =	shalt  }
0x67: {  	_ =	shalt  }
0x68: {  	_ =	shalt  }
0x69: {  	_ =	shalt  }
0x6a: {  	_ =	shalt  }
0x6b: {  	_ =	shalt  }
0x6c: {  	_ =	shalt  }
0x6d: {  	_ =	shalt  }
0x6e: {  	_ =	shalt  }
0x6f: {  	_ =	shalt  }
0x70: {  	_ =	shalt  }
0x71: {  	_ =	shalt  }
0x72: {  	_ =	shalt  }
0x73: {  	_ =	shalt  }
0x74: {  	_ =	shalt  }
0x75: {  	_ =	shalt  }
0x76: {  	_ =	shalt  }
0x77: {  	_ =	shalt  }
0x78: {  	_ =	shalt  }
0x79: {  	_ =	shalt  }
0x7a: {  	_ =	shalt  }
0x7b: {  	_ =	shalt  }
0x7c: {  	_ =	shalt  }
0x7d: {  	_ =	shalt  }
0x7e: {  	_ =	shalt  }
0x7f: {  	_ =	shalt  }
0x80: {  	_ =	shalt  }
0x81: {  	_ =	shalt  }
0x82: {  	_ =	shalt  }
0x83: {  	_ =	shalt  }
0x84: {  	_ =	shalt  }
0x85: {  	_ =	shalt  }
0x86: {  	_ =	shalt  }
0x87: {  	_ =	shalt  }
.Lfunc_end0:
.L_simem_size_0:
called_computation_lowered:
.L_overlay_start_0:
0x88: {  	s2 =	sld [smem:$0x3FD9]  }
0x89: {  	s3 =	sld [smem:$0x3FFE];
	_ =	sdelay $0x1  }
0x8a: {  	s1 =	srdreg.scid  }
0x8b: {  	s0 =	sand.u32 $0x1, s1  }
0x8c: {  	s14 =	sshll.u32 s0, $0xA;
	s2 =	sadd.s32 s3, s2  }
0x8d: {  	s2 =	sadd.s32 s2, s14  }
0x8e: {  	[smem:$0x3FBB] =	sst s2  }
0x8f: {  	_ = 	snop  }
0x90: {  	s2 =	sld [smem:$0x3FD0];
	_ =	sdelay $0x2  }
0x91: {  	s15 =	simm.s32 $0xA;
	s4 =	simm.s32 $0x10  }
0x92: {  	[smem:s4], [sflag:s15] =	dma.local [hbm:s2], $0x1  }
0x93: {  	_ =	swait.eq [sflag:s15], $0x1  }
0x94: {  	[sflag:s15] =	ssyncset.done $0x0  }
0x95: {  	[sflag:s15] =	ssyncadd.s32 $0xFFFFFFFF  }
0x96: {  	s16 =	sld [smem:$0x11];
	(tm) =	ssettm $0x1  }
0x97: {  	s17 =	sld [smem:$0x3FFB];
	_ =	sdelay $0x3  }
0x98: {  	_ =	strace s17  }
0x99: {  	s3 =	sld [smem:$0x3FFC];
	_ =	sdelay $0x3  }
0x9a: {  	_ =	strace s3  }
0x9b: {  	s3 =	sld [smem:$0x3FFD];
	_ =	sdelay $0x3  }
0x9c: {  	_ =	strace s3  }
0x9d: {  	_ =	strace $0x8FFFFFFF  }
0x9e: {  	s18 =	sld [smem:$0x3FDB];
	_ =	sdelay $0x1  }
0x9f: {  	s19 =	simm.s32 $_scs_section_size  }
0xa0: {  	s5 =	simm.s32 $_size__tile_overlayer_lowered;
	s6 =	simm.s32 $_tile_overlayer_lowered  }
0xa1: {  	s22 =	simm.s32 $0x1BFF;
	s21 =	sshll.u32 s6, $0x1;
	s3 =	sadd.s32 s19, s18  }
0xa2: {  	s7 =	simm.s32 $0x0;
	s20 =	sshll.u32 s5, $0x1;
	s5 =	sadd.s32 s21, s3  }
0xa3: {  	[timem:s7], [sflag:s22] =	dma.local [hbm:s5], s20  }
0xa4: {  	_ =	swait.ge [sflag:s22], s20  }
0xa5: {  	s4 =	ssub.s32 $0x0, s20;
	[sflag:s22] =	ssyncset.done $0x0  }
0xa6: {  	[sflag:s22] =	ssyncadd.s32 s4;
	_ =	sdelay $0x1  }
0xa7: {  	s23 =	simm.s32 $0x1B8B  }
0xa8: {  	_ =	swait.ge [sflag:s23], $0x1  }
0xa9: {  	[sflag:s23] =	ssyncset.done $0x0  }
0xaa: {  	s25 =	simm.s32 $0x1B8E;
	s24 =	sld [smem:$0x3FFE];
	[sflag:s23] =	ssyncadd.s32 $0xFFFFFFFF  }
0xab: {  	s26 =	simm.s32 $execute0_lowered;
	[smem:$0x3FD2] =	sst s25  }
0xac: {  	s5 =	sshll.u32 s26, $0x1;
	_ =	strace $0x80000046;
	[dreg:$0x1] =	wrdreg $0xFFFFFFFF  }
0xad: {  	s28 =	simm.s32 $_size_execute0_lowered;
	s3 =	sadd.s32 s3, s5;
	[dreg:$0x0] =	wrdreg $0x0  }
0xae: {  	s5 =	sshll.u32 s28, $0x1;
	[dreg:$0x2] =	wrdreg s3  }
0xaf: {  	[dreg:$0x3] =	wrdreg s5  }
0xb0: {  	[dreg:$0x4] =	wrdreg $0xC0  }
0xb1: {  	_ =	task [dreg:s7], $0x5FFFF  }
0xb2: {  	[dreg:$0x1] =	wrdreg $0xFFFFFFFF  }
0xb3: {  	[dreg:$0x0] =	wrdreg $0x60  }
0xb4: {  	[dreg:$0x2] =	wrdreg s24  }
0xb5: {  	[dreg:$0x3] =	wrdreg s16  }
0xb6: {  	[dreg:$0x4] =	wrdreg $0x2E900  }
0xb7: {  	[dreg:$0x5] =	wrdreg $0x9  }
0xb8: {  	_ =	task.clear_ibuf [dreg:s7], $0x6FFFF;
	_ =	strace $0x90000046  }
0xb9: {  	s29 =	simm.s32 $0x9;
	_ =	strace $0x80000048  }
0xba: {  	_ =	swait.ge [sflag:s29], $0x1  }
0xbb: {  	[sflag:s29] =	ssyncadd.s32 $0xFFFFFFFF  }
0xbc: {  	_ =	strace $0x90000048  }
0xbd: {  	_ =	sfence  }
0xbe: {  	s30 =	sld [smem:$0x0];
	_ =	sdelay $0x2  }
0xbf: {  	s31 =	sshll.u32 s1, $0xD;
	s1 =	sshrl.u32 s1, $0x2  }
0xc0: {  	s3 =	sand.u32 $0x4000, s31;
	s1 =	sadd.s32 s1, s30  }
0xc1: {  	s0 =	sor.u32 s3, s0;
	s1 =	sshll.u32 s1, $0x11  }
0xc2: {  	s0 =	sor.u32 s1, s0  }
0xc3: {  	s0 =	sadd.s32 $0x8F2B, s0  }
0xc4: {  	[sflag:s0] =	ssyncadd.remote.s32 $0x1  }
0xc5: {  	_ =	sfence.sel $0xFFFF  }
0xc6: {  	[dreg:$0x0] =	wrdreg $0xFFFFFFFF;
	(pc) =	sbr.abs _section_cstart, $3  }
0xc7: {  	[dreg:$0x1] =	wrdreg $0xFFFFFFFF  }
0xc8: {  	_ =	task.clear_ibuf [dreg:s7], $0x2FFFF;
	_ =	strace $0x9FFFFFFF  }
0xc9: {  	(tm) =	ssettm $0x7FFFFFFF  }
tec
execute0_lowered:
.L_overlay_start_1:
0x0: {  	(tag) =	ssettag $0x1  }
0x1: {  	s4 =	rddreg [dreg:$0x0]  }
0x2: {  	s0 =	srdreg.scid;
	s7 =	rddreg [dreg:$0x1]  }
0x3: {  	s2 =	rddreg [dreg:$0x2];
	s5 =	sand.u32 $0x1, s0  }
0x4: {  	s0 =	stileid.u32;
	s6 =	smul.u32 $0x27100, s5  }
0x5: {  	s1 =	rddreg [dreg:$0x3];
	s8 =	smul.u32 $0x2710, s0  }
0x6: {  	s3 =	simm.s32 $0x0;
	s5 =	ssub.s32 $0x2, s5;
	s9 =	smul.u32 $0x280, s0  }
0x7: {  	[smem:$0x7FF] =	sst s3;
	s10 =	smul.u32 $0xA00, s0;
	s30 =	sshrl.u32 s5, $0x1  }
0x8: {  	_ =	strace $0x80000047;
	s8 =	sadd.s32 s8, s6;
	s5 =	ssub.s32 s5, s30  }
0x9: {  	s6 =	sadd.s32 s9, s6;
	s31 =	sshrl.u32 s10, $0x2;
	s10 =	simm.s32 $0x2710  }
0xa: {  	s8 =	sshrl.u32 s8, $0x3;
	s9 =	sshrl.u32 s6, $0x3;
	s5 =	smax.u32 s5, $0x1  }
0xb: {  	s6 =	sadd.s32 s31, s2;
	s4 =	sadd.s32 s8, s4;
	s7 =	sadd.s32 s9, s7  }
0xc: {  	v0 =	vimm.f32 $1.000000000e+00;
	v1 =	vimm.f32 $0.0e+00;
	s8 =	simm.s32 $0x1;
	s9 =	simm.s32 $0x50;
	s4 =	sadd.s32 $0xDE00, s4  }
.LBB2_1:
0xd: {  	s11 =	simm.s32 $0x0  }
.LBB2_2:
0xe: {  	p0 =	sne.s32 s11, $0x13C0  }
.Ltmp0:
0xf: {  	_ = 	snop;
	(pc) =	sbr.rel @p0 .LBB2_2-.Ltmp0, $4  }
0x10: {  	_ = 	snop  }
0x11: {  	s12 =	sshra.s32 s11, $0x2  }
0x12: {  	[tilespmem:s12+$0x2710] =	vst v0  }
0x13: {  	s11 =	sadd.s32 $0x40, s11;
	[tilespmem:s12+$0x2C10] =	vst v1  }
0x14: {  	s11 =	sadd.s32 $0x0, s0  }
0x15: {  	p0 =	sgt.u32 s11, $0xF9  }
0x16: {  	s11 =	simm.s32 @!p0 $0x2C10;
	s14 =	simm.s32 @!p0 $0x1  }
0x17: {  	[spmem:s6] =	stream.linear.scatter @!p0 [tilespmem:s11], [sflag:$0x1], $0x280, $0x38;
	[tilespmem:$0x55A0] =	vst v63  }
0x18: {  	s12 =	simm.s32 $0x10;
	_ =	swait.ge @!p0 [sflag:s14], $0x280  }
0x19: {  	s13 =	simm.s32 $0x20;
	s11 =	sadd.s32 $0x2800, s6;
	[sflag:s14] =	ssyncset.done @!p0 $0x0  }
.LBB2_4:
0x1a: {  	s15 =	sadd.s32 s12, s0;
	s12 =	smov.u32 s13;
	s13 =	sadd.s32 $0x10, s13  }
0x1b: {  	[sflag:s14] =	ssyncadd.s32 @!p0 $0xFFFFFD80;
	p1 =	sne.s32 s13, $0x100  }
.Ltmp1:
0x1c: {  	p0 =	sgt.u32 s15, $0xF9;
	(pc) =	sbr.rel @p1 .LBB2_4-.Ltmp1, $4  }
0x1d: {  	s15 =	simm.s32 @!p0 $0x2C10;
	s14 =	simm.s32 @!p0 $0x1  }
0x1e: {  	[spmem:s11] =	stream.linear.scatter @!p0 [tilespmem:s15], [sflag:$0x1], $0x280, $0x38;
	[tilespmem:$0x55A0] =	vst v63  }
0x1f: {  	_ =	swait.ge @!p0 [sflag:s14], $0x280  }
0x20: {  	s11 =	sadd.s32 $0x2800, s11;
	[sflag:s14] =	ssyncset.done @!p0 $0x0  }
0x21: {  	s12 =	sadd.s32 s12, s0  }
0x22: {  	p1 =	sgt.u32 s12, $0xF9  }
0x23: {  	[sflag:s14] =	ssyncadd.s32 @!p0 $0xFFFFFD80;
	s12 =	simm.s32 @!p1 $0x2C10;
	s13 =	simm.s32 @!p1 $0x1  }
0x24: {  	[spmem:s11] =	stream.linear.scatter @!p1 [tilespmem:s12], [sflag:$0x1], $0x280, $0x38;
	[tilespmem:$0x55A0] =	vst v63  }
0x25: {  	_ =	swait.ge @!p1 [sflag:s13], $0x280  }
0x26: {  	[sflag:s13] =	ssyncset.done @!p1 $0x0  }
0x27: {  	s30 =	simm.s32 $0x0;
	[sflag:s13] =	ssyncadd.s32 @!p1 $0xFFFFFD80  }
0x28: {  	[tilespmem:s30], [sflag:$0x1] =	stream.linear.gather [hbm4b:s4+s30], $0x2710, $0x38;
	[tilespmem:$0x55A0] =	vst v63  }
0x29: {  	_ =	swait.ge [sflag:s8], $0x2710  }
0x2a: {  	[sflag:s8] =	ssyncset.done $0x0  }
0x2b: {  	[sflag:s8] =	ssyncadd.s32 $0xFFFFD8F0  }
0x2c: {  	s31 =	simm.s32 $0x0;
	[bflag:$0x0] =	sbarrier.arrive $0xFFFF  }
0x2d: {  	[spmem:s2] =	stream.indirect.scatter.add.f32 [tilespmem:s10], [sflag:$0x1], $0x10, s31, s9, $0xb8;
	[tilespmem:$0x55A0] =	vst v63  }
0x2e: {  	_ =	swait.ge [sflag:s8], $0x500  }
0x2f: {  	s11 =	simm.s32 $0x140;
	[sflag:s8] =	ssyncset.done $0x0  }
.LBB2_6:
0x30: {  	s12 =	sshra.s32 s11, $0x2;
	[sflag:s8] =	ssyncadd.s32 $0xFFFFFB00;
	p0 =	sne.s32 s11, $0x9B00  }
0x31: {  	[spmem:s2] =	stream.indirect.scatter.add.f32 [tilespmem:s10], [sflag:$0x1], $0x10, s12, s9, $0xb8;
	[tilespmem:$0x55A0] =	vst v63  }
.Ltmp2:
0x32: {  	_ = 	snop;
	(pc) =	sbr.rel @p0 .LBB2_6-.Ltmp2, $4  }
0x33: {  	_ = 	snop  }
0x34: {  	s11 =	sadd.s32 $0x140, s11  }
0x35: {  	_ =	swait.ge [sflag:s8], $0x500  }
0x36: {  	[sflag:s8] =	ssyncset.done $0x0  }
0x37: {  	s11 =	sadd.s32 $0x0, s0  }
0x38: {  	[sflag:s8] =	ssyncadd.s32 $0xFFFFFB00;
	p0 =	sgt.u32 s11, $0xF9  }
0x39: {  	[bflag:$0x0] =	sbarrier.arrive $0xFFFF;
	s11 =	sshll.u32 @!p0 s0, $0x6  }
0x3a: {  	s12 =	sshrl.u32 @!p0 s6, $0x3;
	s14 =	simm.s32 @!p0 $0x1;
	s11 =	sor.u32 @!p0 $0x1C01, s11  }
0x3b: {  	[hbm:s7], [sflag:s11] =	dma.local @!p0 [spmem:s12], $0x50  }
0x3c: {  	s15 =	sadd.s32 $0x10, s0;
	s13 =	sadd.s32 $0x2800, s6;
	_ =	swait.ge @!p0 [sflag:s14], $0x50  }
0x3d: {  	s12 =	simm.s32 $0x20;
	s11 =	sadd.s32 $0x500, s7;
	[sflag:s14] =	ssyncset.done @!p0 $0x0  }
.LBB2_8:
0x3e: {  	[sflag:s14] =	ssyncadd.s32 @!p0 $0xFFFFFFB0  }
0x3f: {  	p0 =	sgt.u32 s15, $0xF9;
	s15 =	smov.u32 s12;
	s12 =	sadd.s32 $0x10, s12  }
0x40: {  	p1 =	sne.s32 s12, $0x100  }
.Ltmp3:
0x41: {  	s14 =	sshll.u32 @!p0 s0, $0x6;
	s16 =	sshrl.u32 @!p0 s13, $0x3;
	(pc) =	sbr.rel @p1 .LBB2_8-.Ltmp3, $4  }
0x42: {  	s17 =	sor.u32 @!p0 $0x1C01, s14;
	s14 =	simm.s32 @!p0 $0x1  }
0x43: {  	[hbm:s11], [sflag:s17] =	dma.local @!p0 [spmem:s16], $0x50  }
0x44: {  	s11 =	sadd.s32 $0x500, s11;
	_ =	swait.ge @!p0 [sflag:s14], $0x50  }
0x45: {  	s15 =	sadd.s32 s15, s0;
	s13 =	sadd.s32 $0x2800, s13;
	[sflag:s14] =	ssyncset.done @!p0 $0x0  }
0x46: {  	p1 =	sgt.u32 s15, $0xF9;
	[sflag:s14] =	ssyncadd.s32 @!p0 $0xFFFFFFB0;
	s3 =	sadd.s32 $0x1, s3  }
0x47: {  	s12 =	sshll.u32 @!p1 s0, $0x6;
	s13 =	sshrl.u32 @!p1 s13, $0x3;
	p0 =	sne.s32 s3, s5  }
.Ltmp4:
0x48: {  	s14 =	simm.s32 @!p1 $0x1;
	s12 =	sor.u32 @!p1 $0x1C01, s12;
	(pc) =	sbr.rel @p0 .LBB2_1-.Ltmp4, $4  }
0x49: {  	[hbm:s11], [sflag:s12] =	dma.local @!p1 [spmem:s13], $0x50  }
0x4a: {  	_ =	swait.ge @!p1 [sflag:s14], $0x50  }
0x4b: {  	[sflag:s14] =	ssyncset.done @!p1 $0x0  }
0x4c: {  	[sflag:s14] =	ssyncadd.s32 @!p1 $0xFFFFFFB0  }
0x4d: {  	_ =	sfence.sel $0x180000  }
0x4e: {  	[bflag:$0x0] =	sbarrier.arrive $0xFFFF  }
0x4f: {  	p0 =	sne.s32 s0, $0x0;
	_ =	strace $0x90000047  }
0x50: {  	s0 =	sadd.s32 @!p0 $0x100000, s1;
	[bflag:$0x2] =	sbarrier.arrive $0xFFFF  }
0x51: {  	[sflag:s0] =	ssyncadd.tile.s32 @!p0 $0x1;
	_ =	shalt  }
.Lfunc_end2:
_tile_overlayer_lowered:
.L_overlay_start_2:
0x52: {  	(tag) =	ssettag $0x2  }
0x53: {  	s0 =	rddreg [dreg:$0x0];
	s2 =	stileid.u32  }
0x54: {  	s1 =	rddreg [dreg:$0x1];
	p0 =	sne.s32 s2, $0x0  }
0x55: {  	s3 =	rddreg [dreg:$0x2];
	[bflag:$0x3] =	sbarrier.arrive $0xFFFF;
	s2 =	simm.s32 @!p0 $0x1C01  }
0x56: {  	[timem:s3], [sflag:s2] =	dma.local @!p0 [hbm:s0], s1  }
0x57: {  	s0 =	simm.s32 @!p0 $0x1  }
0x58: {  	_ =	swait.ge @!p0 [sflag:s0], s1  }
0x59: {  	s1 =	ssub.s32 @!p0 $0x0, s1;
	[sflag:s0] =	ssyncset.done @!p0 $0x0  }
0x5a: {  	[sflag:s0] =	ssyncadd.s32 @!p0 s1  }
0x5b: {  	[bflag:$0x3] =	sbarrier.arrive $0xFFFF  }
0x5c: {  	_ =	shalt  }

// kernel: kernel.13.cloned.1.call-start
scs
__scs_entry_jumppad:
0x0: {  	(pc) =	sbr.rel $0x88, $3  }
0x1: {  	(tag) =	ssettag $0x0;
	lr =	simm.s32 $0x1  }
0x2: {  	[smem:$0x3F94] =	sst lr;
	_ =	strace $0xD0000000  }
0x3: {  	_ = 	snop  }
0x4: {  	_ = 	snop  }
0x5: {  	_ = 	snop  }
0x6: {  	_ = 	snop  }
0x7: {  	_ = 	snop  }
__scs_overlays_trampoline_lowered:
0x8: {  	[smem:$0x3FA3] =	sst s0  }
0x9: {  	[smem:$0x3FA4] =	sst s1  }
0xa: {  	[smem:$0x3FA5] =	sst s2  }
0xb: {  	[smem:$0x3FA6] =	sst s3  }
0xc: {  	[smem:$0x3FA7] =	sst s4  }
0xd: {  	[smem:$0x3FA8] =	sst s5  }
0xe: {  	[smem:$0x3FA9] =	sst s6  }
0xf: {  	[smem:$0x3FAA] =	sst s7  }
0x10: {  	[smem:$0x3FAB] =	sst s8  }
0x11: {  	[smem:$0x3FAC] =	sst s9;
	s0 =	simm.s32 @!p0 $0x0  }
0x12: {  	s1 =	sld [smem:$0x3F92];
	s0 =	simm.s32 @p0 $0x1  }
0x13: {  	[smem:$0x3FAD] =	sst s0;
	s0 =	simm.s32 @!p1 $0x0  }
0x14: {  	s2 =	sld [smem:$0x3F91];
	s0 =	simm.s32 @p1 $0x1  }
0x15: {  	[smem:$0x3FAE] =	sst s0;
	s0 =	simm.s32 @!p2 $0x0  }
0x16: {  	s3 =	sld [smem:$0x3FDB];
	s0 =	simm.s32 @p2 $0x1  }
0x17: {  	s4 =	simm.s32 $0x1BF5;
	[smem:$0x3FB0] =	sst s0  }
0x18: {  	s0 =	sld [smem:$0x3F93];
	_ =	swait.ge [sflag:s4], $0x0  }
0x19: {  	s7 =	sld [smem:$0x3F94]  }
0x1a: {  	s8 =	sadd.s32 $0xFFFFE003, lr  }
0x1b: {  	s9 =	sadd.s32 $0xFFFFFEF7, lr;
	s5 =	simm.s32 $0xFFFFFFFF;
	p2 =	slt.u32 s8, $0xFFFFF086  }
0x1c: {  	p1 =	slt.u32 s9, $0xF7A;
	s5 =	simm.s32 @!p2 $0x0  }
0x1d: {  	s5 =	simm.s32 @p1 $0x1;
	p0 =	seq.s32 s7, s2  }
0x1e: {  	s7 =	smul.u32 @!p0 $0xF7A, s2;
	p2 =	seq.s32 @!p0 s5, $0x0  }
0x1f: {  	s9 =	smul.u32 $0xF7A, s1;
	s8 =	simm.s32 @!p0 $0x1BF5;
	p2 =	por !p2, p0  }
0x20: {  	[sflag:s8] =	ssyncset.s32 @!p0 $0xFFFFF086;
	s6 =	sadd.s32 @!p0 s3, s7;
	s7 =	simm.s32 @!p0 $0x108  }
0x21: {  	s3 =	sadd.s32 s3, s9;
	s6 =	sadd.s32 @!p0 $0x88, s6;
	s7 =	simm.s32 @p2 $0x1082  }
0x22: {  	[simem:s7], [sflag:s8] =	dma.local @!p0 [hbm:s6], $0xF7A  }
0x23: {  	s9 =	sor.u32 $0xD0000000, s2;
	s6 =	simm.s32 $0x108;
	_ =	swait.ge @!p0 [sflag:s8], $0x0  }
0x24: {  	s3 =	sadd.s32 $0x88, s3;
	s6 =	simm.s32 @!p1 $0x1082;
	[sflag:s4] =	ssyncset.s32 $0xFFFFF086  }
0x25: {  	[simem:s6], [sflag:s4] =	dma.local [hbm:s3], $0xF7A  }
0x26: {  	[smem:$0x3F94] =	sst s1;
	(tag) =	ssettag s2;
	_ =	strace s9  }
0x27: {  	s1 =	sld [smem:$0x3FA4]  }
0x28: {  	s2 =	sld [smem:$0x3FA5]  }
0x29: {  	s4 =	sld [smem:$0x3FA7]  }
0x2a: {  	p0 =	seq.s32 s5, $0x0;
	s5 =	sld [smem:$0x3FA8]  }
0x2b: {  	s6 =	sld [smem:$0x3FA9]  }
0x2c: {  	s7 =	sld [smem:$0x3FAA]  }
0x2d: {  	s3 =	simm.s32 $0x108;
	s8 =	sld [smem:$0x3FAB]  }
0x2e: {  	s3 =	simm.s32 @!p0 $0x1082;
	s9 =	sld [smem:$0x3FAC]  }
0x2f: {  	lr =	sadd.s32 s0, s3;
	s0 =	sld [smem:$0x3FA3]  }
0x30: {  	s3 =	sld [smem:$0x3FA6]  }
0x31: {  	[smem:$0x3FAF] =	sst s10  }
0x32: {  	s10 =	sld [smem:$0x3FAD];
	_ =	sdelay $0x3  }
0x33: {  	p0 =	seq.s32 s10, $0x1;
	s10 =	sld [smem:$0x3FAF];
	_ =	sdelay $0x3  }
0x34: {  	[smem:$0x3FAF] =	sst s10  }
0x35: {  	s10 =	sld [smem:$0x3FAE];
	_ =	sdelay $0x3  }
0x36: {  	p1 =	seq.s32 s10, $0x1;
	s10 =	sld [smem:$0x3FAF];
	_ =	sdelay $0x3  }
0x37: {  	[smem:$0x3FAF] =	sst s10  }
0x38: {  	s10 =	sld [smem:$0x3FB0]  }
0x39: {  	_ = 	snop;
	(pc) =	sbr.ind lr, $3  }
0x3a: {  	_ = 	snop  }
0x3b: {  	_ = 	snop  }
0x3c: {  	p2 =	seq.s32 s10, $0x1;
	s10 =	sld [smem:$0x3FAF]  }
0x3d: {  	_ =	shalt  }
0x3e: {  	_ =	shalt  }
0x3f: {  	_ =	shalt  }
0x40: {  	_ =	shalt  }
0x41: {  	_ =	shalt  }
0x42: {  	_ =	shalt  }
0x43: {  	_ =	shalt  }
0x44: {  	_ =	shalt  }
0x45: {  	_ =	shalt  }
0x46: {  	_ =	shalt  }
0x47: {  	_ =	shalt  }
0x48: {  	_ =	shalt  }
0x49: {  	_ =	shalt  }
0x4a: {  	_ =	shalt  }
0x4b: {  	_ =	shalt  }
0x4c: {  	_ =	shalt  }
0x4d: {  	_ =	shalt  }
0x4e: {  	_ =	shalt  }
0x4f: {  	_ =	shalt  }
0x50: {  	_ =	shalt  }
0x51: {  	_ =	shalt  }
0x52: {  	_ =	shalt  }
0x53: {  	_ =	shalt  }
0x54: {  	_ =	shalt  }
0x55: {  	_ =	shalt  }
0x56: {  	_ =	shalt  }
0x57: {  	_ =	shalt  }
0x58: {  	_ =	shalt  }
0x59: {  	_ =	shalt  }
0x5a: {  	_ =	shalt  }
0x5b: {  	_ =	shalt  }
0x5c: {  	_ =	shalt  }
0x5d: {  	_ =	shalt  }
0x5e: {  	_ =	shalt  }
0x5f: {  	_ =	shalt  }
0x60: {  	_ =	shalt  }
0x61: {  	_ =	shalt  }
0x62: {  	_ =	shalt  }
0x63: {  	_ =	shalt  }
0x64: {  	_ =	shalt  }
0x65: {  	_ =	shalt  }
0x66: {  	_ =	shalt  }
0x67: {  	_ =	shalt  }
0x68: {  	_ =	shalt  }
0x69: {  	_ =	shalt  }
0x6a: {  	_ =	shalt  }
0x6b: {  	_ =	shalt  }
0x6c: {  	_ =	shalt  }
0x6d: {  	_ =	shalt  }
0x6e: {  	_ =	shalt  }
0x6f: {  	_ =	shalt  }
0x70: {  	_ =	shalt  }
0x71: {  	_ =	shalt  }
0x72: {  	_ =	shalt  }
0x73: {  	_ =	shalt  }
0x74: {  	_ =	shalt  }
0x75: {  	_ =	shalt  }
0x76: {  	_ =	shalt  }
0x77: {  	_ =	shalt  }
0x78: {  	_ =	shalt  }
0x79: {  	_ =	shalt  }
0x7a: {  	_ =	shalt  }
0x7b: {  	_ =	shalt  }
0x7c: {  	_ =	shalt  }
0x7d: {  	_ =	shalt  }
0x7e: {  	_ =	shalt  }
0x7f: {  	_ =	shalt  }
0x80: {  	_ =	shalt  }
0x81: {  	_ =	shalt  }
0x82: {  	_ =	shalt  }
0x83: {  	_ =	shalt  }
0x84: {  	_ =	shalt  }
0x85: {  	_ =	shalt  }
0x86: {  	_ =	shalt  }
0x87: {  	_ =	shalt  }
.Lfunc_end0:
.L_simem_size_0:
called_computation.1_lowered:
.L_overlay_start_0:
0x88: {  	s2 =	sld [smem:$0x3FD9]  }
0x89: {  	s3 =	sld [smem:$0x3FFE];
	_ =	sdelay $0x1  }
0x8a: {  	s1 =	srdreg.scid  }
0x8b: {  	s0 =	sand.u32 $0x1, s1  }
0x8c: {  	s14 =	sshll.u32 s0, $0xA;
	s2 =	sadd.s32 s3, s2  }
0x8d: {  	s2 =	sadd.s32 s2, s14  }
0x8e: {  	[smem:$0x3FBB] =	sst s2  }
0x8f: {  	_ = 	snop  }
0x90: {  	s2 =	sld [smem:$0x3FD0];
	_ =	sdelay $0x2  }
0x91: {  	s15 =	simm.s32 $0xA;
	s4 =	simm.s32 $0x10  }
0x92: {  	[smem:s4], [sflag:s15] =	dma.local [hbm:s2], $0x1  }
0x93: {  	_ =	swait.eq [sflag:s15], $0x1  }
0x94: {  	[sflag:s15] =	ssyncset.done $0x0  }
0x95: {  	[sflag:s15] =	ssyncadd.s32 $0xFFFFFFFF  }
0x96: {  	s16 =	sld [smem:$0x11];
	(tm) =	ssettm $0x1  }
0x97: {  	s17 =	sld [smem:$0x3FFB];
	_ =	sdelay $0x3  }
0x98: {  	_ =	strace s17  }
0x99: {  	s3 =	sld [smem:$0x3FFC];
	_ =	sdelay $0x3  }
0x9a: {  	_ =	strace s3  }
0x9b: {  	s3 =	sld [smem:$0x3FFD];
	_ =	sdelay $0x3  }
0x9c: {  	_ =	strace s3  }
0x9d: {  	_ =	strace $0x8FFFFFFF  }
0x9e: {  	s18 =	sld [smem:$0x3FDB];
	_ =	sdelay $0x1  }
0x9f: {  	s19 =	simm.s32 $_scs_section_size  }
0xa0: {  	s5 =	simm.s32 $_size__tile_overlayer_lowered;
	s6 =	simm.s32 $_tile_overlayer_lowered  }
0xa1: {  	s22 =	simm.s32 $0x1BFF;
	s21 =	sshll.u32 s6, $0x1;
	s3 =	sadd.s32 s19, s18  }
0xa2: {  	s7 =	simm.s32 $0x0;
	s20 =	sshll.u32 s5, $0x1;
	s5 =	sadd.s32 s21, s3  }
0xa3: {  	[timem:s7], [sflag:s22] =	dma.local [hbm:s5], s20  }
0xa4: {  	_ =	swait.ge [sflag:s22], s20  }
0xa5: {  	s4 =	ssub.s32 $0x0, s20;
	[sflag:s22] =	ssyncset.done $0x0  }
0xa6: {  	[sflag:s22] =	ssyncadd.s32 s4;
	_ =	sdelay $0x1  }
0xa7: {  	s23 =	simm.s32 $0x1B8B  }
0xa8: {  	_ =	swait.ge [sflag:s23], $0x1  }
0xa9: {  	[sflag:s23] =	ssyncset.done $0x0  }
0xaa: {  	s25 =	simm.s32 $0x1B8E;
	s24 =	sld [smem:$0x3FFE];
	[sflag:s23] =	ssyncadd.s32 $0xFFFFFFFF  }
0xab: {  	s26 =	simm.s32 $execute0_lowered;
	[smem:$0x3FD2] =	sst s25  }
0xac: {  	s5 =	sshll.u32 s26, $0x1;
	_ =	strace $0x80000049;
	[dreg:$0x1] =	wrdreg $0xFFFFFFFF  }
0xad: {  	s28 =	simm.s32 $_size_execute0_lowered;
	s3 =	sadd.s32 s3, s5;
	[dreg:$0x0] =	wrdreg $0x0  }
0xae: {  	s5 =	sshll.u32 s28, $0x1;
	[dreg:$0x2] =	wrdreg s3  }
0xaf: {  	[dreg:$0x3] =	wrdreg s5  }
0xb0: {  	[dreg:$0x4] =	wrdreg $0xC0  }
0xb1: {  	_ =	task [dreg:s7], $0x5FFFF  }
0xb2: {  	[dreg:$0x1] =	wrdreg $0xFFFFFFFF  }
0xb3: {  	[dreg:$0x0] =	wrdreg $0x60  }
0xb4: {  	[dreg:$0x2] =	wrdreg s16  }
0xb5: {  	[dreg:$0x3] =	wrdreg s24  }
0xb6: {  	[dreg:$0x4] =	wrdreg $0xEBA00  }
0xb7: {  	[dreg:$0x5] =	wrdreg $0x9  }
0xb8: {  	_ =	task.clear_ibuf [dreg:s7], $0x6FFFF;
	_ =	strace $0x90000049  }
0xb9: {  	s29 =	simm.s32 $0x9;
	_ =	strace $0x8000004B  }
0xba: {  	_ =	swait.ge [sflag:s29], $0x1  }
0xbb: {  	[sflag:s29] =	ssyncadd.s32 $0xFFFFFFFF  }
0xbc: {  	_ =	strace $0x9000004B  }
0xbd: {  	_ =	sfence  }
0xbe: {  	s30 =	sld [smem:$0x0];
	_ =	sdelay $0x2  }
0xbf: {  	s31 =	sshll.u32 s1, $0xD;
	s1 =	sshrl.u32 s1, $0x2  }
0xc0: {  	s3 =	sand.u32 $0x4000, s31;
	s1 =	sadd.s32 s1, s30  }
0xc1: {  	s0 =	sor.u32 s3, s0;
	s1 =	sshll.u32 s1, $0x11  }
0xc2: {  	s0 =	sor.u32 s1, s0  }
0xc3: {  	s0 =	sadd.s32 $0x8F2B, s0  }
0xc4: {  	[sflag:s0] =	ssyncadd.remote.s32 $0x1  }
0xc5: {  	_ =	sfence.sel $0xFFFF  }
0xc6: {  	[dreg:$0x0] =	wrdreg $0xFFFFFFFF;
	(pc) =	sbr.abs _section_cstart, $3  }
0xc7: {  	[dreg:$0x1] =	wrdreg $0xFFFFFFFF  }
0xc8: {  	_ =	task.clear_ibuf [dreg:s7], $0x2FFFF;
	_ =	strace $0x9FFFFFFF  }
0xc9: {  	(tm) =	ssettm $0x7FFFFFFF  }
tec
execute0_lowered:
.L_overlay_start_1:
0x0: {  	(tag) =	ssettag $0x1  }
0x1: {  	s1 =	rddreg [dreg:$0x0]  }
0x2: {  	s0 =	srdreg.scid;
	s2 =	rddreg [dreg:$0x1]  }
0x3: {  	s3 =	rddreg [dreg:$0x2];
	s4 =	sand.u32 $0x1, s0  }
0x4: {  	s0 =	stileid.u32;
	s5 =	smul.u32 $0x27100, s4  }
0x5: {  	s8 =	simm.s32 $0x0;
	s29 =	simm.s32 $0x5;
	s6 =	smul.u32 $0x2710, s0  }
0x6: {  	s30 =	simm.s32 $0x50;
	s31 =	simm.s32 $0x4E20;
	s7 =	smul.u32 $0x111700, s4  }
0x7: {  	s28 =	simm.s32 $0x9420;
	[smem:$0x7FF] =	sst s8;
	s26 =	smul.u32 $0x1180, s0  }
0x8: {  	_ =	strace $0x8000004A;
	s8 =	smul.u32 $0x4600, s0;
	s4 =	ssub.s32 $0x2, s4  }
0x9: {  	s17 =	sor.u32 $0xF0, s0;
	p1 =	sgt.u32 s0, $0x9;
	s9 =	sshrl.u32 s4, $0x1  }
0xa: {  	p0 =	sgt.u32 s17, $0xF9;
	s5 =	sadd.s32 s6, s5;
	s7 =	sadd.s32 s26, s7  }
0xb: {  	s4 =	ssub.s32 s4, s9;
	s5 =	sshrl.u32 s5, $0x3;
	s6 =	sshrl.u32 s7, $0x3  }
0xc: {  	s7 =	sshrl.u32 s8, $0x2;
	s4 =	smax.u32 s4, $0x1;
	s5 =	sadd.s32 s5, s2  }
0xd: {  	s2 =	sadd.s32 s6, s2;
	[dreg:$0x6] =	wrdreg s4;
	s10 =	sadd.s32 $0x4000, s5  }
0xe: {  	s6 =	sadd.s32 s7, s3;
	s5 =	sadd.s32 $0xDE00, s5;
	[dreg:$0x4] =	wrdreg s10  }
0xf: {  	s26 =	smul.u32 $0x4600, s17;
	s11 =	sadd.s32 $0x23000, s6;
	[dreg:$0x5] =	wrdreg s5  }
0x10: {  	s8 =	simm.s32 $0x3;
	s12 =	sadd.s32 $0x34800, s6;
	[dreg:$0x7] =	wrdreg s11  }
0x11: {  	s4 =	simm.s32 $0xB720;
	s13 =	sadd.s32 $0x46000, s6;
	[dreg:$0x8] =	wrdreg s12  }
0x12: {  	s14 =	sadd.s32 $0x11800, s6;
	s15 =	sadd.s32 $0x57800, s6;
	[dreg:$0x9] =	wrdreg s13  }
0x13: {  	s16 =	sadd.s32 $0x69000, s6;
	s24 =	sadd.s32 $0x7A800, s6;
	[dreg:$0xa] =	wrdreg s15  }
0x14: {  	s25 =	sadd.s32 $0x8C000, s6;
	s7 =	sadd.s32 $0x9D800, s6;
	[dreg:$0xb] =	wrdreg s16  }
0x15: {  	s18 =	sadd.s32 $0xAF000, s6;
	s19 =	sadd.s32 $0xC0800, s6;
	[dreg:$0xc] =	wrdreg s24  }
0x16: {  	s20 =	sadd.s32 $0xD2000, s6;
	s21 =	sadd.s32 $0xE3800, s6;
	[dreg:$0xd] =	wrdreg s25  }
0x17: {  	s22 =	sadd.s32 $0xF5000, s6;
	[dreg:$0xe] =	wrdreg s7;
	s5 =	sshrl.u32 s26, $0x2  }
0x18: {  	s15 =	sadd.s32 $0x8D200, s2;
	s25 =	simm.s32 $0xDA20;
	s26 =	simm.s32 $0x6  }
0x19: {  	s2 =	simm.s32 $0x7120;
	s7 =	simm.s32 $0x2;
	s10 =	simm.s32 $0x4  }
0x1a: {  	v0 =	vimm.f32 $0.0e+00;
	s11 =	simm.s32 $0x0;
	s23 =	sadd.s32 s5, s3;
	s5 =	simm.s32 $0x1  }
.LBB2_1:
0x1b: {  	s12 =	simm.s32 $0x0;
	s9 =	simm.s32 $0x1C0  }
.LBB2_2:
0x1c: {  	p2 =	sne.s32 s9, $0x4440;
	[tilespmem:s12+$0xDA80] =	vst v0  }
0x1d: {  	[tilespmem:s12+$0xDA20] =	vst v0  }
.Ltmp0:
0x1e: {  	[tilespmem:s12+$0xDA30] =	vst v0;
	(pc) =	sbr.rel @p2 .LBB2_2-.Ltmp0, $4  }
0x1f: {  	[tilespmem:s12+$0xDA40] =	vst v0  }
0x20: {  	[tilespmem:s12+$0xDA50] =	vst v0  }
0x21: {  	[tilespmem:s12+$0xDA60] =	vst v0  }
0x22: {  	[tilespmem:s12+$0xDA70] =	vst v0;
	s12 =	sshra.s32 s9, $0x2;
	s9 =	sadd.s32 $0x1C0, s9  }
0x23: {  	[tilespmem:s12+$0xDA80] =	vst v0  }
0x24: {  	[tilespmem:s12+$0xDA20] =	vst v0  }
0x25: {  	[tilespmem:s12+$0xDA30] =	vst v0  }
0x26: {  	[tilespmem:s12+$0xDA40] =	vst v0  }
0x27: {  	[tilespmem:s12+$0xDA50] =	vst v0  }
0x28: {  	[tilespmem:s12+$0xDA60] =	vst v0  }
0x29: {  	[tilespmem:s12+$0xDA70] =	vst v0  }
0x2a: {  	[spmem:s6] =	stream.linear.scatter [tilespmem:s25], [sflag:$0x5], $0x1180, $0x38;
	[tilespmem:$0x1FD10] =	vst v63  }
0x2b: {  	_ = 	snop  }
0x2c: {  	[spmem:s14] =	stream.linear.scatter [tilespmem:s25], [sflag:$0x5], $0x1180, $0x38;
	[tilespmem:$0x1FD10] =	vst v63  }
0x2d: {  	s9 =	rddreg [dreg:$0x7]  }
0x2e: {  	[spmem:s9] =	stream.linear.scatter [tilespmem:s25], [sflag:$0x5], $0x1180, $0x38;
	[tilespmem:$0x1FD10] =	vst v63  }
0x2f: {  	s12 =	rddreg [dreg:$0x8]  }
0x30: {  	[spmem:s12] =	stream.linear.scatter [tilespmem:s25], [sflag:$0x5], $0x1180, $0x38;
	[tilespmem:$0x1FD10] =	vst v63  }
0x31: {  	s13 =	rddreg [dreg:$0x9]  }
0x32: {  	[spmem:s13] =	stream.linear.scatter [tilespmem:s25], [sflag:$0x5], $0x1180, $0x38;
	[tilespmem:$0x1FD10] =	vst v63  }
0x33: {  	s16 =	rddreg [dreg:$0xa]  }
0x34: {  	[spmem:s16] =	stream.linear.scatter [tilespmem:s25], [sflag:$0x5], $0x1180, $0x38;
	[tilespmem:$0x1FD10] =	vst v63  }
0x35: {  	s17 =	rddreg [dreg:$0xb]  }
0x36: {  	[spmem:s17] =	stream.linear.scatter [tilespmem:s25], [sflag:$0x5], $0x1180, $0x38;
	[tilespmem:$0x1FD10] =	vst v63  }
0x37: {  	s24 =	rddreg [dreg:$0xc]  }
0x38: {  	[spmem:s24] =	stream.linear.scatter [tilespmem:s25], [sflag:$0x5], $0x1180, $0x38;
	[tilespmem:$0x1FD10] =	vst v63  }
0x39: {  	s12 =	rddreg [dreg:$0xd]  }
0x3a: {  	[spmem:s12] =	stream.linear.scatter [tilespmem:s25], [sflag:$0x5], $0x1180, $0x38;
	[tilespmem:$0x1FD10] =	vst v63  }
0x3b: {  	s13 =	rddreg [dreg:$0xe]  }
0x3c: {  	[spmem:s13] =	stream.linear.scatter [tilespmem:s25], [sflag:$0x5], $0x1180, $0x38;
	[tilespmem:$0x1FD10] =	vst v63  }
0x3d: {  	_ = 	snop  }
0x3e: {  	[spmem:s18] =	stream.linear.scatter [tilespmem:s25], [sflag:$0x5], $0x1180, $0x38;
	[tilespmem:$0x1FD10] =	vst v63  }
0x3f: {  	_ = 	snop  }
0x40: {  	[spmem:s19] =	stream.linear.scatter [tilespmem:s25], [sflag:$0x5], $0x1180, $0x38;
	[tilespmem:$0x1FD10] =	vst v63  }
0x41: {  	_ = 	snop  }
0x42: {  	[spmem:s20] =	stream.linear.scatter [tilespmem:s25], [sflag:$0x5], $0x1180, $0x38;
	[tilespmem:$0x1FD10] =	vst v63  }
0x43: {  	_ = 	snop  }
0x44: {  	[spmem:s21] =	stream.linear.scatter [tilespmem:s25], [sflag:$0x5], $0x1180, $0x38;
	[tilespmem:$0x1FD10] =	vst v63  }
0x45: {  	_ = 	snop  }
0x46: {  	[spmem:s22] =	stream.linear.scatter [tilespmem:s25], [sflag:$0x5], $0x1180, $0x38;
	[tilespmem:$0x1FD10] =	vst v63  }
0x47: {  	s9 =	simm.s32 @!p0 $0xDA20  }
0x48: {  	[spmem:s23] =	stream.linear.scatter @!p0 [tilespmem:s9], [sflag:$0x5], $0x1180, $0x38;
	[tilespmem:$0x1FD10] =	vst v63  }
0x49: {  	s16 =	simm.s32 $0x0;
	s17 =	rddreg [dreg:$0x4]  }
0x4a: {  	[tilespmem:s16], [sflag:$0x6] =	stream.linear.gather [hbm4b:s17+s16], $0x2710, $0x38;
	[tilespmem:$0x1FD10] =	vst v63  }
0x4b: {  	_ =	swait.ge [sflag:s26], $0x2710  }
0x4c: {  	[sflag:s26] =	ssyncset.done $0x0  }
0x4d: {  	s13 =	simm.s32 $0x2710;
	s24 =	rddreg [dreg:$0x5];
	[sflag:s26] =	ssyncadd.s32 $0xFFFFD8F0  }
0x4e: {  	[tilespmem:s13], [sflag:$0x6] =	stream.linear.gather [hbm4b:s24+s16], $0x2710, $0x38;
	[tilespmem:$0x1FD10] =	vst v63  }
0x4f: {  	_ =	swait.ge [sflag:s26], $0x2710  }
0x50: {  	[sflag:s26] =	ssyncset.done $0x0  }
0x51: {  	[sflag:s26] =	ssyncadd.s32 $0xFFFFD8F0  }
0x52: {  	_ =	swait.ge [sflag:s29], $0x1180  }
0x53: {  	[sflag:s29] =	ssyncset.done $0x0  }
0x54: {  	[sflag:s29] =	ssyncadd.s32 $0xFFFFEE80  }
0x55: {  	_ =	swait.ge [sflag:s29], $0x1180  }
0x56: {  	[sflag:s29] =	ssyncset.done $0x0  }
0x57: {  	[sflag:s29] =	ssyncadd.s32 $0xFFFFEE80  }
0x58: {  	_ =	swait.ge [sflag:s29], $0x1180  }
0x59: {  	[sflag:s29] =	ssyncset.done $0x0  }
0x5a: {  	[sflag:s29] =	ssyncadd.s32 $0xFFFFEE80  }
0x5b: {  	_ =	swait.ge [sflag:s29], $0x1180  }
0x5c: {  	[sflag:s29] =	ssyncset.done $0x0  }
0x5d: {  	[sflag:s29] =	ssyncadd.s32 $0xFFFFEE80  }
0x5e: {  	_ =	swait.ge [sflag:s29], $0x1180  }
0x5f: {  	[sflag:s29] =	ssyncset.done $0x0  }
0x60: {  	[sflag:s29] =	ssyncadd.s32 $0xFFFFEE80  }
0x61: {  	_ =	swait.ge [sflag:s29], $0x1180  }
0x62: {  	[sflag:s29] =	ssyncset.done $0x0  }
0x63: {  	[sflag:s29] =	ssyncadd.s32 $0xFFFFEE80  }
0x64: {  	_ =	swait.ge [sflag:s29], $0x1180  }
0x65: {  	[sflag:s29] =	ssyncset.done $0x0  }
0x66: {  	[sflag:s29] =	ssyncadd.s32 $0xFFFFEE80  }
0x67: {  	_ =	swait.ge [sflag:s29], $0x1180  }
0x68: {  	[sflag:s29] =	ssyncset.done $0x0  }
0x69: {  	[sflag:s29] =	ssyncadd.s32 $0xFFFFEE80  }
0x6a: {  	_ =	swait.ge [sflag:s29], $0x1180  }
0x6b: {  	[sflag:s29] =	ssyncset.done $0x0  }
0x6c: {  	[sflag:s29] =	ssyncadd.s32 $0xFFFFEE80  }
0x6d: {  	_ =	swait.ge [sflag:s29], $0x1180  }
0x6e: {  	[sflag:s29] =	ssyncset.done $0x0  }
0x6f: {  	[sflag:s29] =	ssyncadd.s32 $0xFFFFEE80  }
0x70: {  	_ =	swait.ge [sflag:s29], $0x1180  }
0x71: {  	[sflag:s29] =	ssyncset.done $0x0  }
0x72: {  	[sflag:s29] =	ssyncadd.s32 $0xFFFFEE80  }
0x73: {  	_ =	swait.ge [sflag:s29], $0x1180  }
0x74: {  	[sflag:s29] =	ssyncset.done $0x0  }
0x75: {  	[sflag:s29] =	ssyncadd.s32 $0xFFFFEE80  }
0x76: {  	_ =	swait.ge [sflag:s29], $0x1180  }
0x77: {  	[sflag:s29] =	ssyncset.done $0x0  }
0x78: {  	[sflag:s29] =	ssyncadd.s32 $0xFFFFEE80  }
0x79: {  	_ =	swait.ge [sflag:s29], $0x1180  }
0x7a: {  	[sflag:s29] =	ssyncset.done $0x0  }
0x7b: {  	[sflag:s29] =	ssyncadd.s32 $0xFFFFEE80  }
0x7c: {  	_ =	swait.ge [sflag:s29], $0x1180  }
0x7d: {  	[sflag:s29] =	ssyncset.done $0x0  }
0x7e: {  	s9 =	simm.s32 @!p1 $0x5;
	[sflag:s29] =	ssyncadd.s32 $0xFFFFEE80  }
0x7f: {  	_ =	swait.ge @!p1 [sflag:s9], $0x1180  }
0x80: {  	[sflag:s9] =	ssyncset.done @!p1 $0x0  }
0x81: {  	[sflag:s9] =	ssyncadd.s32 @!p1 $0xFFFFEE80  }
0x82: {  	s12 =	simm.s32 $0x0;
	[bflag:$0x0] =	sbarrier.arrive $0xFFFF  }
0x83: {  	[tilespmem:s31], [sflag:$0x1] =	stream.indirect.gather [hbm4b:s1+s30], $0x70, s12, s30, $0xb8;
	[tilespmem:$0x1FD10] =	vst v63  }
0x84: {  	_ = 	snop  }
0x85: {  	[tilespmem:s2], [sflag:$0x2] =	stream.indirect.gather [hbm4b:s1+s30], $0x70, s30, s30, $0xb8;
	[tilespmem:$0x1FD10] =	vst v63  }
0x86: {  	s13 =	simm.s32 $0xA0  }
0x87: {  	[tilespmem:s28], [sflag:$0x3] =	stream.indirect.gather [hbm4b:s1+s30], $0x70, s13, s30, $0xb8;
	[tilespmem:$0x1FD10] =	vst v63  }
0x88: {  	s16 =	simm.s32 $0xF0  }
0x89: {  	[tilespmem:s4], [sflag:$0x4] =	stream.indirect.gather [hbm4b:s1+s30], $0x70, s16, s30, $0xb8;
	[tilespmem:$0x1FD10] =	vst v63  }
0x8a: {  	_ =	swait.ge [sflag:s5], $0x2300  }
0x8b: {  	[sflag:s5] =	ssyncset.done $0x0  }
0x8c: {  	s17 =	simm.s32 $0x2710;
	[sflag:s5] =	ssyncadd.s32 $0xFFFFDD00  }
0x8d: {  	[spmem:s3] =	stream.indirect.scatter.add.f32 [tilespmem:s31], [sflag:$0x6], $0x70, s17, s30, $0xb8;
	[tilespmem:$0x1FD10] =	vst v63  }
0x8e: {  	_ =	swait.ge [sflag:s26], $0x2300  }
0x8f: {  	[sflag:s26] =	ssyncset.done $0x0  }
0x90: {  	s24 =	simm.s32 $0x140;
	[sflag:s26] =	ssyncadd.s32 $0xFFFFDD00  }
0x91: {  	[tilespmem:s31], [sflag:$0x1] =	stream.indirect.gather [hbm4b:s1+s30], $0x70, s24, s30, $0xb8;
	[tilespmem:$0x1FD10] =	vst v63  }
0x92: {  	_ =	swait.ge [sflag:s7], $0x2300  }
0x93: {  	[sflag:s7] =	ssyncset.done $0x0  }
0x94: {  	s12 =	simm.s32 $0x2760;
	[sflag:s7] =	ssyncadd.s32 $0xFFFFDD00  }
0x95: {  	[spmem:s3] =	stream.indirect.scatter.add.f32 [tilespmem:s2], [sflag:$0x6], $0x70, s12, s30, $0xb8;
	[tilespmem:$0x1FD10] =	vst v63  }
0x96: {  	_ =	swait.ge [sflag:s26], $0x2300  }
0x97: {  	[sflag:s26] =	ssyncset.done $0x0  }
0x98: {  	s13 =	simm.s32 $0x190;
	[sflag:s26] =	ssyncadd.s32 $0xFFFFDD00  }
0x99: {  	[tilespmem:s2], [sflag:$0x2] =	stream.indirect.gather [hbm4b:s1+s30], $0x70, s13, s30, $0xb8;
	[tilespmem:$0x1FD10] =	vst v63  }
0x9a: {  	_ =	swait.ge [sflag:s8], $0x2300  }
0x9b: {  	[sflag:s8] =	ssyncset.done $0x0  }
0x9c: {  	s16 =	simm.s32 $0x27B0;
	[sflag:s8] =	ssyncadd.s32 $0xFFFFDD00  }
0x9d: {  	[spmem:s3] =	stream.indirect.scatter.add.f32 [tilespmem:s28], [sflag:$0x6], $0x70, s16, s30, $0xb8;
	[tilespmem:$0x1FD10] =	vst v63  }
0x9e: {  	_ =	swait.ge [sflag:s26], $0x2300  }
0x9f: {  	[sflag:s26] =	ssyncset.done $0x0  }
0xa0: {  	s17 =	simm.s32 $0x1E0;
	[sflag:s26] =	ssyncadd.s32 $0xFFFFDD00  }
0xa1: {  	[tilespmem:s28], [sflag:$0x3] =	stream.indirect.gather [hbm4b:s1+s30], $0x70, s17, s30, $0xb8;
	[tilespmem:$0x1FD10] =	vst v63  }
0xa2: {  	_ =	swait.ge [sflag:s10], $0x2300  }
0xa3: {  	[sflag:s10] =	ssyncset.done $0x0  }
0xa4: {  	s24 =	simm.s32 $0x2800;
	[sflag:s10] =	ssyncadd.s32 $0xFFFFDD00  }
0xa5: {  	[spmem:s3] =	stream.indirect.scatter.add.f32 [tilespmem:s4], [sflag:$0x6], $0x70, s24, s30, $0xb8;
	[tilespmem:$0x1FD10] =	vst v63  }
0xa6: {  	_ =	swait.ge [sflag:s26], $0x2300  }
0xa7: {  	[sflag:s26] =	ssyncset.done $0x0  }
0xa8: {  	s9 =	simm.s32 $0x230;
	s12 =	simm.s32 $0x500;
	[sflag:s26] =	ssyncadd.s32 $0xFFFFDD00  }
.LBB2_4:
0xa9: {  	[tilespmem:s4], [sflag:$0x4] =	stream.indirect.gather [hbm4b:s1+s30], $0x70, s9, s30, $0xb8;
	[tilespmem:$0x1FD10] =	vst v63  }
0xaa: {  	s9 =	smov.u32 s12  }
0xab: {  	p2 =	sne.s32 s12, $0x9100;
	s12 =	sadd.s32 $0x500, s12;
	_ =	swait.ge [sflag:s5], $0x2300  }
0xac: {  	s13 =	sshra.s32 s9, $0x2;
	[sflag:s5] =	ssyncset.done $0x0  }
0xad: {  	s9 =	sadd.s32 $0x2710, s13;
	[sflag:s5] =	ssyncadd.s32 $0xFFFFDD00  }
0xae: {  	[spmem:s3] =	stream.indirect.scatter.add.f32 [tilespmem:s31], [sflag:$0x6], $0x70, s9, s30, $0xb8;
	[tilespmem:$0x1FD10] =	vst v63  }
0xaf: {  	_ =	swait.ge [sflag:s26], $0x2300  }
0xb0: {  	[sflag:s26] =	ssyncset.done $0x0  }
0xb1: {  	s9 =	sadd.s32 $0x140, s13;
	[sflag:s26] =	ssyncadd.s32 $0xFFFFDD00  }
0xb2: {  	[tilespmem:s31], [sflag:$0x1] =	stream.indirect.gather [hbm4b:s1+s30], $0x70, s9, s30, $0xb8;
	[tilespmem:$0x1FD10] =	vst v63  }
0xb3: {  	_ =	swait.ge [sflag:s7], $0x2300  }
0xb4: {  	[sflag:s7] =	ssyncset.done $0x0  }
0xb5: {  	s9 =	sadd.s32 $0x2760, s13;
	[sflag:s7] =	ssyncadd.s32 $0xFFFFDD00  }
0xb6: {  	[spmem:s3] =	stream.indirect.scatter.add.f32 [tilespmem:s2], [sflag:$0x6], $0x70, s9, s30, $0xb8;
	[tilespmem:$0x1FD10] =	vst v63  }
0xb7: {  	_ =	swait.ge [sflag:s26], $0x2300  }
0xb8: {  	[sflag:s26] =	ssyncset.done $0x0  }
0xb9: {  	s9 =	sadd.s32 $0x190, s13;
	[sflag:s26] =	ssyncadd.s32 $0xFFFFDD00  }
0xba: {  	[tilespmem:s2], [sflag:$0x2] =	stream.indirect.gather [hbm4b:s1+s30], $0x70, s9, s30, $0xb8;
	[tilespmem:$0x1FD10] =	vst v63  }
0xbb: {  	_ =	swait.ge [sflag:s8], $0x2300  }
0xbc: {  	[sflag:s8] =	ssyncset.done $0x0  }
0xbd: {  	s9 =	sadd.s32 $0x27B0, s13;
	[sflag:s8] =	ssyncadd.s32 $0xFFFFDD00  }
0xbe: {  	[spmem:s3] =	stream.indirect.scatter.add.f32 [tilespmem:s28], [sflag:$0x6], $0x70, s9, s30, $0xb8;
	[tilespmem:$0x1FD10] =	vst v63  }
0xbf: {  	_ =	swait.ge [sflag:s26], $0x2300  }
0xc0: {  	[sflag:s26] =	ssyncset.done $0x0  }
0xc1: {  	s9 =	sadd.s32 $0x1E0, s13;
	[sflag:s26] =	ssyncadd.s32 $0xFFFFDD00  }
0xc2: {  	[tilespmem:s28], [sflag:$0x3] =	stream.indirect.gather [hbm4b:s1+s30], $0x70, s9, s30, $0xb8;
	[tilespmem:$0x1FD10] =	vst v63  }
0xc3: {  	_ =	swait.ge [sflag:s10], $0x2300  }
0xc4: {  	[sflag:s10] =	ssyncset.done $0x0  }
.Ltmp1:
0xc5: {  	s9 =	sadd.s32 $0x2800, s13;
	[sflag:s10] =	ssyncadd.s32 $0xFFFFDD00;
	(pc) =	sbr.rel @p2 .LBB2_4-.Ltmp1, $4  }
0xc6: {  	[spmem:s3] =	stream.indirect.scatter.add.f32 [tilespmem:s4], [sflag:$0x6], $0x70, s9, s30, $0xb8;
	[tilespmem:$0x1FD10] =	vst v63  }
0xc7: {  	_ =	swait.ge [sflag:s26], $0x2300  }
0xc8: {  	[sflag:s26] =	ssyncset.done $0x0  }
0xc9: {  	s9 =	sadd.s32 $0x230, s13;
	[sflag:s26] =	ssyncadd.s32 $0xFFFFDD00  }
0xca: {  	[tilespmem:s4], [sflag:$0x4] =	stream.indirect.gather [hbm4b:s1+s30], $0x70, s9, s30, $0xb8;
	[tilespmem:$0x1FD10] =	vst v63  }
0xcb: {  	_ =	swait.ge [sflag:s5], $0x2300  }
0xcc: {  	[sflag:s5] =	ssyncset.done $0x0  }
0xcd: {  	s17 =	simm.s32 $0x4C90;
	[sflag:s5] =	ssyncadd.s32 $0xFFFFDD00  }
0xce: {  	[spmem:s3] =	stream.indirect.scatter.add.f32 [tilespmem:s31], [sflag:$0x6], $0x70, s17, s30, $0xb8;
	[tilespmem:$0x1FD10] =	vst v63  }
0xcf: {  	_ =	swait.ge [sflag:s26], $0x2300  }
0xd0: {  	[sflag:s26] =	ssyncset.done $0x0  }
0xd1: {  	s24 =	simm.s32 $0x26C0;
	[sflag:s26] =	ssyncadd.s32 $0xFFFFDD00  }
0xd2: {  	[tilespmem:s31], [sflag:$0x1] =	stream.indirect.gather [hbm4b:s1+s30], $0x70, s24, s30, $0xb8;
	[tilespmem:$0x1FD10] =	vst v63  }
0xd3: {  	_ =	swait.ge [sflag:s7], $0x2300  }
0xd4: {  	[sflag:s7] =	ssyncset.done $0x0  }
0xd5: {  	s12 =	simm.s32 $0x4CE0;
	[sflag:s7] =	ssyncadd.s32 $0xFFFFDD00  }
0xd6: {  	[spmem:s3] =	stream.indirect.scatter.add.f32 [tilespmem:s2], [sflag:$0x6], $0x70, s12, s30, $0xb8;
	[tilespmem:$0x1FD10] =	vst v63  }
0xd7: {  	_ =	swait.ge [sflag:s26], $0x2300  }
0xd8: {  	[sflag:s26] =	ssyncset.done $0x0  }
0xd9: {  	[sflag:s26] =	ssyncadd.s32 $0xFFFFDD00  }
0xda: {  	_ =	swait.ge [sflag:s8], $0x2300  }
0xdb: {  	[sflag:s8] =	ssyncset.done $0x0  }
0xdc: {  	s13 =	simm.s32 $0x4D30;
	[sflag:s8] =	ssyncadd.s32 $0xFFFFDD00  }
0xdd: {  	[spmem:s3] =	stream.indirect.scatter.add.f32 [tilespmem:s28], [sflag:$0x6], $0x70, s13, s30, $0xb8;
	[tilespmem:$0x1FD10] =	vst v63  }
0xde: {  	_ =	swait.ge [sflag:s26], $0x2300  }
0xdf: {  	[sflag:s26] =	ssyncset.done $0x0  }
0xe0: {  	[sflag:s26] =	ssyncadd.s32 $0xFFFFDD00  }
0xe1: {  	_ =	swait.ge [sflag:s10], $0x2300  }
0xe2: {  	[sflag:s10] =	ssyncset.done $0x0  }
0xe3: {  	s16 =	simm.s32 $0x4D80;
	[sflag:s10] =	ssyncadd.s32 $0xFFFFDD00  }
0xe4: {  	[spmem:s3] =	stream.indirect.scatter.add.f32 [tilespmem:s4], [sflag:$0x6], $0x70, s16, s30, $0xb8;
	[tilespmem:$0x1FD10] =	vst v63  }
0xe5: {  	_ =	swait.ge [sflag:s26], $0x2300  }
0xe6: {  	[sflag:s26] =	ssyncset.done $0x0  }
0xe7: {  	[sflag:s26] =	ssyncadd.s32 $0xFFFFDD00  }
0xe8: {  	_ =	swait.ge [sflag:s5], $0x2300  }
0xe9: {  	[sflag:s5] =	ssyncset.done $0x0  }
0xea: {  	s17 =	simm.s32 $0x4DD0;
	s24 =	sadd.s32 $0x0, s0;
	[sflag:s5] =	ssyncadd.s32 $0xFFFFDD00  }
0xeb: {  	[spmem:s3] =	stream.indirect.scatter.add.f32 [tilespmem:s31], [sflag:$0x6], $0x70, s17, s30, $0xb8;
	[tilespmem:$0x1FD10] =	vst v63  }
0xec: {  	p2 =	sgt.u32 s24, $0xF9;
	s24 =	smov.u32 s15;
	_ =	swait.ge [sflag:s26], $0x2300  }
0xed: {  	s9 =	sshll.u32 @!p2 s0, $0x6;
	s12 =	simm.s32 $0x10;
	[sflag:s26] =	ssyncset.done $0x0  }
0xee: {  	s13 =	sadd.s32 $0x2300, s15;
	s16 =	sor.u32 @!p2 $0x1C05, s9;
	[sflag:s26] =	ssyncadd.s32 $0xFFFFDD00  }
0xef: {  	s9 =	smov.u32 s14;
	s17 =	sshrl.u32 @!p2 s6, $0x3;
	[bflag:$0x0] =	sbarrier.arrive $0xFFFF  }
.LBB2_6:
0xf0: {  	[hbm:s24], [sflag:s16] =	dma.local @!p2 [spmem:s17], $0x230  }
0xf1: {  	s16 =	smov.u32 s12;
	s12 =	sadd.s32 $0x10, s12  }
0xf2: {  	p3 =	sne.s32 s12, $0x100  }
.Ltmp2:
0xf3: {  	(pc) =	sbr.rel @p3 .LBB2_6-.Ltmp2, $4  }
0xf4: {  	s24 =	smov.u32 s13;
	s16 =	sadd.s32 s16, s0  }
0xf5: {  	p2 =	sgt.u32 s16, $0xF9  }
0xf6: {  	s13 =	sadd.s32 $0x2300, s13;
	s16 =	sshll.u32 @!p2 s0, $0x6  }
0xf7: {  	s17 =	sshrl.u32 @!p2 s9, $0x3;
	s9 =	sadd.s32 $0x11800, s9;
	s16 =	sor.u32 @!p2 $0x1C05, s16  }
0xf8: {  	[hbm:s24], [sflag:s16] =	dma.local @!p2 [spmem:s17], $0x230  }
0xf9: {  	_ =	swait.ge [sflag:s29], $0x230  }
0xfa: {  	[sflag:s29] =	ssyncset.done $0x0  }
0xfb: {  	[sflag:s29] =	ssyncadd.s32 $0xFFFFFDD0  }
0xfc: {  	_ =	swait.ge [sflag:s29], $0x230  }
0xfd: {  	[sflag:s29] =	ssyncset.done $0x0  }
0xfe: {  	[sflag:s29] =	ssyncadd.s32 $0xFFFFFDD0  }
0xff: {  	_ =	swait.ge [sflag:s29], $0x230  }
0x100: {  	[sflag:s29] =	ssyncset.done $0x0  }
0x101: {  	[sflag:s29] =	ssyncadd.s32 $0xFFFFFDD0  }
0x102: {  	_ =	swait.ge [sflag:s29], $0x230  }
0x103: {  	[sflag:s29] =	ssyncset.done $0x0  }
0x104: {  	[sflag:s29] =	ssyncadd.s32 $0xFFFFFDD0  }
0x105: {  	_ =	swait.ge [sflag:s29], $0x230  }
0x106: {  	[sflag:s29] =	ssyncset.done $0x0  }
0x107: {  	[sflag:s29] =	ssyncadd.s32 $0xFFFFFDD0  }
0x108: {  	_ =	swait.ge [sflag:s29], $0x230  }
0x109: {  	[sflag:s29] =	ssyncset.done $0x0  }
0x10a: {  	[sflag:s29] =	ssyncadd.s32 $0xFFFFFDD0  }
0x10b: {  	_ =	swait.ge [sflag:s29], $0x230  }
0x10c: {  	[sflag:s29] =	ssyncset.done $0x0  }
0x10d: {  	[sflag:s29] =	ssyncadd.s32 $0xFFFFFDD0  }
0x10e: {  	_ =	swait.ge [sflag:s29], $0x230  }
0x10f: {  	[sflag:s29] =	ssyncset.done $0x0  }
0x110: {  	[sflag:s29] =	ssyncadd.s32 $0xFFFFFDD0  }
0x111: {  	_ =	swait.ge [sflag:s29], $0x230  }
0x112: {  	[sflag:s29] =	ssyncset.done $0x0  }
0x113: {  	[sflag:s29] =	ssyncadd.s32 $0xFFFFFDD0  }
0x114: {  	_ =	swait.ge [sflag:s29], $0x230  }
0x115: {  	[sflag:s29] =	ssyncset.done $0x0  }
0x116: {  	[sflag:s29] =	ssyncadd.s32 $0xFFFFFDD0  }
0x117: {  	_ =	swait.ge [sflag:s29], $0x230  }
0x118: {  	[sflag:s29] =	ssyncset.done $0x0  }
0x119: {  	[sflag:s29] =	ssyncadd.s32 $0xFFFFFDD0  }
0x11a: {  	_ =	swait.ge [sflag:s29], $0x230  }
0x11b: {  	[sflag:s29] =	ssyncset.done $0x0  }
0x11c: {  	[sflag:s29] =	ssyncadd.s32 $0xFFFFFDD0  }
0x11d: {  	_ =	swait.ge [sflag:s29], $0x230  }
0x11e: {  	[sflag:s29] =	ssyncset.done $0x0  }
0x11f: {  	[sflag:s29] =	ssyncadd.s32 $0xFFFFFDD0  }
0x120: {  	_ =	swait.ge [sflag:s29], $0x230  }
0x121: {  	[sflag:s29] =	ssyncset.done $0x0  }
0x122: {  	[sflag:s29] =	ssyncadd.s32 $0xFFFFFDD0  }
0x123: {  	_ =	swait.ge [sflag:s29], $0x230  }
0x124: {  	[sflag:s29] =	ssyncset.done $0x0  }
0x125: {  	s9 =	simm.s32 @!p1 $0x5;
	[sflag:s29] =	ssyncadd.s32 $0xFFFFFDD0  }
0x126: {  	_ =	swait.ge @!p1 [sflag:s9], $0x230  }
0x127: {  	s11 =	sadd.s32 $0x1, s11;
	s12 =	rddreg [dreg:$0x6]  }
0x128: {  	p2 =	sne.s32 s11, s12  }
.Ltmp3:
0x129: {  	_ = 	snop;
	(pc) =	sbr.rel @p2 .LBB2_1-.Ltmp3, $3  }
0x12a: {  	_ =	sdelay $0x1  }
0x12b: {  	[sflag:s9] =	ssyncset.done @!p1 $0x0  }
0x12c: {  	[sflag:s9] =	ssyncadd.s32 @!p1 $0xFFFFFDD0  }
0x12d: {  	_ =	sfence.sel $0x180000  }
0x12e: {  	[bflag:$0x0] =	sbarrier.arrive $0xFFFF  }
0x12f: {  	_ =	strace $0x9000004A  }
0x130: {  	[bflag:$0x2] =	sbarrier.arrive $0xFFFF  }
0x131: {  	p0 =	sne.s32 s0, $0x0;
	s0 =	rddreg [dreg:$0x3]  }
0x132: {  	s0 =	sadd.s32 @!p0 $0x100000, s0  }
0x133: {  	[sflag:s0] =	ssyncadd.tile.s32 @!p0 $0x1;
	_ =	shalt  }
.Lfunc_end2:
_tile_overlayer_lowered:
.L_overlay_start_2:
0x134: {  	(tag) =	ssettag $0x2  }
0x135: {  	s0 =	rddreg [dreg:$0x0];
	s2 =	stileid.u32  }
0x136: {  	s1 =	rddreg [dreg:$0x1];
	p0 =	sne.s32 s2, $0x0  }
0x137: {  	s3 =	rddreg [dreg:$0x2];
	[bflag:$0x3] =	sbarrier.arrive $0xFFFF;
	s2 =	simm.s32 @!p0 $0x1C06  }
0x138: {  	[timem:s3], [sflag:s2] =	dma.local @!p0 [hbm:s0], s1  }
0x139: {  	s0 =	simm.s32 @!p0 $0x6  }
0x13a: {  	_ =	swait.ge @!p0 [sflag:s0], s1  }
0x13b: {  	s1 =	ssub.s32 @!p0 $0x0, s1;
	[sflag:s0] =	ssyncset.done @!p0 $0x0  }
0x13c: {  	[sflag:s0] =	ssyncadd.s32 @!p0 s1  }
0x13d: {  	[bflag:$0x3] =	sbarrier.arrive $0xFFFF  }
0x13e: {  	_ =	shalt  }

// kernel: kernel.16.cloned.1.call-start
scs
__scs_entry_jumppad:
0x0: {  	(pc) =	sbr.rel $0x88, $3  }
0x1: {  	(tag) =	ssettag $0x0;
	lr =	simm.s32 $0x1  }
0x2: {  	[smem:$0x3F94] =	sst lr;
	_ =	strace $0xD0000000  }
0x3: {  	_ = 	snop  }
0x4: {  	_ = 	snop  }
0x5: {  	_ = 	snop  }
0x6: {  	_ = 	snop  }
0x7: {  	_ = 	snop  }
__scs_overlays_trampoline_lowered:
0x8: {  	[smem:$0x3FA3] =	sst s0  }
0x9: {  	[smem:$0x3FA4] =	sst s1  }
0xa: {  	[smem:$0x3FA5] =	sst s2  }
0xb: {  	[smem:$0x3FA6] =	sst s3  }
0xc: {  	[smem:$0x3FA7] =	sst s4  }
0xd: {  	[smem:$0x3FA8] =	sst s5  }
0xe: {  	[smem:$0x3FA9] =	sst s6  }
0xf: {  	[smem:$0x3FAA] =	sst s7  }
0x10: {  	[smem:$0x3FAB] =	sst s8  }
0x11: {  	[smem:$0x3FAC] =	sst s9;
	s0 =	simm.s32 @!p0 $0x0  }
0x12: {  	s1 =	sld [smem:$0x3F92];
	s0 =	simm.s32 @p0 $0x1  }
0x13: {  	[smem:$0x3FAD] =	sst s0;
	s0 =	simm.s32 @!p1 $0x0  }
0x14: {  	s2 =	sld [smem:$0x3F91];
	s0 =	simm.s32 @p1 $0x1  }
0x15: {  	[smem:$0x3FAE] =	sst s0;
	s0 =	simm.s32 @!p2 $0x0  }
0x16: {  	s3 =	sld [smem:$0x3FDB];
	s0 =	simm.s32 @p2 $0x1  }
0x17: {  	s4 =	simm.s32 $0x1BF5;
	[smem:$0x3FB0] =	sst s0  }
0x18: {  	s0 =	sld [smem:$0x3F93];
	_ =	swait.ge [sflag:s4], $0x0  }
0x19: {  	s7 =	sld [smem:$0x3F94]  }
0x1a: {  	s8 =	sadd.s32 $0xFFFFE003, lr  }
0x1b: {  	s9 =	sadd.s32 $0xFFFFFEF7, lr;
	s5 =	simm.s32 $0xFFFFFFFF;
	p2 =	slt.u32 s8, $0xFFFFF086  }
0x1c: {  	p1 =	slt.u32 s9, $0xF7A;
	s5 =	simm.s32 @!p2 $0x0  }
0x1d: {  	s5 =	simm.s32 @p1 $0x1;
	p0 =	seq.s32 s7, s2  }
0x1e: {  	s7 =	smul.u32 @!p0 $0xF7A, s2;
	p2 =	seq.s32 @!p0 s5, $0x0  }
0x1f: {  	s9 =	smul.u32 $0xF7A, s1;
	s8 =	simm.s32 @!p0 $0x1BF5;
	p2 =	por !p2, p0  }
0x20: {  	[sflag:s8] =	ssyncset.s32 @!p0 $0xFFFFF086;
	s6 =	sadd.s32 @!p0 s3, s7;
	s7 =	simm.s32 @!p0 $0x108  }
0x21: {  	s3 =	sadd.s32 s3, s9;
	s6 =	sadd.s32 @!p0 $0x88, s6;
	s7 =	simm.s32 @p2 $0x1082  }
0x22: {  	[simem:s7], [sflag:s8] =	dma.local @!p0 [hbm:s6], $0xF7A  }
0x23: {  	s9 =	sor.u32 $0xD0000000, s2;
	s6 =	simm.s32 $0x108;
	_ =	swait.ge @!p0 [sflag:s8], $0x0  }
0x24: {  	s3 =	sadd.s32 $0x88, s3;
	s6 =	simm.s32 @!p1 $0x1082;
	[sflag:s4] =	ssyncset.s32 $0xFFFFF086  }
0x25: {  	[simem:s6], [sflag:s4] =	dma.local [hbm:s3], $0xF7A  }
0x26: {  	[smem:$0x3F94] =	sst s1;
	(tag) =	ssettag s2;
	_ =	strace s9  }
0x27: {  	s1 =	sld [smem:$0x3FA4]  }
0x28: {  	s2 =	sld [smem:$0x3FA5]  }
0x29: {  	s4 =	sld [smem:$0x3FA7]  }
0x2a: {  	p0 =	seq.s32 s5, $0x0;
	s5 =	sld [smem:$0x3FA8]  }
0x2b: {  	s6 =	sld [smem:$0x3FA9]  }
0x2c: {  	s7 =	sld [smem:$0x3FAA]  }
0x2d: {  	s3 =	simm.s32 $0x108;
	s8 =	sld [smem:$0x3FAB]  }
0x2e: {  	s3 =	simm.s32 @!p0 $0x1082;
	s9 =	sld [smem:$0x3FAC]  }
0x2f: {  	lr =	sadd.s32 s0, s3;
	s0 =	sld [smem:$0x3FA3]  }
0x30: {  	s3 =	sld [smem:$0x3FA6]  }
0x31: {  	[smem:$0x3FAF] =	sst s10  }
0x32: {  	s10 =	sld [smem:$0x3FAD];
	_ =	sdelay $0x3  }
0x33: {  	p0 =	seq.s32 s10, $0x1;
	s10 =	sld [smem:$0x3FAF];
	_ =	sdelay $0x3  }
0x34: {  	[smem:$0x3FAF] =	sst s10  }
0x35: {  	s10 =	sld [smem:$0x3FAE];
	_ =	sdelay $0x3  }
0x36: {  	p1 =	seq.s32 s10, $0x1;
	s10 =	sld [smem:$0x3FAF];
	_ =	sdelay $0x3  }
0x37: {  	[smem:$0x3FAF] =	sst s10  }
0x38: {  	s10 =	sld [smem:$0x3FB0]  }
0x39: {  	_ = 	snop;
	(pc) =	sbr.ind lr, $3  }
0x3a: {  	_ = 	snop  }
0x3b: {  	_ = 	snop  }
0x3c: {  	p2 =	seq.s32 s10, $0x1;
	s10 =	sld [smem:$0x3FAF]  }
0x3d: {  	_ =	shalt  }
0x3e: {  	_ =	shalt  }
0x3f: {  	_ =	shalt  }
0x40: {  	_ =	shalt  }
0x41: {  	_ =	shalt  }
0x42: {  	_ =	shalt  }
0x43: {  	_ =	shalt  }
0x44: {  	_ =	shalt  }
0x45: {  	_ =	shalt  }
0x46: {  	_ =	shalt  }
0x47: {  	_ =	shalt  }
0x48: {  	_ =	shalt  }
0x49: {  	_ =	shalt  }
0x4a: {  	_ =	shalt  }
0x4b: {  	_ =	shalt  }
0x4c: {  	_ =	shalt  }
0x4d: {  	_ =	shalt  }
0x4e: {  	_ =	shalt  }
0x4f: {  	_ =	shalt  }
0x50: {  	_ =	shalt  }
0x51: {  	_ =	shalt  }
0x52: {  	_ =	shalt  }
0x53: {  	_ =	shalt  }
0x54: {  	_ =	shalt  }
0x55: {  	_ =	shalt  }
0x56: {  	_ =	shalt  }
0x57: {  	_ =	shalt  }
0x58: {  	_ =	shalt  }
0x59: {  	_ =	shalt  }
0x5a: {  	_ =	shalt  }
0x5b: {  	_ =	shalt  }
0x5c: {  	_ =	shalt  }
0x5d: {  	_ =	shalt  }
0x5e: {  	_ =	shalt  }
0x5f: {  	_ =	shalt  }
0x60: {  	_ =	shalt  }
0x61: {  	_ =	shalt  }
0x62: {  	_ =	shalt  }
0x63: {  	_ =	shalt  }
0x64: {  	_ =	shalt  }
0x65: {  	_ =	shalt  }
0x66: {  	_ =	shalt  }
0x67: {  	_ =	shalt  }
0x68: {  	_ =	shalt  }
0x69: {  	_ =	shalt  }
0x6a: {  	_ =	shalt  }
0x6b: {  	_ =	shalt  }
0x6c: {  	_ =	shalt  }
0x6d: {  	_ =	shalt  }
0x6e: {  	_ =	shalt  }
0x6f: {  	_ =	shalt  }
0x70: {  	_ =	shalt  }
0x71: {  	_ =	shalt  }
0x72: {  	_ =	shalt  }
0x73: {  	_ =	shalt  }
0x74: {  	_ =	shalt  }
0x75: {  	_ =	shalt  }
0x76: {  	_ =	shalt  }
0x77: {  	_ =	shalt  }
0x78: {  	_ =	shalt  }
0x79: {  	_ =	shalt  }
0x7a: {  	_ =	shalt  }
0x7b: {  	_ =	shalt  }
0x7c: {  	_ =	shalt  }
0x7d: {  	_ =	shalt  }
0x7e: {  	_ =	shalt  }
0x7f: {  	_ =	shalt  }
0x80: {  	_ =	shalt  }
0x81: {  	_ =	shalt  }
0x82: {  	_ =	shalt  }
0x83: {  	_ =	shalt  }
0x84: {  	_ =	shalt  }
0x85: {  	_ =	shalt  }
0x86: {  	_ =	shalt  }
0x87: {  	_ =	shalt  }
.Lfunc_end0:
.L_simem_size_0:
called_computation.2_lowered:
.L_overlay_start_0:
0x88: {  	s2 =	sld [smem:$0x3FD9]  }
0x89: {  	s3 =	sld [smem:$0x3FFE];
	_ =	sdelay $0x1  }
0x8a: {  	s1 =	srdreg.scid  }
0x8b: {  	s0 =	sand.u32 $0x1, s1  }
0x8c: {  	s14 =	sshll.u32 s0, $0xA;
	s2 =	sadd.s32 s3, s2  }
0x8d: {  	s2 =	sadd.s32 s2, s14  }
0x8e: {  	[smem:$0x3FBB] =	sst s2  }
0x8f: {  	_ = 	snop  }
0x90: {  	s2 =	sld [smem:$0x3FD0];
	_ =	sdelay $0x2  }
0x91: {  	s15 =	simm.s32 $0xA;
	s4 =	simm.s32 $0x10  }
0x92: {  	[smem:s4], [sflag:s15] =	dma.local [hbm:s2], $0x1  }
0x93: {  	_ =	swait.eq [sflag:s15], $0x1  }
0x94: {  	[sflag:s15] =	ssyncset.done $0x0  }
0x95: {  	[sflag:s15] =	ssyncadd.s32 $0xFFFFFFFF  }
0x96: {  	s16 =	sld [smem:$0x11];
	(tm) =	ssettm $0x1  }
0x97: {  	s17 =	sld [smem:$0x3FFB];
	_ =	sdelay $0x3  }
0x98: {  	_ =	strace s17  }
0x99: {  	s3 =	sld [smem:$0x3FFC];
	_ =	sdelay $0x3  }
0x9a: {  	_ =	strace s3  }
0x9b: {  	s3 =	sld [smem:$0x3FFD];
	_ =	sdelay $0x3  }
0x9c: {  	_ =	strace s3  }
0x9d: {  	_ =	strace $0x8FFFFFFF  }
0x9e: {  	s18 =	sld [smem:$0x3FDB];
	_ =	sdelay $0x1  }
0x9f: {  	s19 =	simm.s32 $_scs_section_size  }
0xa0: {  	s5 =	simm.s32 $_size__tile_overlayer_lowered;
	s6 =	simm.s32 $_tile_overlayer_lowered  }
0xa1: {  	s22 =	simm.s32 $0x1BFF;
	s21 =	sshll.u32 s6, $0x1;
	s3 =	sadd.s32 s19, s18  }
0xa2: {  	s7 =	simm.s32 $0x0;
	s20 =	sshll.u32 s5, $0x1;
	s5 =	sadd.s32 s21, s3  }
0xa3: {  	[timem:s7], [sflag:s22] =	dma.local [hbm:s5], s20  }
0xa4: {  	_ =	swait.ge [sflag:s22], s20  }
0xa5: {  	s4 =	ssub.s32 $0x0, s20;
	[sflag:s22] =	ssyncset.done $0x0  }
0xa6: {  	[sflag:s22] =	ssyncadd.s32 s4;
	_ =	sdelay $0x1  }
0xa7: {  	s23 =	simm.s32 $0x1B8B  }
0xa8: {  	_ =	swait.ge [sflag:s23], $0x1  }
0xa9: {  	[sflag:s23] =	ssyncset.done $0x0  }
0xaa: {  	s25 =	simm.s32 $0x1B8E;
	s24 =	sld [smem:$0x3FFE];
	[sflag:s23] =	ssyncadd.s32 $0xFFFFFFFF  }
0xab: {  	s26 =	simm.s32 $execute0_lowered;
	[smem:$0x3FD2] =	sst s25  }
0xac: {  	s5 =	sshll.u32 s26, $0x1;
	_ =	strace $0x8000004C;
	[dreg:$0x1] =	wrdreg $0xFFFFFFFF  }
0xad: {  	s28 =	simm.s32 $_size_execute0_lowered;
	s3 =	sadd.s32 s3, s5;
	[dreg:$0x0] =	wrdreg $0x0  }
0xae: {  	s5 =	sshll.u32 s28, $0x1;
	[dreg:$0x2] =	wrdreg s3  }
0xaf: {  	[dreg:$0x3] =	wrdreg s5  }
0xb0: {  	[dreg:$0x4] =	wrdreg $0xC0  }
0xb1: {  	_ =	task [dreg:s7], $0x5FFFF  }
0xb2: {  	[dreg:$0x1] =	wrdreg $0xFFFFFFFF  }
0xb3: {  	[dreg:$0x0] =	wrdreg $0x60  }
0xb4: {  	[dreg:$0x2] =	wrdreg s16  }
0xb5: {  	[dreg:$0x3] =	wrdreg s24  }
0xb6: {  	[dreg:$0x4] =	wrdreg $0xEBA00  }
0xb7: {  	[dreg:$0x5] =	wrdreg $0x9  }
0xb8: {  	_ =	task.clear_ibuf [dreg:s7], $0x6FFFF;
	_ =	strace $0x9000004C  }
0xb9: {  	s29 =	simm.s32 $0x9;
	_ =	strace $0x8000004E  }
0xba: {  	_ =	swait.ge [sflag:s29], $0x1  }
0xbb: {  	[sflag:s29] =	ssyncadd.s32 $0xFFFFFFFF  }
0xbc: {  	_ =	strace $0x9000004E  }
0xbd: {  	_ =	sfence  }
0xbe: {  	s30 =	sld [smem:$0x0];
	_ =	sdelay $0x2  }
0xbf: {  	s31 =	sshll.u32 s1, $0xD;
	s1 =	sshrl.u32 s1, $0x2  }
0xc0: {  	s3 =	sand.u32 $0x4000, s31;
	s1 =	sadd.s32 s1, s30  }
0xc1: {  	s0 =	sor.u32 s3, s0;
	s1 =	sshll.u32 s1, $0x11  }
0xc2: {  	s0 =	sor.u32 s1, s0  }
0xc3: {  	s0 =	sadd.s32 $0x8F2B, s0  }
0xc4: {  	[sflag:s0] =	ssyncadd.remote.s32 $0x1  }
0xc5: {  	_ =	sfence.sel $0xFFFF  }
0xc6: {  	[dreg:$0x0] =	wrdreg $0xFFFFFFFF;
	(pc) =	sbr.abs _section_cstart, $3  }
0xc7: {  	[dreg:$0x1] =	wrdreg $0xFFFFFFFF  }
0xc8: {  	_ =	task.clear_ibuf [dreg:s7], $0x2FFFF;
	_ =	strace $0x9FFFFFFF  }
0xc9: {  	(tm) =	ssettm $0x7FFFFFFF  }
tec
execute0_lowered:
.L_overlay_start_1:
0x0: {  	(tag) =	ssettag $0x1  }
0x1: {  	s1 =	rddreg [dreg:$0x0]  }
0x2: {  	s0 =	srdreg.scid;
	s2 =	rddreg [dreg:$0x1]  }
0x3: {  	s3 =	rddreg [dreg:$0x2];
	s4 =	sand.u32 $0x1, s0  }
0x4: {  	s0 =	stileid.u32;
	s5 =	smul.u32 $0x27100, s4  }
0x5: {  	s8 =	simm.s32 $0x0;
	s29 =	simm.s32 $0x5;
	s6 =	smul.u32 $0x2710, s0  }
0x6: {  	s30 =	simm.s32 $0x50;
	s31 =	simm.s32 $0x4E20;
	s7 =	smul.u32 $0x111700, s4  }
0x7: {  	s28 =	simm.s32 $0x9420;
	[smem:$0x7FF] =	sst s8;
	s26 =	smul.u32 $0x1180, s0  }
0x8: {  	_ =	strace $0x8000004D;
	s8 =	smul.u32 $0x4600, s0;
	s4 =	ssub.s32 $0x2, s4  }
0x9: {  	s17 =	sor.u32 $0xF0, s0;
	p1 =	sgt.u32 s0, $0x9;
	s9 =	sshrl.u32 s4, $0x1  }
0xa: {  	p0 =	sgt.u32 s17, $0xF9;
	s5 =	sadd.s32 s6, s5;
	s7 =	sadd.s32 s26, s7  }
0xb: {  	s4 =	ssub.s32 s4, s9;
	s5 =	sshrl.u32 s5, $0x3;
	s6 =	sshrl.u32 s7, $0x3  }
0xc: {  	s7 =	sshrl.u32 s8, $0x2;
	s4 =	smax.u32 s4, $0x1;
	s5 =	sadd.s32 s5, s2  }
0xd: {  	s2 =	sadd.s32 s6, s2;
	[dreg:$0x6] =	wrdreg s4;
	s10 =	sadd.s32 $0x4000, s5  }
0xe: {  	s6 =	sadd.s32 s7, s3;
	s5 =	sadd.s32 $0xDE00, s5;
	[dreg:$0x4] =	wrdreg s10  }
0xf: {  	s26 =	smul.u32 $0x4600, s17;
	s11 =	sadd.s32 $0x23000, s6;
	[dreg:$0x5] =	wrdreg s5  }
0x10: {  	s8 =	simm.s32 $0x3;
	s12 =	sadd.s32 $0x34800, s6;
	[dreg:$0x7] =	wrdreg s11  }
0x11: {  	s4 =	simm.s32 $0xB720;
	s13 =	sadd.s32 $0x46000, s6;
	[dreg:$0x8] =	wrdreg s12  }
0x12: {  	s14 =	sadd.s32 $0x11800, s6;
	s15 =	sadd.s32 $0x57800, s6;
	[dreg:$0x9] =	wrdreg s13  }
0x13: {  	s16 =	sadd.s32 $0x69000, s6;
	s24 =	sadd.s32 $0x7A800, s6;
	[dreg:$0xa] =	wrdreg s15  }
0x14: {  	s25 =	sadd.s32 $0x8C000, s6;
	s7 =	sadd.s32 $0x9D800, s6;
	[dreg:$0xb] =	wrdreg s16  }
0x15: {  	s18 =	sadd.s32 $0xAF000, s6;
	s19 =	sadd.s32 $0xC0800, s6;
	[dreg:$0xc] =	wrdreg s24  }
0x16: {  	s20 =	sadd.s32 $0xD2000, s6;
	s21 =	sadd.s32 $0xE3800, s6;
	[dreg:$0xd] =	wrdreg s25  }
0x17: {  	s22 =	sadd.s32 $0xF5000, s6;
	[dreg:$0xe] =	wrdreg s7;
	s5 =	sshrl.u32 s26, $0x2  }
0x18: {  	s15 =	sadd.s32 $0x8D200, s2;
	s25 =	simm.s32 $0xDA20;
	s26 =	simm.s32 $0x6  }
0x19: {  	s2 =	simm.s32 $0x7120;
	s7 =	simm.s32 $0x2;
	s10 =	simm.s32 $0x4  }
0x1a: {  	v0 =	vimm.f32 $0.0e+00;
	s11 =	simm.s32 $0x0;
	s23 =	sadd.s32 s5, s3;
	s5 =	simm.s32 $0x1  }
.LBB2_1:
0x1b: {  	s12 =	simm.s32 $0x0;
	s9 =	simm.s32 $0x1C0  }
.LBB2_2:
0x1c: {  	p2 =	sne.s32 s9, $0x4440;
	[tilespmem:s12+$0xDA80] =	vst v0  }
0x1d: {  	[tilespmem:s12+$0xDA20] =	vst v0  }
.Ltmp0:
0x1e: {  	[tilespmem:s12+$0xDA30] =	vst v0;
	(pc) =	sbr.rel @p2 .LBB2_2-.Ltmp0, $4  }
0x1f: {  	[tilespmem:s12+$0xDA40] =	vst v0  }
0x20: {  	[tilespmem:s12+$0xDA50] =	vst v0  }
0x21: {  	[tilespmem:s12+$0xDA60] =	vst v0  }
0x22: {  	[tilespmem:s12+$0xDA70] =	vst v0;
	s12 =	sshra.s32 s9, $0x2;
	s9 =	sadd.s32 $0x1C0, s9  }
0x23: {  	[tilespmem:s12+$0xDA80] =	vst v0  }
0x24: {  	[tilespmem:s12+$0xDA20] =	vst v0  }
0x25: {  	[tilespmem:s12+$0xDA30] =	vst v0  }
0x26: {  	[tilespmem:s12+$0xDA40] =	vst v0  }
0x27: {  	[tilespmem:s12+$0xDA50] =	vst v0  }
0x28: {  	[tilespmem:s12+$0xDA60] =	vst v0  }
0x29: {  	[tilespmem:s12+$0xDA70] =	vst v0  }
0x2a: {  	[spmem:s6] =	stream.linear.scatter [tilespmem:s25], [sflag:$0x5], $0x1180, $0x38;
	[tilespmem:$0x1FD10] =	vst v63  }
0x2b: {  	_ = 	snop  }
0x2c: {  	[spmem:s14] =	stream.linear.scatter [tilespmem:s25], [sflag:$0x5], $0x1180, $0x38;
	[tilespmem:$0x1FD10] =	vst v63  }
0x2d: {  	s9 =	rddreg [dreg:$0x7]  }
0x2e: {  	[spmem:s9] =	stream.linear.scatter [tilespmem:s25], [sflag:$0x5], $0x1180, $0x38;
	[tilespmem:$0x1FD10] =	vst v63  }
0x2f: {  	s12 =	rddreg [dreg:$0x8]  }
0x30: {  	[spmem:s12] =	stream.linear.scatter [tilespmem:s25], [sflag:$0x5], $0x1180, $0x38;
	[tilespmem:$0x1FD10] =	vst v63  }
0x31: {  	s13 =	rddreg [dreg:$0x9]  }
0x32: {  	[spmem:s13] =	stream.linear.scatter [tilespmem:s25], [sflag:$0x5], $0x1180, $0x38;
	[tilespmem:$0x1FD10] =	vst v63  }
0x33: {  	s16 =	rddreg [dreg:$0xa]  }
0x34: {  	[spmem:s16] =	stream.linear.scatter [tilespmem:s25], [sflag:$0x5], $0x1180, $0x38;
	[tilespmem:$0x1FD10] =	vst v63  }
0x35: {  	s17 =	rddreg [dreg:$0xb]  }
0x36: {  	[spmem:s17] =	stream.linear.scatter [tilespmem:s25], [sflag:$0x5], $0x1180, $0x38;
	[tilespmem:$0x1FD10] =	vst v63  }
0x37: {  	s24 =	rddreg [dreg:$0xc]  }
0x38: {  	[spmem:s24] =	stream.linear.scatter [tilespmem:s25], [sflag:$0x5], $0x1180, $0x38;
	[tilespmem:$0x1FD10] =	vst v63  }
0x39: {  	s12 =	rddreg [dreg:$0xd]  }
0x3a: {  	[spmem:s12] =	stream.linear.scatter [tilespmem:s25], [sflag:$0x5], $0x1180, $0x38;
	[tilespmem:$0x1FD10] =	vst v63  }
0x3b: {  	s13 =	rddreg [dreg:$0xe]  }
0x3c: {  	[spmem:s13] =	stream.linear.scatter [tilespmem:s25], [sflag:$0x5], $0x1180, $0x38;
	[tilespmem:$0x1FD10] =	vst v63  }
0x3d: {  	_ = 	snop  }
0x3e: {  	[spmem:s18] =	stream.linear.scatter [tilespmem:s25], [sflag:$0x5], $0x1180, $0x38;
	[tilespmem:$0x1FD10] =	vst v63  }
0x3f: {  	_ = 	snop  }
0x40: {  	[spmem:s19] =	stream.linear.scatter [tilespmem:s25], [sflag:$0x5], $0x1180, $0x38;
	[tilespmem:$0x1FD10] =	vst v63  }
0x41: {  	_ = 	snop  }
0x42: {  	[spmem:s20] =	stream.linear.scatter [tilespmem:s25], [sflag:$0x5], $0x1180, $0x38;
	[tilespmem:$0x1FD10] =	vst v63  }
0x43: {  	_ = 	snop  }
0x44: {  	[spmem:s21] =	stream.linear.scatter [tilespmem:s25], [sflag:$0x5], $0x1180, $0x38;
	[tilespmem:$0x1FD10] =	vst v63  }
0x45: {  	_ = 	snop  }
0x46: {  	[spmem:s22] =	stream.linear.scatter [tilespmem:s25], [sflag:$0x5], $0x1180, $0x38;
	[tilespmem:$0x1FD10] =	vst v63  }
0x47: {  	s9 =	simm.s32 @!p0 $0xDA20  }
0x48: {  	[spmem:s23] =	stream.linear.scatter @!p0 [tilespmem:s9], [sflag:$0x5], $0x1180, $0x38;
	[tilespmem:$0x1FD10] =	vst v63  }
0x49: {  	s16 =	simm.s32 $0x0;
	s17 =	rddreg [dreg:$0x4]  }
0x4a: {  	[tilespmem:s16], [sflag:$0x6] =	stream.linear.gather [hbm4b:s17+s16], $0x2710, $0x38;
	[tilespmem:$0x1FD10] =	vst v63  }
0x4b: {  	_ =	swait.ge [sflag:s26], $0x2710  }
0x4c: {  	[sflag:s26] =	ssyncset.done $0x0  }
0x4d: {  	s13 =	simm.s32 $0x2710;
	s24 =	rddreg [dreg:$0x5];
	[sflag:s26] =	ssyncadd.s32 $0xFFFFD8F0  }
0x4e: {  	[tilespmem:s13], [sflag:$0x6] =	stream.linear.gather [hbm4b:s24+s16], $0x2710, $0x38;
	[tilespmem:$0x1FD10] =	vst v63  }
0x4f: {  	_ =	swait.ge [sflag:s26], $0x2710  }
0x50: {  	[sflag:s26] =	ssyncset.done $0x0  }
0x51: {  	[sflag:s26] =	ssyncadd.s32 $0xFFFFD8F0  }
0x52: {  	_ =	swait.ge [sflag:s29], $0x1180  }
0x53: {  	[sflag:s29] =	ssyncset.done $0x0  }
0x54: {  	[sflag:s29] =	ssyncadd.s32 $0xFFFFEE80  }
0x55: {  	_ =	swait.ge [sflag:s29], $0x1180  }
0x56: {  	[sflag:s29] =	ssyncset.done $0x0  }
0x57: {  	[sflag:s29] =	ssyncadd.s32 $0xFFFFEE80  }
0x58: {  	_ =	swait.ge [sflag:s29], $0x1180  }
0x59: {  	[sflag:s29] =	ssyncset.done $0x0  }
0x5a: {  	[sflag:s29] =	ssyncadd.s32 $0xFFFFEE80  }
0x5b: {  	_ =	swait.ge [sflag:s29], $0x1180  }
0x5c: {  	[sflag:s29] =	ssyncset.done $0x0  }
0x5d: {  	[sflag:s29] =	ssyncadd.s32 $0xFFFFEE80  }
0x5e: {  	_ =	swait.ge [sflag:s29], $0x1180  }
0x5f: {  	[sflag:s29] =	ssyncset.done $0x0  }
0x60: {  	[sflag:s29] =	ssyncadd.s32 $0xFFFFEE80  }
0x61: {  	_ =	swait.ge [sflag:s29], $0x1180  }
0x62: {  	[sflag:s29] =	ssyncset.done $0x0  }
0x63: {  	[sflag:s29] =	ssyncadd.s32 $0xFFFFEE80  }
0x64: {  	_ =	swait.ge [sflag:s29], $0x1180  }
0x65: {  	[sflag:s29] =	ssyncset.done $0x0  }
0x66: {  	[sflag:s29] =	ssyncadd.s32 $0xFFFFEE80  }
0x67: {  	_ =	swait.ge [sflag:s29], $0x1180  }
0x68: {  	[sflag:s29] =	ssyncset.done $0x0  }
0x69: {  	[sflag:s29] =	ssyncadd.s32 $0xFFFFEE80  }
0x6a: {  	_ =	swait.ge [sflag:s29], $0x1180  }
0x6b: {  	[sflag:s29] =	ssyncset.done $0x0  }
0x6c: {  	[sflag:s29] =	ssyncadd.s32 $0xFFFFEE80  }
0x6d: {  	_ =	swait.ge [sflag:s29], $0x1180  }
0x6e: {  	[sflag:s29] =	ssyncset.done $0x0  }
0x6f: {  	[sflag:s29] =	ssyncadd.s32 $0xFFFFEE80  }
0x70: {  	_ =	swait.ge [sflag:s29], $0x1180  }
0x71: {  	[sflag:s29] =	ssyncset.done $0x0  }
0x72: {  	[sflag:s29] =	ssyncadd.s32 $0xFFFFEE80  }
0x73: {  	_ =	swait.ge [sflag:s29], $0x1180  }
0x74: {  	[sflag:s29] =	ssyncset.done $0x0  }
0x75: {  	[sflag:s29] =	ssyncadd.s32 $0xFFFFEE80  }
0x76: {  	_ =	swait.ge [sflag:s29], $0x1180  }
0x77: {  	[sflag:s29] =	ssyncset.done $0x0  }
0x78: {  	[sflag:s29] =	ssyncadd.s32 $0xFFFFEE80  }
0x79: {  	_ =	swait.ge [sflag:s29], $0x1180  }
0x7a: {  	[sflag:s29] =	ssyncset.done $0x0  }
0x7b: {  	[sflag:s29] =	ssyncadd.s32 $0xFFFFEE80  }
0x7c: {  	_ =	swait.ge [sflag:s29], $0x1180  }
0x7d: {  	[sflag:s29] =	ssyncset.done $0x0  }
0x7e: {  	s9 =	simm.s32 @!p1 $0x5;
	[sflag:s29] =	ssyncadd.s32 $0xFFFFEE80  }
0x7f: {  	_ =	swait.ge @!p1 [sflag:s9], $0x1180  }
0x80: {  	[sflag:s9] =	ssyncset.done @!p1 $0x0  }
0x81: {  	[sflag:s9] =	ssyncadd.s32 @!p1 $0xFFFFEE80  }
0x82: {  	s12 =	simm.s32 $0x0;
	[bflag:$0x0] =	sbarrier.arrive $0xFFFF  }
0x83: {  	[tilespmem:s31], [sflag:$0x1] =	stream.indirect.gather [hbm4b:s1+s30], $0x70, s12, s30, $0xb8;
	[tilespmem:$0x1FD10] =	vst v63  }
0x84: {  	_ = 	snop  }
0x85: {  	[tilespmem:s2], [sflag:$0x2] =	stream.indirect.gather [hbm4b:s1+s30], $0x70, s30, s30, $0xb8;
	[tilespmem:$0x1FD10] =	vst v63  }
0x86: {  	s13 =	simm.s32 $0xA0  }
0x87: {  	[tilespmem:s28], [sflag:$0x3] =	stream.indirect.gather [hbm4b:s1+s30], $0x70, s13, s30, $0xb8;
	[tilespmem:$0x1FD10] =	vst v63  }
0x88: {  	s16 =	simm.s32 $0xF0  }
0x89: {  	[tilespmem:s4], [sflag:$0x4] =	stream.indirect.gather [hbm4b:s1+s30], $0x70, s16, s30, $0xb8;
	[tilespmem:$0x1FD10] =	vst v63  }
0x8a: {  	_ =	swait.ge [sflag:s5], $0x2300  }
0x8b: {  	[sflag:s5] =	ssyncset.done $0x0  }
0x8c: {  	s17 =	simm.s32 $0x2710;
	[sflag:s5] =	ssyncadd.s32 $0xFFFFDD00  }
0x8d: {  	[spmem:s3] =	stream.indirect.scatter.add.f32 [tilespmem:s31], [sflag:$0x6], $0x70, s17, s30, $0xb8;
	[tilespmem:$0x1FD10] =	vst v63  }
0x8e: {  	_ =	swait.ge [sflag:s26], $0x2300  }
0x8f: {  	[sflag:s26] =	ssyncset.done $0x0  }
0x90: {  	s24 =	simm.s32 $0x140;
	[sflag:s26] =	ssyncadd.s32 $0xFFFFDD00  }
0x91: {  	[tilespmem:s31], [sflag:$0x1] =	stream.indirect.gather [hbm4b:s1+s30], $0x70, s24, s30, $0xb8;
	[tilespmem:$0x1FD10] =	vst v63  }
0x92: {  	_ =	swait.ge [sflag:s7], $0x2300  }
0x93: {  	[sflag:s7] =	ssyncset.done $0x0  }
0x94: {  	s12 =	simm.s32 $0x2760;
	[sflag:s7] =	ssyncadd.s32 $0xFFFFDD00  }
0x95: {  	[spmem:s3] =	stream.indirect.scatter.add.f32 [tilespmem:s2], [sflag:$0x6], $0x70, s12, s30, $0xb8;
	[tilespmem:$0x1FD10] =	vst v63  }
0x96: {  	_ =	swait.ge [sflag:s26], $0x2300  }
0x97: {  	[sflag:s26] =	ssyncset.done $0x0  }
0x98: {  	s13 =	simm.s32 $0x190;
	[sflag:s26] =	ssyncadd.s32 $0xFFFFDD00  }
0x99: {  	[tilespmem:s2], [sflag:$0x2] =	stream.indirect.gather [hbm4b:s1+s30], $0x70, s13, s30, $0xb8;
	[tilespmem:$0x1FD10] =	vst v63  }
0x9a: {  	_ =	swait.ge [sflag:s8], $0x2300  }
0x9b: {  	[sflag:s8] =	ssyncset.done $0x0  }
0x9c: {  	s16 =	simm.s32 $0x27B0;
	[sflag:s8] =	ssyncadd.s32 $0xFFFFDD00  }
0x9d: {  	[spmem:s3] =	stream.indirect.scatter.add.f32 [tilespmem:s28], [sflag:$0x6], $0x70, s16, s30, $0xb8;
	[tilespmem:$0x1FD10] =	vst v63  }
0x9e: {  	_ =	swait.ge [sflag:s26], $0x2300  }
0x9f: {  	[sflag:s26] =	ssyncset.done $0x0  }
0xa0: {  	s17 =	simm.s32 $0x1E0;
	[sflag:s26] =	ssyncadd.s32 $0xFFFFDD00  }
0xa1: {  	[tilespmem:s28], [sflag:$0x3] =	stream.indirect.gather [hbm4b:s1+s30], $0x70, s17, s30, $0xb8;
	[tilespmem:$0x1FD10] =	vst v63  }
0xa2: {  	_ =	swait.ge [sflag:s10], $0x2300  }
0xa3: {  	[sflag:s10] =	ssyncset.done $0x0  }
0xa4: {  	s24 =	simm.s32 $0x2800;
	[sflag:s10] =	ssyncadd.s32 $0xFFFFDD00  }
0xa5: {  	[spmem:s3] =	stream.indirect.scatter.add.f32 [tilespmem:s4], [sflag:$0x6], $0x70, s24, s30, $0xb8;
	[tilespmem:$0x1FD10] =	vst v63  }
0xa6: {  	_ =	swait.ge [sflag:s26], $0x2300  }
0xa7: {  	[sflag:s26] =	ssyncset.done $0x0  }
0xa8: {  	s9 =	simm.s32 $0x230;
	s12 =	simm.s32 $0x500;
	[sflag:s26] =	ssyncadd.s32 $0xFFFFDD00  }
.LBB2_4:
0xa9: {  	[tilespmem:s4], [sflag:$0x4] =	stream.indirect.gather [hbm4b:s1+s30], $0x70, s9, s30, $0xb8;
	[tilespmem:$0x1FD10] =	vst v63  }
0xaa: {  	s9 =	smov.u32 s12  }
0xab: {  	p2 =	sne.s32 s12, $0x9100;
	s12 =	sadd.s32 $0x500, s12;
	_ =	swait.ge [sflag:s5], $0x2300  }
0xac: {  	s13 =	sshra.s32 s9, $0x2;
	[sflag:s5] =	ssyncset.done $0x0  }
0xad: {  	s9 =	sadd.s32 $0x2710, s13;
	[sflag:s5] =	ssyncadd.s32 $0xFFFFDD00  }
0xae: {  	[spmem:s3] =	stream.indirect.scatter.add.f32 [tilespmem:s31], [sflag:$0x6], $0x70, s9, s30, $0xb8;
	[tilespmem:$0x1FD10] =	vst v63  }
0xaf: {  	_ =	swait.ge [sflag:s26], $0x2300  }
0xb0: {  	[sflag:s26] =	ssyncset.done $0x0  }
0xb1: {  	s9 =	sadd.s32 $0x140, s13;
	[sflag:s26] =	ssyncadd.s32 $0xFFFFDD00  }
0xb2: {  	[tilespmem:s31], [sflag:$0x1] =	stream.indirect.gather [hbm4b:s1+s30], $0x70, s9, s30, $0xb8;
	[tilespmem:$0x1FD10] =	vst v63  }
0xb3: {  	_ =	swait.ge [sflag:s7], $0x2300  }
0xb4: {  	[sflag:s7] =	ssyncset.done $0x0  }
0xb5: {  	s9 =	sadd.s32 $0x2760, s13;
	[sflag:s7] =	ssyncadd.s32 $0xFFFFDD00  }
0xb6: {  	[spmem:s3] =	stream.indirect.scatter.add.f32 [tilespmem:s2], [sflag:$0x6], $0x70, s9, s30, $0xb8;
	[tilespmem:$0x1FD10] =	vst v63  }
0xb7: {  	_ =	swait.ge [sflag:s26], $0x2300  }
0xb8: {  	[sflag:s26] =	ssyncset.done $0x0  }
0xb9: {  	s9 =	sadd.s32 $0x190, s13;
	[sflag:s26] =	ssyncadd.s32 $0xFFFFDD00  }
0xba: {  	[tilespmem:s2], [sflag:$0x2] =	stream.indirect.gather [hbm4b:s1+s30], $0x70, s9, s30, $0xb8;
	[tilespmem:$0x1FD10] =	vst v63  }
0xbb: {  	_ =	swait.ge [sflag:s8], $0x2300  }
0xbc: {  	[sflag:s8] =	ssyncset.done $0x0  }
0xbd: {  	s9 =	sadd.s32 $0x27B0, s13;
	[sflag:s8] =	ssyncadd.s32 $0xFFFFDD00  }
0xbe: {  	[spmem:s3] =	stream.indirect.scatter.add.f32 [tilespmem:s28], [sflag:$0x6], $0x70, s9, s30, $0xb8;
	[tilespmem:$0x1FD10] =	vst v63  }
0xbf: {  	_ =	swait.ge [sflag:s26], $0x2300  }
0xc0: {  	[sflag:s26] =	ssyncset.done $0x0  }
0xc1: {  	s9 =	sadd.s32 $0x1E0, s13;
	[sflag:s26] =	ssyncadd.s32 $0xFFFFDD00  }
0xc2: {  	[tilespmem:s28], [sflag:$0x3] =	stream.indirect.gather [hbm4b:s1+s30], $0x70, s9, s30, $0xb8;
	[tilespmem:$0x1FD10] =	vst v63  }
0xc3: {  	_ =	swait.ge [sflag:s10], $0x2300  }
0xc4: {  	[sflag:s10] =	ssyncset.done $0x0  }
.Ltmp1:
0xc5: {  	s9 =	sadd.s32 $0x2800, s13;
	[sflag:s10] =	ssyncadd.s32 $0xFFFFDD00;
	(pc) =	sbr.rel @p2 .LBB2_4-.Ltmp1, $4  }
0xc6: {  	[spmem:s3] =	stream.indirect.scatter.add.f32 [tilespmem:s4], [sflag:$0x6], $0x70, s9, s30, $0xb8;
	[tilespmem:$0x1FD10] =	vst v63  }
0xc7: {  	_ =	swait.ge [sflag:s26], $0x2300  }
0xc8: {  	[sflag:s26] =	ssyncset.done $0x0  }
0xc9: {  	s9 =	sadd.s32 $0x230, s13;
	[sflag:s26] =	ssyncadd.s32 $0xFFFFDD00  }
0xca: {  	[tilespmem:s4], [sflag:$0x4] =	stream.indirect.gather [hbm4b:s1+s30], $0x70, s9, s30, $0xb8;
	[tilespmem:$0x1FD10] =	vst v63  }
0xcb: {  	_ =	swait.ge [sflag:s5], $0x2300  }
0xcc: {  	[sflag:s5] =	ssyncset.done $0x0  }
0xcd: {  	s17 =	simm.s32 $0x4C90;
	[sflag:s5] =	ssyncadd.s32 $0xFFFFDD00  }
0xce: {  	[spmem:s3] =	stream.indirect.scatter.add.f32 [tilespmem:s31], [sflag:$0x6], $0x70, s17, s30, $0xb8;
	[tilespmem:$0x1FD10] =	vst v63  }
0xcf: {  	_ =	swait.ge [sflag:s26], $0x2300  }
0xd0: {  	[sflag:s26] =	ssyncset.done $0x0  }
0xd1: {  	s24 =	simm.s32 $0x26C0;
	[sflag:s26] =	ssyncadd.s32 $0xFFFFDD00  }
0xd2: {  	[tilespmem:s31], [sflag:$0x1] =	stream.indirect.gather [hbm4b:s1+s30], $0x70, s24, s30, $0xb8;
	[tilespmem:$0x1FD10] =	vst v63  }
0xd3: {  	_ =	swait.ge [sflag:s7], $0x2300  }
0xd4: {  	[sflag:s7] =	ssyncset.done $0x0  }
0xd5: {  	s12 =	simm.s32 $0x4CE0;
	[sflag:s7] =	ssyncadd.s32 $0xFFFFDD00  }
0xd6: {  	[spmem:s3] =	stream.indirect.scatter.add.f32 [tilespmem:s2], [sflag:$0x6], $0x70, s12, s30, $0xb8;
	[tilespmem:$0x1FD10] =	vst v63  }
0xd7: {  	_ =	swait.ge [sflag:s26], $0x2300  }
0xd8: {  	[sflag:s26] =	ssyncset.done $0x0  }
0xd9: {  	[sflag:s26] =	ssyncadd.s32 $0xFFFFDD00  }
0xda: {  	_ =	swait.ge [sflag:s8], $0x2300  }
0xdb: {  	[sflag:s8] =	ssyncset.done $0x0  }
0xdc: {  	s13 =	simm.s32 $0x4D30;
	[sflag:s8] =	ssyncadd.s32 $0xFFFFDD00  }
0xdd: {  	[spmem:s3] =	stream.indirect.scatter.add.f32 [tilespmem:s28], [sflag:$0x6], $0x70, s13, s30, $0xb8;
	[tilespmem:$0x1FD10] =	vst v63  }
0xde: {  	_ =	swait.ge [sflag:s26], $0x2300  }
0xdf: {  	[sflag:s26] =	ssyncset.done $0x0  }
0xe0: {  	[sflag:s26] =	ssyncadd.s32 $0xFFFFDD00  }
0xe1: {  	_ =	swait.ge [sflag:s10], $0x2300  }
0xe2: {  	[sflag:s10] =	ssyncset.done $0x0  }
0xe3: {  	s16 =	simm.s32 $0x4D80;
	[sflag:s10] =	ssyncadd.s32 $0xFFFFDD00  }
0xe4: {  	[spmem:s3] =	stream.indirect.scatter.add.f32 [tilespmem:s4], [sflag:$0x6], $0x70, s16, s30, $0xb8;
	[tilespmem:$0x1FD10] =	vst v63  }
0xe5: {  	_ =	swait.ge [sflag:s26], $0x2300  }
0xe6: {  	[sflag:s26] =	ssyncset.done $0x0  }
0xe7: {  	[sflag:s26] =	ssyncadd.s32 $0xFFFFDD00  }
0xe8: {  	_ =	swait.ge [sflag:s5], $0x2300  }
0xe9: {  	[sflag:s5] =	ssyncset.done $0x0  }
0xea: {  	s17 =	simm.s32 $0x4DD0;
	s24 =	sadd.s32 $0x0, s0;
	[sflag:s5] =	ssyncadd.s32 $0xFFFFDD00  }
0xeb: {  	[spmem:s3] =	stream.indirect.scatter.add.f32 [tilespmem:s31], [sflag:$0x6], $0x70, s17, s30, $0xb8;
	[tilespmem:$0x1FD10] =	vst v63  }
0xec: {  	p2 =	sgt.u32 s24, $0xF9;
	s24 =	smov.u32 s15;
	_ =	swait.ge [sflag:s26], $0x2300  }
0xed: {  	s9 =	sshll.u32 @!p2 s0, $0x6;
	s12 =	simm.s32 $0x10;
	[sflag:s26] =	ssyncset.done $0x0  }
0xee: {  	s13 =	sadd.s32 $0x2300, s15;
	s16 =	sor.u32 @!p2 $0x1C05, s9;
	[sflag:s26] =	ssyncadd.s32 $0xFFFFDD00  }
0xef: {  	s9 =	smov.u32 s14;
	s17 =	sshrl.u32 @!p2 s6, $0x3;
	[bflag:$0x0] =	sbarrier.arrive $0xFFFF  }
.LBB2_6:
0xf0: {  	[hbm:s24], [sflag:s16] =	dma.local @!p2 [spmem:s17], $0x230  }
0xf1: {  	s16 =	smov.u32 s12;
	s12 =	sadd.s32 $0x10, s12  }
0xf2: {  	p3 =	sne.s32 s12, $0x100  }
.Ltmp2:
0xf3: {  	(pc) =	sbr.rel @p3 .LBB2_6-.Ltmp2, $4  }
0xf4: {  	s24 =	smov.u32 s13;
	s16 =	sadd.s32 s16, s0  }
0xf5: {  	p2 =	sgt.u32 s16, $0xF9  }
0xf6: {  	s13 =	sadd.s32 $0x2300, s13;
	s16 =	sshll.u32 @!p2 s0, $0x6  }
0xf7: {  	s17 =	sshrl.u32 @!p2 s9, $0x3;
	s9 =	sadd.s32 $0x11800, s9;
	s16 =	sor.u32 @!p2 $0x1C05, s16  }
0xf8: {  	[hbm:s24], [sflag:s16] =	dma.local @!p2 [spmem:s17], $0x230  }
0xf9: {  	_ =	swait.ge [sflag:s29], $0x230  }
0xfa: {  	[sflag:s29] =	ssyncset.done $0x0  }
0xfb: {  	[sflag:s29] =	ssyncadd.s32 $0xFFFFFDD0  }
0xfc: {  	_ =	swait.ge [sflag:s29], $0x230  }
0xfd: {  	[sflag:s29] =	ssyncset.done $0x0  }
0xfe: {  	[sflag:s29] =	ssyncadd.s32 $0xFFFFFDD0  }
0xff: {  	_ =	swait.ge [sflag:s29], $0x230  }
0x100: {  	[sflag:s29] =	ssyncset.done $0x0  }
0x101: {  	[sflag:s29] =	ssyncadd.s32 $0xFFFFFDD0  }
0x102: {  	_ =	swait.ge [sflag:s29], $0x230  }
0x103: {  	[sflag:s29] =	ssyncset.done $0x0  }
0x104: {  	[sflag:s29] =	ssyncadd.s32 $0xFFFFFDD0  }
0x105: {  	_ =	swait.ge [sflag:s29], $0x230  }
0x106: {  	[sflag:s29] =	ssyncset.done $0x0  }
0x107: {  	[sflag:s29] =	ssyncadd.s32 $0xFFFFFDD0  }
0x108: {  	_ =	swait.ge [sflag:s29], $0x230  }
0x109: {  	[sflag:s29] =	ssyncset.done $0x0  }
0x10a: {  	[sflag:s29] =	ssyncadd.s32 $0xFFFFFDD0  }
0x10b: {  	_ =	swait.ge [sflag:s29], $0x230  }
0x10c: {  	[sflag:s29] =	ssyncset.done $0x0  }
0x10d: {  	[sflag:s29] =	ssyncadd.s32 $0xFFFFFDD0  }
0x10e: {  	_ =	swait.ge [sflag:s29], $0x230  }
0x10f: {  	[sflag:s29] =	ssyncset.done $0x0  }
0x110: {  	[sflag:s29] =	ssyncadd.s32 $0xFFFFFDD0  }
0x111: {  	_ =	swait.ge [sflag:s29], $0x230  }
0x112: {  	[sflag:s29] =	ssyncset.done $0x0  }
0x113: {  	[sflag:s29] =	ssyncadd.s32 $0xFFFFFDD0  }
0x114: {  	_ =	swait.ge [sflag:s29], $0x230  }
0x115: {  	[sflag:s29] =	ssyncset.done $0x0  }
0x116: {  	[sflag:s29] =	ssyncadd.s32 $0xFFFFFDD0  }
0x117: {  	_ =	swait.ge [sflag:s29], $0x230  }
0x118: {  	[sflag:s29] =	ssyncset.done $0x0  }
0x119: {  	[sflag:s29] =	ssyncadd.s32 $0xFFFFFDD0  }
0x11a: {  	_ =	swait.ge [sflag:s29], $0x230  }
0x11b: {  	[sflag:s29] =	ssyncset.done $0x0  }
0x11c: {  	[sflag:s29] =	ssyncadd.s32 $0xFFFFFDD0  }
0x11d: {  	_ =	swait.ge [sflag:s29], $0x230  }
0x11e: {  	[sflag:s29] =	ssyncset.done $0x0  }
0x11f: {  	[sflag:s29] =	ssyncadd.s32 $0xFFFFFDD0  }
0x120: {  	_ =	swait.ge [sflag:s29], $0x230  }
0x121: {  	[sflag:s29] =	ssyncset.done $0x0  }
0x122: {  	[sflag:s29] =	ssyncadd.s32 $0xFFFFFDD0  }
0x123: {  	_ =	swait.ge [sflag:s29], $0x230  }
0x124: {  	[sflag:s29] =	ssyncset.done $0x0  }
0x125: {  	s9 =	simm.s32 @!p1 $0x5;
	[sflag:s29] =	ssyncadd.s32 $0xFFFFFDD0  }
0x126: {  	_ =	swait.ge @!p1 [sflag:s9], $0x230  }
0x127: {  	s11 =	sadd.s32 $0x1, s11;
	s12 =	rddreg [dreg:$0x6]  }
0x128: {  	p2 =	sne.s32 s11, s12  }
.Ltmp3:
0x129: {  	_ = 	snop;
	(pc) =	sbr.rel @p2 .LBB2_1-.Ltmp3, $3  }
0x12a: {  	_ =	sdelay $0x1  }
0x12b: {  	[sflag:s9] =	ssyncset.done @!p1 $0x0  }
0x12c: {  	[sflag:s9] =	ssyncadd.s32 @!p1 $0xFFFFFDD0  }
0x12d: {  	_ =	sfence.sel $0x180000  }
0x12e: {  	[bflag:$0x0] =	sbarrier.arrive $0xFFFF  }
0x12f: {  	_ =	strace $0x9000004D  }
0x130: {  	[bflag:$0x2] =	sbarrier.arrive $0xFFFF  }
0x131: {  	p0 =	sne.s32 s0, $0x0;
	s0 =	rddreg [dreg:$0x3]  }
0x132: {  	s0 =	sadd.s32 @!p0 $0x100000, s0  }
0x133: {  	[sflag:s0] =	ssyncadd.tile.s32 @!p0 $0x1;
	_ =	shalt  }
.Lfunc_end2:
_tile_overlayer_lowered:
.L_overlay_start_2:
0x134: {  	(tag) =	ssettag $0x2  }
0x135: {  	s0 =	rddreg [dreg:$0x0];
	s2 =	stileid.u32  }
0x136: {  	s1 =	rddreg [dreg:$0x1];
	p0 =	sne.s32 s2, $0x0  }
0x137: {  	s3 =	rddreg [dreg:$0x2];
	[bflag:$0x3] =	sbarrier.arrive $0xFFFF;
	s2 =	simm.s32 @!p0 $0x1C06  }
0x138: {  	[timem:s3], [sflag:s2] =	dma.local @!p0 [hbm:s0], s1  }
0x139: {  	s0 =	simm.s32 @!p0 $0x6  }
0x13a: {  	_ =	swait.ge @!p0 [sflag:s0], s1  }
0x13b: {  	s1 =	ssub.s32 @!p0 $0x0, s1;
	[sflag:s0] =	ssyncset.done @!p0 $0x0  }
0x13c: {  	[sflag:s0] =	ssyncadd.s32 @!p0 s1  }
0x13d: {  	[bflag:$0x3] =	sbarrier.arrive $0xFFFF  }
0x13e: {  	_ =	shalt  }

// kernel: kernel.19.cloned.1.call-start
scs
__scs_entry_jumppad:
0x0: {  	(pc) =	sbr.rel $0x88, $3  }
0x1: {  	(tag) =	ssettag $0x0;
	lr =	simm.s32 $0x1  }
0x2: {  	[smem:$0x3F94] =	sst lr;
	_ =	strace $0xD0000000  }
0x3: {  	_ = 	snop  }
0x4: {  	_ = 	snop  }
0x5: {  	_ = 	snop  }
0x6: {  	_ = 	snop  }
0x7: {  	_ = 	snop  }
__scs_overlays_trampoline_lowered:
0x8: {  	[smem:$0x3FA3] =	sst s0  }
0x9: {  	[smem:$0x3FA4] =	sst s1  }
0xa: {  	[smem:$0x3FA5] =	sst s2  }
0xb: {  	[smem:$0x3FA6] =	sst s3  }
0xc: {  	[smem:$0x3FA7] =	sst s4  }
0xd: {  	[smem:$0x3FA8] =	sst s5  }
0xe: {  	[smem:$0x3FA9] =	sst s6  }
0xf: {  	[smem:$0x3FAA] =	sst s7  }
0x10: {  	[smem:$0x3FAB] =	sst s8  }
0x11: {  	[smem:$0x3FAC] =	sst s9;
	s0 =	simm.s32 @!p0 $0x0  }
0x12: {  	s1 =	sld [smem:$0x3F92];
	s0 =	simm.s32 @p0 $0x1  }
0x13: {  	[smem:$0x3FAD] =	sst s0;
	s0 =	simm.s32 @!p1 $0x0  }
0x14: {  	s2 =	sld [smem:$0x3F91];
	s0 =	simm.s32 @p1 $0x1  }
0x15: {  	[smem:$0x3FAE] =	sst s0;
	s0 =	simm.s32 @!p2 $0x0  }
0x16: {  	s3 =	sld [smem:$0x3FDB];
	s0 =	simm.s32 @p2 $0x1  }
0x17: {  	s4 =	simm.s32 $0x1BF5;
	[smem:$0x3FB0] =	sst s0  }
0x18: {  	s0 =	sld [smem:$0x3F93];
	_ =	swait.ge [sflag:s4], $0x0  }
0x19: {  	s7 =	sld [smem:$0x3F94]  }
0x1a: {  	s8 =	sadd.s32 $0xFFFFE003, lr  }
0x1b: {  	s9 =	sadd.s32 $0xFFFFFEF7, lr;
	s5 =	simm.s32 $0xFFFFFFFF;
	p2 =	slt.u32 s8, $0xFFFFF086  }
0x1c: {  	p1 =	slt.u32 s9, $0xF7A;
	s5 =	simm.s32 @!p2 $0x0  }
0x1d: {  	s5 =	simm.s32 @p1 $0x1;
	p0 =	seq.s32 s7, s2  }
0x1e: {  	s7 =	smul.u32 @!p0 $0xF7A, s2;
	p2 =	seq.s32 @!p0 s5, $0x0  }
0x1f: {  	s9 =	smul.u32 $0xF7A, s1;
	s8 =	simm.s32 @!p0 $0x1BF5;
	p2 =	por !p2, p0  }
0x20: {  	[sflag:s8] =	ssyncset.s32 @!p0 $0xFFFFF086;
	s6 =	sadd.s32 @!p0 s3, s7;
	s7 =	simm.s32 @!p0 $0x108  }
0x21: {  	s3 =	sadd.s32 s3, s9;
	s6 =	sadd.s32 @!p0 $0x88, s6;
	s7 =	simm.s32 @p2 $0x1082  }
0x22: {  	[simem:s7], [sflag:s8] =	dma.local @!p0 [hbm:s6], $0xF7A  }
0x23: {  	s9 =	sor.u32 $0xD0000000, s2;
	s6 =	simm.s32 $0x108;
	_ =	swait.ge @!p0 [sflag:s8], $0x0  }
0x24: {  	s3 =	sadd.s32 $0x88, s3;
	s6 =	simm.s32 @!p1 $0x1082;
	[sflag:s4] =	ssyncset.s32 $0xFFFFF086  }
0x25: {  	[simem:s6], [sflag:s4] =	dma.local [hbm:s3], $0xF7A  }
0x26: {  	[smem:$0x3F94] =	sst s1;
	(tag) =	ssettag s2;
	_ =	strace s9  }
0x27: {  	s1 =	sld [smem:$0x3FA4]  }
0x28: {  	s2 =	sld [smem:$0x3FA5]  }
0x29: {  	s4 =	sld [smem:$0x3FA7]  }
0x2a: {  	p0 =	seq.s32 s5, $0x0;
	s5 =	sld [smem:$0x3FA8]  }
0x2b: {  	s6 =	sld [smem:$0x3FA9]  }
0x2c: {  	s7 =	sld [smem:$0x3FAA]  }
0x2d: {  	s3 =	simm.s32 $0x108;
	s8 =	sld [smem:$0x3FAB]  }
0x2e: {  	s3 =	simm.s32 @!p0 $0x1082;
	s9 =	sld [smem:$0x3FAC]  }
0x2f: {  	lr =	sadd.s32 s0, s3;
	s0 =	sld [smem:$0x3FA3]  }
0x30: {  	s3 =	sld [smem:$0x3FA6]  }
0x31: {  	[smem:$0x3FAF] =	sst s10  }
0x32: {  	s10 =	sld [smem:$0x3FAD];
	_ =	sdelay $0x3  }
0x33: {  	p0 =	seq.s32 s10, $0x1;
	s10 =	sld [smem:$0x3FAF];
	_ =	sdelay $0x3  }
0x34: {  	[smem:$0x3FAF] =	sst s10  }
0x35: {  	s10 =	sld [smem:$0x3FAE];
	_ =	sdelay $0x3  }
0x36: {  	p1 =	seq.s32 s10, $0x1;
	s10 =	sld [smem:$0x3FAF];
	_ =	sdelay $0x3  }
0x37: {  	[smem:$0x3FAF] =	sst s10  }
0x38: {  	s10 =	sld [smem:$0x3FB0]  }
0x39: {  	_ = 	snop;
	(pc) =	sbr.ind lr, $3  }
0x3a: {  	_ = 	snop  }
0x3b: {  	_ = 	snop  }
0x3c: {  	p2 =	seq.s32 s10, $0x1;
	s10 =	sld [smem:$0x3FAF]  }
0x3d: {  	_ =	shalt  }
0x3e: {  	_ =	shalt  }
0x3f: {  	_ =	shalt  }
0x40: {  	_ =	shalt  }
0x41: {  	_ =	shalt  }
0x42: {  	_ =	shalt  }
0x43: {  	_ =	shalt  }
0x44: {  	_ =	shalt  }
0x45: {  	_ =	shalt  }
0x46: {  	_ =	shalt  }
0x47: {  	_ =	shalt  }
0x48: {  	_ =	shalt  }
0x49: {  	_ =	shalt  }
0x4a: {  	_ =	shalt  }
0x4b: {  	_ =	shalt  }
0x4c: {  	_ =	shalt  }
0x4d: {  	_ =	shalt  }
0x4e: {  	_ =	shalt  }
0x4f: {  	_ =	shalt  }
0x50: {  	_ =	shalt  }
0x51: {  	_ =	shalt  }
0x52: {  	_ =	shalt  }
0x53: {  	_ =	shalt  }
0x54: {  	_ =	shalt  }
0x55: {  	_ =	shalt  }
0x56: {  	_ =	shalt  }
0x57: {  	_ =	shalt  }
0x58: {  	_ =	shalt  }
0x59: {  	_ =	shalt  }
0x5a: {  	_ =	shalt  }
0x5b: {  	_ =	shalt  }
0x5c: {  	_ =	shalt  }
0x5d: {  	_ =	shalt  }
0x5e: {  	_ =	shalt  }
0x5f: {  	_ =	shalt  }
0x60: {  	_ =	shalt  }
0x61: {  	_ =	shalt  }
0x62: {  	_ =	shalt  }
0x63: {  	_ =	shalt  }
0x64: {  	_ =	shalt  }
0x65: {  	_ =	shalt  }
0x66: {  	_ =	shalt  }
0x67: {  	_ =	shalt  }
0x68: {  	_ =	shalt  }
0x69: {  	_ =	shalt  }
0x6a: {  	_ =	shalt  }
0x6b: {  	_ =	shalt  }
0x6c: {  	_ =	shalt  }
0x6d: {  	_ =	shalt  }
0x6e: {  	_ =	shalt  }
0x6f: {  	_ =	shalt  }
0x70: {  	_ =	shalt  }
0x71: {  	_ =	shalt  }
0x72: {  	_ =	shalt  }
0x73: {  	_ =	shalt  }
0x74: {  	_ =	shalt  }
0x75: {  	_ =	shalt  }
0x76: {  	_ =	shalt  }
0x77: {  	_ =	shalt  }
0x78: {  	_ =	shalt  }
0x79: {  	_ =	shalt  }
0x7a: {  	_ =	shalt  }
0x7b: {  	_ =	shalt  }
0x7c: {  	_ =	shalt  }
0x7d: {  	_ =	shalt  }
0x7e: {  	_ =	shalt  }
0x7f: {  	_ =	shalt  }
0x80: {  	_ =	shalt  }
0x81: {  	_ =	shalt  }
0x82: {  	_ =	shalt  }
0x83: {  	_ =	shalt  }
0x84: {  	_ =	shalt  }
0x85: {  	_ =	shalt  }
0x86: {  	_ =	shalt  }
0x87: {  	_ =	shalt  }
.Lfunc_end0:
.L_simem_size_0:
called_computation.3_lowered:
.L_overlay_start_0:
0x88: {  	s2 =	sld [smem:$0x3FD9]  }
0x89: {  	s3 =	sld [smem:$0x3FFE];
	_ =	sdelay $0x1  }
0x8a: {  	s1 =	srdreg.scid  }
0x8b: {  	s0 =	sand.u32 $0x1, s1  }
0x8c: {  	s14 =	sshll.u32 s0, $0xA;
	s2 =	sadd.s32 s3, s2  }
0x8d: {  	s2 =	sadd.s32 s2, s14  }
0x8e: {  	[smem:$0x3FBB] =	sst s2  }
0x8f: {  	_ = 	snop  }
0x90: {  	s2 =	sld [smem:$0x3FD0];
	_ =	sdelay $0x2  }
0x91: {  	s15 =	simm.s32 $0xA;
	s4 =	simm.s32 $0x10  }
0x92: {  	[smem:s4], [sflag:s15] =	dma.local [hbm:s2], $0x1  }
0x93: {  	_ =	swait.eq [sflag:s15], $0x1  }
0x94: {  	[sflag:s15] =	ssyncset.done $0x0  }
0x95: {  	[sflag:s15] =	ssyncadd.s32 $0xFFFFFFFF  }
0x96: {  	s16 =	sld [smem:$0x11];
	(tm) =	ssettm $0x1  }
0x97: {  	s17 =	sld [smem:$0x3FFB];
	_ =	sdelay $0x3  }
0x98: {  	_ =	strace s17  }
0x99: {  	s3 =	sld [smem:$0x3FFC];
	_ =	sdelay $0x3  }
0x9a: {  	_ =	strace s3  }
0x9b: {  	s3 =	sld [smem:$0x3FFD];
	_ =	sdelay $0x3  }
0x9c: {  	_ =	strace s3  }
0x9d: {  	_ =	strace $0x8FFFFFFF  }
0x9e: {  	s18 =	sld [smem:$0x3FDB];
	_ =	sdelay $0x1  }
0x9f: {  	s19 =	simm.s32 $_scs_section_size  }
0xa0: {  	s5 =	simm.s32 $_size__tile_overlayer_lowered;
	s6 =	simm.s32 $_tile_overlayer_lowered  }
0xa1: {  	s22 =	simm.s32 $0x1BFF;
	s21 =	sshll.u32 s6, $0x1;
	s3 =	sadd.s32 s19, s18  }
0xa2: {  	s7 =	simm.s32 $0x0;
	s20 =	sshll.u32 s5, $0x1;
	s5 =	sadd.s32 s21, s3  }
0xa3: {  	[timem:s7], [sflag:s22] =	dma.local [hbm:s5], s20  }
0xa4: {  	_ =	swait.ge [sflag:s22], s20  }
0xa5: {  	s4 =	ssub.s32 $0x0, s20;
	[sflag:s22] =	ssyncset.done $0x0  }
0xa6: {  	[sflag:s22] =	ssyncadd.s32 s4;
	_ =	sdelay $0x1  }
0xa7: {  	s23 =	simm.s32 $0x1B8B  }
0xa8: {  	_ =	swait.ge [sflag:s23], $0x1  }
0xa9: {  	[sflag:s23] =	ssyncset.done $0x0  }
0xaa: {  	s25 =	simm.s32 $0x1B8E;
	s24 =	sld [smem:$0x3FFE];
	[sflag:s23] =	ssyncadd.s32 $0xFFFFFFFF  }
0xab: {  	s26 =	simm.s32 $execute0_lowered;
	[smem:$0x3FD2] =	sst s25  }
0xac: {  	s5 =	sshll.u32 s26, $0x1;
	_ =	strace $0x8000004F;
	[dreg:$0x1] =	wrdreg $0xFFFFFFFF  }
0xad: {  	s28 =	simm.s32 $_size_execute0_lowered;
	s3 =	sadd.s32 s3, s5;
	[dreg:$0x0] =	wrdreg $0x0  }
0xae: {  	s5 =	sshll.u32 s28, $0x1;
	[dreg:$0x2] =	wrdreg s3  }
0xaf: {  	[dreg:$0x3] =	wrdreg s5  }
0xb0: {  	[dreg:$0x4] =	wrdreg $0xC0  }
0xb1: {  	_ =	task [dreg:s7], $0x5FFFF  }
0xb2: {  	[dreg:$0x1] =	wrdreg $0xFFFFFFFF  }
0xb3: {  	[dreg:$0x0] =	wrdreg $0x60  }
0xb4: {  	[dreg:$0x2] =	wrdreg s16  }
0xb5: {  	[dreg:$0x3] =	wrdreg s24  }
0xb6: {  	[dreg:$0x4] =	wrdreg $0xEBA00  }
0xb7: {  	[dreg:$0x5] =	wrdreg $0x9  }
0xb8: {  	_ =	task.clear_ibuf [dreg:s7], $0x6FFFF;
	_ =	strace $0x9000004F  }
0xb9: {  	s29 =	simm.s32 $0x9;
	_ =	strace $0x80000051  }
0xba: {  	_ =	swait.ge [sflag:s29], $0x1  }
0xbb: {  	[sflag:s29] =	ssyncadd.s32 $0xFFFFFFFF  }
0xbc: {  	_ =	strace $0x90000051  }
0xbd: {  	_ =	sfence  }
0xbe: {  	s30 =	sld [smem:$0x0];
	_ =	sdelay $0x2  }
0xbf: {  	s31 =	sshll.u32 s1, $0xD;
	s1 =	sshrl.u32 s1, $0x2  }
0xc0: {  	s3 =	sand.u32 $0x4000, s31;
	s1 =	sadd.s32 s1, s30  }
0xc1: {  	s0 =	sor.u32 s3, s0;
	s1 =	sshll.u32 s1, $0x11  }
0xc2: {  	s0 =	sor.u32 s1, s0  }
0xc3: {  	s0 =	sadd.s32 $0x8F2B, s0  }
0xc4: {  	[sflag:s0] =	ssyncadd.remote.s32 $0x1  }
0xc5: {  	_ =	sfence.sel $0xFFFF  }
0xc6: {  	[dreg:$0x0] =	wrdreg $0xFFFFFFFF;
	(pc) =	sbr.abs _section_cstart, $3  }
0xc7: {  	[dreg:$0x1] =	wrdreg $0xFFFFFFFF  }
0xc8: {  	_ =	task.clear_ibuf [dreg:s7], $0x2FFFF;
	_ =	strace $0x9FFFFFFF  }
0xc9: {  	(tm) =	ssettm $0x7FFFFFFF  }
tec
execute0_lowered:
.L_overlay_start_1:
0x0: {  	(tag) =	ssettag $0x1  }
0x1: {  	s1 =	rddreg [dreg:$0x0]  }
0x2: {  	s0 =	srdreg.scid;
	s2 =	rddreg [dreg:$0x1]  }
0x3: {  	s3 =	rddreg [dreg:$0x2];
	s4 =	sand.u32 $0x1, s0  }
0x4: {  	s0 =	stileid.u32;
	s5 =	smul.u32 $0x27100, s4  }
0x5: {  	s8 =	simm.s32 $0x0;
	s29 =	simm.s32 $0x5;
	s6 =	smul.u32 $0x2710, s0  }
0x6: {  	s30 =	simm.s32 $0x50;
	s31 =	simm.s32 $0x4E20;
	s7 =	smul.u32 $0x111700, s4  }
0x7: {  	s28 =	simm.s32 $0x9420;
	[smem:$0x7FF] =	sst s8;
	s26 =	smul.u32 $0x1180, s0  }
0x8: {  	_ =	strace $0x80000050;
	s8 =	smul.u32 $0x4600, s0;
	s4 =	ssub.s32 $0x2, s4  }
0x9: {  	s17 =	sor.u32 $0xF0, s0;
	p1 =	sgt.u32 s0, $0x9;
	s9 =	sshrl.u32 s4, $0x1  }
0xa: {  	p0 =	sgt.u32 s17, $0xF9;
	s5 =	sadd.s32 s6, s5;
	s7 =	sadd.s32 s26, s7  }
0xb: {  	s4 =	ssub.s32 s4, s9;
	s5 =	sshrl.u32 s5, $0x3;
	s6 =	sshrl.u32 s7, $0x3  }
0xc: {  	s7 =	sshrl.u32 s8, $0x2;
	s4 =	smax.u32 s4, $0x1;
	s5 =	sadd.s32 s5, s2  }
0xd: {  	s2 =	sadd.s32 s6, s2;
	[dreg:$0x6] =	wrdreg s4;
	s10 =	sadd.s32 $0x4000, s5  }
0xe: {  	s6 =	sadd.s32 s7, s3;
	s5 =	sadd.s32 $0xDE00, s5;
	[dreg:$0x4] =	wrdreg s10  }
0xf: {  	s26 =	smul.u32 $0x4600, s17;
	s11 =	sadd.s32 $0x23000, s6;
	[dreg:$0x5] =	wrdreg s5  }
0x10: {  	s8 =	simm.s32 $0x3;
	s12 =	sadd.s32 $0x34800, s6;
	[dreg:$0x7] =	wrdreg s11  }
0x11: {  	s4 =	simm.s32 $0xB720;
	s13 =	sadd.s32 $0x46000, s6;
	[dreg:$0x8] =	wrdreg s12  }
0x12: {  	s14 =	sadd.s32 $0x11800, s6;
	s15 =	sadd.s32 $0x57800, s6;
	[dreg:$0x9] =	wrdreg s13  }
0x13: {  	s16 =	sadd.s32 $0x69000, s6;
	s24 =	sadd.s32 $0x7A800, s6;
	[dreg:$0xa] =	wrdreg s15  }
0x14: {  	s25 =	sadd.s32 $0x8C000, s6;
	s7 =	sadd.s32 $0x9D800, s6;
	[dreg:$0xb] =	wrdreg s16  }
0x15: {  	s18 =	sadd.s32 $0xAF000, s6;
	s19 =	sadd.s32 $0xC0800, s6;
	[dreg:$0xc] =	wrdreg s24  }
0x16: {  	s20 =	sadd.s32 $0xD2000, s6;
	s21 =	sadd.s32 $0xE3800, s6;
	[dreg:$0xd] =	wrdreg s25  }
0x17: {  	s22 =	sadd.s32 $0xF5000, s6;
	[dreg:$0xe] =	wrdreg s7;
	s5 =	sshrl.u32 s26, $0x2  }
0x18: {  	s15 =	sadd.s32 $0x17C00, s2;
	s25 =	simm.s32 $0xDA20;
	s26 =	simm.s32 $0x6  }
0x19: {  	s2 =	simm.s32 $0x7120;
	s7 =	simm.s32 $0x2;
	s10 =	simm.s32 $0x4  }
0x1a: {  	v0 =	vimm.f32 $0.0e+00;
	s11 =	simm.s32 $0x0;
	s23 =	sadd.s32 s5, s3;
	s5 =	simm.s32 $0x1  }
.LBB2_1:
0x1b: {  	s12 =	simm.s32 $0x0;
	s9 =	simm.s32 $0x1C0  }
.LBB2_2:
0x1c: {  	p2 =	sne.s32 s9, $0x4440;
	[tilespmem:s12+$0xDA80] =	vst v0  }
0x1d: {  	[tilespmem:s12+$0xDA20] =	vst v0  }
.Ltmp0:
0x1e: {  	[tilespmem:s12+$0xDA30] =	vst v0;
	(pc) =	sbr.rel @p2 .LBB2_2-.Ltmp0, $4  }
0x1f: {  	[tilespmem:s12+$0xDA40] =	vst v0  }
0x20: {  	[tilespmem:s12+$0xDA50] =	vst v0  }
0x21: {  	[tilespmem:s12+$0xDA60] =	vst v0  }
0x22: {  	[tilespmem:s12+$0xDA70] =	vst v0;
	s12 =	sshra.s32 s9, $0x2;
	s9 =	sadd.s32 $0x1C0, s9  }
0x23: {  	[tilespmem:s12+$0xDA80] =	vst v0  }
0x24: {  	[tilespmem:s12+$0xDA20] =	vst v0  }
0x25: {  	[tilespmem:s12+$0xDA30] =	vst v0  }
0x26: {  	[tilespmem:s12+$0xDA40] =	vst v0  }
0x27: {  	[tilespmem:s12+$0xDA50] =	vst v0  }
0x28: {  	[tilespmem:s12+$0xDA60] =	vst v0  }
0x29: {  	[tilespmem:s12+$0xDA70] =	vst v0  }
0x2a: {  	[spmem:s6] =	stream.linear.scatter [tilespmem:s25], [sflag:$0x5], $0x1180, $0x38;
	[tilespmem:$0x1FD10] =	vst v63  }
0x2b: {  	_ = 	snop  }
0x2c: {  	[spmem:s14] =	stream.linear.scatter [tilespmem:s25], [sflag:$0x5], $0x1180, $0x38;
	[tilespmem:$0x1FD10] =	vst v63  }
0x2d: {  	s9 =	rddreg [dreg:$0x7]  }
0x2e: {  	[spmem:s9] =	stream.linear.scatter [tilespmem:s25], [sflag:$0x5], $0x1180, $0x38;
	[tilespmem:$0x1FD10] =	vst v63  }
0x2f: {  	s12 =	rddreg [dreg:$0x8]  }
0x30: {  	[spmem:s12] =	stream.linear.scatter [tilespmem:s25], [sflag:$0x5], $0x1180, $0x38;
	[tilespmem:$0x1FD10] =	vst v63  }
0x31: {  	s13 =	rddreg [dreg:$0x9]  }
0x32: {  	[spmem:s13] =	stream.linear.scatter [tilespmem:s25], [sflag:$0x5], $0x1180, $0x38;
	[tilespmem:$0x1FD10] =	vst v63  }
0x33: {  	s16 =	rddreg [dreg:$0xa]  }
0x34: {  	[spmem:s16] =	stream.linear.scatter [tilespmem:s25], [sflag:$0x5], $0x1180, $0x38;
	[tilespmem:$0x1FD10] =	vst v63  }
0x35: {  	s17 =	rddreg [dreg:$0xb]  }
0x36: {  	[spmem:s17] =	stream.linear.scatter [tilespmem:s25], [sflag:$0x5], $0x1180, $0x38;
	[tilespmem:$0x1FD10] =	vst v63  }
0x37: {  	s24 =	rddreg [dreg:$0xc]  }
0x38: {  	[spmem:s24] =	stream.linear.scatter [tilespmem:s25], [sflag:$0x5], $0x1180, $0x38;
	[tilespmem:$0x1FD10] =	vst v63  }
0x39: {  	s12 =	rddreg [dreg:$0xd]  }
0x3a: {  	[spmem:s12] =	stream.linear.scatter [tilespmem:s25], [sflag:$0x5], $0x1180, $0x38;
	[tilespmem:$0x1FD10] =	vst v63  }
0x3b: {  	s13 =	rddreg [dreg:$0xe]  }
0x3c: {  	[spmem:s13] =	stream.linear.scatter [tilespmem:s25], [sflag:$0x5], $0x1180, $0x38;
	[tilespmem:$0x1FD10] =	vst v63  }
0x3d: {  	_ = 	snop  }
0x3e: {  	[spmem:s18] =	stream.linear.scatter [tilespmem:s25], [sflag:$0x5], $0x1180, $0x38;
	[tilespmem:$0x1FD10] =	vst v63  }
0x3f: {  	_ = 	snop  }
0x40: {  	[spmem:s19] =	stream.linear.scatter [tilespmem:s25], [sflag:$0x5], $0x1180, $0x38;
	[tilespmem:$0x1FD10] =	vst v63  }
0x41: {  	_ = 	snop  }
0x42: {  	[spmem:s20] =	stream.linear.scatter [tilespmem:s25], [sflag:$0x5], $0x1180, $0x38;
	[tilespmem:$0x1FD10] =	vst v63  }
0x43: {  	_ = 	snop  }
0x44: {  	[spmem:s21] =	stream.linear.scatter [tilespmem:s25], [sflag:$0x5], $0x1180, $0x38;
	[tilespmem:$0x1FD10] =	vst v63  }
0x45: {  	_ = 	snop  }
0x46: {  	[spmem:s22] =	stream.linear.scatter [tilespmem:s25], [sflag:$0x5], $0x1180, $0x38;
	[tilespmem:$0x1FD10] =	vst v63  }
0x47: {  	s9 =	simm.s32 @!p0 $0xDA20  }
0x48: {  	[spmem:s23] =	stream.linear.scatter @!p0 [tilespmem:s9], [sflag:$0x5], $0x1180, $0x38;
	[tilespmem:$0x1FD10] =	vst v63  }
0x49: {  	s16 =	simm.s32 $0x0;
	s17 =	rddreg [dreg:$0x4]  }
0x4a: {  	[tilespmem:s16], [sflag:$0x6] =	stream.linear.gather [hbm4b:s17+s16], $0x2710, $0x38;
	[tilespmem:$0x1FD10] =	vst v63  }
0x4b: {  	_ =	swait.ge [sflag:s26], $0x2710  }
0x4c: {  	[sflag:s26] =	ssyncset.done $0x0  }
0x4d: {  	s13 =	simm.s32 $0x2710;
	s24 =	rddreg [dreg:$0x5];
	[sflag:s26] =	ssyncadd.s32 $0xFFFFD8F0  }
0x4e: {  	[tilespmem:s13], [sflag:$0x6] =	stream.linear.gather [hbm4b:s24+s16], $0x2710, $0x38;
	[tilespmem:$0x1FD10] =	vst v63  }
0x4f: {  	_ =	swait.ge [sflag:s26], $0x2710  }
0x50: {  	[sflag:s26] =	ssyncset.done $0x0  }
0x51: {  	[sflag:s26] =	ssyncadd.s32 $0xFFFFD8F0  }
0x52: {  	_ =	swait.ge [sflag:s29], $0x1180  }
0x53: {  	[sflag:s29] =	ssyncset.done $0x0  }
0x54: {  	[sflag:s29] =	ssyncadd.s32 $0xFFFFEE80  }
0x55: {  	_ =	swait.ge [sflag:s29], $0x1180  }
0x56: {  	[sflag:s29] =	ssyncset.done $0x0  }
0x57: {  	[sflag:s29] =	ssyncadd.s32 $0xFFFFEE80  }
0x58: {  	_ =	swait.ge [sflag:s29], $0x1180  }
0x59: {  	[sflag:s29] =	ssyncset.done $0x0  }
0x5a: {  	[sflag:s29] =	ssyncadd.s32 $0xFFFFEE80  }
0x5b: {  	_ =	swait.ge [sflag:s29], $0x1180  }
0x5c: {  	[sflag:s29] =	ssyncset.done $0x0  }
0x5d: {  	[sflag:s29] =	ssyncadd.s32 $0xFFFFEE80  }
0x5e: {  	_ =	swait.ge [sflag:s29], $0x1180  }
0x5f: {  	[sflag:s29] =	ssyncset.done $0x0  }
0x60: {  	[sflag:s29] =	ssyncadd.s32 $0xFFFFEE80  }
0x61: {  	_ =	swait.ge [sflag:s29], $0x1180  }
0x62: {  	[sflag:s29] =	ssyncset.done $0x0  }
0x63: {  	[sflag:s29] =	ssyncadd.s32 $0xFFFFEE80  }
0x64: {  	_ =	swait.ge [sflag:s29], $0x1180  }
0x65: {  	[sflag:s29] =	ssyncset.done $0x0  }
0x66: {  	[sflag:s29] =	ssyncadd.s32 $0xFFFFEE80  }
0x67: {  	_ =	swait.ge [sflag:s29], $0x1180  }
0x68: {  	[sflag:s29] =	ssyncset.done $0x0  }
0x69: {  	[sflag:s29] =	ssyncadd.s32 $0xFFFFEE80  }
0x6a: {  	_ =	swait.ge [sflag:s29], $0x1180  }
0x6b: {  	[sflag:s29] =	ssyncset.done $0x0  }
0x6c: {  	[sflag:s29] =	ssyncadd.s32 $0xFFFFEE80  }
0x6d: {  	_ =	swait.ge [sflag:s29], $0x1180  }
0x6e: {  	[sflag:s29] =	ssyncset.done $0x0  }
0x6f: {  	[sflag:s29] =	ssyncadd.s32 $0xFFFFEE80  }
0x70: {  	_ =	swait.ge [sflag:s29], $0x1180  }
0x71: {  	[sflag:s29] =	ssyncset.done $0x0  }
0x72: {  	[sflag:s29] =	ssyncadd.s32 $0xFFFFEE80  }
0x73: {  	_ =	swait.ge [sflag:s29], $0x1180  }
0x74: {  	[sflag:s29] =	ssyncset.done $0x0  }
0x75: {  	[sflag:s29] =	ssyncadd.s32 $0xFFFFEE80  }
0x76: {  	_ =	swait.ge [sflag:s29], $0x1180  }
0x77: {  	[sflag:s29] =	ssyncset.done $0x0  }
0x78: {  	[sflag:s29] =	ssyncadd.s32 $0xFFFFEE80  }
0x79: {  	_ =	swait.ge [sflag:s29], $0x1180  }
0x7a: {  	[sflag:s29] =	ssyncset.done $0x0  }
0x7b: {  	[sflag:s29] =	ssyncadd.s32 $0xFFFFEE80  }
0x7c: {  	_ =	swait.ge [sflag:s29], $0x1180  }
0x7d: {  	[sflag:s29] =	ssyncset.done $0x0  }
0x7e: {  	s9 =	simm.s32 @!p1 $0x5;
	[sflag:s29] =	ssyncadd.s32 $0xFFFFEE80  }
0x7f: {  	_ =	swait.ge @!p1 [sflag:s9], $0x1180  }
0x80: {  	[sflag:s9] =	ssyncset.done @!p1 $0x0  }
0x81: {  	[sflag:s9] =	ssyncadd.s32 @!p1 $0xFFFFEE80  }
0x82: {  	s12 =	simm.s32 $0x0;
	[bflag:$0x0] =	sbarrier.arrive $0xFFFF  }
0x83: {  	[tilespmem:s31], [sflag:$0x1] =	stream.indirect.gather [hbm4b:s1+s30], $0x70, s12, s30, $0xb8;
	[tilespmem:$0x1FD10] =	vst v63  }
0x84: {  	_ = 	snop  }
0x85: {  	[tilespmem:s2], [sflag:$0x2] =	stream.indirect.gather [hbm4b:s1+s30], $0x70, s30, s30, $0xb8;
	[tilespmem:$0x1FD10] =	vst v63  }
0x86: {  	s13 =	simm.s32 $0xA0  }
0x87: {  	[tilespmem:s28], [sflag:$0x3] =	stream.indirect.gather [hbm4b:s1+s30], $0x70, s13, s30, $0xb8;
	[tilespmem:$0x1FD10] =	vst v63  }
0x88: {  	s16 =	simm.s32 $0xF0  }
0x89: {  	[tilespmem:s4], [sflag:$0x4] =	stream.indirect.gather [hbm4b:s1+s30], $0x70, s16, s30, $0xb8;
	[tilespmem:$0x1FD10] =	vst v63  }
0x8a: {  	_ =	swait.ge [sflag:s5], $0x2300  }
0x8b: {  	[sflag:s5] =	ssyncset.done $0x0  }
0x8c: {  	s17 =	simm.s32 $0x2710;
	[sflag:s5] =	ssyncadd.s32 $0xFFFFDD00  }
0x8d: {  	[spmem:s3] =	stream.indirect.scatter.add.f32 [tilespmem:s31], [sflag:$0x6], $0x70, s17, s30, $0xb8;
	[tilespmem:$0x1FD10] =	vst v63  }
0x8e: {  	_ =	swait.ge [sflag:s26], $0x2300  }
0x8f: {  	[sflag:s26] =	ssyncset.done $0x0  }
0x90: {  	s24 =	simm.s32 $0x140;
	[sflag:s26] =	ssyncadd.s32 $0xFFFFDD00  }
0x91: {  	[tilespmem:s31], [sflag:$0x1] =	stream.indirect.gather [hbm4b:s1+s30], $0x70, s24, s30, $0xb8;
	[tilespmem:$0x1FD10] =	vst v63  }
0x92: {  	_ =	swait.ge [sflag:s7], $0x2300  }
0x93: {  	[sflag:s7] =	ssyncset.done $0x0  }
0x94: {  	s12 =	simm.s32 $0x2760;
	[sflag:s7] =	ssyncadd.s32 $0xFFFFDD00  }
0x95: {  	[spmem:s3] =	stream.indirect.scatter.add.f32 [tilespmem:s2], [sflag:$0x6], $0x70, s12, s30, $0xb8;
	[tilespmem:$0x1FD10] =	vst v63  }
0x96: {  	_ =	swait.ge [sflag:s26], $0x2300  }
0x97: {  	[sflag:s26] =	ssyncset.done $0x0  }
0x98: {  	s13 =	simm.s32 $0x190;
	[sflag:s26] =	ssyncadd.s32 $0xFFFFDD00  }
0x99: {  	[tilespmem:s2], [sflag:$0x2] =	stream.indirect.gather [hbm4b:s1+s30], $0x70, s13, s30, $0xb8;
	[tilespmem:$0x1FD10] =	vst v63  }
0x9a: {  	_ =	swait.ge [sflag:s8], $0x2300  }
0x9b: {  	[sflag:s8] =	ssyncset.done $0x0  }
0x9c: {  	s16 =	simm.s32 $0x27B0;
	[sflag:s8] =	ssyncadd.s32 $0xFFFFDD00  }
0x9d: {  	[spmem:s3] =	stream.indirect.scatter.add.f32 [tilespmem:s28], [sflag:$0x6], $0x70, s16, s30, $0xb8;
	[tilespmem:$0x1FD10] =	vst v63  }
0x9e: {  	_ =	swait.ge [sflag:s26], $0x2300  }
0x9f: {  	[sflag:s26] =	ssyncset.done $0x0  }
0xa0: {  	s17 =	simm.s32 $0x1E0;
	[sflag:s26] =	ssyncadd.s32 $0xFFFFDD00  }
0xa1: {  	[tilespmem:s28], [sflag:$0x3] =	stream.indirect.gather [hbm4b:s1+s30], $0x70, s17, s30, $0xb8;
	[tilespmem:$0x1FD10] =	vst v63  }
0xa2: {  	_ =	swait.ge [sflag:s10], $0x2300  }
0xa3: {  	[sflag:s10] =	ssyncset.done $0x0  }
0xa4: {  	s24 =	simm.s32 $0x2800;
	[sflag:s10] =	ssyncadd.s32 $0xFFFFDD00  }
0xa5: {  	[spmem:s3] =	stream.indirect.scatter.add.f32 [tilespmem:s4], [sflag:$0x6], $0x70, s24, s30, $0xb8;
	[tilespmem:$0x1FD10] =	vst v63  }
0xa6: {  	_ =	swait.ge [sflag:s26], $0x2300  }
0xa7: {  	[sflag:s26] =	ssyncset.done $0x0  }
0xa8: {  	s9 =	simm.s32 $0x230;
	s12 =	simm.s32 $0x500;
	[sflag:s26] =	ssyncadd.s32 $0xFFFFDD00  }
.LBB2_4:
0xa9: {  	[tilespmem:s4], [sflag:$0x4] =	stream.indirect.gather [hbm4b:s1+s30], $0x70, s9, s30, $0xb8;
	[tilespmem:$0x1FD10] =	vst v63  }
0xaa: {  	s9 =	smov.u32 s12  }
0xab: {  	p2 =	sne.s32 s12, $0x9100;
	s12 =	sadd.s32 $0x500, s12;
	_ =	swait.ge [sflag:s5], $0x2300  }
0xac: {  	s13 =	sshra.s32 s9, $0x2;
	[sflag:s5] =	ssyncset.done $0x0  }
0xad: {  	s9 =	sadd.s32 $0x2710, s13;
	[sflag:s5] =	ssyncadd.s32 $0xFFFFDD00  }
0xae: {  	[spmem:s3] =	stream.indirect.scatter.add.f32 [tilespmem:s31], [sflag:$0x6], $0x70, s9, s30, $0xb8;
	[tilespmem:$0x1FD10] =	vst v63  }
0xaf: {  	_ =	swait.ge [sflag:s26], $0x2300  }
0xb0: {  	[sflag:s26] =	ssyncset.done $0x0  }
0xb1: {  	s9 =	sadd.s32 $0x140, s13;
	[sflag:s26] =	ssyncadd.s32 $0xFFFFDD00  }
0xb2: {  	[tilespmem:s31], [sflag:$0x1] =	stream.indirect.gather [hbm4b:s1+s30], $0x70, s9, s30, $0xb8;
	[tilespmem:$0x1FD10] =	vst v63  }
0xb3: {  	_ =	swait.ge [sflag:s7], $0x2300  }
0xb4: {  	[sflag:s7] =	ssyncset.done $0x0  }
0xb5: {  	s9 =	sadd.s32 $0x2760, s13;
	[sflag:s7] =	ssyncadd.s32 $0xFFFFDD00  }
0xb6: {  	[spmem:s3] =	stream.indirect.scatter.add.f32 [tilespmem:s2], [sflag:$0x6], $0x70, s9, s30, $0xb8;
	[tilespmem:$0x1FD10] =	vst v63  }
0xb7: {  	_ =	swait.ge [sflag:s26], $0x2300  }
0xb8: {  	[sflag:s26] =	ssyncset.done $0x0  }
0xb9: {  	s9 =	sadd.s32 $0x190, s13;
	[sflag:s26] =	ssyncadd.s32 $0xFFFFDD00  }
0xba: {  	[tilespmem:s2], [sflag:$0x2] =	stream.indirect.gather [hbm4b:s1+s30], $0x70, s9, s30, $0xb8;
	[tilespmem:$0x1FD10] =	vst v63  }
0xbb: {  	_ =	swait.ge [sflag:s8], $0x2300  }
0xbc: {  	[sflag:s8] =	ssyncset.done $0x0  }
0xbd: {  	s9 =	sadd.s32 $0x27B0, s13;
	[sflag:s8] =	ssyncadd.s32 $0xFFFFDD00  }
0xbe: {  	[spmem:s3] =	stream.indirect.scatter.add.f32 [tilespmem:s28], [sflag:$0x6], $0x70, s9, s30, $0xb8;
	[tilespmem:$0x1FD10] =	vst v63  }
0xbf: {  	_ =	swait.ge [sflag:s26], $0x2300  }
0xc0: {  	[sflag:s26] =	ssyncset.done $0x0  }
0xc1: {  	s9 =	sadd.s32 $0x1E0, s13;
	[sflag:s26] =	ssyncadd.s32 $0xFFFFDD00  }
0xc2: {  	[tilespmem:s28], [sflag:$0x3] =	stream.indirect.gather [hbm4b:s1+s30], $0x70, s9, s30, $0xb8;
	[tilespmem:$0x1FD10] =	vst v63  }
0xc3: {  	_ =	swait.ge [sflag:s10], $0x2300  }
0xc4: {  	[sflag:s10] =	ssyncset.done $0x0  }
.Ltmp1:
0xc5: {  	s9 =	sadd.s32 $0x2800, s13;
	[sflag:s10] =	ssyncadd.s32 $0xFFFFDD00;
	(pc) =	sbr.rel @p2 .LBB2_4-.Ltmp1, $4  }
0xc6: {  	[spmem:s3] =	stream.indirect.scatter.add.f32 [tilespmem:s4], [sflag:$0x6], $0x70, s9, s30, $0xb8;
	[tilespmem:$0x1FD10] =	vst v63  }
0xc7: {  	_ =	swait.ge [sflag:s26], $0x2300  }
0xc8: {  	[sflag:s26] =	ssyncset.done $0x0  }
0xc9: {  	s9 =	sadd.s32 $0x230, s13;
	[sflag:s26] =	ssyncadd.s32 $0xFFFFDD00  }
0xca: {  	[tilespmem:s4], [sflag:$0x4] =	stream.indirect.gather [hbm4b:s1+s30], $0x70, s9, s30, $0xb8;
	[tilespmem:$0x1FD10] =	vst v63  }
0xcb: {  	_ =	swait.ge [sflag:s5], $0x2300  }
0xcc: {  	[sflag:s5] =	ssyncset.done $0x0  }
0xcd: {  	s17 =	simm.s32 $0x4C90;
	[sflag:s5] =	ssyncadd.s32 $0xFFFFDD00  }
0xce: {  	[spmem:s3] =	stream.indirect.scatter.add.f32 [tilespmem:s31], [sflag:$0x6], $0x70, s17, s30, $0xb8;
	[tilespmem:$0x1FD10] =	vst v63  }
0xcf: {  	_ =	swait.ge [sflag:s26], $0x2300  }
0xd0: {  	[sflag:s26] =	ssyncset.done $0x0  }
0xd1: {  	s24 =	simm.s32 $0x26C0;
	[sflag:s26] =	ssyncadd.s32 $0xFFFFDD00  }
0xd2: {  	[tilespmem:s31], [sflag:$0x1] =	stream.indirect.gather [hbm4b:s1+s30], $0x70, s24, s30, $0xb8;
	[tilespmem:$0x1FD10] =	vst v63  }
0xd3: {  	_ =	swait.ge [sflag:s7], $0x2300  }
0xd4: {  	[sflag:s7] =	ssyncset.done $0x0  }
0xd5: {  	s12 =	simm.s32 $0x4CE0;
	[sflag:s7] =	ssyncadd.s32 $0xFFFFDD00  }
0xd6: {  	[spmem:s3] =	stream.indirect.scatter.add.f32 [tilespmem:s2], [sflag:$0x6], $0x70, s12, s30, $0xb8;
	[tilespmem:$0x1FD10] =	vst v63  }
0xd7: {  	_ =	swait.ge [sflag:s26], $0x2300  }
0xd8: {  	[sflag:s26] =	ssyncset.done $0x0  }
0xd9: {  	[sflag:s26] =	ssyncadd.s32 $0xFFFFDD00  }
0xda: {  	_ =	swait.ge [sflag:s8], $0x2300  }
0xdb: {  	[sflag:s8] =	ssyncset.done $0x0  }
0xdc: {  	s13 =	simm.s32 $0x4D30;
	[sflag:s8] =	ssyncadd.s32 $0xFFFFDD00  }
0xdd: {  	[spmem:s3] =	stream.indirect.scatter.add.f32 [tilespmem:s28], [sflag:$0x6], $0x70, s13, s30, $0xb8;
	[tilespmem:$0x1FD10] =	vst v63  }
0xde: {  	_ =	swait.ge [sflag:s26], $0x2300  }
0xdf: {  	[sflag:s26] =	ssyncset.done $0x0  }
0xe0: {  	[sflag:s26] =	ssyncadd.s32 $0xFFFFDD00  }
0xe1: {  	_ =	swait.ge [sflag:s10], $0x2300  }
0xe2: {  	[sflag:s10] =	ssyncset.done $0x0  }
0xe3: {  	s16 =	simm.s32 $0x4D80;
	[sflag:s10] =	ssyncadd.s32 $0xFFFFDD00  }
0xe4: {  	[spmem:s3] =	stream.indirect.scatter.add.f32 [tilespmem:s4], [sflag:$0x6], $0x70, s16, s30, $0xb8;
	[tilespmem:$0x1FD10] =	vst v63  }
0xe5: {  	_ =	swait.ge [sflag:s26], $0x2300  }
0xe6: {  	[sflag:s26] =	ssyncset.done $0x0  }
0xe7: {  	[sflag:s26] =	ssyncadd.s32 $0xFFFFDD00  }
0xe8: {  	_ =	swait.ge [sflag:s5], $0x2300  }
0xe9: {  	[sflag:s5] =	ssyncset.done $0x0  }
0xea: {  	s17 =	simm.s32 $0x4DD0;
	s24 =	sadd.s32 $0x0, s0;
	[sflag:s5] =	ssyncadd.s32 $0xFFFFDD00  }
0xeb: {  	[spmem:s3] =	stream.indirect.scatter.add.f32 [tilespmem:s31], [sflag:$0x6], $0x70, s17, s30, $0xb8;
	[tilespmem:$0x1FD10] =	vst v63  }
0xec: {  	p2 =	sgt.u32 s24, $0xF9;
	s24 =	smov.u32 s15;
	_ =	swait.ge [sflag:s26], $0x2300  }
0xed: {  	s9 =	sshll.u32 @!p2 s0, $0x6;
	s12 =	simm.s32 $0x10;
	[sflag:s26] =	ssyncset.done $0x0  }
0xee: {  	s13 =	sadd.s32 $0x2300, s15;
	s16 =	sor.u32 @!p2 $0x1C05, s9;
	[sflag:s26] =	ssyncadd.s32 $0xFFFFDD00  }
0xef: {  	s9 =	smov.u32 s14;
	s17 =	sshrl.u32 @!p2 s6, $0x3;
	[bflag:$0x0] =	sbarrier.arrive $0xFFFF  }
.LBB2_6:
0xf0: {  	[hbm:s24], [sflag:s16] =	dma.local @!p2 [spmem:s17], $0x230  }
0xf1: {  	s16 =	smov.u32 s12;
	s12 =	sadd.s32 $0x10, s12  }
0xf2: {  	p3 =	sne.s32 s12, $0x100  }
.Ltmp2:
0xf3: {  	(pc) =	sbr.rel @p3 .LBB2_6-.Ltmp2, $4  }
0xf4: {  	s24 =	smov.u32 s13;
	s16 =	sadd.s32 s16, s0  }
0xf5: {  	p2 =	sgt.u32 s16, $0xF9  }
0xf6: {  	s13 =	sadd.s32 $0x2300, s13;
	s16 =	sshll.u32 @!p2 s0, $0x6  }
0xf7: {  	s17 =	sshrl.u32 @!p2 s9, $0x3;
	s9 =	sadd.s32 $0x11800, s9;
	s16 =	sor.u32 @!p2 $0x1C05, s16  }
0xf8: {  	[hbm:s24], [sflag:s16] =	dma.local @!p2 [spmem:s17], $0x230  }
0xf9: {  	_ =	swait.ge [sflag:s29], $0x230  }
0xfa: {  	[sflag:s29] =	ssyncset.done $0x0  }
0xfb: {  	[sflag:s29] =	ssyncadd.s32 $0xFFFFFDD0  }
0xfc: {  	_ =	swait.ge [sflag:s29], $0x230  }
0xfd: {  	[sflag:s29] =	ssyncset.done $0x0  }
0xfe: {  	[sflag:s29] =	ssyncadd.s32 $0xFFFFFDD0  }
0xff: {  	_ =	swait.ge [sflag:s29], $0x230  }
0x100: {  	[sflag:s29] =	ssyncset.done $0x0  }
0x101: {  	[sflag:s29] =	ssyncadd.s32 $0xFFFFFDD0  }
0x102: {  	_ =	swait.ge [sflag:s29], $0x230  }
0x103: {  	[sflag:s29] =	ssyncset.done $0x0  }
0x104: {  	[sflag:s29] =	ssyncadd.s32 $0xFFFFFDD0  }
0x105: {  	_ =	swait.ge [sflag:s29], $0x230  }
0x106: {  	[sflag:s29] =	ssyncset.done $0x0  }
0x107: {  	[sflag:s29] =	ssyncadd.s32 $0xFFFFFDD0  }
0x108: {  	_ =	swait.ge [sflag:s29], $0x230  }
0x109: {  	[sflag:s29] =	ssyncset.done $0x0  }
0x10a: {  	[sflag:s29] =	ssyncadd.s32 $0xFFFFFDD0  }
0x10b: {  	_ =	swait.ge [sflag:s29], $0x230  }
0x10c: {  	[sflag:s29] =	ssyncset.done $0x0  }
0x10d: {  	[sflag:s29] =	ssyncadd.s32 $0xFFFFFDD0  }
0x10e: {  	_ =	swait.ge [sflag:s29], $0x230  }
0x10f: {  	[sflag:s29] =	ssyncset.done $0x0  }
0x110: {  	[sflag:s29] =	ssyncadd.s32 $0xFFFFFDD0  }
0x111: {  	_ =	swait.ge [sflag:s29], $0x230  }
0x112: {  	[sflag:s29] =	ssyncset.done $0x0  }
0x113: {  	[sflag:s29] =	ssyncadd.s32 $0xFFFFFDD0  }
0x114: {  	_ =	swait.ge [sflag:s29], $0x230  }
0x115: {  	[sflag:s29] =	ssyncset.done $0x0  }
0x116: {  	[sflag:s29] =	ssyncadd.s32 $0xFFFFFDD0  }
0x117: {  	_ =	swait.ge [sflag:s29], $0x230  }
0x118: {  	[sflag:s29] =	ssyncset.done $0x0  }
0x119: {  	[sflag:s29] =	ssyncadd.s32 $0xFFFFFDD0  }
0x11a: {  	_ =	swait.ge [sflag:s29], $0x230  }
0x11b: {  	[sflag:s29] =	ssyncset.done $0x0  }
0x11c: {  	[sflag:s29] =	ssyncadd.s32 $0xFFFFFDD0  }
0x11d: {  	_ =	swait.ge [sflag:s29], $0x230  }
0x11e: {  	[sflag:s29] =	ssyncset.done $0x0  }
0x11f: {  	[sflag:s29] =	ssyncadd.s32 $0xFFFFFDD0  }
0x120: {  	_ =	swait.ge [sflag:s29], $0x230  }
0x121: {  	[sflag:s29] =	ssyncset.done $0x0  }
0x122: {  	[sflag:s29] =	ssyncadd.s32 $0xFFFFFDD0  }
0x123: {  	_ =	swait.ge [sflag:s29], $0x230  }
0x124: {  	[sflag:s29] =	ssyncset.done $0x0  }
0x125: {  	s9 =	simm.s32 @!p1 $0x5;
	[sflag:s29] =	ssyncadd.s32 $0xFFFFFDD0  }
0x126: {  	_ =	swait.ge @!p1 [sflag:s9], $0x230  }
0x127: {  	s11 =	sadd.s32 $0x1, s11;
	s12 =	rddreg [dreg:$0x6]  }
0x128: {  	p2 =	sne.s32 s11, s12  }
.Ltmp3:
0x129: {  	_ = 	snop;
	(pc) =	sbr.rel @p2 .LBB2_1-.Ltmp3, $3  }
0x12a: {  	_ =	sdelay $0x1  }
0x12b: {  	[sflag:s9] =	ssyncset.done @!p1 $0x0  }
0x12c: {  	[sflag:s9] =	ssyncadd.s32 @!p1 $0xFFFFFDD0  }
0x12d: {  	_ =	sfence.sel $0x180000  }
0x12e: {  	[bflag:$0x0] =	sbarrier.arrive $0xFFFF  }
0x12f: {  	_ =	strace $0x90000050  }
0x130: {  	[bflag:$0x2] =	sbarrier.arrive $0xFFFF  }
0x131: {  	p0 =	sne.s32 s0, $0x0;
	s0 =	rddreg [dreg:$0x3]  }
0x132: {  	s0 =	sadd.s32 @!p0 $0x100000, s0  }
0x133: {  	[sflag:s0] =	ssyncadd.tile.s32 @!p0 $0x1;
	_ =	shalt  }
.Lfunc_end2:
_tile_overlayer_lowered:
.L_overlay_start_2:
0x134: {  	(tag) =	ssettag $0x2  }
0x135: {  	s0 =	rddreg [dreg:$0x0];
	s2 =	stileid.u32  }
0x136: {  	s1 =	rddreg [dreg:$0x1];
	p0 =	sne.s32 s2, $0x0  }
0x137: {  	s3 =	rddreg [dreg:$0x2];
	[bflag:$0x3] =	sbarrier.arrive $0xFFFF;
	s2 =	simm.s32 @!p0 $0x1C06  }
0x138: {  	[timem:s3], [sflag:s2] =	dma.local @!p0 [hbm:s0], s1  }
0x139: {  	s0 =	simm.s32 @!p0 $0x6  }
0x13a: {  	_ =	swait.ge @!p0 [sflag:s0], s1  }
0x13b: {  	s1 =	ssub.s32 @!p0 $0x0, s1;
	[sflag:s0] =	ssyncset.done @!p0 $0x0  }
0x13c: {  	[sflag:s0] =	ssyncadd.s32 @!p0 s1  }
0x13d: {  	[bflag:$0x3] =	sbarrier.arrive $0xFFFF  }
0x13e: {  	_ =	shalt  }

</sc_bundles>
